<compile_context>
chip_gen: v7x
topology: tpu7x:2x2x1
jax: 0.10.2.dev20260603
libtpu: 0.0.44.dev20260713+nightly
codegen_flags: <defaults>
</compile_context>

<pallas_src>
import functools

import jax
import jax.numpy as jnp
import numpy as np
from jax import lax
from jax.experimental import pallas as pl
from jax.experimental.pallas import tpu as pltpu
from jax.experimental.pallas import tpu_sc as plsc

_K = 16
_NUM_HEADS = 16
_HEADS_PER_BLOCK = 2


def _dist_body(x_ref, dist_ref):
    xb = x_ref[0]
    sq = jnp.sum(xb * xb, axis=0)
    xbb = xb.astype(jnp.bfloat16)
    prod = lax.dot_general(xbb, xbb, (((0,), (0,)), ((), ())),
                           preferred_element_type=jnp.float32)
    dist_ref[...] = sq[:, None] - 2.0 * prod + sq[None, :]


def _pairwise_dist(x):
    b, c, n = x.shape
    return pl.pallas_call(
        _dist_body,
        grid=(b,),
        in_specs=[pl.BlockSpec((1, c, n), lambda i: (i, 0, 0))],
        out_specs=pl.BlockSpec((n, n), lambda i: (i, 0)),
        out_shape=jax.ShapeDtypeStruct((b * n, n), jnp.float32),
    )(x)


def _topk_sc(dist_flat):
    r, n = dist_flat.shape
    k = _K
    info = plsc.get_sparse_core_info()
    nw = info.num_cores * info.num_subcores
    rows_per_w = r // nw
    nchunks = n // k
    nlad = 8
    mesh = plsc.VectorSubcoreMesh(core_axis_name="c", subcore_axis_name="s")

    @functools.partial(
        pl.kernel,
        mesh=mesh,
        out_type=jax.ShapeDtypeStruct((r, k), jnp.int32),
        scratch_types=[
            pltpu.VMEM((n,), jnp.float32),
            pltpu.VMEM((k,), jnp.int32),
        ],
    )
    def tk(dist_hbm, out_hbm, row_v, idx_v):
        wid = lax.axis_index("s") * info.num_cores + lax.axis_index("c")
        base = wid * rows_per_w
        lane = lax.iota(jnp.int32, k)

        def bfly_min(v):
            for st in (1, 2, 4, 8):
                v = jnp.minimum(v, jnp.take(v, lane ^ st))
            return v

        def row_body(i, carry):
            rr = base + i
            pltpu.sync_copy(dist_hbm.at[rr], row_v)
            st0 = tuple(row_v[pl.ds(j * k, k)] for j in range(nlad)) + \
                  tuple(lane + j * k for j in range(nlad))

            def chunk_body(j, st):
                tv = list(st[:nlad])
                iv = list(st[nlad:])
                c = row_v[pl.ds(j * k, k)]
                ci = lane + j * k
                for q in range(nlad):
                    m = c < tv[q]
                    ntv = jnp.where(m, c, tv[q])
                    niv = jnp.where(m, ci, iv[q])
                    c = jnp.where(m, tv[q], c)
                    ci = jnp.where(m, iv[q], ci)
                    tv[q], iv[q] = ntv, niv
                return tuple(tv) + tuple(iv)

            st = lax.fori_loop(nlad, nchunks, chunk_body, st0)
            tv = list(st[:nlad])
            iv = list(st[nlad:])
            one = jnp.ones_like(lane)
            zero = jnp.zeros_like(lane)
            big = jnp.float32(1e30)
            res = lane
            for r in range(k):
                m8 = tv[0]
                for q in range(1, nlad):
                    m8 = jnp.minimum(m8, tv[q])
                g = bfly_min(m8)
                eqs = [jnp.where(tv[q] == g, one, zero) for q in range(nlad)]
                anyeq = eqs[0]
                for q in range(1, nlad):
                    anyeq = jnp.maximum(anyeq, eqs[q])
                fl = anyeq * lane + (one - anyeq) * k
                for stp in (1, 2, 4, 8):
                    fl = jnp.minimum(fl, jnp.take(fl, lane ^ stp))
                islane = jnp.where(lane == fl, one, zero)
                taken = zero
                winner = zero
                for q in range(nlad):
                    hit = eqs[q] * islane * (one - taken)
                    winner = winner + hit * iv[q]
                    tv[q] = tv[q] + hit.astype(jnp.float32) * big
                    taken = taken + hit
                wsplat = jnp.take(winner, fl)
                res = jnp.where(lane == r, wsplat, res)
            idx_v[...] = res
            pltpu.sync_copy(idx_v, out_hbm.at[rr])
            return carry

        lax.fori_loop(0, rows_per_w, row_body, 0)

    return tk(dist_flat)


def _gather_body(x_ref, idx_ref, out_ref):
    xb = x_ref[0]
    idxb = idx_ref[0]
    n = xb.shape[1]
    col = lax.broadcasted_iota(jnp.int32, (n, n), 1)
    acc = jnp.zeros((n, n), jnp.float32)
    for t in range(_K):
        acc = acc + (col == idxb[:, t:t + 1]).astype(jnp.float32)
    out_ref[0] = lax.dot_general(xb, acc, (((1,), (1,)), ((), ())),
                                 preferred_element_type=jnp.float32,
                                 precision=lax.Precision.HIGHEST) * (1.0 / _K)


def _gather_mean_t(x, idx):
    b, c, n = x.shape
    return pl.pallas_call(
        _gather_body,
        grid=(b,),
        in_specs=[
            pl.BlockSpec((1, c, n), lambda i: (i, 0, 0)),
            pl.BlockSpec((1, n, _K), lambda i: (i, 0, 0)),
        ],
        out_specs=pl.BlockSpec((1, c, n), lambda i: (i, 0, 0)),
        out_shape=jax.ShapeDtypeStruct((b, c, n), jnp.float32),
    )(x, idx)


def _mha_body(xq_ref, xe_ref, wq_ref, wk_ref, wv_ref, wo_ref,
              bq_ref, bk_ref, bv_ref, bo_ref, out_ref, *, dh):
    hp = pl.program_id(1)
    l = xq_ref.shape[1]
    dn = (((1,), (1,)), ((), ()))
    xq = xq_ref[0]
    xqb = xq.astype(jnp.bfloat16)
    xe = xe_ref[0]
    q2 = lax.dot_general(xqb, wq_ref[...], dn,
                         preferred_element_type=jnp.float32) + bq_ref[0]
    k2 = lax.dot_general(xe, wk_ref[...], dn,
                         preferred_element_type=jnp.float32) + bk_ref[0]
    v2 = lax.dot_general(xe, wv_ref[...], dn,
                         preferred_element_type=jnp.float32) + bv_ref[0]
    scale = 1.0 / np.sqrt(dh)
    outs = []
    for h in range(_HEADS_PER_BLOCK):
        sl = slice(h * dh, (h + 1) * dh)
        qh = (q2[:, sl] * scale).astype(jnp.bfloat16)
        kh = k2[:, sl].astype(jnp.bfloat16)
        s = lax.dot_general(qh, kh, dn, preferred_element_type=jnp.float32)
        m = jnp.max(s, axis=1, keepdims=True)
        p = jnp.exp(s - m)
        a = (p / jnp.sum(p, axis=1, keepdims=True)).astype(jnp.bfloat16)
        vh = v2[:, sl].astype(jnp.bfloat16)
        outs.append(lax.dot_general(a, vh, (((1,), (0,)), ((), ())),
                                    preferred_element_type=jnp.float32))
    o2 = jnp.concatenate(outs, axis=1).astype(jnp.bfloat16)
    proj = lax.dot_general(o2, wo_ref[...], dn,
                           preferred_element_type=jnp.float32)

    @pl.when(hp == 0)
    def _():
        out_ref[0, :l, :] = xq
        out_ref[0, l:, :] = proj + bo_ref[0][None, :]

    @pl.when(hp != 0)
    def _():
        out_ref[0, l:, :] += proj


def kernel(x, x_enc, in_proj_weight, in_proj_bias, out_proj_weight, out_proj_bias):
    b, c, n = x.shape
    s, e = x_enc.shape[1], x_enc.shape[2]
    l = c
    dh = e // _NUM_HEADS
    hb = _HEADS_PER_BLOCK
    w = hb * dh
    nhp = _NUM_HEADS // hb

    xe = x_enc.astype(jnp.bfloat16)
    wq = in_proj_weight[:e].astype(jnp.bfloat16)
    wk = in_proj_weight[e:2 * e].astype(jnp.bfloat16)
    wv = in_proj_weight[2 * e:].astype(jnp.bfloat16)
    wo = out_proj_weight.astype(jnp.bfloat16)
    bq = in_proj_bias[:e].reshape(nhp, 1, w)
    bk = in_proj_bias[e:2 * e].reshape(nhp, 1, w)
    bv = in_proj_bias[2 * e:].reshape(nhp, 1, w)
    bo = out_proj_bias.reshape(1, e)

    grid = (b, nhp)

    dist = _pairwise_dist(x)
    idx = _topk_sc(dist)
    xknn_t = _gather_mean_t(x, idx.reshape(b, n, _K))
    xq = jnp.stack([x, xknn_t], axis=3).reshape(b, c, 2 * n)

    out = pl.pallas_call(
        functools.partial(_mha_body, dh=dh),
        grid=grid,
        in_specs=[
            pl.BlockSpec((1, l, e), lambda i, j: (i, 0, 0)),
            pl.BlockSpec((1, s, e), lambda i, j: (i, 0, 0)),
            pl.BlockSpec((w, e), lambda i, j: (j, 0)),
            pl.BlockSpec((w, e), lambda i, j: (j, 0)),
            pl.BlockSpec((w, e), lambda i, j: (j, 0)),
            pl.BlockSpec((e, w), lambda i, j: (0, j)),
            pl.BlockSpec((1, 1, w), lambda i, j: (j, 0, 0)),
            pl.BlockSpec((1, 1, w), lambda i, j: (j, 0, 0)),
            pl.BlockSpec((1, 1, w), lambda i, j: (j, 0, 0)),
            pl.BlockSpec((1, e), lambda i, j: (0, 0)),
        ],
        out_specs=pl.BlockSpec((1, 2 * l, e), lambda i, j: (i, 0, 0)),
        out_shape=jax.ShapeDtypeStruct((b, 2 * l, e), jnp.float32),
        compiler_params=pltpu.CompilerParams(
            dimension_semantics=("parallel", "arbitrary"),
            vmem_limit_bytes=50 * 1024 * 1024,
        ),
    )(xq, xe, wq, wk, wv, wo, bq, bk, bv, bo)
    return out

# --- scband reference (transcript-rebuilt; emitter-appended) ---
"""Pipeline reference for scband-katt-dec-20203526160857 (READ-ONLY COPY).

The authoritative reference and input builder live on the scoring server;
editing this copy changes nothing except your own understanding.
"""

import jax, jax.numpy as jnp
import numpy as np

INPUT_ENC = 1024
NUM_HEADS = 16
K = 16


def setup_inputs(seed: int = 0) -> dict:
    key = jax.random.key(seed)
    ks = jax.random.split(key, 6)
    B, C, N = 4, 256, INPUT_ENC
    E = 2 * INPUT_ENC
    S = 2048
    x = jax.random.normal(ks[0], (B, C, N), dtype=jnp.float32)
    x_enc = jax.random.normal(ks[1], (B, S, E), dtype=jnp.float32)
    in_proj_weight = jax.random.normal(ks[2], (3 * E, E), dtype=jnp.float32) * (1.0 / np.sqrt(E))
    in_proj_bias = jnp.zeros((3 * E,), dtype=jnp.float32)
    out_proj_weight = jax.random.normal(ks[3], (E, E), dtype=jnp.float32) * (1.0 / np.sqrt(E))
    out_proj_bias = jnp.zeros((E,), dtype=jnp.float32)
    return {"x": x, "x_enc": x_enc, "in_proj_weight": in_proj_weight, "in_proj_bias": in_proj_bias, "out_proj_weight": out_proj_weight, "out_proj_bias": out_proj_bias}


def _knn(x, k):
    # x: [B, C, N] -> transpose to [B, N, C] (N points, C features)
    xt = jnp.transpose(x, (0, 2, 1))
    B, N, E = xt.shape
    sq = jnp.sum(xt ** 2, axis=-1)
    dist = -2.0 * jnp.matmul(xt, jnp.transpose(xt, (0, 2, 1)))
    dist = dist + sq[:, :, None] + sq[:, None, :]
    # k smallest distances == top_k of negated distances
    _, idx = jax.lax.top_k(-dist, k)  # [B, N, k]
    b_idx = jnp.arange(B)[:, None, None]
    gathered = xt[b_idx, idx]  # [B, N, k, E]
    out = jnp.mean(gathered, axis=2)  # [B, N, E]
    return jnp.transpose(out, (0, 2, 1))  # [B, E(=C), N]


def _mha(query, key, value, in_w, in_b, out_w, out_b, num_heads):
    # torch nn.MultiheadAttention (batch_first=True) equivalent
    E = query.shape[-1]
    dh = E // num_heads
    wq, wk, wv = in_w[:E], in_w[E:2 * E], in_w[2 * E:]
    bq, bk, bv = in_b[:E], in_b[E:2 * E], in_b[2 * E:]
    q = query @ wq.T + bq
    k = key @ wk.T + bk
    v = value @ wv.T + bv

    def split(t):
        Bt, Lt, _ = t.shape
        return jnp.transpose(t.reshape(Bt, Lt, num_heads, dh), (0, 2, 1, 3))

    qh, kh, vh = split(q), split(k), split(v)
    scale = 1.0 / np.sqrt(dh)
    scores = jnp.matmul(qh * scale, jnp.transpose(kh, (0, 1, 3, 2)))
    attn = jax.nn.softmax(scores, axis=-1)
    out = jnp.matmul(attn, vh)  # [B, H, L, dh]
    Bo, Ho, Lo, _ = out.shape
    out = jnp.transpose(out, (0, 2, 1, 3)).reshape(Bo, Lo, E)
    return out @ out_w.T + out_b


def reference(x, x_enc, in_proj_weight, in_proj_bias, out_proj_weight, out_proj_bias):
    x_knn = _knn(x, K)  # [B, C, N]
    B, C, N = x.shape
    xcat = jnp.concatenate([jnp.transpose(x, (0, 2, 1)), jnp.transpose(x_knn, (0, 2, 1))], axis=-1)  # [B, N, 2C]
    # faithful to torch: .view(-1, 2*x.shape[-1], x.shape[1]) on the contiguous cat result
    xr = xcat.reshape(-1, 2 * N, C)  # [B, 2N, C]
    xq = jnp.transpose(xr, (0, 2, 1))  # [B, C, 2N] ; embed dim = 2*input_enc
    attn_out = _mha(xq, x_enc, x_enc, in_proj_weight, in_proj_bias, out_proj_weight, out_proj_bias, NUM_HEADS)
    return jnp.concatenate([xq, attn_out], axis=1)  # [B, 2C, 2N]

if __name__ == "__main__":
    import jax
    _d = setup_inputs()
    print(jax.jit(kernel)(*tuple(_d.values())))

</pallas_src>

<mosaic_0001>
#map = affine_map<(d0, d1) -> (0, 0)>
module attributes {stable_mosaic.version = 14 : i64} {
  func.func @tk(%arg0: i32, %arg1: i32, %arg2: memref<4096x1024xf32, #tpu.memory_space<hbm>>, %arg3: memref<4096x16xi32, #tpu.memory_space<hbm>>, %arg4: memref<1024xf32, #tpu.memory_space<vmem>>, %arg5: memref<16xi32, #tpu.memory_space<vmem>>) attributes {dimension_semantics = [#tpu.dimension_semantics<core_parallel>, #tpu.dimension_semantics<subcore_parallel>], iteration_bounds = array<i64: 2, 16>, scalar_prefetch = 0 : i64, scratch_operands = 2 : i64, tpu.core_type = #tpu.core_type<sc_vector_subcore>, window_params = [{transform_indices = #map}, {transform_indices = #map}]} {
    %mul3A = arith.constant 2 : i32
    %mul3A_0 = arith.muli %arg1, %mul3A : i32
    %add3A = arith.addi %mul3A_0, %arg0 : i32
    %mul3A_1 = arith.constant 128 : i32
    %mul3A_2 = arith.muli %add3A, %mul3A_1 : i32
    %iota3A = tpu.iota {dimensions = array<i32: 0>} : vector<16xi32>
    %scan3A = arith.constant 0 : i32
    %scan3A_3 = arith.constant 0 : i32
    %scan3A_4 = arith.constant 128 : i32
    %scan3A_5 = arith.addi %scan3A_3, %scan3A_4 : i32
    %scan3A_6 = arith.constant 1 : i32
    scf.for %scan3A_8 = %scan3A_3 to %scan3A_5 step %scan3A_6  : i32 {
      %add3A_9 = arith.addi %mul3A_2, %scan3A_8 : i32
      "tpu.region"() ({
        %run_scoped3A = tpu.sem_alloc : memref<!tpu.dma_semaphore, #tpu.memory_space<semaphore_mem>>
        %dma_start3A = arith.constant 0 : i32
        %dma_start3A_4092 = tpu.memref_slice %arg2[%add3A_9, %dma_start3A] : memref<4096x1024xf32, #tpu.memory_space<hbm>> -> memref<1x1024xf32, #tpu.memory_space<hbm>>
        %dma_start3A_4093 = tpu.memref_squeeze %dma_start3A_4092 : memref<1x1024xf32, #tpu.memory_space<hbm>> -> memref<1024xf32, #tpu.memory_space<hbm>>
        %dma_start3A_4094 = arith.constant 0 : i32
        %dma_start3A_4095 = tpu.memref_slice %arg2[%add3A_9, %dma_start3A_4094] : memref<4096x1024xf32, #tpu.memory_space<hbm>> -> memref<1x1024xf32, #tpu.memory_space<hbm>>
        %dma_start3A_4096 = tpu.memref_squeeze %dma_start3A_4095 : memref<1x1024xf32, #tpu.memory_space<hbm>> -> memref<1024xf32, #tpu.memory_space<hbm>>
        tpu.enqueue_dma source(%dma_start3A_4096 : memref<1024xf32, #tpu.memory_space<hbm>>) target(%arg4 : memref<1024xf32, #tpu.memory_space<vmem>>) target_semaphore(%run_scoped3A : memref<!tpu.dma_semaphore, #tpu.memory_space<semaphore_mem>>)
        %dma_wait3A = arith.constant 0 : i32
        %dma_wait3A_4097 = tpu.memref_slice %arg2[%add3A_9, %dma_wait3A] : memref<4096x1024xf32, #tpu.memory_space<hbm>> -> memref<1x1024xf32, #tpu.memory_space<hbm>>
        %dma_wait3A_4098 = tpu.memref_squeeze %dma_wait3A_4097 : memref<1x1024xf32, #tpu.memory_space<hbm>> -> memref<1024xf32, #tpu.memory_space<hbm>>
        %dma_wait3A_4099 = arith.constant 0 : i32
        %dma_wait3A_4100 = tpu.memref_slice %arg2[%add3A_9, %dma_wait3A_4099] : memref<4096x1024xf32, #tpu.memory_space<hbm>> -> memref<1x1024xf32, #tpu.memory_space<hbm>>
        %dma_wait3A_4101 = tpu.memref_squeeze %dma_wait3A_4100 : memref<1x1024xf32, #tpu.memory_space<hbm>> -> memref<1024xf32, #tpu.memory_space<hbm>>
        tpu.wait_dma2 semaphore(%run_scoped3A : memref<!tpu.dma_semaphore, #tpu.memory_space<semaphore_mem>>) src(%dma_wait3A_4101 : memref<1024xf32, #tpu.memory_space<hbm>>) dst(%arg4 : memref<1024xf32, #tpu.memory_space<vmem>>)
        tpu.yield
      }) : () -> ()
      %get3A = arith.constant 0 : index
      %get3A_10 = tpu.vector_load %arg4[%get3A] {strides = array<i32>} : memref<1024xf32, #tpu.memory_space<vmem>>, vector<16xf32>,
      %get3A_11 = vector.shape_cast %get3A_10 : vector<16xf32> to vector<16xf32>
      %get3A_12 = arith.constant 16 : index
      %get3A_13 = tpu.vector_load %arg4[%get3A_12] {strides = array<i32>} : memref<1024xf32, #tpu.memory_space<vmem>>, vector<16xf32>,
      %get3A_14 = vector.shape_cast %get3A_13 : vector<16xf32> to vector<16xf32>
      %get3A_15 = arith.constant 32 : index
      %get3A_16 = tpu.vector_load %arg4[%get3A_15] {strides = array<i32>} : memref<1024xf32, #tpu.memory_space<vmem>>, vector<16xf32>,
      %get3A_17 = vector.shape_cast %get3A_16 : vector<16xf32> to vector<16xf32>
      %get3A_18 = arith.constant 48 : index
      %get3A_19 = tpu.vector_load %arg4[%get3A_18] {strides = array<i32>} : memref<1024xf32, #tpu.memory_space<vmem>>, vector<16xf32>,
      %get3A_20 = vector.shape_cast %get3A_19 : vector<16xf32> to vector<16xf32>
      %get3A_21 = arith.constant 64 : index
      %get3A_22 = tpu.vector_load %arg4[%get3A_21] {strides = array<i32>} : memref<1024xf32, #tpu.memory_space<vmem>>, vector<16xf32>,
      %get3A_23 = vector.shape_cast %get3A_22 : vector<16xf32> to vector<16xf32>
      %get3A_24 = arith.constant 80 : index
      %get3A_25 = tpu.vector_load %arg4[%get3A_24] {strides = array<i32>} : memref<1024xf32, #tpu.memory_space<vmem>>, vector<16xf32>,
      %get3A_26 = vector.shape_cast %get3A_25 : vector<16xf32> to vector<16xf32>
      %get3A_27 = arith.constant 96 : index
      %get3A_28 = tpu.vector_load %arg4[%get3A_27] {strides = array<i32>} : memref<1024xf32, #tpu.memory_space<vmem>>, vector<16xf32>,
      %get3A_29 = vector.shape_cast %get3A_28 : vector<16xf32> to vector<16xf32>
      %get3A_30 = arith.constant 112 : index
      %get3A_31 = tpu.vector_load %arg4[%get3A_30] {strides = array<i32>} : memref<1024xf32, #tpu.memory_space<vmem>>, vector<16xf32>,
      %get3A_32 = vector.shape_cast %get3A_31 : vector<16xf32> to vector<16xf32>
      %add3A_33 = arith.constant 0 : i32
      %add3A_34 = vector.broadcast %add3A_33 : i32 to vector<16xi32>
      %add3A_35 = arith.addi %iota3A, %add3A_34 : vector<16xi32>
      %add3A_36 = arith.constant 16 : i32
      %add3A_37 = vector.broadcast %add3A_36 : i32 to vector<16xi32>
      %add3A_38 = arith.addi %iota3A, %add3A_37 : vector<16xi32>
      %add3A_39 = arith.constant 32 : i32
      %add3A_40 = vector.broadcast %add3A_39 : i32 to vector<16xi32>
      %add3A_41 = arith.addi %iota3A, %add3A_40 : vector<16xi32>
      %add3A_42 = arith.constant 48 : i32
      %add3A_43 = vector.broadcast %add3A_42 : i32 to vector<16xi32>
      %add3A_44 = arith.addi %iota3A, %add3A_43 : vector<16xi32>
      %add3A_45 = arith.constant 64 : i32
      %add3A_46 = vector.broadcast %add3A_45 : i32 to vector<16xi32>
      %add3A_47 = arith.addi %iota3A, %add3A_46 : vector<16xi32>
      %add3A_48 = arith.constant 80 : i32
      %add3A_49 = vector.broadcast %add3A_48 : i32 to vector<16xi32>
      %add3A_50 = arith.addi %iota3A, %add3A_49 : vector<16xi32>
      %add3A_51 = arith.constant 96 : i32
      %add3A_52 = vector.broadcast %add3A_51 : i32 to vector<16xi32>
      %add3A_53 = arith.addi %iota3A, %add3A_52 : vector<16xi32>
      %add3A_54 = arith.constant 112 : i32
      %add3A_55 = vector.broadcast %add3A_54 : i32 to vector<16xi32>
      %add3A_56 = arith.addi %iota3A, %add3A_55 : vector<16xi32>
      %scan3A_57 = arith.constant 8 : i32
      %scan3A_58 = arith.constant 56 : i32
      %scan3A_59 = arith.addi %scan3A_57, %scan3A_58 : i32
      %scan3A_60 = arith.constant 1 : i32
      %scan3A_61:16 = scf.for %scan3A_4092 = %scan3A_57 to %scan3A_59 step %scan3A_60 iter_args(%scan3A_4093 = %get3A_11, %scan3A_4094 = %get3A_14, %scan3A_4095 = %get3A_17, %scan3A_4096 = %get3A_20, %scan3A_4097 = %get3A_23, %scan3A_4098 = %get3A_26, %scan3A_4099 = %get3A_29, %scan3A_4100 = %get3A_32, %scan3A_4101 = %add3A_35, %scan3A_4102 = %add3A_38, %scan3A_4103 = %add3A_41, %scan3A_4104 = %add3A_44, %scan3A_4105 = %add3A_47, %scan3A_4106 = %add3A_50, %scan3A_4107 = %add3A_53, %scan3A_4108 = %add3A_56) -> (vector<16xf32>, vector<16xf32>, vector<16xf32>, vector<16xf32>, vector<16xf32>, vector<16xf32>, vector<16xf32>, vector<16xf32>, vector<16xi32>, vector<16xi32>, vector<16xi32>, vector<16xi32>, vector<16xi32>, vector<16xi32>, vector<16xi32>, vector<16xi32>)  : i32 {
        %mul3A_4109 = arith.constant 16 : i32
        %mul3A_4110 = arith.muli %scan3A_4092, %mul3A_4109 : i32
        %get3A_4111 = arith.index_cast %mul3A_4110 : i32 to index
        %get3A_4112 = tpu.vector_load %arg4[%get3A_4111] {strides = array<i32>} : memref<1024xf32, #tpu.memory_space<vmem>>, vector<16xf32>,
        %get3A_4113 = vector.shape_cast %get3A_4112 : vector<16xf32> to vector<16xf32>
        %mul3A_4114 = arith.constant 16 : i32
        %mul3A_4115 = arith.muli %scan3A_4092, %mul3A_4114 : i32
        %add3A_4116 = vector.broadcast %mul3A_4115 : i32 to vector<16xi32>
        %add3A_4117 = arith.addi %iota3A, %add3A_4116 : vector<16xi32>
        %lt3A_4118 = arith.cmpf olt, %get3A_4113, %scan3A_4093 : vector<16xf32>
        %select_n3A_4119 = arith.select %lt3A_4118, %get3A_4113, %scan3A_4093 : vector<16xi1>, vector<16xf32>
        %select_n3A_4120 = arith.select %lt3A_4118, %add3A_4117, %scan3A_4101 : vector<16xi1>, vector<16xi32>
        %select_n3A_4121 = arith.select %lt3A_4118, %scan3A_4093, %get3A_4113 : vector<16xi1>, vector<16xf32>
        %select_n3A_4122 = arith.select %lt3A_4118, %scan3A_4101, %add3A_4117 : vector<16xi1>, vector<16xi32>
        %lt3A_4123 = arith.cmpf olt, %select_n3A_4121, %scan3A_4094 : vector<16xf32>
        %select_n3A_4124 = arith.select %lt3A_4123, %select_n3A_4121, %scan3A_4094 : vector<16xi1>, vector<16xf32>
        %select_n3A_4125 = arith.select %lt3A_4123, %select_n3A_4122, %scan3A_4102 : vector<16xi1>, vector<16xi32>
        %select_n3A_4126 = arith.select %lt3A_4123, %scan3A_4094, %select_n3A_4121 : vector<16xi1>, vector<16xf32>
        %select_n3A_4127 = arith.select %lt3A_4123, %scan3A_4102, %select_n3A_4122 : vector<16xi1>, vector<16xi32>
        %lt3A_4128 = arith.cmpf olt, %select_n3A_4126, %scan3A_4095 : vector<16xf32>
        %select_n3A_4129 = arith.select %lt3A_4128, %select_n3A_4126, %scan3A_4095 : vector<16xi1>, vector<16xf32>
        %select_n3A_4130 = arith.select %lt3A_4128, %select_n3A_4127, %scan3A_4103 : vector<16xi1>, vector<16xi32>
        %select_n3A_4131 = arith.select %lt3A_4128, %scan3A_4095, %select_n3A_4126 : vector<16xi1>, vector<16xf32>
        %select_n3A_4132 = arith.select %lt3A_4128, %scan3A_4103, %select_n3A_4127 : vector<16xi1>, vector<16xi32>
        %lt3A_4133 = arith.cmpf olt, %select_n3A_4131, %scan3A_4096 : vector<16xf32>
        %select_n3A_4134 = arith.select %lt3A_4133, %select_n3A_4131, %scan3A_4096 : vector<16xi1>, vector<16xf32>
        %select_n3A_4135 = arith.select %lt3A_4133, %select_n3A_4132, %scan3A_4104 : vector<16xi1>, vector<16xi32>
        %select_n3A_4136 = arith.select %lt3A_4133, %scan3A_4096, %select_n3A_4131 : vector<16xi1>, vector<16xf32>
        %select_n3A_4137 = arith.select %lt3A_4133, %scan3A_4104, %select_n3A_4132 : vector<16xi1>, vector<16xi32>
        %lt3A_4138 = arith.cmpf olt, %select_n3A_4136, %scan3A_4097 : vector<16xf32>
        %select_n3A_4139 = arith.select %lt3A_4138, %select_n3A_4136, %scan3A_4097 : vector<16xi1>, vector<16xf32>
        %select_n3A_4140 = arith.select %lt3A_4138, %select_n3A_4137, %scan3A_4105 : vector<16xi1>, vector<16xi32>
        %select_n3A_4141 = arith.select %lt3A_4138, %scan3A_4097, %select_n3A_4136 : vector<16xi1>, vector<16xf32>
        %select_n3A_4142 = arith.select %lt3A_4138, %scan3A_4105, %select_n3A_4137 : vector<16xi1>, vector<16xi32>
        %lt3A_4143 = arith.cmpf olt, %select_n3A_4141, %scan3A_4098 : vector<16xf32>
        %select_n3A_4144 = arith.select %lt3A_4143, %select_n3A_4141, %scan3A_4098 : vector<16xi1>, vector<16xf32>
        %select_n3A_4145 = arith.select %lt3A_4143, %select_n3A_4142, %scan3A_4106 : vector<16xi1>, vector<16xi32>
        %select_n3A_4146 = arith.select %lt3A_4143, %scan3A_4098, %select_n3A_4141 : vector<16xi1>, vector<16xf32>
        %select_n3A_4147 = arith.select %lt3A_4143, %scan3A_4106, %select_n3A_4142 : vector<16xi1>, vector<16xi32>
        %lt3A_4148 = arith.cmpf olt, %select_n3A_4146, %scan3A_4099 : vector<16xf32>
        %select_n3A_4149 = arith.select %lt3A_4148, %select_n3A_4146, %scan3A_4099 : vector<16xi1>, vector<16xf32>
        %select_n3A_4150 = arith.select %lt3A_4148, %select_n3A_4147, %scan3A_4107 : vector<16xi1>, vector<16xi32>
        %select_n3A_4151 = arith.select %lt3A_4148, %scan3A_4099, %select_n3A_4146 : vector<16xi1>, vector<16xf32>
        %select_n3A_4152 = arith.select %lt3A_4148, %scan3A_4107, %select_n3A_4147 : vector<16xi1>, vector<16xi32>
        %lt3A_4153 = arith.cmpf olt, %select_n3A_4151, %scan3A_4100 : vector<16xf32>
        %select_n3A_4154 = arith.select %lt3A_4153, %select_n3A_4151, %scan3A_4100 : vector<16xi1>, vector<16xf32>
        %select_n3A_4155 = arith.select %lt3A_4153, %select_n3A_4152, %scan3A_4108 : vector<16xi1>, vector<16xi32>
        %select_n3A_4156 = arith.select %lt3A_4153, %scan3A_4100, %select_n3A_4151 : vector<16xi1>, vector<16xf32>
        %select_n3A_4157 = arith.select %lt3A_4153, %scan3A_4108, %select_n3A_4152 : vector<16xi1>, vector<16xi32>
        scf.yield %select_n3A_4119, %select_n3A_4124, %select_n3A_4129, %select_n3A_4134, %select_n3A_4139, %select_n3A_4144, %select_n3A_4149, %select_n3A_4154, %select_n3A_4120, %select_n3A_4125, %select_n3A_4130, %select_n3A_4135, %select_n3A_4140, %select_n3A_4145, %select_n3A_4150, %select_n3A_4155 : vector<16xf32>, vector<16xf32>, vector<16xf32>, vector<16xf32>, vector<16xf32>, vector<16xf32>, vector<16xf32>, vector<16xf32>, vector<16xi32>, vector<16xi32>, vector<16xi32>, vector<16xi32>, vector<16xi32>, vector<16xi32>, vector<16xi32>, vector<16xi32>
      }
      %scan3A_62 = arith.constant 56 : i32
      %broadcast_in_dim3A = arith.constant 1 : i32
      %broadcast_in_dim3A_63 = vector.broadcast %broadcast_in_dim3A : i32 to vector<16xi32>
      %broadcast_in_dim3A_64 = arith.constant 0 : i32
      %broadcast_in_dim3A_65 = vector.broadcast %broadcast_in_dim3A_64 : i32 to vector<16xi32>
      %min3A = arith.minimumf %scan3A_61#0, %scan3A_61#1 : vector<16xf32>
      %min3A_66 = arith.minimumf %min3A, %scan3A_61#2 : vector<16xf32>
      %min3A_67 = arith.minimumf %min3A_66, %scan3A_61#3 : vector<16xf32>
      %min3A_68 = arith.minimumf %min3A_67, %scan3A_61#4 : vector<16xf32>
      %min3A_69 = arith.minimumf %min3A_68, %scan3A_61#5 : vector<16xf32>
      %min3A_70 = arith.minimumf %min3A_69, %scan3A_61#6 : vector<16xf32>
      %min3A_71 = arith.minimumf %min3A_70, %scan3A_61#7 : vector<16xf32>
      %xor3A = arith.constant 1 : i32
      %xor3A_72 = vector.broadcast %xor3A : i32 to vector<16xi32>
      %xor3A_73 = arith.xori %iota3A, %xor3A_72 : vector<16xi32>
      %lt3A = arith.constant 0 : i32
      %lt3A_74 = vector.broadcast %lt3A : i32 to vector<16xi32>
      %lt3A_75 = arith.cmpi slt, %xor3A_73, %lt3A_74 : vector<16xi32>
      %add3A_76 = arith.constant 16 : i32
      %add3A_77 = vector.broadcast %add3A_76 : i32 to vector<16xi32>
      %add3A_78 = arith.addi %xor3A_73, %add3A_77 : vector<16xi32>
      %select_n3A = arith.select %lt3A_75, %add3A_78, %xor3A_73 : vector<16xi1>, vector<16xi32>
      %broadcast_in_dim3A_79 = vector.shape_cast %select_n3A : vector<16xi32> to vector<16x1xi32>
      %gather3A = vector.shape_cast %broadcast_in_dim3A_79 : vector<16x1xi32> to vector<16xi32>
      %gather3A_80 = tpu.dynamic_gather %min3A_71[%gather3A] in [0] : vector<16xf32>, vector<16xi32> -> vector<16xf32>
      %min3A_81 = arith.minimumf %min3A_71, %gather3A_80 : vector<16xf32>
      %xor3A_82 = arith.constant 2 : i32
      %xor3A_83 = vector.broadcast %xor3A_82 : i32 to vector<16xi32>
      %xor3A_84 = arith.xori %iota3A, %xor3A_83 : vector<16xi32>
      %lt3A_85 = arith.constant 0 : i32
      %lt3A_86 = vector.broadcast %lt3A_85 : i32 to vector<16xi32>
      %lt3A_87 = arith.cmpi slt, %xor3A_84, %lt3A_86 : vector<16xi32>
      %add3A_88 = arith.constant 16 : i32
      %add3A_89 = vector.broadcast %add3A_88 : i32 to vector<16xi32>
      %add3A_90 = arith.addi %xor3A_84, %add3A_89 : vector<16xi32>
      %select_n3A_91 = arith.select %lt3A_87, %add3A_90, %xor3A_84 : vector<16xi1>, vector<16xi32>
      %broadcast_in_dim3A_92 = vector.shape_cast %select_n3A_91 : vector<16xi32> to vector<16x1xi32>
      %gather3A_93 = vector.shape_cast %broadcast_in_dim3A_92 : vector<16x1xi32> to vector<16xi32>
      %gather3A_94 = tpu.dynamic_gather %min3A_81[%gather3A_93] in [0] : vector<16xf32>, vector<16xi32> -> vector<16xf32>
      %min3A_95 = arith.minimumf %min3A_81, %gather3A_94 : vector<16xf32>
      %xor3A_96 = arith.constant 4 : i32
      %xor3A_97 = vector.broadcast %xor3A_96 : i32 to vector<16xi32>
      %xor3A_98 = arith.xori %iota3A, %xor3A_97 : vector<16xi32>
      %lt3A_99 = arith.constant 0 : i32
      %lt3A_100 = vector.broadcast %lt3A_99 : i32 to vector<16xi32>
      %lt3A_101 = arith.cmpi slt, %xor3A_98, %lt3A_100 : vector<16xi32>
      %add3A_102 = arith.constant 16 : i32
      %add3A_103 = vector.broadcast %add3A_102 : i32 to vector<16xi32>
      %add3A_104 = arith.addi %xor3A_98, %add3A_103 : vector<16xi32>
      %select_n3A_105 = arith.select %lt3A_101, %add3A_104, %xor3A_98 : vector<16xi1>, vector<16xi32>
      %broadcast_in_dim3A_106 = vector.shape_cast %select_n3A_105 : vector<16xi32> to vector<16x1xi32>
      %gather3A_107 = vector.shape_cast %broadcast_in_dim3A_106 : vector<16x1xi32> to vector<16xi32>
      %gather3A_108 = tpu.dynamic_gather %min3A_95[%gather3A_107] in [0] : vector<16xf32>, vector<16xi32> -> vector<16xf32>
      %min3A_109 = arith.minimumf %min3A_95, %gather3A_108 : vector<16xf32>
      %xor3A_110 = arith.constant 8 : i32
      %xor3A_111 = vector.broadcast %xor3A_110 : i32 to vector<16xi32>
      %xor3A_112 = arith.xori %iota3A, %xor3A_111 : vector<16xi32>
      %lt3A_113 = arith.constant 0 : i32
      %lt3A_114 = vector.broadcast %lt3A_113 : i32 to vector<16xi32>
      %lt3A_115 = arith.cmpi slt, %xor3A_112, %lt3A_114 : vector<16xi32>
      %add3A_116 = arith.constant 16 : i32
      %add3A_117 = vector.broadcast %add3A_116 : i32 to vector<16xi32>
      %add3A_118 = arith.addi %xor3A_112, %add3A_117 : vector<16xi32>
      %select_n3A_119 = arith.select %lt3A_115, %add3A_118, %xor3A_112 : vector<16xi1>, vector<16xi32>
      %broadcast_in_dim3A_120 = vector.shape_cast %select_n3A_119 : vector<16xi32> to vector<16x1xi32>
      %gather3A_121 = vector.shape_cast %broadcast_in_dim3A_120 : vector<16x1xi32> to vector<16xi32>
      %gather3A_122 = tpu.dynamic_gather %min3A_109[%gather3A_121] in [0] : vector<16xf32>, vector<16xi32> -> vector<16xf32>
      %min3A_123 = arith.minimumf %min3A_109, %gather3A_122 : vector<16xf32>
      %eq3A = arith.cmpf oeq, %scan3A_61#0, %min3A_123 : vector<16xf32>
      %select_n3A_124 = arith.select %eq3A, %broadcast_in_dim3A_63, %broadcast_in_dim3A_65 : vector<16xi1>, vector<16xi32>
      %eq3A_125 = arith.cmpf oeq, %scan3A_61#1, %min3A_123 : vector<16xf32>
      %select_n3A_126 = arith.select %eq3A_125, %broadcast_in_dim3A_63, %broadcast_in_dim3A_65 : vector<16xi1>, vector<16xi32>
      %eq3A_127 = arith.cmpf oeq, %scan3A_61#2, %min3A_123 : vector<16xf32>
      %select_n3A_128 = arith.select %eq3A_127, %broadcast_in_dim3A_63, %broadcast_in_dim3A_65 : vector<16xi1>, vector<16xi32>
      %eq3A_129 = arith.cmpf oeq, %scan3A_61#3, %min3A_123 : vector<16xf32>
      %select_n3A_130 = arith.select %eq3A_129, %broadcast_in_dim3A_63, %broadcast_in_dim3A_65 : vector<16xi1>, vector<16xi32>
      %eq3A_131 = arith.cmpf oeq, %scan3A_61#4, %min3A_123 : vector<16xf32>
      %select_n3A_132 = arith.select %eq3A_131, %broadcast_in_dim3A_63, %broadcast_in_dim3A_65 : vector<16xi1>, vector<16xi32>
      %eq3A_133 = arith.cmpf oeq, %scan3A_61#5, %min3A_123 : vector<16xf32>
      %select_n3A_134 = arith.select %eq3A_133, %broadcast_in_dim3A_63, %broadcast_in_dim3A_65 : vector<16xi1>, vector<16xi32>
      %eq3A_135 = arith.cmpf oeq, %scan3A_61#6, %min3A_123 : vector<16xf32>
      %select_n3A_136 = arith.select %eq3A_135, %broadcast_in_dim3A_63, %broadcast_in_dim3A_65 : vector<16xi1>, vector<16xi32>
      %eq3A_137 = arith.cmpf oeq, %scan3A_61#7, %min3A_123 : vector<16xf32>
      %select_n3A_138 = arith.select %eq3A_137, %broadcast_in_dim3A_63, %broadcast_in_dim3A_65 : vector<16xi1>, vector<16xi32>
      %max3A = arith.maxsi %select_n3A_124, %select_n3A_126 : vector<16xi32>
      %max3A_139 = arith.maxsi %max3A, %select_n3A_128 : vector<16xi32>
      %max3A_140 = arith.maxsi %max3A_139, %select_n3A_130 : vector<16xi32>
      %max3A_141 = arith.maxsi %max3A_140, %select_n3A_132 : vector<16xi32>
      %max3A_142 = arith.maxsi %max3A_141, %select_n3A_134 : vector<16xi32>
      %max3A_143 = arith.maxsi %max3A_142, %select_n3A_136 : vector<16xi32>
      %max3A_144 = arith.maxsi %max3A_143, %select_n3A_138 : vector<16xi32>
      %mul3A_145 = arith.muli %max3A_144, %iota3A : vector<16xi32>
      %sub3A = arith.subi %broadcast_in_dim3A_63, %max3A_144 : vector<16xi32>
      %mul3A_146 = arith.constant 16 : i32
      %mul3A_147 = vector.broadcast %mul3A_146 : i32 to vector<16xi32>
      %mul3A_148 = arith.muli %sub3A, %mul3A_147 : vector<16xi32>
      %add3A_149 = arith.addi %mul3A_145, %mul3A_148 : vector<16xi32>
      %xor3A_150 = arith.constant 1 : i32
      %xor3A_151 = vector.broadcast %xor3A_150 : i32 to vector<16xi32>
      %xor3A_152 = arith.xori %iota3A, %xor3A_151 : vector<16xi32>
      %lt3A_153 = arith.constant 0 : i32
      %lt3A_154 = vector.broadcast %lt3A_153 : i32 to vector<16xi32>
      %lt3A_155 = arith.cmpi slt, %xor3A_152, %lt3A_154 : vector<16xi32>
      %add3A_156 = arith.constant 16 : i32
      %add3A_157 = vector.broadcast %add3A_156 : i32 to vector<16xi32>
      %add3A_158 = arith.addi %xor3A_152, %add3A_157 : vector<16xi32>
      %select_n3A_159 = arith.select %lt3A_155, %add3A_158, %xor3A_152 : vector<16xi1>, vector<16xi32>
      %broadcast_in_dim3A_160 = vector.shape_cast %select_n3A_159 : vector<16xi32> to vector<16x1xi32>
      %gather3A_161 = vector.shape_cast %broadcast_in_dim3A_160 : vector<16x1xi32> to vector<16xi32>
      %gather3A_162 = tpu.dynamic_gather %add3A_149[%gather3A_161] in [0] : vector<16xi32>, vector<16xi32> -> vector<16xi32>
      %min3A_163 = arith.minsi %add3A_149, %gather3A_162 : vector<16xi32>
      %xor3A_164 = arith.constant 2 : i32
      %xor3A_165 = vector.broadcast %xor3A_164 : i32 to vector<16xi32>
      %xor3A_166 = arith.xori %iota3A, %xor3A_165 : vector<16xi32>
      %lt3A_167 = arith.constant 0 : i32
      %lt3A_168 = vector.broadcast %lt3A_167 : i32 to vector<16xi32>
      %lt3A_169 = arith.cmpi slt, %xor3A_166, %lt3A_168 : vector<16xi32>
      %add3A_170 = arith.constant 16 : i32
      %add3A_171 = vector.broadcast %add3A_170 : i32 to vector<16xi32>
      %add3A_172 = arith.addi %xor3A_166, %add3A_171 : vector<16xi32>
      %select_n3A_173 = arith.select %lt3A_169, %add3A_172, %xor3A_166 : vector<16xi1>, vector<16xi32>
      %broadcast_in_dim3A_174 = vector.shape_cast %select_n3A_173 : vector<16xi32> to vector<16x1xi32>
      %gather3A_175 = vector.shape_cast %broadcast_in_dim3A_174 : vector<16x1xi32> to vector<16xi32>
      %gather3A_176 = tpu.dynamic_gather %min3A_163[%gather3A_175] in [0] : vector<16xi32>, vector<16xi32> -> vector<16xi32>
      %min3A_177 = arith.minsi %min3A_163, %gather3A_176 : vector<16xi32>
      %xor3A_178 = arith.constant 4 : i32
      %xor3A_179 = vector.broadcast %xor3A_178 : i32 to vector<16xi32>
      %xor3A_180 = arith.xori %iota3A, %xor3A_179 : vector<16xi32>
      %lt3A_181 = arith.constant 0 : i32
      %lt3A_182 = vector.broadcast %lt3A_181 : i32 to vector<16xi32>
      %lt3A_183 = arith.cmpi slt, %xor3A_180, %lt3A_182 : vector<16xi32>
      %add3A_184 = arith.constant 16 : i32
      %add3A_185 = vector.broadcast %add3A_184 : i32 to vector<16xi32>
      %add3A_186 = arith.addi %xor3A_180, %add3A_185 : vector<16xi32>
      %select_n3A_187 = arith.select %lt3A_183, %add3A_186, %xor3A_180 : vector<16xi1>, vector<16xi32>
      %broadcast_in_dim3A_188 = vector.shape_cast %select_n3A_187 : vector<16xi32> to vector<16x1xi32>
      %gather3A_189 = vector.shape_cast %broadcast_in_dim3A_188 : vector<16x1xi32> to vector<16xi32>
      %gather3A_190 = tpu.dynamic_gather %min3A_177[%gather3A_189] in [0] : vector<16xi32>, vector<16xi32> -> vector<16xi32>
      %min3A_191 = arith.minsi %min3A_177, %gather3A_190 : vector<16xi32>
      %xor3A_192 = arith.constant 8 : i32
      %xor3A_193 = vector.broadcast %xor3A_192 : i32 to vector<16xi32>
      %xor3A_194 = arith.xori %iota3A, %xor3A_193 : vector<16xi32>
      %lt3A_195 = arith.constant 0 : i32
      %lt3A_196 = vector.broadcast %lt3A_195 : i32 to vector<16xi32>
      %lt3A_197 = arith.cmpi slt, %xor3A_194, %lt3A_196 : vector<16xi32>
      %add3A_198 = arith.constant 16 : i32
      %add3A_199 = vector.broadcast %add3A_198 : i32 to vector<16xi32>
      %add3A_200 = arith.addi %xor3A_194, %add3A_199 : vector<16xi32>
      %select_n3A_201 = arith.select %lt3A_197, %add3A_200, %xor3A_194 : vector<16xi1>, vector<16xi32>
      %broadcast_in_dim3A_202 = vector.shape_cast %select_n3A_201 : vector<16xi32> to vector<16x1xi32>
      %gather3A_203 = vector.shape_cast %broadcast_in_dim3A_202 : vector<16x1xi32> to vector<16xi32>
      %gather3A_204 = tpu.dynamic_gather %min3A_191[%gather3A_203] in [0] : vector<16xi32>, vector<16xi32> -> vector<16xi32>
      %min3A_205 = arith.minsi %min3A_191, %gather3A_204 : vector<16xi32>
      %eq3A_206 = arith.cmpi eq, %iota3A, %min3A_205 : vector<16xi32>
      %select_n3A_207 = arith.select %eq3A_206, %broadcast_in_dim3A_63, %broadcast_in_dim3A_65 : vector<16xi1>, vector<16xi32>
      %mul3A_208 = arith.muli %select_n3A_124, %select_n3A_207 : vector<16xi32>
      %sub3A_209 = arith.subi %broadcast_in_dim3A_63, %broadcast_in_dim3A_65 : vector<16xi32>
      %mul3A_210 = arith.muli %mul3A_208, %sub3A_209 : vector<16xi32>
      %mul3A_211 = arith.muli %mul3A_210, %scan3A_61#8 : vector<16xi32>
      %add3A_212 = arith.addi %broadcast_in_dim3A_65, %mul3A_211 : vector<16xi32>
      %convert_element_type3A = arith.sitofp %mul3A_210 : vector<16xi32> to vector<16xf32>
      %mul3A_213 = arith.constant 1.000000e+30 : f32
      %mul3A_214 = vector.broadcast %mul3A_213 : f32 to vector<16xf32>
      %mul3A_215 = arith.mulf %convert_element_type3A, %mul3A_214 : vector<16xf32>
      %add3A_216 = arith.addf %scan3A_61#0, %mul3A_215 : vector<16xf32>
      %add3A_217 = arith.addi %broadcast_in_dim3A_65, %mul3A_210 : vector<16xi32>
      %mul3A_218 = arith.muli %select_n3A_126, %select_n3A_207 : vector<16xi32>
      %sub3A_219 = arith.subi %broadcast_in_dim3A_63, %add3A_217 : vector<16xi32>
      %mul3A_220 = arith.muli %mul3A_218, %sub3A_219 : vector<16xi32>
      %mul3A_221 = arith.muli %mul3A_220, %scan3A_61#9 : vector<16xi32>
      %add3A_222 = arith.addi %add3A_212, %mul3A_221 : vector<16xi32>
      %convert_element_type3A_223 = arith.sitofp %mul3A_220 : vector<16xi32> to vector<16xf32>
      %mul3A_224 = arith.constant 1.000000e+30 : f32
      %mul3A_225 = vector.broadcast %mul3A_224 : f32 to vector<16xf32>
      %mul3A_226 = arith.mulf %convert_element_type3A_223, %mul3A_225 : vector<16xf32>
      %add3A_227 = arith.addf %scan3A_61#1, %mul3A_226 : vector<16xf32>
      %add3A_228 = arith.addi %add3A_217, %mul3A_220 : vector<16xi32>
      %mul3A_229 = arith.muli %select_n3A_128, %select_n3A_207 : vector<16xi32>
      %sub3A_230 = arith.subi %broadcast_in_dim3A_63, %add3A_228 : vector<16xi32>
      %mul3A_231 = arith.muli %mul3A_229, %sub3A_230 : vector<16xi32>
      %mul3A_232 = arith.muli %mul3A_231, %scan3A_61#10 : vector<16xi32>
      %add3A_233 = arith.addi %add3A_222, %mul3A_232 : vector<16xi32>
      %convert_element_type3A_234 = arith.sitofp %mul3A_231 : vector<16xi32> to vector<16xf32>
      %mul3A_235 = arith.constant 1.000000e+30 : f32
      %mul3A_236 = vector.broadcast %mul3A_235 : f32 to vector<16xf32>
      %mul3A_237 = arith.mulf %convert_element_type3A_234, %mul3A_236 : vector<16xf32>
      %add3A_238 = arith.addf %scan3A_61#2, %mul3A_237 : vector<16xf32>
      %add3A_239 = arith.addi %add3A_228, %mul3A_231 : vector<16xi32>
      %mul3A_240 = arith.muli %select_n3A_130, %select_n3A_207 : vector<16xi32>
      %sub3A_241 = arith.subi %broadcast_in_dim3A_63, %add3A_239 : vector<16xi32>
      %mul3A_242 = arith.muli %mul3A_240, %sub3A_241 : vector<16xi32>
      %mul3A_243 = arith.muli %mul3A_242, %scan3A_61#11 : vector<16xi32>
      %add3A_244 = arith.addi %add3A_233, %mul3A_243 : vector<16xi32>
      %convert_element_type3A_245 = arith.sitofp %mul3A_242 : vector<16xi32> to vector<16xf32>
      %mul3A_246 = arith.constant 1.000000e+30 : f32
      %mul3A_247 = vector.broadcast %mul3A_246 : f32 to vector<16xf32>
      %mul3A_248 = arith.mulf %convert_element_type3A_245, %mul3A_247 : vector<16xf32>
      %add3A_249 = arith.addf %scan3A_61#3, %mul3A_248 : vector<16xf32>
      %add3A_250 = arith.addi %add3A_239, %mul3A_242 : vector<16xi32>
      %mul3A_251 = arith.muli %select_n3A_132, %select_n3A_207 : vector<16xi32>
      %sub3A_252 = arith.subi %broadcast_in_dim3A_63, %add3A_250 : vector<16xi32>
      %mul3A_253 = arith.muli %mul3A_251, %sub3A_252 : vector<16xi32>
      %mul3A_254 = arith.muli %mul3A_253, %scan3A_61#12 : vector<16xi32>
      %add3A_255 = arith.addi %add3A_244, %mul3A_254 : vector<16xi32>
      %convert_element_type3A_256 = arith.sitofp %mul3A_253 : vector<16xi32> to vector<16xf32>
      %mul3A_257 = arith.constant 1.000000e+30 : f32
      %mul3A_258 = vector.broadcast %mul3A_257 : f32 to vector<16xf32>
      %mul3A_259 = arith.mulf %convert_element_type3A_256, %mul3A_258 : vector<16xf32>
      %add3A_260 = arith.addf %scan3A_61#4, %mul3A_259 : vector<16xf32>
      %add3A_261 = arith.addi %add3A_250, %mul3A_253 : vector<16xi32>
      %mul3A_262 = arith.muli %select_n3A_134, %select_n3A_207 : vector<16xi32>
      %sub3A_263 = arith.subi %broadcast_in_dim3A_63, %add3A_261 : vector<16xi32>
      %mul3A_264 = arith.muli %mul3A_262, %sub3A_263 : vector<16xi32>
      %mul3A_265 = arith.muli %mul3A_264, %scan3A_61#13 : vector<16xi32>
      %add3A_266 = arith.addi %add3A_255, %mul3A_265 : vector<16xi32>
      %convert_element_type3A_267 = arith.sitofp %mul3A_264 : vector<16xi32> to vector<16xf32>
      %mul3A_268 = arith.constant 1.000000e+30 : f32
      %mul3A_269 = vector.broadcast %mul3A_268 : f32 to vector<16xf32>
      %mul3A_270 = arith.mulf %convert_element_type3A_267, %mul3A_269 : vector<16xf32>
      %add3A_271 = arith.addf %scan3A_61#5, %mul3A_270 : vector<16xf32>
      %add3A_272 = arith.addi %add3A_261, %mul3A_264 : vector<16xi32>
      %mul3A_273 = arith.muli %select_n3A_136, %select_n3A_207 : vector<16xi32>
      %sub3A_274 = arith.subi %broadcast_in_dim3A_63, %add3A_272 : vector<16xi32>
      %mul3A_275 = arith.muli %mul3A_273, %sub3A_274 : vector<16xi32>
      %mul3A_276 = arith.muli %mul3A_275, %scan3A_61#14 : vector<16xi32>
      %add3A_277 = arith.addi %add3A_266, %mul3A_276 : vector<16xi32>
      %convert_element_type3A_278 = arith.sitofp %mul3A_275 : vector<16xi32> to vector<16xf32>
      %mul3A_279 = arith.constant 1.000000e+30 : f32
      %mul3A_280 = vector.broadcast %mul3A_279 : f32 to vector<16xf32>
      %mul3A_281 = arith.mulf %convert_element_type3A_278, %mul3A_280 : vector<16xf32>
      %add3A_282 = arith.addf %scan3A_61#6, %mul3A_281 : vector<16xf32>
      %add3A_283 = arith.addi %add3A_272, %mul3A_275 : vector<16xi32>
      %mul3A_284 = arith.muli %select_n3A_138, %select_n3A_207 : vector<16xi32>
      %sub3A_285 = arith.subi %broadcast_in_dim3A_63, %add3A_283 : vector<16xi32>
      %mul3A_286 = arith.muli %mul3A_284, %sub3A_285 : vector<16xi32>
      %mul3A_287 = arith.muli %mul3A_286, %scan3A_61#15 : vector<16xi32>
      %add3A_288 = arith.addi %add3A_277, %mul3A_287 : vector<16xi32>
      %convert_element_type3A_289 = arith.sitofp %mul3A_286 : vector<16xi32> to vector<16xf32>
      %mul3A_290 = arith.constant 1.000000e+30 : f32
      %mul3A_291 = vector.broadcast %mul3A_290 : f32 to vector<16xf32>
      %mul3A_292 = arith.mulf %convert_element_type3A_289, %mul3A_291 : vector<16xf32>
      %add3A_293 = arith.addf %scan3A_61#7, %mul3A_292 : vector<16xf32>
      %add3A_294 = arith.addi %add3A_283, %mul3A_286 : vector<16xi32>
      %lt3A_295 = arith.constant 0 : i32
      %lt3A_296 = vector.broadcast %lt3A_295 : i32 to vector<16xi32>
      %lt3A_297 = arith.cmpi slt, %min3A_205, %lt3A_296 : vector<16xi32>
      %add3A_298 = arith.constant 16 : i32
      %add3A_299 = vector.broadcast %add3A_298 : i32 to vector<16xi32>
      %add3A_300 = arith.addi %min3A_205, %add3A_299 : vector<16xi32>
      %select_n3A_301 = arith.select %lt3A_297, %add3A_300, %min3A_205 : vector<16xi1>, vector<16xi32>
      %broadcast_in_dim3A_302 = vector.shape_cast %select_n3A_301 : vector<16xi32> to vector<16x1xi32>
      %gather3A_303 = vector.shape_cast %broadcast_in_dim3A_302 : vector<16x1xi32> to vector<16xi32>
      %gather3A_304 = tpu.dynamic_gather %add3A_288[%gather3A_303] in [0] : vector<16xi32>, vector<16xi32> -> vector<16xi32>
      %eq3A_305 = arith.constant 0 : i32
      %eq3A_306 = vector.broadcast %eq3A_305 : i32 to vector<16xi32>
      %eq3A_307 = arith.cmpi eq, %iota3A, %eq3A_306 : vector<16xi32>
      %select_n3A_308 = arith.select %eq3A_307, %gather3A_304, %iota3A : vector<16xi1>, vector<16xi32>
      %min3A_309 = arith.minimumf %add3A_216, %add3A_227 : vector<16xf32>
      %min3A_310 = arith.minimumf %min3A_309, %add3A_238 : vector<16xf32>
      %min3A_311 = arith.minimumf %min3A_310, %add3A_249 : vector<16xf32>
      %min3A_312 = arith.minimumf %min3A_311, %add3A_260 : vector<16xf32>
      %min3A_313 = arith.minimumf %min3A_312, %add3A_271 : vector<16xf32>
      %min3A_314 = arith.minimumf %min3A_313, %add3A_282 : vector<16xf32>
      %min3A_315 = arith.minimumf %min3A_314, %add3A_293 : vector<16xf32>
      %xor3A_316 = arith.constant 1 : i32
      %xor3A_317 = vector.broadcast %xor3A_316 : i32 to vector<16xi32>
      %xor3A_318 = arith.xori %iota3A, %xor3A_317 : vector<16xi32>
      %lt3A_319 = arith.constant 0 : i32
      %lt3A_320 = vector.broadcast %lt3A_319 : i32 to vector<16xi32>
      %lt3A_321 = arith.cmpi slt, %xor3A_318, %lt3A_320 : vector<16xi32>
      %add3A_322 = arith.constant 16 : i32
      %add3A_323 = vector.broadcast %add3A_322 : i32 to vector<16xi32>
      %add3A_324 = arith.addi %xor3A_318, %add3A_323 : vector<16xi32>
      %select_n3A_325 = arith.select %lt3A_321, %add3A_324, %xor3A_318 : vector<16xi1>, vector<16xi32>
      %broadcast_in_dim3A_326 = vector.shape_cast %select_n3A_325 : vector<16xi32> to vector<16x1xi32>
      %gather3A_327 = vector.shape_cast %broadcast_in_dim3A_326 : vector<16x1xi32> to vector<16xi32>
      %gather3A_328 = tpu.dynamic_gather %min3A_315[%gather3A_327] in [0] : vector<16xf32>, vector<16xi32> -> vector<16xf32>
      %min3A_329 = arith.minimumf %min3A_315, %gather3A_328 : vector<16xf32>
      %xor3A_330 = arith.constant 2 : i32
      %xor3A_331 = vector.broadcast %xor3A_330 : i32 to vector<16xi32>
      %xor3A_332 = arith.xori %iota3A, %xor3A_331 : vector<16xi32>
      %lt3A_333 = arith.constant 0 : i32
      %lt3A_334 = vector.broadcast %lt3A_333 : i32 to vector<16xi32>
      %lt3A_335 = arith.cmpi slt, %xor3A_332, %lt3A_334 : vector<16xi32>
      %add3A_336 = arith.constant 16 : i32
      %add3A_337 = vector.broadcast %add3A_336 : i32 to vector<16xi32>
      %add3A_338 = arith.addi %xor3A_332, %add3A_337 : vector<16xi32>
      %select_n3A_339 = arith.select %lt3A_335, %add3A_338, %xor3A_332 : vector<16xi1>, vector<16xi32>
      %broadcast_in_dim3A_340 = vector.shape_cast %select_n3A_339 : vector<16xi32> to vector<16x1xi32>
      %gather3A_341 = vector.shape_cast %broadcast_in_dim3A_340 : vector<16x1xi32> to vector<16xi32>
      %gather3A_342 = tpu.dynamic_gather %min3A_329[%gather3A_341] in [0] : vector<16xf32>, vector<16xi32> -> vector<16xf32>
      %min3A_343 = arith.minimumf %min3A_329, %gather3A_342 : vector<16xf32>
      %xor3A_344 = arith.constant 4 : i32
      %xor3A_345 = vector.broadcast %xor3A_344 : i32 to vector<16xi32>
      %xor3A_346 = arith.xori %iota3A, %xor3A_345 : vector<16xi32>
      %lt3A_347 = arith.constant 0 : i32
      %lt3A_348 = vector.broadcast %lt3A_347 : i32 to vector<16xi32>
      %lt3A_349 = arith.cmpi slt, %xor3A_346, %lt3A_348 : vector<16xi32>
      %add3A_350 = arith.constant 16 : i32
      %add3A_351 = vector.broadcast %add3A_350 : i32 to vector<16xi32>
      %add3A_352 = arith.addi %xor3A_346, %add3A_351 : vector<16xi32>
      %select_n3A_353 = arith.select %lt3A_349, %add3A_352, %xor3A_346 : vector<16xi1>, vector<16xi32>
      %broadcast_in_dim3A_354 = vector.shape_cast %select_n3A_353 : vector<16xi32> to vector<16x1xi32>
      %gather3A_355 = vector.shape_cast %broadcast_in_dim3A_354 : vector<16x1xi32> to vector<16xi32>
      %gather3A_356 = tpu.dynamic_gather %min3A_343[%gather3A_355] in [0] : vector<16xf32>, vector<16xi32> -> vector<16xf32>
      %min3A_357 = arith.minimumf %min3A_343, %gather3A_356 : vector<16xf32>
      %xor3A_358 = arith.constant 8 : i32
      %xor3A_359 = vector.broadcast %xor3A_358 : i32 to vector<16xi32>
      %xor3A_360 = arith.xori %iota3A, %xor3A_359 : vector<16xi32>
      %lt3A_361 = arith.constant 0 : i32
      %lt3A_362 = vector.broadcast %lt3A_361 : i32 to vector<16xi32>
      %lt3A_363 = arith.cmpi slt, %xor3A_360, %lt3A_362 : vector<16xi32>
      %add3A_364 = arith.constant 16 : i32
      %add3A_365 = vector.broadcast %add3A_364 : i32 to vector<16xi32>
      %add3A_366 = arith.addi %xor3A_360, %add3A_365 : vector<16xi32>
      %select_n3A_367 = arith.select %lt3A_363, %add3A_366, %xor3A_360 : vector<16xi1>, vector<16xi32>
      %broadcast_in_dim3A_368 = vector.shape_cast %select_n3A_367 : vector<16xi32> to vector<16x1xi32>
      %gather3A_369 = vector.shape_cast %broadcast_in_dim3A_368 : vector<16x1xi32> to vector<16xi32>
      %gather3A_370 = tpu.dynamic_gather %min3A_357[%gather3A_369] in [0] : vector<16xf32>, vector<16xi32> -> vector<16xf32>
      %min3A_371 = arith.minimumf %min3A_357, %gather3A_370 : vector<16xf32>
      %eq3A_372 = arith.cmpf oeq, %add3A_216, %min3A_371 : vector<16xf32>
      %select_n3A_373 = arith.select %eq3A_372, %broadcast_in_dim3A_63, %broadcast_in_dim3A_65 : vector<16xi1>, vector<16xi32>
      %eq3A_374 = arith.cmpf oeq, %add3A_227, %min3A_371 : vector<16xf32>
      %select_n3A_375 = arith.select %eq3A_374, %broadcast_in_dim3A_63, %broadcast_in_dim3A_65 : vector<16xi1>, vector<16xi32>
      %eq3A_376 = arith.cmpf oeq, %add3A_238, %min3A_371 : vector<16xf32>
      %select_n3A_377 = arith.select %eq3A_376, %broadcast_in_dim3A_63, %broadcast_in_dim3A_65 : vector<16xi1>, vector<16xi32>
      %eq3A_378 = arith.cmpf oeq, %add3A_249, %min3A_371 : vector<16xf32>
      %select_n3A_379 = arith.select %eq3A_378, %broadcast_in_dim3A_63, %broadcast_in_dim3A_65 : vector<16xi1>, vector<16xi32>
      %eq3A_380 = arith.cmpf oeq, %add3A_260, %min3A_371 : vector<16xf32>
      %select_n3A_381 = arith.select %eq3A_380, %broadcast_in_dim3A_63, %broadcast_in_dim3A_65 : vector<16xi1>, vector<16xi32>
      %eq3A_382 = arith.cmpf oeq, %add3A_271, %min3A_371 : vector<16xf32>
      %select_n3A_383 = arith.select %eq3A_382, %broadcast_in_dim3A_63, %broadcast_in_dim3A_65 : vector<16xi1>, vector<16xi32>
      %eq3A_384 = arith.cmpf oeq, %add3A_282, %min3A_371 : vector<16xf32>
      %select_n3A_385 = arith.select %eq3A_384, %broadcast_in_dim3A_63, %broadcast_in_dim3A_65 : vector<16xi1>, vector<16xi32>
      %eq3A_386 = arith.cmpf oeq, %add3A_293, %min3A_371 : vector<16xf32>
      %select_n3A_387 = arith.select %eq3A_386, %broadcast_in_dim3A_63, %broadcast_in_dim3A_65 : vector<16xi1>, vector<16xi32>
      %max3A_388 = arith.maxsi %select_n3A_373, %select_n3A_375 : vector<16xi32>
      %max3A_389 = arith.maxsi %max3A_388, %select_n3A_377 : vector<16xi32>
      %max3A_390 = arith.maxsi %max3A_389, %select_n3A_379 : vector<16xi32>
      %max3A_391 = arith.maxsi %max3A_390, %select_n3A_381 : vector<16xi32>
      %max3A_392 = arith.maxsi %max3A_391, %select_n3A_383 : vector<16xi32>
      %max3A_393 = arith.maxsi %max3A_392, %select_n3A_385 : vector<16xi32>
      %max3A_394 = arith.maxsi %max3A_393, %select_n3A_387 : vector<16xi32>
      %mul3A_395 = arith.muli %max3A_394, %iota3A : vector<16xi32>
      %sub3A_396 = arith.subi %broadcast_in_dim3A_63, %max3A_394 : vector<16xi32>
      %mul3A_397 = arith.constant 16 : i32
      %mul3A_398 = vector.broadcast %mul3A_397 : i32 to vector<16xi32>
      %mul3A_399 = arith.muli %sub3A_396, %mul3A_398 : vector<16xi32>
      %add3A_400 = arith.addi %mul3A_395, %mul3A_399 : vector<16xi32>
      %xor3A_401 = arith.constant 1 : i32
      %xor3A_402 = vector.broadcast %xor3A_401 : i32 to vector<16xi32>
      %xor3A_403 = arith.xori %iota3A, %xor3A_402 : vector<16xi32>
      %lt3A_404 = arith.constant 0 : i32
      %lt3A_405 = vector.broadcast %lt3A_404 : i32 to vector<16xi32>
      %lt3A_406 = arith.cmpi slt, %xor3A_403, %lt3A_405 : vector<16xi32>
      %add3A_407 = arith.constant 16 : i32
      %add3A_408 = vector.broadcast %add3A_407 : i32 to vector<16xi32>
      %add3A_409 = arith.addi %xor3A_403, %add3A_408 : vector<16xi32>
      %select_n3A_410 = arith.select %lt3A_406, %add3A_409, %xor3A_403 : vector<16xi1>, vector<16xi32>
      %broadcast_in_dim3A_411 = vector.shape_cast %select_n3A_410 : vector<16xi32> to vector<16x1xi32>
      %gather3A_412 = vector.shape_cast %broadcast_in_dim3A_411 : vector<16x1xi32> to vector<16xi32>
      %gather3A_413 = tpu.dynamic_gather %add3A_400[%gather3A_412] in [0] : vector<16xi32>, vector<16xi32> -> vector<16xi32>
      %min3A_414 = arith.minsi %add3A_400, %gather3A_413 : vector<16xi32>
      %xor3A_415 = arith.constant 2 : i32
      %xor3A_416 = vector.broadcast %xor3A_415 : i32 to vector<16xi32>
      %xor3A_417 = arith.xori %iota3A, %xor3A_416 : vector<16xi32>
      %lt3A_418 = arith.constant 0 : i32
      %lt3A_419 = vector.broadcast %lt3A_418 : i32 to vector<16xi32>
      %lt3A_420 = arith.cmpi slt, %xor3A_417, %lt3A_419 : vector<16xi32>
      %add3A_421 = arith.constant 16 : i32
      %add3A_422 = vector.broadcast %add3A_421 : i32 to vector<16xi32>
      %add3A_423 = arith.addi %xor3A_417, %add3A_422 : vector<16xi32>
      %select_n3A_424 = arith.select %lt3A_420, %add3A_423, %xor3A_417 : vector<16xi1>, vector<16xi32>
      %broadcast_in_dim3A_425 = vector.shape_cast %select_n3A_424 : vector<16xi32> to vector<16x1xi32>
      %gather3A_426 = vector.shape_cast %broadcast_in_dim3A_425 : vector<16x1xi32> to vector<16xi32>
      %gather3A_427 = tpu.dynamic_gather %min3A_414[%gather3A_426] in [0] : vector<16xi32>, vector<16xi32> -> vector<16xi32>
      %min3A_428 = arith.minsi %min3A_414, %gather3A_427 : vector<16xi32>
      %xor3A_429 = arith.constant 4 : i32
      %xor3A_430 = vector.broadcast %xor3A_429 : i32 to vector<16xi32>
      %xor3A_431 = arith.xori %iota3A, %xor3A_430 : vector<16xi32>
      %lt3A_432 = arith.constant 0 : i32
      %lt3A_433 = vector.broadcast %lt3A_432 : i32 to vector<16xi32>
      %lt3A_434 = arith.cmpi slt, %xor3A_431, %lt3A_433 : vector<16xi32>
      %add3A_435 = arith.constant 16 : i32
      %add3A_436 = vector.broadcast %add3A_435 : i32 to vector<16xi32>
      %add3A_437 = arith.addi %xor3A_431, %add3A_436 : vector<16xi32>
      %select_n3A_438 = arith.select %lt3A_434, %add3A_437, %xor3A_431 : vector<16xi1>, vector<16xi32>
      %broadcast_in_dim3A_439 = vector.shape_cast %select_n3A_438 : vector<16xi32> to vector<16x1xi32>
      %gather3A_440 = vector.shape_cast %broadcast_in_dim3A_439 : vector<16x1xi32> to vector<16xi32>
      %gather3A_441 = tpu.dynamic_gather %min3A_428[%gather3A_440] in [0] : vector<16xi32>, vector<16xi32> -> vector<16xi32>
      %min3A_442 = arith.minsi %min3A_428, %gather3A_441 : vector<16xi32>
      %xor3A_443 = arith.constant 8 : i32
      %xor3A_444 = vector.broadcast %xor3A_443 : i32 to vector<16xi32>
      %xor3A_445 = arith.xori %iota3A, %xor3A_444 : vector<16xi32>
      %lt3A_446 = arith.constant 0 : i32
      %lt3A_447 = vector.broadcast %lt3A_446 : i32 to vector<16xi32>
      %lt3A_448 = arith.cmpi slt, %xor3A_445, %lt3A_447 : vector<16xi32>
      %add3A_449 = arith.constant 16 : i32
      %add3A_450 = vector.broadcast %add3A_449 : i32 to vector<16xi32>
      %add3A_451 = arith.addi %xor3A_445, %add3A_450 : vector<16xi32>
      %select_n3A_452 = arith.select %lt3A_448, %add3A_451, %xor3A_445 : vector<16xi1>, vector<16xi32>
      %broadcast_in_dim3A_453 = vector.shape_cast %select_n3A_452 : vector<16xi32> to vector<16x1xi32>
      %gather3A_454 = vector.shape_cast %broadcast_in_dim3A_453 : vector<16x1xi32> to vector<16xi32>
      %gather3A_455 = tpu.dynamic_gather %min3A_442[%gather3A_454] in [0] : vector<16xi32>, vector<16xi32> -> vector<16xi32>
      %min3A_456 = arith.minsi %min3A_442, %gather3A_455 : vector<16xi32>
      %eq3A_457 = arith.cmpi eq, %iota3A, %min3A_456 : vector<16xi32>
      %select_n3A_458 = arith.select %eq3A_457, %broadcast_in_dim3A_63, %broadcast_in_dim3A_65 : vector<16xi1>, vector<16xi32>
      %mul3A_459 = arith.muli %select_n3A_373, %select_n3A_458 : vector<16xi32>
      %sub3A_460 = arith.subi %broadcast_in_dim3A_63, %broadcast_in_dim3A_65 : vector<16xi32>
      %mul3A_461 = arith.muli %mul3A_459, %sub3A_460 : vector<16xi32>
      %mul3A_462 = arith.muli %mul3A_461, %scan3A_61#8 : vector<16xi32>
      %add3A_463 = arith.addi %broadcast_in_dim3A_65, %mul3A_462 : vector<16xi32>
      %convert_element_type3A_464 = arith.sitofp %mul3A_461 : vector<16xi32> to vector<16xf32>
      %mul3A_465 = arith.constant 1.000000e+30 : f32
      %mul3A_466 = vector.broadcast %mul3A_465 : f32 to vector<16xf32>
      %mul3A_467 = arith.mulf %convert_element_type3A_464, %mul3A_466 : vector<16xf32>
      %add3A_468 = arith.addf %add3A_216, %mul3A_467 : vector<16xf32>
      %add3A_469 = arith.addi %broadcast_in_dim3A_65, %mul3A_461 : vector<16xi32>
      %mul3A_470 = arith.muli %select_n3A_375, %select_n3A_458 : vector<16xi32>
      %sub3A_471 = arith.subi %broadcast_in_dim3A_63, %add3A_469 : vector<16xi32>
      %mul3A_472 = arith.muli %mul3A_470, %sub3A_471 : vector<16xi32>
      %mul3A_473 = arith.muli %mul3A_472, %scan3A_61#9 : vector<16xi32>
      %add3A_474 = arith.addi %add3A_463, %mul3A_473 : vector<16xi32>
      %convert_element_type3A_475 = arith.sitofp %mul3A_472 : vector<16xi32> to vector<16xf32>
      %mul3A_476 = arith.constant 1.000000e+30 : f32
      %mul3A_477 = vector.broadcast %mul3A_476 : f32 to vector<16xf32>
      %mul3A_478 = arith.mulf %convert_element_type3A_475, %mul3A_477 : vector<16xf32>
      %add3A_479 = arith.addf %add3A_227, %mul3A_478 : vector<16xf32>
      %add3A_480 = arith.addi %add3A_469, %mul3A_472 : vector<16xi32>
      %mul3A_481 = arith.muli %select_n3A_377, %select_n3A_458 : vector<16xi32>
      %sub3A_482 = arith.subi %broadcast_in_dim3A_63, %add3A_480 : vector<16xi32>
      %mul3A_483 = arith.muli %mul3A_481, %sub3A_482 : vector<16xi32>
      %mul3A_484 = arith.muli %mul3A_483, %scan3A_61#10 : vector<16xi32>
      %add3A_485 = arith.addi %add3A_474, %mul3A_484 : vector<16xi32>
      %convert_element_type3A_486 = arith.sitofp %mul3A_483 : vector<16xi32> to vector<16xf32>
      %mul3A_487 = arith.constant 1.000000e+30 : f32
      %mul3A_488 = vector.broadcast %mul3A_487 : f32 to vector<16xf32>
      %mul3A_489 = arith.mulf %convert_element_type3A_486, %mul3A_488 : vector<16xf32>
      %add3A_490 = arith.addf %add3A_238, %mul3A_489 : vector<16xf32>
      %add3A_491 = arith.addi %add3A_480, %mul3A_483 : vector<16xi32>
      %mul3A_492 = arith.muli %select_n3A_379, %select_n3A_458 : vector<16xi32>
      %sub3A_493 = arith.subi %broadcast_in_dim3A_63, %add3A_491 : vector<16xi32>
      %mul3A_494 = arith.muli %mul3A_492, %sub3A_493 : vector<16xi32>
      %mul3A_495 = arith.muli %mul3A_494, %scan3A_61#11 : vector<16xi32>
      %add3A_496 = arith.addi %add3A_485, %mul3A_495 : vector<16xi32>
      %convert_element_type3A_497 = arith.sitofp %mul3A_494 : vector<16xi32> to vector<16xf32>
      %mul3A_498 = arith.constant 1.000000e+30 : f32
      %mul3A_499 = vector.broadcast %mul3A_498 : f32 to vector<16xf32>
      %mul3A_500 = arith.mulf %convert_element_type3A_497, %mul3A_499 : vector<16xf32>
      %add3A_501 = arith.addf %add3A_249, %mul3A_500 : vector<16xf32>
      %add3A_502 = arith.addi %add3A_491, %mul3A_494 : vector<16xi32>
      %mul3A_503 = arith.muli %select_n3A_381, %select_n3A_458 : vector<16xi32>
      %sub3A_504 = arith.subi %broadcast_in_dim3A_63, %add3A_502 : vector<16xi32>
      %mul3A_505 = arith.muli %mul3A_503, %sub3A_504 : vector<16xi32>
      %mul3A_506 = arith.muli %mul3A_505, %scan3A_61#12 : vector<16xi32>
      %add3A_507 = arith.addi %add3A_496, %mul3A_506 : vector<16xi32>
      %convert_element_type3A_508 = arith.sitofp %mul3A_505 : vector<16xi32> to vector<16xf32>
      %mul3A_509 = arith.constant 1.000000e+30 : f32
      %mul3A_510 = vector.broadcast %mul3A_509 : f32 to vector<16xf32>
      %mul3A_511 = arith.mulf %convert_element_type3A_508, %mul3A_510 : vector<16xf32>
      %add3A_512 = arith.addf %add3A_260, %mul3A_511 : vector<16xf32>
      %add3A_513 = arith.addi %add3A_502, %mul3A_505 : vector<16xi32>
      %mul3A_514 = arith.muli %select_n3A_383, %select_n3A_458 : vector<16xi32>
      %sub3A_515 = arith.subi %broadcast_in_dim3A_63, %add3A_513 : vector<16xi32>
      %mul3A_516 = arith.muli %mul3A_514, %sub3A_515 : vector<16xi32>
      %mul3A_517 = arith.muli %mul3A_516, %scan3A_61#13 : vector<16xi32>
      %add3A_518 = arith.addi %add3A_507, %mul3A_517 : vector<16xi32>
      %convert_element_type3A_519 = arith.sitofp %mul3A_516 : vector<16xi32> to vector<16xf32>
      %mul3A_520 = arith.constant 1.000000e+30 : f32
      %mul3A_521 = vector.broadcast %mul3A_520 : f32 to vector<16xf32>
      %mul3A_522 = arith.mulf %convert_element_type3A_519, %mul3A_521 : vector<16xf32>
      %add3A_523 = arith.addf %add3A_271, %mul3A_522 : vector<16xf32>
      %add3A_524 = arith.addi %add3A_513, %mul3A_516 : vector<16xi32>
      %mul3A_525 = arith.muli %select_n3A_385, %select_n3A_458 : vector<16xi32>
      %sub3A_526 = arith.subi %broadcast_in_dim3A_63, %add3A_524 : vector<16xi32>
      %mul3A_527 = arith.muli %mul3A_525, %sub3A_526 : vector<16xi32>
      %mul3A_528 = arith.muli %mul3A_527, %scan3A_61#14 : vector<16xi32>
      %add3A_529 = arith.addi %add3A_518, %mul3A_528 : vector<16xi32>
      %convert_element_type3A_530 = arith.sitofp %mul3A_527 : vector<16xi32> to vector<16xf32>
      %mul3A_531 = arith.constant 1.000000e+30 : f32
      %mul3A_532 = vector.broadcast %mul3A_531 : f32 to vector<16xf32>
      %mul3A_533 = arith.mulf %convert_element_type3A_530, %mul3A_532 : vector<16xf32>
      %add3A_534 = arith.addf %add3A_282, %mul3A_533 : vector<16xf32>
      %add3A_535 = arith.addi %add3A_524, %mul3A_527 : vector<16xi32>
      %mul3A_536 = arith.muli %select_n3A_387, %select_n3A_458 : vector<16xi32>
      %sub3A_537 = arith.subi %broadcast_in_dim3A_63, %add3A_535 : vector<16xi32>
      %mul3A_538 = arith.muli %mul3A_536, %sub3A_537 : vector<16xi32>
      %mul3A_539 = arith.muli %mul3A_538, %scan3A_61#15 : vector<16xi32>
      %add3A_540 = arith.addi %add3A_529, %mul3A_539 : vector<16xi32>
      %convert_element_type3A_541 = arith.sitofp %mul3A_538 : vector<16xi32> to vector<16xf32>
      %mul3A_542 = arith.constant 1.000000e+30 : f32
      %mul3A_543 = vector.broadcast %mul3A_542 : f32 to vector<16xf32>
      %mul3A_544 = arith.mulf %convert_element_type3A_541, %mul3A_543 : vector<16xf32>
      %add3A_545 = arith.addf %add3A_293, %mul3A_544 : vector<16xf32>
      %add3A_546 = arith.addi %add3A_535, %mul3A_538 : vector<16xi32>
      %lt3A_547 = arith.constant 0 : i32
      %lt3A_548 = vector.broadcast %lt3A_547 : i32 to vector<16xi32>
      %lt3A_549 = arith.cmpi slt, %min3A_456, %lt3A_548 : vector<16xi32>
      %add3A_550 = arith.constant 16 : i32
      %add3A_551 = vector.broadcast %add3A_550 : i32 to vector<16xi32>
      %add3A_552 = arith.addi %min3A_456, %add3A_551 : vector<16xi32>
      %select_n3A_553 = arith.select %lt3A_549, %add3A_552, %min3A_456 : vector<16xi1>, vector<16xi32>
      %broadcast_in_dim3A_554 = vector.shape_cast %select_n3A_553 : vector<16xi32> to vector<16x1xi32>
      %gather3A_555 = vector.shape_cast %broadcast_in_dim3A_554 : vector<16x1xi32> to vector<16xi32>
      %gather3A_556 = tpu.dynamic_gather %add3A_540[%gather3A_555] in [0] : vector<16xi32>, vector<16xi32> -> vector<16xi32>
      %eq3A_557 = arith.constant 1 : i32
      %eq3A_558 = vector.broadcast %eq3A_557 : i32 to vector<16xi32>
      %eq3A_559 = arith.cmpi eq, %iota3A, %eq3A_558 : vector<16xi32>
      %select_n3A_560 = arith.select %eq3A_559, %gather3A_556, %select_n3A_308 : vector<16xi1>, vector<16xi32>
      %min3A_561 = arith.minimumf %add3A_468, %add3A_479 : vector<16xf32>
      %min3A_562 = arith.minimumf %min3A_561, %add3A_490 : vector<16xf32>
      %min3A_563 = arith.minimumf %min3A_562, %add3A_501 : vector<16xf32>
      %min3A_564 = arith.minimumf %min3A_563, %add3A_512 : vector<16xf32>
      %min3A_565 = arith.minimumf %min3A_564, %add3A_523 : vector<16xf32>
      %min3A_566 = arith.minimumf %min3A_565, %add3A_534 : vector<16xf32>
      %min3A_567 = arith.minimumf %min3A_566, %add3A_545 : vector<16xf32>
      %xor3A_568 = arith.constant 1 : i32
      %xor3A_569 = vector.broadcast %xor3A_568 : i32 to vector<16xi32>
      %xor3A_570 = arith.xori %iota3A, %xor3A_569 : vector<16xi32>
      %lt3A_571 = arith.constant 0 : i32
      %lt3A_572 = vector.broadcast %lt3A_571 : i32 to vector<16xi32>
      %lt3A_573 = arith.cmpi slt, %xor3A_570, %lt3A_572 : vector<16xi32>
      %add3A_574 = arith.constant 16 : i32
      %add3A_575 = vector.broadcast %add3A_574 : i32 to vector<16xi32>
      %add3A_576 = arith.addi %xor3A_570, %add3A_575 : vector<16xi32>
      %select_n3A_577 = arith.select %lt3A_573, %add3A_576, %xor3A_570 : vector<16xi1>, vector<16xi32>
      %broadcast_in_dim3A_578 = vector.shape_cast %select_n3A_577 : vector<16xi32> to vector<16x1xi32>
      %gather3A_579 = vector.shape_cast %broadcast_in_dim3A_578 : vector<16x1xi32> to vector<16xi32>
      %gather3A_580 = tpu.dynamic_gather %min3A_567[%gather3A_579] in [0] : vector<16xf32>, vector<16xi32> -> vector<16xf32>
      %min3A_581 = arith.minimumf %min3A_567, %gather3A_580 : vector<16xf32>
      %xor3A_582 = arith.constant 2 : i32
      %xor3A_583 = vector.broadcast %xor3A_582 : i32 to vector<16xi32>
      %xor3A_584 = arith.xori %iota3A, %xor3A_583 : vector<16xi32>
      %lt3A_585 = arith.constant 0 : i32
      %lt3A_586 = vector.broadcast %lt3A_585 : i32 to vector<16xi32>
      %lt3A_587 = arith.cmpi slt, %xor3A_584, %lt3A_586 : vector<16xi32>
      %add3A_588 = arith.constant 16 : i32
      %add3A_589 = vector.broadcast %add3A_588 : i32 to vector<16xi32>
      %add3A_590 = arith.addi %xor3A_584, %add3A_589 : vector<16xi32>
      %select_n3A_591 = arith.select %lt3A_587, %add3A_590, %xor3A_584 : vector<16xi1>, vector<16xi32>
      %broadcast_in_dim3A_592 = vector.shape_cast %select_n3A_591 : vector<16xi32> to vector<16x1xi32>
      %gather3A_593 = vector.shape_cast %broadcast_in_dim3A_592 : vector<16x1xi32> to vector<16xi32>
      %gather3A_594 = tpu.dynamic_gather %min3A_581[%gather3A_593] in [0] : vector<16xf32>, vector<16xi32> -> vector<16xf32>
      %min3A_595 = arith.minimumf %min3A_581, %gather3A_594 : vector<16xf32>
      %xor3A_596 = arith.constant 4 : i32
      %xor3A_597 = vector.broadcast %xor3A_596 : i32 to vector<16xi32>
      %xor3A_598 = arith.xori %iota3A, %xor3A_597 : vector<16xi32>
      %lt3A_599 = arith.constant 0 : i32
      %lt3A_600 = vector.broadcast %lt3A_599 : i32 to vector<16xi32>
      %lt3A_601 = arith.cmpi slt, %xor3A_598, %lt3A_600 : vector<16xi32>
      %add3A_602 = arith.constant 16 : i32
      %add3A_603 = vector.broadcast %add3A_602 : i32 to vector<16xi32>
      %add3A_604 = arith.addi %xor3A_598, %add3A_603 : vector<16xi32>
      %select_n3A_605 = arith.select %lt3A_601, %add3A_604, %xor3A_598 : vector<16xi1>, vector<16xi32>
      %broadcast_in_dim3A_606 = vector.shape_cast %select_n3A_605 : vector<16xi32> to vector<16x1xi32>
      %gather3A_607 = vector.shape_cast %broadcast_in_dim3A_606 : vector<16x1xi32> to vector<16xi32>
      %gather3A_608 = tpu.dynamic_gather %min3A_595[%gather3A_607] in [0] : vector<16xf32>, vector<16xi32> -> vector<16xf32>
      %min3A_609 = arith.minimumf %min3A_595, %gather3A_608 : vector<16xf32>
      %xor3A_610 = arith.constant 8 : i32
      %xor3A_611 = vector.broadcast %xor3A_610 : i32 to vector<16xi32>
      %xor3A_612 = arith.xori %iota3A, %xor3A_611 : vector<16xi32>
      %lt3A_613 = arith.constant 0 : i32
      %lt3A_614 = vector.broadcast %lt3A_613 : i32 to vector<16xi32>
      %lt3A_615 = arith.cmpi slt, %xor3A_612, %lt3A_614 : vector<16xi32>
      %add3A_616 = arith.constant 16 : i32
      %add3A_617 = vector.broadcast %add3A_616 : i32 to vector<16xi32>
      %add3A_618 = arith.addi %xor3A_612, %add3A_617 : vector<16xi32>
      %select_n3A_619 = arith.select %lt3A_615, %add3A_618, %xor3A_612 : vector<16xi1>, vector<16xi32>
      %broadcast_in_dim3A_620 = vector.shape_cast %select_n3A_619 : vector<16xi32> to vector<16x1xi32>
      %gather3A_621 = vector.shape_cast %broadcast_in_dim3A_620 : vector<16x1xi32> to vector<16xi32>
      %gather3A_622 = tpu.dynamic_gather %min3A_609[%gather3A_621] in [0] : vector<16xf32>, vector<16xi32> -> vector<16xf32>
      %min3A_623 = arith.minimumf %min3A_609, %gather3A_622 : vector<16xf32>
      %eq3A_624 = arith.cmpf oeq, %add3A_468, %min3A_623 : vector<16xf32>
      %select_n3A_625 = arith.select %eq3A_624, %broadcast_in_dim3A_63, %broadcast_in_dim3A_65 : vector<16xi1>, vector<16xi32>
      %eq3A_626 = arith.cmpf oeq, %add3A_479, %min3A_623 : vector<16xf32>
      %select_n3A_627 = arith.select %eq3A_626, %broadcast_in_dim3A_63, %broadcast_in_dim3A_65 : vector<16xi1>, vector<16xi32>
      %eq3A_628 = arith.cmpf oeq, %add3A_490, %min3A_623 : vector<16xf32>
      %select_n3A_629 = arith.select %eq3A_628, %broadcast_in_dim3A_63, %broadcast_in_dim3A_65 : vector<16xi1>, vector<16xi32>
      %eq3A_630 = arith.cmpf oeq, %add3A_501, %min3A_623 : vector<16xf32>
      %select_n3A_631 = arith.select %eq3A_630, %broadcast_in_dim3A_63, %broadcast_in_dim3A_65 : vector<16xi1>, vector<16xi32>
      %eq3A_632 = arith.cmpf oeq, %add3A_512, %min3A_623 : vector<16xf32>
      %select_n3A_633 = arith.select %eq3A_632, %broadcast_in_dim3A_63, %broadcast_in_dim3A_65 : vector<16xi1>, vector<16xi32>
      %eq3A_634 = arith.cmpf oeq, %add3A_523, %min3A_623 : vector<16xf32>
      %select_n3A_635 = arith.select %eq3A_634, %broadcast_in_dim3A_63, %broadcast_in_dim3A_65 : vector<16xi1>, vector<16xi32>
      %eq3A_636 = arith.cmpf oeq, %add3A_534, %min3A_623 : vector<16xf32>
      %select_n3A_637 = arith.select %eq3A_636, %broadcast_in_dim3A_63, %broadcast_in_dim3A_65 : vector<16xi1>, vector<16xi32>
      %eq3A_638 = arith.cmpf oeq, %add3A_545, %min3A_623 : vector<16xf32>
      %select_n3A_639 = arith.select %eq3A_638, %broadcast_in_dim3A_63, %broadcast_in_dim3A_65 : vector<16xi1>, vector<16xi32>
      %max3A_640 = arith.maxsi %select_n3A_625, %select_n3A_627 : vector<16xi32>
      %max3A_641 = arith.maxsi %max3A_640, %select_n3A_629 : vector<16xi32>
      %max3A_642 = arith.maxsi %max3A_641, %select_n3A_631 : vector<16xi32>
      %max3A_643 = arith.maxsi %max3A_642, %select_n3A_633 : vector<16xi32>
      %max3A_644 = arith.maxsi %max3A_643, %select_n3A_635 : vector<16xi32>
      %max3A_645 = arith.maxsi %max3A_644, %select_n3A_637 : vector<16xi32>
      %max3A_646 = arith.maxsi %max3A_645, %select_n3A_639 : vector<16xi32>
      %mul3A_647 = arith.muli %max3A_646, %iota3A : vector<16xi32>
      %sub3A_648 = arith.subi %broadcast_in_dim3A_63, %max3A_646 : vector<16xi32>
      %mul3A_649 = arith.constant 16 : i32
      %mul3A_650 = vector.broadcast %mul3A_649 : i32 to vector<16xi32>
      %mul3A_651 = arith.muli %sub3A_648, %mul3A_650 : vector<16xi32>
      %add3A_652 = arith.addi %mul3A_647, %mul3A_651 : vector<16xi32>
      %xor3A_653 = arith.constant 1 : i32
      %xor3A_654 = vector.broadcast %xor3A_653 : i32 to vector<16xi32>
      %xor3A_655 = arith.xori %iota3A, %xor3A_654 : vector<16xi32>
      %lt3A_656 = arith.constant 0 : i32
      %lt3A_657 = vector.broadcast %lt3A_656 : i32 to vector<16xi32>
      %lt3A_658 = arith.cmpi slt, %xor3A_655, %lt3A_657 : vector<16xi32>
      %add3A_659 = arith.constant 16 : i32
      %add3A_660 = vector.broadcast %add3A_659 : i32 to vector<16xi32>
      %add3A_661 = arith.addi %xor3A_655, %add3A_660 : vector<16xi32>
      %select_n3A_662 = arith.select %lt3A_658, %add3A_661, %xor3A_655 : vector<16xi1>, vector<16xi32>
      %broadcast_in_dim3A_663 = vector.shape_cast %select_n3A_662 : vector<16xi32> to vector<16x1xi32>
      %gather3A_664 = vector.shape_cast %broadcast_in_dim3A_663 : vector<16x1xi32> to vector<16xi32>
      %gather3A_665 = tpu.dynamic_gather %add3A_652[%gather3A_664] in [0] : vector<16xi32>, vector<16xi32> -> vector<16xi32>
      %min3A_666 = arith.minsi %add3A_652, %gather3A_665 : vector<16xi32>
      %xor3A_667 = arith.constant 2 : i32
      %xor3A_668 = vector.broadcast %xor3A_667 : i32 to vector<16xi32>
      %xor3A_669 = arith.xori %iota3A, %xor3A_668 : vector<16xi32>
      %lt3A_670 = arith.constant 0 : i32
      %lt3A_671 = vector.broadcast %lt3A_670 : i32 to vector<16xi32>
      %lt3A_672 = arith.cmpi slt, %xor3A_669, %lt3A_671 : vector<16xi32>
      %add3A_673 = arith.constant 16 : i32
      %add3A_674 = vector.broadcast %add3A_673 : i32 to vector<16xi32>
      %add3A_675 = arith.addi %xor3A_669, %add3A_674 : vector<16xi32>
      %select_n3A_676 = arith.select %lt3A_672, %add3A_675, %xor3A_669 : vector<16xi1>, vector<16xi32>
      %broadcast_in_dim3A_677 = vector.shape_cast %select_n3A_676 : vector<16xi32> to vector<16x1xi32>
      %gather3A_678 = vector.shape_cast %broadcast_in_dim3A_677 : vector<16x1xi32> to vector<16xi32>
      %gather3A_679 = tpu.dynamic_gather %min3A_666[%gather3A_678] in [0] : vector<16xi32>, vector<16xi32> -> vector<16xi32>
      %min3A_680 = arith.minsi %min3A_666, %gather3A_679 : vector<16xi32>
      %xor3A_681 = arith.constant 4 : i32
      %xor3A_682 = vector.broadcast %xor3A_681 : i32 to vector<16xi32>
      %xor3A_683 = arith.xori %iota3A, %xor3A_682 : vector<16xi32>
      %lt3A_684 = arith.constant 0 : i32
      %lt3A_685 = vector.broadcast %lt3A_684 : i32 to vector<16xi32>
      %lt3A_686 = arith.cmpi slt, %xor3A_683, %lt3A_685 : vector<16xi32>
      %add3A_687 = arith.constant 16 : i32
      %add3A_688 = vector.broadcast %add3A_687 : i32 to vector<16xi32>
      %add3A_689 = arith.addi %xor3A_683, %add3A_688 : vector<16xi32>
      %select_n3A_690 = arith.select %lt3A_686, %add3A_689, %xor3A_683 : vector<16xi1>, vector<16xi32>
      %broadcast_in_dim3A_691 = vector.shape_cast %select_n3A_690 : vector<16xi32> to vector<16x1xi32>
      %gather3A_692 = vector.shape_cast %broadcast_in_dim3A_691 : vector<16x1xi32> to vector<16xi32>
      %gather3A_693 = tpu.dynamic_gather %min3A_680[%gather3A_692] in [0] : vector<16xi32>, vector<16xi32> -> vector<16xi32>
      %min3A_694 = arith.minsi %min3A_680, %gather3A_693 : vector<16xi32>
      %xor3A_695 = arith.constant 8 : i32
      %xor3A_696 = vector.broadcast %xor3A_695 : i32 to vector<16xi32>
      %xor3A_697 = arith.xori %iota3A, %xor3A_696 : vector<16xi32>
      %lt3A_698 = arith.constant 0 : i32
      %lt3A_699 = vector.broadcast %lt3A_698 : i32 to vector<16xi32>
      %lt3A_700 = arith.cmpi slt, %xor3A_697, %lt3A_699 : vector<16xi32>
      %add3A_701 = arith.constant 16 : i32
      %add3A_702 = vector.broadcast %add3A_701 : i32 to vector<16xi32>
      %add3A_703 = arith.addi %xor3A_697, %add3A_702 : vector<16xi32>
      %select_n3A_704 = arith.select %lt3A_700, %add3A_703, %xor3A_697 : vector<16xi1>, vector<16xi32>
      %broadcast_in_dim3A_705 = vector.shape_cast %select_n3A_704 : vector<16xi32> to vector<16x1xi32>
      %gather3A_706 = vector.shape_cast %broadcast_in_dim3A_705 : vector<16x1xi32> to vector<16xi32>
      %gather3A_707 = tpu.dynamic_gather %min3A_694[%gather3A_706] in [0] : vector<16xi32>, vector<16xi32> -> vector<16xi32>
      %min3A_708 = arith.minsi %min3A_694, %gather3A_707 : vector<16xi32>
      %eq3A_709 = arith.cmpi eq, %iota3A, %min3A_708 : vector<16xi32>
      %select_n3A_710 = arith.select %eq3A_709, %broadcast_in_dim3A_63, %broadcast_in_dim3A_65 : vector<16xi1>, vector<16xi32>
      %mul3A_711 = arith.muli %select_n3A_625, %select_n3A_710 : vector<16xi32>
      %sub3A_712 = arith.subi %broadcast_in_dim3A_63, %broadcast_in_dim3A_65 : vector<16xi32>
      %mul3A_713 = arith.muli %mul3A_711, %sub3A_712 : vector<16xi32>
      %mul3A_714 = arith.muli %mul3A_713, %scan3A_61#8 : vector<16xi32>
      %add3A_715 = arith.addi %broadcast_in_dim3A_65, %mul3A_714 : vector<16xi32>
      %convert_element_type3A_716 = arith.sitofp %mul3A_713 : vector<16xi32> to vector<16xf32>
      %mul3A_717 = arith.constant 1.000000e+30 : f32
      %mul3A_718 = vector.broadcast %mul3A_717 : f32 to vector<16xf32>
      %mul3A_719 = arith.mulf %convert_element_type3A_716, %mul3A_718 : vector<16xf32>
      %add3A_720 = arith.addf %add3A_468, %mul3A_719 : vector<16xf32>
      %add3A_721 = arith.addi %broadcast_in_dim3A_65, %mul3A_713 : vector<16xi32>
      %mul3A_722 = arith.muli %select_n3A_627, %select_n3A_710 : vector<16xi32>
      %sub3A_723 = arith.subi %broadcast_in_dim3A_63, %add3A_721 : vector<16xi32>
      %mul3A_724 = arith.muli %mul3A_722, %sub3A_723 : vector<16xi32>
      %mul3A_725 = arith.muli %mul3A_724, %scan3A_61#9 : vector<16xi32>
      %add3A_726 = arith.addi %add3A_715, %mul3A_725 : vector<16xi32>
      %convert_element_type3A_727 = arith.sitofp %mul3A_724 : vector<16xi32> to vector<16xf32>
      %mul3A_728 = arith.constant 1.000000e+30 : f32
      %mul3A_729 = vector.broadcast %mul3A_728 : f32 to vector<16xf32>
      %mul3A_730 = arith.mulf %convert_element_type3A_727, %mul3A_729 : vector<16xf32>
      %add3A_731 = arith.addf %add3A_479, %mul3A_730 : vector<16xf32>
      %add3A_732 = arith.addi %add3A_721, %mul3A_724 : vector<16xi32>
      %mul3A_733 = arith.muli %select_n3A_629, %select_n3A_710 : vector<16xi32>
      %sub3A_734 = arith.subi %broadcast_in_dim3A_63, %add3A_732 : vector<16xi32>
      %mul3A_735 = arith.muli %mul3A_733, %sub3A_734 : vector<16xi32>
      %mul3A_736 = arith.muli %mul3A_735, %scan3A_61#10 : vector<16xi32>
      %add3A_737 = arith.addi %add3A_726, %mul3A_736 : vector<16xi32>
      %convert_element_type3A_738 = arith.sitofp %mul3A_735 : vector<16xi32> to vector<16xf32>
      %mul3A_739 = arith.constant 1.000000e+30 : f32
      %mul3A_740 = vector.broadcast %mul3A_739 : f32 to vector<16xf32>
      %mul3A_741 = arith.mulf %convert_element_type3A_738, %mul3A_740 : vector<16xf32>
      %add3A_742 = arith.addf %add3A_490, %mul3A_741 : vector<16xf32>
      %add3A_743 = arith.addi %add3A_732, %mul3A_735 : vector<16xi32>
      %mul3A_744 = arith.muli %select_n3A_631, %select_n3A_710 : vector<16xi32>
      %sub3A_745 = arith.subi %broadcast_in_dim3A_63, %add3A_743 : vector<16xi32>
      %mul3A_746 = arith.muli %mul3A_744, %sub3A_745 : vector<16xi32>
      %mul3A_747 = arith.muli %mul3A_746, %scan3A_61#11 : vector<16xi32>
      %add3A_748 = arith.addi %add3A_737, %mul3A_747 : vector<16xi32>
      %convert_element_type3A_749 = arith.sitofp %mul3A_746 : vector<16xi32> to vector<16xf32>
      %mul3A_750 = arith.constant 1.000000e+30 : f32
      %mul3A_751 = vector.broadcast %mul3A_750 : f32 to vector<16xf32>
      %mul3A_752 = arith.mulf %convert_element_type3A_749, %mul3A_751 : vector<16xf32>
      %add3A_753 = arith.addf %add3A_501, %mul3A_752 : vector<16xf32>
      %add3A_754 = arith.addi %add3A_743, %mul3A_746 : vector<16xi32>
      %mul3A_755 = arith.muli %select_n3A_633, %select_n3A_710 : vector<16xi32>
      %sub3A_756 = arith.subi %broadcast_in_dim3A_63, %add3A_754 : vector<16xi32>
      %mul3A_757 = arith.muli %mul3A_755, %sub3A_756 : vector<16xi32>
      %mul3A_758 = arith.muli %mul3A_757, %scan3A_61#12 : vector<16xi32>
      %add3A_759 = arith.addi %add3A_748, %mul3A_758 : vector<16xi32>
      %convert_element_type3A_760 = arith.sitofp %mul3A_757 : vector<16xi32> to vector<16xf32>
      %mul3A_761 = arith.constant 1.000000e+30 : f32
      %mul3A_762 = vector.broadcast %mul3A_761 : f32 to vector<16xf32>
      %mul3A_763 = arith.mulf %convert_element_type3A_760, %mul3A_762 : vector<16xf32>
      %add3A_764 = arith.addf %add3A_512, %mul3A_763 : vector<16xf32>
      %add3A_765 = arith.addi %add3A_754, %mul3A_757 : vector<16xi32>
      %mul3A_766 = arith.muli %select_n3A_635, %select_n3A_710 : vector<16xi32>
      %sub3A_767 = arith.subi %broadcast_in_dim3A_63, %add3A_765 : vector<16xi32>
      %mul3A_768 = arith.muli %mul3A_766, %sub3A_767 : vector<16xi32>
      %mul3A_769 = arith.muli %mul3A_768, %scan3A_61#13 : vector<16xi32>
      %add3A_770 = arith.addi %add3A_759, %mul3A_769 : vector<16xi32>
      %convert_element_type3A_771 = arith.sitofp %mul3A_768 : vector<16xi32> to vector<16xf32>
      %mul3A_772 = arith.constant 1.000000e+30 : f32
      %mul3A_773 = vector.broadcast %mul3A_772 : f32 to vector<16xf32>
      %mul3A_774 = arith.mulf %convert_element_type3A_771, %mul3A_773 : vector<16xf32>
      %add3A_775 = arith.addf %add3A_523, %mul3A_774 : vector<16xf32>
      %add3A_776 = arith.addi %add3A_765, %mul3A_768 : vector<16xi32>
      %mul3A_777 = arith.muli %select_n3A_637, %select_n3A_710 : vector<16xi32>
      %sub3A_778 = arith.subi %broadcast_in_dim3A_63, %add3A_776 : vector<16xi32>
      %mul3A_779 = arith.muli %mul3A_777, %sub3A_778 : vector<16xi32>
      %mul3A_780 = arith.muli %mul3A_779, %scan3A_61#14 : vector<16xi32>
      %add3A_781 = arith.addi %add3A_770, %mul3A_780 : vector<16xi32>
      %convert_element_type3A_782 = arith.sitofp %mul3A_779 : vector<16xi32> to vector<16xf32>
      %mul3A_783 = arith.constant 1.000000e+30 : f32
      %mul3A_784 = vector.broadcast %mul3A_783 : f32 to vector<16xf32>
      %mul3A_785 = arith.mulf %convert_element_type3A_782, %mul3A_784 : vector<16xf32>
      %add3A_786 = arith.addf %add3A_534, %mul3A_785 : vector<16xf32>
      %add3A_787 = arith.addi %add3A_776, %mul3A_779 : vector<16xi32>
      %mul3A_788 = arith.muli %select_n3A_639, %select_n3A_710 : vector<16xi32>
      %sub3A_789 = arith.subi %broadcast_in_dim3A_63, %add3A_787 : vector<16xi32>
      %mul3A_790 = arith.muli %mul3A_788, %sub3A_789 : vector<16xi32>
      %mul3A_791 = arith.muli %mul3A_790, %scan3A_61#15 : vector<16xi32>
      %add3A_792 = arith.addi %add3A_781, %mul3A_791 : vector<16xi32>
      %convert_element_type3A_793 = arith.sitofp %mul3A_790 : vector<16xi32> to vector<16xf32>
      %mul3A_794 = arith.constant 1.000000e+30 : f32
      %mul3A_795 = vector.broadcast %mul3A_794 : f32 to vector<16xf32>
      %mul3A_796 = arith.mulf %convert_element_type3A_793, %mul3A_795 : vector<16xf32>
      %add3A_797 = arith.addf %add3A_545, %mul3A_796 : vector<16xf32>
      %add3A_798 = arith.addi %add3A_787, %mul3A_790 : vector<16xi32>
      %lt3A_799 = arith.constant 0 : i32
      %lt3A_800 = vector.broadcast %lt3A_799 : i32 to vector<16xi32>
      %lt3A_801 = arith.cmpi slt, %min3A_708, %lt3A_800 : vector<16xi32>
      %add3A_802 = arith.constant 16 : i32
      %add3A_803 = vector.broadcast %add3A_802 : i32 to vector<16xi32>
      %add3A_804 = arith.addi %min3A_708, %add3A_803 : vector<16xi32>
      %select_n3A_805 = arith.select %lt3A_801, %add3A_804, %min3A_708 : vector<16xi1>, vector<16xi32>
      %broadcast_in_dim3A_806 = vector.shape_cast %select_n3A_805 : vector<16xi32> to vector<16x1xi32>
      %gather3A_807 = vector.shape_cast %broadcast_in_dim3A_806 : vector<16x1xi32> to vector<16xi32>
      %gather3A_808 = tpu.dynamic_gather %add3A_792[%gather3A_807] in [0] : vector<16xi32>, vector<16xi32> -> vector<16xi32>
      %eq3A_809 = arith.constant 2 : i32
      %eq3A_810 = vector.broadcast %eq3A_809 : i32 to vector<16xi32>
      %eq3A_811 = arith.cmpi eq, %iota3A, %eq3A_810 : vector<16xi32>
      %select_n3A_812 = arith.select %eq3A_811, %gather3A_808, %select_n3A_560 : vector<16xi1>, vector<16xi32>
      %min3A_813 = arith.minimumf %add3A_720, %add3A_731 : vector<16xf32>
      %min3A_814 = arith.minimumf %min3A_813, %add3A_742 : vector<16xf32>
      %min3A_815 = arith.minimumf %min3A_814, %add3A_753 : vector<16xf32>
      %min3A_816 = arith.minimumf %min3A_815, %add3A_764 : vector<16xf32>
      %min3A_817 = arith.minimumf %min3A_816, %add3A_775 : vector<16xf32>
      %min3A_818 = arith.minimumf %min3A_817, %add3A_786 : vector<16xf32>
      %min3A_819 = arith.minimumf %min3A_818, %add3A_797 : vector<16xf32>
      %xor3A_820 = arith.constant 1 : i32
      %xor3A_821 = vector.broadcast %xor3A_820 : i32 to vector<16xi32>
      %xor3A_822 = arith.xori %iota3A, %xor3A_821 : vector<16xi32>
      %lt3A_823 = arith.constant 0 : i32
      %lt3A_824 = vector.broadcast %lt3A_823 : i32 to vector<16xi32>
      %lt3A_825 = arith.cmpi slt, %xor3A_822, %lt3A_824 : vector<16xi32>
      %add3A_826 = arith.constant 16 : i32
      %add3A_827 = vector.broadcast %add3A_826 : i32 to vector<16xi32>
      %add3A_828 = arith.addi %xor3A_822, %add3A_827 : vector<16xi32>
      %select_n3A_829 = arith.select %lt3A_825, %add3A_828, %xor3A_822 : vector<16xi1>, vector<16xi32>
      %broadcast_in_dim3A_830 = vector.shape_cast %select_n3A_829 : vector<16xi32> to vector<16x1xi32>
      %gather3A_831 = vector.shape_cast %broadcast_in_dim3A_830 : vector<16x1xi32> to vector<16xi32>
      %gather3A_832 = tpu.dynamic_gather %min3A_819[%gather3A_831] in [0] : vector<16xf32>, vector<16xi32> -> vector<16xf32>
      %min3A_833 = arith.minimumf %min3A_819, %gather3A_832 : vector<16xf32>
      %xor3A_834 = arith.constant 2 : i32
      %xor3A_835 = vector.broadcast %xor3A_834 : i32 to vector<16xi32>
      %xor3A_836 = arith.xori %iota3A, %xor3A_835 : vector<16xi32>
      %lt3A_837 = arith.constant 0 : i32
      %lt3A_838 = vector.broadcast %lt3A_837 : i32 to vector<16xi32>
      %lt3A_839 = arith.cmpi slt, %xor3A_836, %lt3A_838 : vector<16xi32>
      %add3A_840 = arith.constant 16 : i32
      %add3A_841 = vector.broadcast %add3A_840 : i32 to vector<16xi32>
      %add3A_842 = arith.addi %xor3A_836, %add3A_841 : vector<16xi32>
      %select_n3A_843 = arith.select %lt3A_839, %add3A_842, %xor3A_836 : vector<16xi1>, vector<16xi32>
      %broadcast_in_dim3A_844 = vector.shape_cast %select_n3A_843 : vector<16xi32> to vector<16x1xi32>
      %gather3A_845 = vector.shape_cast %broadcast_in_dim3A_844 : vector<16x1xi32> to vector<16xi32>
      %gather3A_846 = tpu.dynamic_gather %min3A_833[%gather3A_845] in [0] : vector<16xf32>, vector<16xi32> -> vector<16xf32>
      %min3A_847 = arith.minimumf %min3A_833, %gather3A_846 : vector<16xf32>
      %xor3A_848 = arith.constant 4 : i32
      %xor3A_849 = vector.broadcast %xor3A_848 : i32 to vector<16xi32>
      %xor3A_850 = arith.xori %iota3A, %xor3A_849 : vector<16xi32>
      %lt3A_851 = arith.constant 0 : i32
      %lt3A_852 = vector.broadcast %lt3A_851 : i32 to vector<16xi32>
      %lt3A_853 = arith.cmpi slt, %xor3A_850, %lt3A_852 : vector<16xi32>
      %add3A_854 = arith.constant 16 : i32
      %add3A_855 = vector.broadcast %add3A_854 : i32 to vector<16xi32>
      %add3A_856 = arith.addi %xor3A_850, %add3A_855 : vector<16xi32>
      %select_n3A_857 = arith.select %lt3A_853, %add3A_856, %xor3A_850 : vector<16xi1>, vector<16xi32>
      %broadcast_in_dim3A_858 = vector.shape_cast %select_n3A_857 : vector<16xi32> to vector<16x1xi32>
      %gather3A_859 = vector.shape_cast %broadcast_in_dim3A_858 : vector<16x1xi32> to vector<16xi32>
      %gather3A_860 = tpu.dynamic_gather %min3A_847[%gather3A_859] in [0] : vector<16xf32>, vector<16xi32> -> vector<16xf32>
      %min3A_861 = arith.minimumf %min3A_847, %gather3A_860 : vector<16xf32>
      %xor3A_862 = arith.constant 8 : i32
      %xor3A_863 = vector.broadcast %xor3A_862 : i32 to vector<16xi32>
      %xor3A_864 = arith.xori %iota3A, %xor3A_863 : vector<16xi32>
      %lt3A_865 = arith.constant 0 : i32
      %lt3A_866 = vector.broadcast %lt3A_865 : i32 to vector<16xi32>
      %lt3A_867 = arith.cmpi slt, %xor3A_864, %lt3A_866 : vector<16xi32>
      %add3A_868 = arith.constant 16 : i32
      %add3A_869 = vector.broadcast %add3A_868 : i32 to vector<16xi32>
      %add3A_870 = arith.addi %xor3A_864, %add3A_869 : vector<16xi32>
      %select_n3A_871 = arith.select %lt3A_867, %add3A_870, %xor3A_864 : vector<16xi1>, vector<16xi32>
      %broadcast_in_dim3A_872 = vector.shape_cast %select_n3A_871 : vector<16xi32> to vector<16x1xi32>
      %gather3A_873 = vector.shape_cast %broadcast_in_dim3A_872 : vector<16x1xi32> to vector<16xi32>
      %gather3A_874 = tpu.dynamic_gather %min3A_861[%gather3A_873] in [0] : vector<16xf32>, vector<16xi32> -> vector<16xf32>
      %min3A_875 = arith.minimumf %min3A_861, %gather3A_874 : vector<16xf32>
      %eq3A_876 = arith.cmpf oeq, %add3A_720, %min3A_875 : vector<16xf32>
      %select_n3A_877 = arith.select %eq3A_876, %broadcast_in_dim3A_63, %broadcast_in_dim3A_65 : vector<16xi1>, vector<16xi32>
      %eq3A_878 = arith.cmpf oeq, %add3A_731, %min3A_875 : vector<16xf32>
      %select_n3A_879 = arith.select %eq3A_878, %broadcast_in_dim3A_63, %broadcast_in_dim3A_65 : vector<16xi1>, vector<16xi32>
      %eq3A_880 = arith.cmpf oeq, %add3A_742, %min3A_875 : vector<16xf32>
      %select_n3A_881 = arith.select %eq3A_880, %broadcast_in_dim3A_63, %broadcast_in_dim3A_65 : vector<16xi1>, vector<16xi32>
      %eq3A_882 = arith.cmpf oeq, %add3A_753, %min3A_875 : vector<16xf32>
      %select_n3A_883 = arith.select %eq3A_882, %broadcast_in_dim3A_63, %broadcast_in_dim3A_65 : vector<16xi1>, vector<16xi32>
      %eq3A_884 = arith.cmpf oeq, %add3A_764, %min3A_875 : vector<16xf32>
      %select_n3A_885 = arith.select %eq3A_884, %broadcast_in_dim3A_63, %broadcast_in_dim3A_65 : vector<16xi1>, vector<16xi32>
      %eq3A_886 = arith.cmpf oeq, %add3A_775, %min3A_875 : vector<16xf32>
      %select_n3A_887 = arith.select %eq3A_886, %broadcast_in_dim3A_63, %broadcast_in_dim3A_65 : vector<16xi1>, vector<16xi32>
      %eq3A_888 = arith.cmpf oeq, %add3A_786, %min3A_875 : vector<16xf32>
      %select_n3A_889 = arith.select %eq3A_888, %broadcast_in_dim3A_63, %broadcast_in_dim3A_65 : vector<16xi1>, vector<16xi32>
      %eq3A_890 = arith.cmpf oeq, %add3A_797, %min3A_875 : vector<16xf32>
      %select_n3A_891 = arith.select %eq3A_890, %broadcast_in_dim3A_63, %broadcast_in_dim3A_65 : vector<16xi1>, vector<16xi32>
      %max3A_892 = arith.maxsi %select_n3A_877, %select_n3A_879 : vector<16xi32>
      %max3A_893 = arith.maxsi %max3A_892, %select_n3A_881 : vector<16xi32>
      %max3A_894 = arith.maxsi %max3A_893, %select_n3A_883 : vector<16xi32>
      %max3A_895 = arith.maxsi %max3A_894, %select_n3A_885 : vector<16xi32>
      %max3A_896 = arith.maxsi %max3A_895, %select_n3A_887 : vector<16xi32>
      %max3A_897 = arith.maxsi %max3A_896, %select_n3A_889 : vector<16xi32>
      %max3A_898 = arith.maxsi %max3A_897, %select_n3A_891 : vector<16xi32>
      %mul3A_899 = arith.muli %max3A_898, %iota3A : vector<16xi32>
      %sub3A_900 = arith.subi %broadcast_in_dim3A_63, %max3A_898 : vector<16xi32>
      %mul3A_901 = arith.constant 16 : i32
      %mul3A_902 = vector.broadcast %mul3A_901 : i32 to vector<16xi32>
      %mul3A_903 = arith.muli %sub3A_900, %mul3A_902 : vector<16xi32>
      %add3A_904 = arith.addi %mul3A_899, %mul3A_903 : vector<16xi32>
      %xor3A_905 = arith.constant 1 : i32
      %xor3A_906 = vector.broadcast %xor3A_905 : i32 to vector<16xi32>
      %xor3A_907 = arith.xori %iota3A, %xor3A_906 : vector<16xi32>
      %lt3A_908 = arith.constant 0 : i32
      %lt3A_909 = vector.broadcast %lt3A_908 : i32 to vector<16xi32>
      %lt3A_910 = arith.cmpi slt, %xor3A_907, %lt3A_909 : vector<16xi32>
      %add3A_911 = arith.constant 16 : i32
      %add3A_912 = vector.broadcast %add3A_911 : i32 to vector<16xi32>
      %add3A_913 = arith.addi %xor3A_907, %add3A_912 : vector<16xi32>
      %select_n3A_914 = arith.select %lt3A_910, %add3A_913, %xor3A_907 : vector<16xi1>, vector<16xi32>
      %broadcast_in_dim3A_915 = vector.shape_cast %select_n3A_914 : vector<16xi32> to vector<16x1xi32>
      %gather3A_916 = vector.shape_cast %broadcast_in_dim3A_915 : vector<16x1xi32> to vector<16xi32>
      %gather3A_917 = tpu.dynamic_gather %add3A_904[%gather3A_916] in [0] : vector<16xi32>, vector<16xi32> -> vector<16xi32>
      %min3A_918 = arith.minsi %add3A_904, %gather3A_917 : vector<16xi32>
      %xor3A_919 = arith.constant 2 : i32
      %xor3A_920 = vector.broadcast %xor3A_919 : i32 to vector<16xi32>
      %xor3A_921 = arith.xori %iota3A, %xor3A_920 : vector<16xi32>
      %lt3A_922 = arith.constant 0 : i32
      %lt3A_923 = vector.broadcast %lt3A_922 : i32 to vector<16xi32>
      %lt3A_924 = arith.cmpi slt, %xor3A_921, %lt3A_923 : vector<16xi32>
      %add3A_925 = arith.constant 16 : i32
      %add3A_926 = vector.broadcast %add3A_925 : i32 to vector<16xi32>
      %add3A_927 = arith.addi %xor3A_921, %add3A_926 : vector<16xi32>
      %select_n3A_928 = arith.select %lt3A_924, %add3A_927, %xor3A_921 : vector<16xi1>, vector<16xi32>
      %broadcast_in_dim3A_929 = vector.shape_cast %select_n3A_928 : vector<16xi32> to vector<16x1xi32>
      %gather3A_930 = vector.shape_cast %broadcast_in_dim3A_929 : vector<16x1xi32> to vector<16xi32>
      %gather3A_931 = tpu.dynamic_gather %min3A_918[%gather3A_930] in [0] : vector<16xi32>, vector<16xi32> -> vector<16xi32>
      %min3A_932 = arith.minsi %min3A_918, %gather3A_931 : vector<16xi32>
      %xor3A_933 = arith.constant 4 : i32
      %xor3A_934 = vector.broadcast %xor3A_933 : i32 to vector<16xi32>
      %xor3A_935 = arith.xori %iota3A, %xor3A_934 : vector<16xi32>
      %lt3A_936 = arith.constant 0 : i32
      %lt3A_937 = vector.broadcast %lt3A_936 : i32 to vector<16xi32>
      %lt3A_938 = arith.cmpi slt, %xor3A_935, %lt3A_937 : vector<16xi32>
      %add3A_939 = arith.constant 16 : i32
      %add3A_940 = vector.broadcast %add3A_939 : i32 to vector<16xi32>
      %add3A_941 = arith.addi %xor3A_935, %add3A_940 : vector<16xi32>
      %select_n3A_942 = arith.select %lt3A_938, %add3A_941, %xor3A_935 : vector<16xi1>, vector<16xi32>
      %broadcast_in_dim3A_943 = vector.shape_cast %select_n3A_942 : vector<16xi32> to vector<16x1xi32>
      %gather3A_944 = vector.shape_cast %broadcast_in_dim3A_943 : vector<16x1xi32> to vector<16xi32>
      %gather3A_945 = tpu.dynamic_gather %min3A_932[%gather3A_944] in [0] : vector<16xi32>, vector<16xi32> -> vector<16xi32>
      %min3A_946 = arith.minsi %min3A_932, %gather3A_945 : vector<16xi32>
      %xor3A_947 = arith.constant 8 : i32
      %xor3A_948 = vector.broadcast %xor3A_947 : i32 to vector<16xi32>
      %xor3A_949 = arith.xori %iota3A, %xor3A_948 : vector<16xi32>
      %lt3A_950 = arith.constant 0 : i32
      %lt3A_951 = vector.broadcast %lt3A_950 : i32 to vector<16xi32>
      %lt3A_952 = arith.cmpi slt, %xor3A_949, %lt3A_951 : vector<16xi32>
      %add3A_953 = arith.constant 16 : i32
      %add3A_954 = vector.broadcast %add3A_953 : i32 to vector<16xi32>
      %add3A_955 = arith.addi %xor3A_949, %add3A_954 : vector<16xi32>
      %select_n3A_956 = arith.select %lt3A_952, %add3A_955, %xor3A_949 : vector<16xi1>, vector<16xi32>
      %broadcast_in_dim3A_957 = vector.shape_cast %select_n3A_956 : vector<16xi32> to vector<16x1xi32>
      %gather3A_958 = vector.shape_cast %broadcast_in_dim3A_957 : vector<16x1xi32> to vector<16xi32>
      %gather3A_959 = tpu.dynamic_gather %min3A_946[%gather3A_958] in [0] : vector<16xi32>, vector<16xi32> -> vector<16xi32>
      %min3A_960 = arith.minsi %min3A_946, %gather3A_959 : vector<16xi32>
      %eq3A_961 = arith.cmpi eq, %iota3A, %min3A_960 : vector<16xi32>
      %select_n3A_962 = arith.select %eq3A_961, %broadcast_in_dim3A_63, %broadcast_in_dim3A_65 : vector<16xi1>, vector<16xi32>
      %mul3A_963 = arith.muli %select_n3A_877, %select_n3A_962 : vector<16xi32>
      %sub3A_964 = arith.subi %broadcast_in_dim3A_63, %broadcast_in_dim3A_65 : vector<16xi32>
      %mul3A_965 = arith.muli %mul3A_963, %sub3A_964 : vector<16xi32>
      %mul3A_966 = arith.muli %mul3A_965, %scan3A_61#8 : vector<16xi32>
      %add3A_967 = arith.addi %broadcast_in_dim3A_65, %mul3A_966 : vector<16xi32>
      %convert_element_type3A_968 = arith.sitofp %mul3A_965 : vector<16xi32> to vector<16xf32>
      %mul3A_969 = arith.constant 1.000000e+30 : f32
      %mul3A_970 = vector.broadcast %mul3A_969 : f32 to vector<16xf32>
      %mul3A_971 = arith.mulf %convert_element_type3A_968, %mul3A_970 : vector<16xf32>
      %add3A_972 = arith.addf %add3A_720, %mul3A_971 : vector<16xf32>
      %add3A_973 = arith.addi %broadcast_in_dim3A_65, %mul3A_965 : vector<16xi32>
      %mul3A_974 = arith.muli %select_n3A_879, %select_n3A_962 : vector<16xi32>
      %sub3A_975 = arith.subi %broadcast_in_dim3A_63, %add3A_973 : vector<16xi32>
      %mul3A_976 = arith.muli %mul3A_974, %sub3A_975 : vector<16xi32>
      %mul3A_977 = arith.muli %mul3A_976, %scan3A_61#9 : vector<16xi32>
      %add3A_978 = arith.addi %add3A_967, %mul3A_977 : vector<16xi32>
      %convert_element_type3A_979 = arith.sitofp %mul3A_976 : vector<16xi32> to vector<16xf32>
      %mul3A_980 = arith.constant 1.000000e+30 : f32
      %mul3A_981 = vector.broadcast %mul3A_980 : f32 to vector<16xf32>
      %mul3A_982 = arith.mulf %convert_element_type3A_979, %mul3A_981 : vector<16xf32>
      %add3A_983 = arith.addf %add3A_731, %mul3A_982 : vector<16xf32>
      %add3A_984 = arith.addi %add3A_973, %mul3A_976 : vector<16xi32>
      %mul3A_985 = arith.muli %select_n3A_881, %select_n3A_962 : vector<16xi32>
      %sub3A_986 = arith.subi %broadcast_in_dim3A_63, %add3A_984 : vector<16xi32>
      %mul3A_987 = arith.muli %mul3A_985, %sub3A_986 : vector<16xi32>
      %mul3A_988 = arith.muli %mul3A_987, %scan3A_61#10 : vector<16xi32>
      %add3A_989 = arith.addi %add3A_978, %mul3A_988 : vector<16xi32>
      %convert_element_type3A_990 = arith.sitofp %mul3A_987 : vector<16xi32> to vector<16xf32>
      %mul3A_991 = arith.constant 1.000000e+30 : f32
      %mul3A_992 = vector.broadcast %mul3A_991 : f32 to vector<16xf32>
      %mul3A_993 = arith.mulf %convert_element_type3A_990, %mul3A_992 : vector<16xf32>
      %add3A_994 = arith.addf %add3A_742, %mul3A_993 : vector<16xf32>
      %add3A_995 = arith.addi %add3A_984, %mul3A_987 : vector<16xi32>
      %mul3A_996 = arith.muli %select_n3A_883, %select_n3A_962 : vector<16xi32>
      %sub3A_997 = arith.subi %broadcast_in_dim3A_63, %add3A_995 : vector<16xi32>
      %mul3A_998 = arith.muli %mul3A_996, %sub3A_997 : vector<16xi32>
      %mul3A_999 = arith.muli %mul3A_998, %scan3A_61#11 : vector<16xi32>
      %add3A_1000 = arith.addi %add3A_989, %mul3A_999 : vector<16xi32>
      %convert_element_type3A_1001 = arith.sitofp %mul3A_998 : vector<16xi32> to vector<16xf32>
      %mul3A_1002 = arith.constant 1.000000e+30 : f32
      %mul3A_1003 = vector.broadcast %mul3A_1002 : f32 to vector<16xf32>
      %mul3A_1004 = arith.mulf %convert_element_type3A_1001, %mul3A_1003 : vector<16xf32>
      %add3A_1005 = arith.addf %add3A_753, %mul3A_1004 : vector<16xf32>
      %add3A_1006 = arith.addi %add3A_995, %mul3A_998 : vector<16xi32>
      %mul3A_1007 = arith.muli %select_n3A_885, %select_n3A_962 : vector<16xi32>
      %sub3A_1008 = arith.subi %broadcast_in_dim3A_63, %add3A_1006 : vector<16xi32>
      %mul3A_1009 = arith.muli %mul3A_1007, %sub3A_1008 : vector<16xi32>
      %mul3A_1010 = arith.muli %mul3A_1009, %scan3A_61#12 : vector<16xi32>
      %add3A_1011 = arith.addi %add3A_1000, %mul3A_1010 : vector<16xi32>
      %convert_element_type3A_1012 = arith.sitofp %mul3A_1009 : vector<16xi32> to vector<16xf32>
      %mul3A_1013 = arith.constant 1.000000e+30 : f32
      %mul3A_1014 = vector.broadcast %mul3A_1013 : f32 to vector<16xf32>
      %mul3A_1015 = arith.mulf %convert_element_type3A_1012, %mul3A_1014 : vector<16xf32>
      %add3A_1016 = arith.addf %add3A_764, %mul3A_1015 : vector<16xf32>
      %add3A_1017 = arith.addi %add3A_1006, %mul3A_1009 : vector<16xi32>
      %mul3A_1018 = arith.muli %select_n3A_887, %select_n3A_962 : vector<16xi32>
      %sub3A_1019 = arith.subi %broadcast_in_dim3A_63, %add3A_1017 : vector<16xi32>
      %mul3A_1020 = arith.muli %mul3A_1018, %sub3A_1019 : vector<16xi32>
      %mul3A_1021 = arith.muli %mul3A_1020, %scan3A_61#13 : vector<16xi32>
      %add3A_1022 = arith.addi %add3A_1011, %mul3A_1021 : vector<16xi32>
      %convert_element_type3A_1023 = arith.sitofp %mul3A_1020 : vector<16xi32> to vector<16xf32>
      %mul3A_1024 = arith.constant 1.000000e+30 : f32
      %mul3A_1025 = vector.broadcast %mul3A_1024 : f32 to vector<16xf32>
      %mul3A_1026 = arith.mulf %convert_element_type3A_1023, %mul3A_1025 : vector<16xf32>
      %add3A_1027 = arith.addf %add3A_775, %mul3A_1026 : vector<16xf32>
      %add3A_1028 = arith.addi %add3A_1017, %mul3A_1020 : vector<16xi32>
      %mul3A_1029 = arith.muli %select_n3A_889, %select_n3A_962 : vector<16xi32>
      %sub3A_1030 = arith.subi %broadcast_in_dim3A_63, %add3A_1028 : vector<16xi32>
      %mul3A_1031 = arith.muli %mul3A_1029, %sub3A_1030 : vector<16xi32>
      %mul3A_1032 = arith.muli %mul3A_1031, %scan3A_61#14 : vector<16xi32>
      %add3A_1033 = arith.addi %add3A_1022, %mul3A_1032 : vector<16xi32>
      %convert_element_type3A_1034 = arith.sitofp %mul3A_1031 : vector<16xi32> to vector<16xf32>
      %mul3A_1035 = arith.constant 1.000000e+30 : f32
      %mul3A_1036 = vector.broadcast %mul3A_1035 : f32 to vector<16xf32>
      %mul3A_1037 = arith.mulf %convert_element_type3A_1034, %mul3A_1036 : vector<16xf32>
      %add3A_1038 = arith.addf %add3A_786, %mul3A_1037 : vector<16xf32>
      %add3A_1039 = arith.addi %add3A_1028, %mul3A_1031 : vector<16xi32>
      %mul3A_1040 = arith.muli %select_n3A_891, %select_n3A_962 : vector<16xi32>
      %sub3A_1041 = arith.subi %broadcast_in_dim3A_63, %add3A_1039 : vector<16xi32>
      %mul3A_1042 = arith.muli %mul3A_1040, %sub3A_1041 : vector<16xi32>
      %mul3A_1043 = arith.muli %mul3A_1042, %scan3A_61#15 : vector<16xi32>
      %add3A_1044 = arith.addi %add3A_1033, %mul3A_1043 : vector<16xi32>
      %convert_element_type3A_1045 = arith.sitofp %mul3A_1042 : vector<16xi32> to vector<16xf32>
      %mul3A_1046 = arith.constant 1.000000e+30 : f32
      %mul3A_1047 = vector.broadcast %mul3A_1046 : f32 to vector<16xf32>
      %mul3A_1048 = arith.mulf %convert_element_type3A_1045, %mul3A_1047 : vector<16xf32>
      %add3A_1049 = arith.addf %add3A_797, %mul3A_1048 : vector<16xf32>
      %add3A_1050 = arith.addi %add3A_1039, %mul3A_1042 : vector<16xi32>
      %lt3A_1051 = arith.constant 0 : i32
      %lt3A_1052 = vector.broadcast %lt3A_1051 : i32 to vector<16xi32>
      %lt3A_1053 = arith.cmpi slt, %min3A_960, %lt3A_1052 : vector<16xi32>
      %add3A_1054 = arith.constant 16 : i32
      %add3A_1055 = vector.broadcast %add3A_1054 : i32 to vector<16xi32>
      %add3A_1056 = arith.addi %min3A_960, %add3A_1055 : vector<16xi32>
      %select_n3A_1057 = arith.select %lt3A_1053, %add3A_1056, %min3A_960 : vector<16xi1>, vector<16xi32>
      %broadcast_in_dim3A_1058 = vector.shape_cast %select_n3A_1057 : vector<16xi32> to vector<16x1xi32>
      %gather3A_1059 = vector.shape_cast %broadcast_in_dim3A_1058 : vector<16x1xi32> to vector<16xi32>
      %gather3A_1060 = tpu.dynamic_gather %add3A_1044[%gather3A_1059] in [0] : vector<16xi32>, vector<16xi32> -> vector<16xi32>
      %eq3A_1061 = arith.constant 3 : i32
      %eq3A_1062 = vector.broadcast %eq3A_1061 : i32 to vector<16xi32>
      %eq3A_1063 = arith.cmpi eq, %iota3A, %eq3A_1062 : vector<16xi32>
      %select_n3A_1064 = arith.select %eq3A_1063, %gather3A_1060, %select_n3A_812 : vector<16xi1>, vector<16xi32>
      %min3A_1065 = arith.minimumf %add3A_972, %add3A_983 : vector<16xf32>
      %min3A_1066 = arith.minimumf %min3A_1065, %add3A_994 : vector<16xf32>
      %min3A_1067 = arith.minimumf %min3A_1066, %add3A_1005 : vector<16xf32>
      %min3A_1068 = arith.minimumf %min3A_1067, %add3A_1016 : vector<16xf32>
      %min3A_1069 = arith.minimumf %min3A_1068, %add3A_1027 : vector<16xf32>
      %min3A_1070 = arith.minimumf %min3A_1069, %add3A_1038 : vector<16xf32>
      %min3A_1071 = arith.minimumf %min3A_1070, %add3A_1049 : vector<16xf32>
      %xor3A_1072 = arith.constant 1 : i32
      %xor3A_1073 = vector.broadcast %xor3A_1072 : i32 to vector<16xi32>
      %xor3A_1074 = arith.xori %iota3A, %xor3A_1073 : vector<16xi32>
      %lt3A_1075 = arith.constant 0 : i32
      %lt3A_1076 = vector.broadcast %lt3A_1075 : i32 to vector<16xi32>
      %lt3A_1077 = arith.cmpi slt, %xor3A_1074, %lt3A_1076 : vector<16xi32>
      %add3A_1078 = arith.constant 16 : i32
      %add3A_1079 = vector.broadcast %add3A_1078 : i32 to vector<16xi32>
      %add3A_1080 = arith.addi %xor3A_1074, %add3A_1079 : vector<16xi32>
      %select_n3A_1081 = arith.select %lt3A_1077, %add3A_1080, %xor3A_1074 : vector<16xi1>, vector<16xi32>
      %broadcast_in_dim3A_1082 = vector.shape_cast %select_n3A_1081 : vector<16xi32> to vector<16x1xi32>
      %gather3A_1083 = vector.shape_cast %broadcast_in_dim3A_1082 : vector<16x1xi32> to vector<16xi32>
      %gather3A_1084 = tpu.dynamic_gather %min3A_1071[%gather3A_1083] in [0] : vector<16xf32>, vector<16xi32> -> vector<16xf32>
      %min3A_1085 = arith.minimumf %min3A_1071, %gather3A_1084 : vector<16xf32>
      %xor3A_1086 = arith.constant 2 : i32
      %xor3A_1087 = vector.broadcast %xor3A_1086 : i32 to vector<16xi32>
      %xor3A_1088 = arith.xori %iota3A, %xor3A_1087 : vector<16xi32>
      %lt3A_1089 = arith.constant 0 : i32
      %lt3A_1090 = vector.broadcast %lt3A_1089 : i32 to vector<16xi32>
      %lt3A_1091 = arith.cmpi slt, %xor3A_1088, %lt3A_1090 : vector<16xi32>
      %add3A_1092 = arith.constant 16 : i32
      %add3A_1093 = vector.broadcast %add3A_1092 : i32 to vector<16xi32>
      %add3A_1094 = arith.addi %xor3A_1088, %add3A_1093 : vector<16xi32>
      %select_n3A_1095 = arith.select %lt3A_1091, %add3A_1094, %xor3A_1088 : vector<16xi1>, vector<16xi32>
      %broadcast_in_dim3A_1096 = vector.shape_cast %select_n3A_1095 : vector<16xi32> to vector<16x1xi32>
      %gather3A_1097 = vector.shape_cast %broadcast_in_dim3A_1096 : vector<16x1xi32> to vector<16xi32>
      %gather3A_1098 = tpu.dynamic_gather %min3A_1085[%gather3A_1097] in [0] : vector<16xf32>, vector<16xi32> -> vector<16xf32>
      %min3A_1099 = arith.minimumf %min3A_1085, %gather3A_1098 : vector<16xf32>
      %xor3A_1100 = arith.constant 4 : i32
      %xor3A_1101 = vector.broadcast %xor3A_1100 : i32 to vector<16xi32>
      %xor3A_1102 = arith.xori %iota3A, %xor3A_1101 : vector<16xi32>
      %lt3A_1103 = arith.constant 0 : i32
      %lt3A_1104 = vector.broadcast %lt3A_1103 : i32 to vector<16xi32>
      %lt3A_1105 = arith.cmpi slt, %xor3A_1102, %lt3A_1104 : vector<16xi32>
      %add3A_1106 = arith.constant 16 : i32
      %add3A_1107 = vector.broadcast %add3A_1106 : i32 to vector<16xi32>
      %add3A_1108 = arith.addi %xor3A_1102, %add3A_1107 : vector<16xi32>
      %select_n3A_1109 = arith.select %lt3A_1105, %add3A_1108, %xor3A_1102 : vector<16xi1>, vector<16xi32>
      %broadcast_in_dim3A_1110 = vector.shape_cast %select_n3A_1109 : vector<16xi32> to vector<16x1xi32>
      %gather3A_1111 = vector.shape_cast %broadcast_in_dim3A_1110 : vector<16x1xi32> to vector<16xi32>
      %gather3A_1112 = tpu.dynamic_gather %min3A_1099[%gather3A_1111] in [0] : vector<16xf32>, vector<16xi32> -> vector<16xf32>
      %min3A_1113 = arith.minimumf %min3A_1099, %gather3A_1112 : vector<16xf32>
      %xor3A_1114 = arith.constant 8 : i32
      %xor3A_1115 = vector.broadcast %xor3A_1114 : i32 to vector<16xi32>
      %xor3A_1116 = arith.xori %iota3A, %xor3A_1115 : vector<16xi32>
      %lt3A_1117 = arith.constant 0 : i32
      %lt3A_1118 = vector.broadcast %lt3A_1117 : i32 to vector<16xi32>
      %lt3A_1119 = arith.cmpi slt, %xor3A_1116, %lt3A_1118 : vector<16xi32>
      %add3A_1120 = arith.constant 16 : i32
      %add3A_1121 = vector.broadcast %add3A_1120 : i32 to vector<16xi32>
      %add3A_1122 = arith.addi %xor3A_1116, %add3A_1121 : vector<16xi32>
      %select_n3A_1123 = arith.select %lt3A_1119, %add3A_1122, %xor3A_1116 : vector<16xi1>, vector<16xi32>
      %broadcast_in_dim3A_1124 = vector.shape_cast %select_n3A_1123 : vector<16xi32> to vector<16x1xi32>
      %gather3A_1125 = vector.shape_cast %broadcast_in_dim3A_1124 : vector<16x1xi32> to vector<16xi32>
      %gather3A_1126 = tpu.dynamic_gather %min3A_1113[%gather3A_1125] in [0] : vector<16xf32>, vector<16xi32> -> vector<16xf32>
      %min3A_1127 = arith.minimumf %min3A_1113, %gather3A_1126 : vector<16xf32>
      %eq3A_1128 = arith.cmpf oeq, %add3A_972, %min3A_1127 : vector<16xf32>
      %select_n3A_1129 = arith.select %eq3A_1128, %broadcast_in_dim3A_63, %broadcast_in_dim3A_65 : vector<16xi1>, vector<16xi32>
      %eq3A_1130 = arith.cmpf oeq, %add3A_983, %min3A_1127 : vector<16xf32>
      %select_n3A_1131 = arith.select %eq3A_1130, %broadcast_in_dim3A_63, %broadcast_in_dim3A_65 : vector<16xi1>, vector<16xi32>
      %eq3A_1132 = arith.cmpf oeq, %add3A_994, %min3A_1127 : vector<16xf32>
      %select_n3A_1133 = arith.select %eq3A_1132, %broadcast_in_dim3A_63, %broadcast_in_dim3A_65 : vector<16xi1>, vector<16xi32>
      %eq3A_1134 = arith.cmpf oeq, %add3A_1005, %min3A_1127 : vector<16xf32>
      %select_n3A_1135 = arith.select %eq3A_1134, %broadcast_in_dim3A_63, %broadcast_in_dim3A_65 : vector<16xi1>, vector<16xi32>
      %eq3A_1136 = arith.cmpf oeq, %add3A_1016, %min3A_1127 : vector<16xf32>
      %select_n3A_1137 = arith.select %eq3A_1136, %broadcast_in_dim3A_63, %broadcast_in_dim3A_65 : vector<16xi1>, vector<16xi32>
      %eq3A_1138 = arith.cmpf oeq, %add3A_1027, %min3A_1127 : vector<16xf32>
      %select_n3A_1139 = arith.select %eq3A_1138, %broadcast_in_dim3A_63, %broadcast_in_dim3A_65 : vector<16xi1>, vector<16xi32>
      %eq3A_1140 = arith.cmpf oeq, %add3A_1038, %min3A_1127 : vector<16xf32>
      %select_n3A_1141 = arith.select %eq3A_1140, %broadcast_in_dim3A_63, %broadcast_in_dim3A_65 : vector<16xi1>, vector<16xi32>
      %eq3A_1142 = arith.cmpf oeq, %add3A_1049, %min3A_1127 : vector<16xf32>
      %select_n3A_1143 = arith.select %eq3A_1142, %broadcast_in_dim3A_63, %broadcast_in_dim3A_65 : vector<16xi1>, vector<16xi32>
      %max3A_1144 = arith.maxsi %select_n3A_1129, %select_n3A_1131 : vector<16xi32>
      %max3A_1145 = arith.maxsi %max3A_1144, %select_n3A_1133 : vector<16xi32>
      %max3A_1146 = arith.maxsi %max3A_1145, %select_n3A_1135 : vector<16xi32>
      %max3A_1147 = arith.maxsi %max3A_1146, %select_n3A_1137 : vector<16xi32>
      %max3A_1148 = arith.maxsi %max3A_1147, %select_n3A_1139 : vector<16xi32>
      %max3A_1149 = arith.maxsi %max3A_1148, %select_n3A_1141 : vector<16xi32>
      %max3A_1150 = arith.maxsi %max3A_1149, %select_n3A_1143 : vector<16xi32>
      %mul3A_1151 = arith.muli %max3A_1150, %iota3A : vector<16xi32>
      %sub3A_1152 = arith.subi %broadcast_in_dim3A_63, %max3A_1150 : vector<16xi32>
      %mul3A_1153 = arith.constant 16 : i32
      %mul3A_1154 = vector.broadcast %mul3A_1153 : i32 to vector<16xi32>
      %mul3A_1155 = arith.muli %sub3A_1152, %mul3A_1154 : vector<16xi32>
      %add3A_1156 = arith.addi %mul3A_1151, %mul3A_1155 : vector<16xi32>
      %xor3A_1157 = arith.constant 1 : i32
      %xor3A_1158 = vector.broadcast %xor3A_1157 : i32 to vector<16xi32>
      %xor3A_1159 = arith.xori %iota3A, %xor3A_1158 : vector<16xi32>
      %lt3A_1160 = arith.constant 0 : i32
      %lt3A_1161 = vector.broadcast %lt3A_1160 : i32 to vector<16xi32>
      %lt3A_1162 = arith.cmpi slt, %xor3A_1159, %lt3A_1161 : vector<16xi32>
      %add3A_1163 = arith.constant 16 : i32
      %add3A_1164 = vector.broadcast %add3A_1163 : i32 to vector<16xi32>
      %add3A_1165 = arith.addi %xor3A_1159, %add3A_1164 : vector<16xi32>
      %select_n3A_1166 = arith.select %lt3A_1162, %add3A_1165, %xor3A_1159 : vector<16xi1>, vector<16xi32>
      %broadcast_in_dim3A_1167 = vector.shape_cast %select_n3A_1166 : vector<16xi32> to vector<16x1xi32>
      %gather3A_1168 = vector.shape_cast %broadcast_in_dim3A_1167 : vector<16x1xi32> to vector<16xi32>
      %gather3A_1169 = tpu.dynamic_gather %add3A_1156[%gather3A_1168] in [0] : vector<16xi32>, vector<16xi32> -> vector<16xi32>
      %min3A_1170 = arith.minsi %add3A_1156, %gather3A_1169 : vector<16xi32>
      %xor3A_1171 = arith.constant 2 : i32
      %xor3A_1172 = vector.broadcast %xor3A_1171 : i32 to vector<16xi32>
      %xor3A_1173 = arith.xori %iota3A, %xor3A_1172 : vector<16xi32>
      %lt3A_1174 = arith.constant 0 : i32
      %lt3A_1175 = vector.broadcast %lt3A_1174 : i32 to vector<16xi32>
      %lt3A_1176 = arith.cmpi slt, %xor3A_1173, %lt3A_1175 : vector<16xi32>
      %add3A_1177 = arith.constant 16 : i32
      %add3A_1178 = vector.broadcast %add3A_1177 : i32 to vector<16xi32>
      %add3A_1179 = arith.addi %xor3A_1173, %add3A_1178 : vector<16xi32>
      %select_n3A_1180 = arith.select %lt3A_1176, %add3A_1179, %xor3A_1173 : vector<16xi1>, vector<16xi32>
      %broadcast_in_dim3A_1181 = vector.shape_cast %select_n3A_1180 : vector<16xi32> to vector<16x1xi32>
      %gather3A_1182 = vector.shape_cast %broadcast_in_dim3A_1181 : vector<16x1xi32> to vector<16xi32>
      %gather3A_1183 = tpu.dynamic_gather %min3A_1170[%gather3A_1182] in [0] : vector<16xi32>, vector<16xi32> -> vector<16xi32>
      %min3A_1184 = arith.minsi %min3A_1170, %gather3A_1183 : vector<16xi32>
      %xor3A_1185 = arith.constant 4 : i32
      %xor3A_1186 = vector.broadcast %xor3A_1185 : i32 to vector<16xi32>
      %xor3A_1187 = arith.xori %iota3A, %xor3A_1186 : vector<16xi32>
      %lt3A_1188 = arith.constant 0 : i32
      %lt3A_1189 = vector.broadcast %lt3A_1188 : i32 to vector<16xi32>
      %lt3A_1190 = arith.cmpi slt, %xor3A_1187, %lt3A_1189 : vector<16xi32>
      %add3A_1191 = arith.constant 16 : i32
      %add3A_1192 = vector.broadcast %add3A_1191 : i32 to vector<16xi32>
      %add3A_1193 = arith.addi %xor3A_1187, %add3A_1192 : vector<16xi32>
      %select_n3A_1194 = arith.select %lt3A_1190, %add3A_1193, %xor3A_1187 : vector<16xi1>, vector<16xi32>
      %broadcast_in_dim3A_1195 = vector.shape_cast %select_n3A_1194 : vector<16xi32> to vector<16x1xi32>
      %gather3A_1196 = vector.shape_cast %broadcast_in_dim3A_1195 : vector<16x1xi32> to vector<16xi32>
      %gather3A_1197 = tpu.dynamic_gather %min3A_1184[%gather3A_1196] in [0] : vector<16xi32>, vector<16xi32> -> vector<16xi32>
      %min3A_1198 = arith.minsi %min3A_1184, %gather3A_1197 : vector<16xi32>
      %xor3A_1199 = arith.constant 8 : i32
      %xor3A_1200 = vector.broadcast %xor3A_1199 : i32 to vector<16xi32>
      %xor3A_1201 = arith.xori %iota3A, %xor3A_1200 : vector<16xi32>
      %lt3A_1202 = arith.constant 0 : i32
      %lt3A_1203 = vector.broadcast %lt3A_1202 : i32 to vector<16xi32>
      %lt3A_1204 = arith.cmpi slt, %xor3A_1201, %lt3A_1203 : vector<16xi32>
      %add3A_1205 = arith.constant 16 : i32
      %add3A_1206 = vector.broadcast %add3A_1205 : i32 to vector<16xi32>
      %add3A_1207 = arith.addi %xor3A_1201, %add3A_1206 : vector<16xi32>
      %select_n3A_1208 = arith.select %lt3A_1204, %add3A_1207, %xor3A_1201 : vector<16xi1>, vector<16xi32>
      %broadcast_in_dim3A_1209 = vector.shape_cast %select_n3A_1208 : vector<16xi32> to vector<16x1xi32>
      %gather3A_1210 = vector.shape_cast %broadcast_in_dim3A_1209 : vector<16x1xi32> to vector<16xi32>
      %gather3A_1211 = tpu.dynamic_gather %min3A_1198[%gather3A_1210] in [0] : vector<16xi32>, vector<16xi32> -> vector<16xi32>
      %min3A_1212 = arith.minsi %min3A_1198, %gather3A_1211 : vector<16xi32>
      %eq3A_1213 = arith.cmpi eq, %iota3A, %min3A_1212 : vector<16xi32>
      %select_n3A_1214 = arith.select %eq3A_1213, %broadcast_in_dim3A_63, %broadcast_in_dim3A_65 : vector<16xi1>, vector<16xi32>
      %mul3A_1215 = arith.muli %select_n3A_1129, %select_n3A_1214 : vector<16xi32>
      %sub3A_1216 = arith.subi %broadcast_in_dim3A_63, %broadcast_in_dim3A_65 : vector<16xi32>
      %mul3A_1217 = arith.muli %mul3A_1215, %sub3A_1216 : vector<16xi32>
      %mul3A_1218 = arith.muli %mul3A_1217, %scan3A_61#8 : vector<16xi32>
      %add3A_1219 = arith.addi %broadcast_in_dim3A_65, %mul3A_1218 : vector<16xi32>
      %convert_element_type3A_1220 = arith.sitofp %mul3A_1217 : vector<16xi32> to vector<16xf32>
      %mul3A_1221 = arith.constant 1.000000e+30 : f32
      %mul3A_1222 = vector.broadcast %mul3A_1221 : f32 to vector<16xf32>
      %mul3A_1223 = arith.mulf %convert_element_type3A_1220, %mul3A_1222 : vector<16xf32>
      %add3A_1224 = arith.addf %add3A_972, %mul3A_1223 : vector<16xf32>
      %add3A_1225 = arith.addi %broadcast_in_dim3A_65, %mul3A_1217 : vector<16xi32>
      %mul3A_1226 = arith.muli %select_n3A_1131, %select_n3A_1214 : vector<16xi32>
      %sub3A_1227 = arith.subi %broadcast_in_dim3A_63, %add3A_1225 : vector<16xi32>
      %mul3A_1228 = arith.muli %mul3A_1226, %sub3A_1227 : vector<16xi32>
      %mul3A_1229 = arith.muli %mul3A_1228, %scan3A_61#9 : vector<16xi32>
      %add3A_1230 = arith.addi %add3A_1219, %mul3A_1229 : vector<16xi32>
      %convert_element_type3A_1231 = arith.sitofp %mul3A_1228 : vector<16xi32> to vector<16xf32>
      %mul3A_1232 = arith.constant 1.000000e+30 : f32
      %mul3A_1233 = vector.broadcast %mul3A_1232 : f32 to vector<16xf32>
      %mul3A_1234 = arith.mulf %convert_element_type3A_1231, %mul3A_1233 : vector<16xf32>
      %add3A_1235 = arith.addf %add3A_983, %mul3A_1234 : vector<16xf32>
      %add3A_1236 = arith.addi %add3A_1225, %mul3A_1228 : vector<16xi32>
      %mul3A_1237 = arith.muli %select_n3A_1133, %select_n3A_1214 : vector<16xi32>
      %sub3A_1238 = arith.subi %broadcast_in_dim3A_63, %add3A_1236 : vector<16xi32>
      %mul3A_1239 = arith.muli %mul3A_1237, %sub3A_1238 : vector<16xi32>
      %mul3A_1240 = arith.muli %mul3A_1239, %scan3A_61#10 : vector<16xi32>
      %add3A_1241 = arith.addi %add3A_1230, %mul3A_1240 : vector<16xi32>
      %convert_element_type3A_1242 = arith.sitofp %mul3A_1239 : vector<16xi32> to vector<16xf32>
      %mul3A_1243 = arith.constant 1.000000e+30 : f32
      %mul3A_1244 = vector.broadcast %mul3A_1243 : f32 to vector<16xf32>
      %mul3A_1245 = arith.mulf %convert_element_type3A_1242, %mul3A_1244 : vector<16xf32>
      %add3A_1246 = arith.addf %add3A_994, %mul3A_1245 : vector<16xf32>
      %add3A_1247 = arith.addi %add3A_1236, %mul3A_1239 : vector<16xi32>
      %mul3A_1248 = arith.muli %select_n3A_1135, %select_n3A_1214 : vector<16xi32>
      %sub3A_1249 = arith.subi %broadcast_in_dim3A_63, %add3A_1247 : vector<16xi32>
      %mul3A_1250 = arith.muli %mul3A_1248, %sub3A_1249 : vector<16xi32>
      %mul3A_1251 = arith.muli %mul3A_1250, %scan3A_61#11 : vector<16xi32>
      %add3A_1252 = arith.addi %add3A_1241, %mul3A_1251 : vector<16xi32>
      %convert_element_type3A_1253 = arith.sitofp %mul3A_1250 : vector<16xi32> to vector<16xf32>
      %mul3A_1254 = arith.constant 1.000000e+30 : f32
      %mul3A_1255 = vector.broadcast %mul3A_1254 : f32 to vector<16xf32>
      %mul3A_1256 = arith.mulf %convert_element_type3A_1253, %mul3A_1255 : vector<16xf32>
      %add3A_1257 = arith.addf %add3A_1005, %mul3A_1256 : vector<16xf32>
      %add3A_1258 = arith.addi %add3A_1247, %mul3A_1250 : vector<16xi32>
      %mul3A_1259 = arith.muli %select_n3A_1137, %select_n3A_1214 : vector<16xi32>
      %sub3A_1260 = arith.subi %broadcast_in_dim3A_63, %add3A_1258 : vector<16xi32>
      %mul3A_1261 = arith.muli %mul3A_1259, %sub3A_1260 : vector<16xi32>
      %mul3A_1262 = arith.muli %mul3A_1261, %scan3A_61#12 : vector<16xi32>
      %add3A_1263 = arith.addi %add3A_1252, %mul3A_1262 : vector<16xi32>
      %convert_element_type3A_1264 = arith.sitofp %mul3A_1261 : vector<16xi32> to vector<16xf32>
      %mul3A_1265 = arith.constant 1.000000e+30 : f32
      %mul3A_1266 = vector.broadcast %mul3A_1265 : f32 to vector<16xf32>
      %mul3A_1267 = arith.mulf %convert_element_type3A_1264, %mul3A_1266 : vector<16xf32>
      %add3A_1268 = arith.addf %add3A_1016, %mul3A_1267 : vector<16xf32>
      %add3A_1269 = arith.addi %add3A_1258, %mul3A_1261 : vector<16xi32>
      %mul3A_1270 = arith.muli %select_n3A_1139, %select_n3A_1214 : vector<16xi32>
      %sub3A_1271 = arith.subi %broadcast_in_dim3A_63, %add3A_1269 : vector<16xi32>
      %mul3A_1272 = arith.muli %mul3A_1270, %sub3A_1271 : vector<16xi32>
      %mul3A_1273 = arith.muli %mul3A_1272, %scan3A_61#13 : vector<16xi32>
      %add3A_1274 = arith.addi %add3A_1263, %mul3A_1273 : vector<16xi32>
      %convert_element_type3A_1275 = arith.sitofp %mul3A_1272 : vector<16xi32> to vector<16xf32>
      %mul3A_1276 = arith.constant 1.000000e+30 : f32
      %mul3A_1277 = vector.broadcast %mul3A_1276 : f32 to vector<16xf32>
      %mul3A_1278 = arith.mulf %convert_element_type3A_1275, %mul3A_1277 : vector<16xf32>
      %add3A_1279 = arith.addf %add3A_1027, %mul3A_1278 : vector<16xf32>
      %add3A_1280 = arith.addi %add3A_1269, %mul3A_1272 : vector<16xi32>
      %mul3A_1281 = arith.muli %select_n3A_1141, %select_n3A_1214 : vector<16xi32>
      %sub3A_1282 = arith.subi %broadcast_in_dim3A_63, %add3A_1280 : vector<16xi32>
      %mul3A_1283 = arith.muli %mul3A_1281, %sub3A_1282 : vector<16xi32>
      %mul3A_1284 = arith.muli %mul3A_1283, %scan3A_61#14 : vector<16xi32>
      %add3A_1285 = arith.addi %add3A_1274, %mul3A_1284 : vector<16xi32>
      %convert_element_type3A_1286 = arith.sitofp %mul3A_1283 : vector<16xi32> to vector<16xf32>
      %mul3A_1287 = arith.constant 1.000000e+30 : f32
      %mul3A_1288 = vector.broadcast %mul3A_1287 : f32 to vector<16xf32>
      %mul3A_1289 = arith.mulf %convert_element_type3A_1286, %mul3A_1288 : vector<16xf32>
      %add3A_1290 = arith.addf %add3A_1038, %mul3A_1289 : vector<16xf32>
      %add3A_1291 = arith.addi %add3A_1280, %mul3A_1283 : vector<16xi32>
      %mul3A_1292 = arith.muli %select_n3A_1143, %select_n3A_1214 : vector<16xi32>
      %sub3A_1293 = arith.subi %broadcast_in_dim3A_63, %add3A_1291 : vector<16xi32>
      %mul3A_1294 = arith.muli %mul3A_1292, %sub3A_1293 : vector<16xi32>
      %mul3A_1295 = arith.muli %mul3A_1294, %scan3A_61#15 : vector<16xi32>
      %add3A_1296 = arith.addi %add3A_1285, %mul3A_1295 : vector<16xi32>
      %convert_element_type3A_1297 = arith.sitofp %mul3A_1294 : vector<16xi32> to vector<16xf32>
      %mul3A_1298 = arith.constant 1.000000e+30 : f32
      %mul3A_1299 = vector.broadcast %mul3A_1298 : f32 to vector<16xf32>
      %mul3A_1300 = arith.mulf %convert_element_type3A_1297, %mul3A_1299 : vector<16xf32>
      %add3A_1301 = arith.addf %add3A_1049, %mul3A_1300 : vector<16xf32>
      %add3A_1302 = arith.addi %add3A_1291, %mul3A_1294 : vector<16xi32>
      %lt3A_1303 = arith.constant 0 : i32
      %lt3A_1304 = vector.broadcast %lt3A_1303 : i32 to vector<16xi32>
      %lt3A_1305 = arith.cmpi slt, %min3A_1212, %lt3A_1304 : vector<16xi32>
      %add3A_1306 = arith.constant 16 : i32
      %add3A_1307 = vector.broadcast %add3A_1306 : i32 to vector<16xi32>
      %add3A_1308 = arith.addi %min3A_1212, %add3A_1307 : vector<16xi32>
      %select_n3A_1309 = arith.select %lt3A_1305, %add3A_1308, %min3A_1212 : vector<16xi1>, vector<16xi32>
      %broadcast_in_dim3A_1310 = vector.shape_cast %select_n3A_1309 : vector<16xi32> to vector<16x1xi32>
      %gather3A_1311 = vector.shape_cast %broadcast_in_dim3A_1310 : vector<16x1xi32> to vector<16xi32>
      %gather3A_1312 = tpu.dynamic_gather %add3A_1296[%gather3A_1311] in [0] : vector<16xi32>, vector<16xi32> -> vector<16xi32>
      %eq3A_1313 = arith.constant 4 : i32
      %eq3A_1314 = vector.broadcast %eq3A_1313 : i32 to vector<16xi32>
      %eq3A_1315 = arith.cmpi eq, %iota3A, %eq3A_1314 : vector<16xi32>
      %select_n3A_1316 = arith.select %eq3A_1315, %gather3A_1312, %select_n3A_1064 : vector<16xi1>, vector<16xi32>
      %min3A_1317 = arith.minimumf %add3A_1224, %add3A_1235 : vector<16xf32>
      %min3A_1318 = arith.minimumf %min3A_1317, %add3A_1246 : vector<16xf32>
      %min3A_1319 = arith.minimumf %min3A_1318, %add3A_1257 : vector<16xf32>
      %min3A_1320 = arith.minimumf %min3A_1319, %add3A_1268 : vector<16xf32>
      %min3A_1321 = arith.minimumf %min3A_1320, %add3A_1279 : vector<16xf32>
      %min3A_1322 = arith.minimumf %min3A_1321, %add3A_1290 : vector<16xf32>
      %min3A_1323 = arith.minimumf %min3A_1322, %add3A_1301 : vector<16xf32>
      %xor3A_1324 = arith.constant 1 : i32
      %xor3A_1325 = vector.broadcast %xor3A_1324 : i32 to vector<16xi32>
      %xor3A_1326 = arith.xori %iota3A, %xor3A_1325 : vector<16xi32>
      %lt3A_1327 = arith.constant 0 : i32
      %lt3A_1328 = vector.broadcast %lt3A_1327 : i32 to vector<16xi32>
      %lt3A_1329 = arith.cmpi slt, %xor3A_1326, %lt3A_1328 : vector<16xi32>
      %add3A_1330 = arith.constant 16 : i32
      %add3A_1331 = vector.broadcast %add3A_1330 : i32 to vector<16xi32>
      %add3A_1332 = arith.addi %xor3A_1326, %add3A_1331 : vector<16xi32>
      %select_n3A_1333 = arith.select %lt3A_1329, %add3A_1332, %xor3A_1326 : vector<16xi1>, vector<16xi32>
      %broadcast_in_dim3A_1334 = vector.shape_cast %select_n3A_1333 : vector<16xi32> to vector<16x1xi32>
      %gather3A_1335 = vector.shape_cast %broadcast_in_dim3A_1334 : vector<16x1xi32> to vector<16xi32>
      %gather3A_1336 = tpu.dynamic_gather %min3A_1323[%gather3A_1335] in [0] : vector<16xf32>, vector<16xi32> -> vector<16xf32>
      %min3A_1337 = arith.minimumf %min3A_1323, %gather3A_1336 : vector<16xf32>
      %xor3A_1338 = arith.constant 2 : i32
      %xor3A_1339 = vector.broadcast %xor3A_1338 : i32 to vector<16xi32>
      %xor3A_1340 = arith.xori %iota3A, %xor3A_1339 : vector<16xi32>
      %lt3A_1341 = arith.constant 0 : i32
      %lt3A_1342 = vector.broadcast %lt3A_1341 : i32 to vector<16xi32>
      %lt3A_1343 = arith.cmpi slt, %xor3A_1340, %lt3A_1342 : vector<16xi32>
      %add3A_1344 = arith.constant 16 : i32
      %add3A_1345 = vector.broadcast %add3A_1344 : i32 to vector<16xi32>
      %add3A_1346 = arith.addi %xor3A_1340, %add3A_1345 : vector<16xi32>
      %select_n3A_1347 = arith.select %lt3A_1343, %add3A_1346, %xor3A_1340 : vector<16xi1>, vector<16xi32>
      %broadcast_in_dim3A_1348 = vector.shape_cast %select_n3A_1347 : vector<16xi32> to vector<16x1xi32>
      %gather3A_1349 = vector.shape_cast %broadcast_in_dim3A_1348 : vector<16x1xi32> to vector<16xi32>
      %gather3A_1350 = tpu.dynamic_gather %min3A_1337[%gather3A_1349] in [0] : vector<16xf32>, vector<16xi32> -> vector<16xf32>
      %min3A_1351 = arith.minimumf %min3A_1337, %gather3A_1350 : vector<16xf32>
      %xor3A_1352 = arith.constant 4 : i32
      %xor3A_1353 = vector.broadcast %xor3A_1352 : i32 to vector<16xi32>
      %xor3A_1354 = arith.xori %iota3A, %xor3A_1353 : vector<16xi32>
      %lt3A_1355 = arith.constant 0 : i32
      %lt3A_1356 = vector.broadcast %lt3A_1355 : i32 to vector<16xi32>
      %lt3A_1357 = arith.cmpi slt, %xor3A_1354, %lt3A_1356 : vector<16xi32>
      %add3A_1358 = arith.constant 16 : i32
      %add3A_1359 = vector.broadcast %add3A_1358 : i32 to vector<16xi32>
      %add3A_1360 = arith.addi %xor3A_1354, %add3A_1359 : vector<16xi32>
      %select_n3A_1361 = arith.select %lt3A_1357, %add3A_1360, %xor3A_1354 : vector<16xi1>, vector<16xi32>
      %broadcast_in_dim3A_1362 = vector.shape_cast %select_n3A_1361 : vector<16xi32> to vector<16x1xi32>
      %gather3A_1363 = vector.shape_cast %broadcast_in_dim3A_1362 : vector<16x1xi32> to vector<16xi32>
      %gather3A_1364 = tpu.dynamic_gather %min3A_1351[%gather3A_1363] in [0] : vector<16xf32>, vector<16xi32> -> vector<16xf32>
      %min3A_1365 = arith.minimumf %min3A_1351, %gather3A_1364 : vector<16xf32>
      %xor3A_1366 = arith.constant 8 : i32
      %xor3A_1367 = vector.broadcast %xor3A_1366 : i32 to vector<16xi32>
      %xor3A_1368 = arith.xori %iota3A, %xor3A_1367 : vector<16xi32>
      %lt3A_1369 = arith.constant 0 : i32
      %lt3A_1370 = vector.broadcast %lt3A_1369 : i32 to vector<16xi32>
      %lt3A_1371 = arith.cmpi slt, %xor3A_1368, %lt3A_1370 : vector<16xi32>
      %add3A_1372 = arith.constant 16 : i32
      %add3A_1373 = vector.broadcast %add3A_1372 : i32 to vector<16xi32>
      %add3A_1374 = arith.addi %xor3A_1368, %add3A_1373 : vector<16xi32>
      %select_n3A_1375 = arith.select %lt3A_1371, %add3A_1374, %xor3A_1368 : vector<16xi1>, vector<16xi32>
      %broadcast_in_dim3A_1376 = vector.shape_cast %select_n3A_1375 : vector<16xi32> to vector<16x1xi32>
      %gather3A_1377 = vector.shape_cast %broadcast_in_dim3A_1376 : vector<16x1xi32> to vector<16xi32>
      %gather3A_1378 = tpu.dynamic_gather %min3A_1365[%gather3A_1377] in [0] : vector<16xf32>, vector<16xi32> -> vector<16xf32>
      %min3A_1379 = arith.minimumf %min3A_1365, %gather3A_1378 : vector<16xf32>
      %eq3A_1380 = arith.cmpf oeq, %add3A_1224, %min3A_1379 : vector<16xf32>
      %select_n3A_1381 = arith.select %eq3A_1380, %broadcast_in_dim3A_63, %broadcast_in_dim3A_65 : vector<16xi1>, vector<16xi32>
      %eq3A_1382 = arith.cmpf oeq, %add3A_1235, %min3A_1379 : vector<16xf32>
      %select_n3A_1383 = arith.select %eq3A_1382, %broadcast_in_dim3A_63, %broadcast_in_dim3A_65 : vector<16xi1>, vector<16xi32>
      %eq3A_1384 = arith.cmpf oeq, %add3A_1246, %min3A_1379 : vector<16xf32>
      %select_n3A_1385 = arith.select %eq3A_1384, %broadcast_in_dim3A_63, %broadcast_in_dim3A_65 : vector<16xi1>, vector<16xi32>
      %eq3A_1386 = arith.cmpf oeq, %add3A_1257, %min3A_1379 : vector<16xf32>
      %select_n3A_1387 = arith.select %eq3A_1386, %broadcast_in_dim3A_63, %broadcast_in_dim3A_65 : vector<16xi1>, vector<16xi32>
      %eq3A_1388 = arith.cmpf oeq, %add3A_1268, %min3A_1379 : vector<16xf32>
      %select_n3A_1389 = arith.select %eq3A_1388, %broadcast_in_dim3A_63, %broadcast_in_dim3A_65 : vector<16xi1>, vector<16xi32>
      %eq3A_1390 = arith.cmpf oeq, %add3A_1279, %min3A_1379 : vector<16xf32>
      %select_n3A_1391 = arith.select %eq3A_1390, %broadcast_in_dim3A_63, %broadcast_in_dim3A_65 : vector<16xi1>, vector<16xi32>
      %eq3A_1392 = arith.cmpf oeq, %add3A_1290, %min3A_1379 : vector<16xf32>
      %select_n3A_1393 = arith.select %eq3A_1392, %broadcast_in_dim3A_63, %broadcast_in_dim3A_65 : vector<16xi1>, vector<16xi32>
      %eq3A_1394 = arith.cmpf oeq, %add3A_1301, %min3A_1379 : vector<16xf32>
      %select_n3A_1395 = arith.select %eq3A_1394, %broadcast_in_dim3A_63, %broadcast_in_dim3A_65 : vector<16xi1>, vector<16xi32>
      %max3A_1396 = arith.maxsi %select_n3A_1381, %select_n3A_1383 : vector<16xi32>
      %max3A_1397 = arith.maxsi %max3A_1396, %select_n3A_1385 : vector<16xi32>
      %max3A_1398 = arith.maxsi %max3A_1397, %select_n3A_1387 : vector<16xi32>
      %max3A_1399 = arith.maxsi %max3A_1398, %select_n3A_1389 : vector<16xi32>
      %max3A_1400 = arith.maxsi %max3A_1399, %select_n3A_1391 : vector<16xi32>
      %max3A_1401 = arith.maxsi %max3A_1400, %select_n3A_1393 : vector<16xi32>
      %max3A_1402 = arith.maxsi %max3A_1401, %select_n3A_1395 : vector<16xi32>
      %mul3A_1403 = arith.muli %max3A_1402, %iota3A : vector<16xi32>
      %sub3A_1404 = arith.subi %broadcast_in_dim3A_63, %max3A_1402 : vector<16xi32>
      %mul3A_1405 = arith.constant 16 : i32
      %mul3A_1406 = vector.broadcast %mul3A_1405 : i32 to vector<16xi32>
      %mul3A_1407 = arith.muli %sub3A_1404, %mul3A_1406 : vector<16xi32>
      %add3A_1408 = arith.addi %mul3A_1403, %mul3A_1407 : vector<16xi32>
      %xor3A_1409 = arith.constant 1 : i32
      %xor3A_1410 = vector.broadcast %xor3A_1409 : i32 to vector<16xi32>
      %xor3A_1411 = arith.xori %iota3A, %xor3A_1410 : vector<16xi32>
      %lt3A_1412 = arith.constant 0 : i32
      %lt3A_1413 = vector.broadcast %lt3A_1412 : i32 to vector<16xi32>
      %lt3A_1414 = arith.cmpi slt, %xor3A_1411, %lt3A_1413 : vector<16xi32>
      %add3A_1415 = arith.constant 16 : i32
      %add3A_1416 = vector.broadcast %add3A_1415 : i32 to vector<16xi32>
      %add3A_1417 = arith.addi %xor3A_1411, %add3A_1416 : vector<16xi32>
      %select_n3A_1418 = arith.select %lt3A_1414, %add3A_1417, %xor3A_1411 : vector<16xi1>, vector<16xi32>
      %broadcast_in_dim3A_1419 = vector.shape_cast %select_n3A_1418 : vector<16xi32> to vector<16x1xi32>
      %gather3A_1420 = vector.shape_cast %broadcast_in_dim3A_1419 : vector<16x1xi32> to vector<16xi32>
      %gather3A_1421 = tpu.dynamic_gather %add3A_1408[%gather3A_1420] in [0] : vector<16xi32>, vector<16xi32> -> vector<16xi32>
      %min3A_1422 = arith.minsi %add3A_1408, %gather3A_1421 : vector<16xi32>
      %xor3A_1423 = arith.constant 2 : i32
      %xor3A_1424 = vector.broadcast %xor3A_1423 : i32 to vector<16xi32>
      %xor3A_1425 = arith.xori %iota3A, %xor3A_1424 : vector<16xi32>
      %lt3A_1426 = arith.constant 0 : i32
      %lt3A_1427 = vector.broadcast %lt3A_1426 : i32 to vector<16xi32>
      %lt3A_1428 = arith.cmpi slt, %xor3A_1425, %lt3A_1427 : vector<16xi32>
      %add3A_1429 = arith.constant 16 : i32
      %add3A_1430 = vector.broadcast %add3A_1429 : i32 to vector<16xi32>
      %add3A_1431 = arith.addi %xor3A_1425, %add3A_1430 : vector<16xi32>
      %select_n3A_1432 = arith.select %lt3A_1428, %add3A_1431, %xor3A_1425 : vector<16xi1>, vector<16xi32>
      %broadcast_in_dim3A_1433 = vector.shape_cast %select_n3A_1432 : vector<16xi32> to vector<16x1xi32>
      %gather3A_1434 = vector.shape_cast %broadcast_in_dim3A_1433 : vector<16x1xi32> to vector<16xi32>
      %gather3A_1435 = tpu.dynamic_gather %min3A_1422[%gather3A_1434] in [0] : vector<16xi32>, vector<16xi32> -> vector<16xi32>
      %min3A_1436 = arith.minsi %min3A_1422, %gather3A_1435 : vector<16xi32>
      %xor3A_1437 = arith.constant 4 : i32
      %xor3A_1438 = vector.broadcast %xor3A_1437 : i32 to vector<16xi32>
      %xor3A_1439 = arith.xori %iota3A, %xor3A_1438 : vector<16xi32>
      %lt3A_1440 = arith.constant 0 : i32
      %lt3A_1441 = vector.broadcast %lt3A_1440 : i32 to vector<16xi32>
      %lt3A_1442 = arith.cmpi slt, %xor3A_1439, %lt3A_1441 : vector<16xi32>
      %add3A_1443 = arith.constant 16 : i32
      %add3A_1444 = vector.broadcast %add3A_1443 : i32 to vector<16xi32>
      %add3A_1445 = arith.addi %xor3A_1439, %add3A_1444 : vector<16xi32>
      %select_n3A_1446 = arith.select %lt3A_1442, %add3A_1445, %xor3A_1439 : vector<16xi1>, vector<16xi32>
      %broadcast_in_dim3A_1447 = vector.shape_cast %select_n3A_1446 : vector<16xi32> to vector<16x1xi32>
      %gather3A_1448 = vector.shape_cast %broadcast_in_dim3A_1447 : vector<16x1xi32> to vector<16xi32>
      %gather3A_1449 = tpu.dynamic_gather %min3A_1436[%gather3A_1448] in [0] : vector<16xi32>, vector<16xi32> -> vector<16xi32>
      %min3A_1450 = arith.minsi %min3A_1436, %gather3A_1449 : vector<16xi32>
      %xor3A_1451 = arith.constant 8 : i32
      %xor3A_1452 = vector.broadcast %xor3A_1451 : i32 to vector<16xi32>
      %xor3A_1453 = arith.xori %iota3A, %xor3A_1452 : vector<16xi32>
      %lt3A_1454 = arith.constant 0 : i32
      %lt3A_1455 = vector.broadcast %lt3A_1454 : i32 to vector<16xi32>
      %lt3A_1456 = arith.cmpi slt, %xor3A_1453, %lt3A_1455 : vector<16xi32>
      %add3A_1457 = arith.constant 16 : i32
      %add3A_1458 = vector.broadcast %add3A_1457 : i32 to vector<16xi32>
      %add3A_1459 = arith.addi %xor3A_1453, %add3A_1458 : vector<16xi32>
      %select_n3A_1460 = arith.select %lt3A_1456, %add3A_1459, %xor3A_1453 : vector<16xi1>, vector<16xi32>
      %broadcast_in_dim3A_1461 = vector.shape_cast %select_n3A_1460 : vector<16xi32> to vector<16x1xi32>
      %gather3A_1462 = vector.shape_cast %broadcast_in_dim3A_1461 : vector<16x1xi32> to vector<16xi32>
      %gather3A_1463 = tpu.dynamic_gather %min3A_1450[%gather3A_1462] in [0] : vector<16xi32>, vector<16xi32> -> vector<16xi32>
      %min3A_1464 = arith.minsi %min3A_1450, %gather3A_1463 : vector<16xi32>
      %eq3A_1465 = arith.cmpi eq, %iota3A, %min3A_1464 : vector<16xi32>
      %select_n3A_1466 = arith.select %eq3A_1465, %broadcast_in_dim3A_63, %broadcast_in_dim3A_65 : vector<16xi1>, vector<16xi32>
      %mul3A_1467 = arith.muli %select_n3A_1381, %select_n3A_1466 : vector<16xi32>
      %sub3A_1468 = arith.subi %broadcast_in_dim3A_63, %broadcast_in_dim3A_65 : vector<16xi32>
      %mul3A_1469 = arith.muli %mul3A_1467, %sub3A_1468 : vector<16xi32>
      %mul3A_1470 = arith.muli %mul3A_1469, %scan3A_61#8 : vector<16xi32>
      %add3A_1471 = arith.addi %broadcast_in_dim3A_65, %mul3A_1470 : vector<16xi32>
      %convert_element_type3A_1472 = arith.sitofp %mul3A_1469 : vector<16xi32> to vector<16xf32>
      %mul3A_1473 = arith.constant 1.000000e+30 : f32
      %mul3A_1474 = vector.broadcast %mul3A_1473 : f32 to vector<16xf32>
      %mul3A_1475 = arith.mulf %convert_element_type3A_1472, %mul3A_1474 : vector<16xf32>
      %add3A_1476 = arith.addf %add3A_1224, %mul3A_1475 : vector<16xf32>
      %add3A_1477 = arith.addi %broadcast_in_dim3A_65, %mul3A_1469 : vector<16xi32>
      %mul3A_1478 = arith.muli %select_n3A_1383, %select_n3A_1466 : vector<16xi32>
      %sub3A_1479 = arith.subi %broadcast_in_dim3A_63, %add3A_1477 : vector<16xi32>
      %mul3A_1480 = arith.muli %mul3A_1478, %sub3A_1479 : vector<16xi32>
      %mul3A_1481 = arith.muli %mul3A_1480, %scan3A_61#9 : vector<16xi32>
      %add3A_1482 = arith.addi %add3A_1471, %mul3A_1481 : vector<16xi32>
      %convert_element_type3A_1483 = arith.sitofp %mul3A_1480 : vector<16xi32> to vector<16xf32>
      %mul3A_1484 = arith.constant 1.000000e+30 : f32
      %mul3A_1485 = vector.broadcast %mul3A_1484 : f32 to vector<16xf32>
      %mul3A_1486 = arith.mulf %convert_element_type3A_1483, %mul3A_1485 : vector<16xf32>
      %add3A_1487 = arith.addf %add3A_1235, %mul3A_1486 : vector<16xf32>
      %add3A_1488 = arith.addi %add3A_1477, %mul3A_1480 : vector<16xi32>
      %mul3A_1489 = arith.muli %select_n3A_1385, %select_n3A_1466 : vector<16xi32>
      %sub3A_1490 = arith.subi %broadcast_in_dim3A_63, %add3A_1488 : vector<16xi32>
      %mul3A_1491 = arith.muli %mul3A_1489, %sub3A_1490 : vector<16xi32>
      %mul3A_1492 = arith.muli %mul3A_1491, %scan3A_61#10 : vector<16xi32>
      %add3A_1493 = arith.addi %add3A_1482, %mul3A_1492 : vector<16xi32>
      %convert_element_type3A_1494 = arith.sitofp %mul3A_1491 : vector<16xi32> to vector<16xf32>
      %mul3A_1495 = arith.constant 1.000000e+30 : f32
      %mul3A_1496 = vector.broadcast %mul3A_1495 : f32 to vector<16xf32>
      %mul3A_1497 = arith.mulf %convert_element_type3A_1494, %mul3A_1496 : vector<16xf32>
      %add3A_1498 = arith.addf %add3A_1246, %mul3A_1497 : vector<16xf32>
      %add3A_1499 = arith.addi %add3A_1488, %mul3A_1491 : vector<16xi32>
      %mul3A_1500 = arith.muli %select_n3A_1387, %select_n3A_1466 : vector<16xi32>
      %sub3A_1501 = arith.subi %broadcast_in_dim3A_63, %add3A_1499 : vector<16xi32>
      %mul3A_1502 = arith.muli %mul3A_1500, %sub3A_1501 : vector<16xi32>
      %mul3A_1503 = arith.muli %mul3A_1502, %scan3A_61#11 : vector<16xi32>
      %add3A_1504 = arith.addi %add3A_1493, %mul3A_1503 : vector<16xi32>
      %convert_element_type3A_1505 = arith.sitofp %mul3A_1502 : vector<16xi32> to vector<16xf32>
      %mul3A_1506 = arith.constant 1.000000e+30 : f32
      %mul3A_1507 = vector.broadcast %mul3A_1506 : f32 to vector<16xf32>
      %mul3A_1508 = arith.mulf %convert_element_type3A_1505, %mul3A_1507 : vector<16xf32>
      %add3A_1509 = arith.addf %add3A_1257, %mul3A_1508 : vector<16xf32>
      %add3A_1510 = arith.addi %add3A_1499, %mul3A_1502 : vector<16xi32>
      %mul3A_1511 = arith.muli %select_n3A_1389, %select_n3A_1466 : vector<16xi32>
      %sub3A_1512 = arith.subi %broadcast_in_dim3A_63, %add3A_1510 : vector<16xi32>
      %mul3A_1513 = arith.muli %mul3A_1511, %sub3A_1512 : vector<16xi32>
      %mul3A_1514 = arith.muli %mul3A_1513, %scan3A_61#12 : vector<16xi32>
      %add3A_1515 = arith.addi %add3A_1504, %mul3A_1514 : vector<16xi32>
      %convert_element_type3A_1516 = arith.sitofp %mul3A_1513 : vector<16xi32> to vector<16xf32>
      %mul3A_1517 = arith.constant 1.000000e+30 : f32
      %mul3A_1518 = vector.broadcast %mul3A_1517 : f32 to vector<16xf32>
      %mul3A_1519 = arith.mulf %convert_element_type3A_1516, %mul3A_1518 : vector<16xf32>
      %add3A_1520 = arith.addf %add3A_1268, %mul3A_1519 : vector<16xf32>
      %add3A_1521 = arith.addi %add3A_1510, %mul3A_1513 : vector<16xi32>
      %mul3A_1522 = arith.muli %select_n3A_1391, %select_n3A_1466 : vector<16xi32>
      %sub3A_1523 = arith.subi %broadcast_in_dim3A_63, %add3A_1521 : vector<16xi32>
      %mul3A_1524 = arith.muli %mul3A_1522, %sub3A_1523 : vector<16xi32>
      %mul3A_1525 = arith.muli %mul3A_1524, %scan3A_61#13 : vector<16xi32>
      %add3A_1526 = arith.addi %add3A_1515, %mul3A_1525 : vector<16xi32>
      %convert_element_type3A_1527 = arith.sitofp %mul3A_1524 : vector<16xi32> to vector<16xf32>
      %mul3A_1528 = arith.constant 1.000000e+30 : f32
      %mul3A_1529 = vector.broadcast %mul3A_1528 : f32 to vector<16xf32>
      %mul3A_1530 = arith.mulf %convert_element_type3A_1527, %mul3A_1529 : vector<16xf32>
      %add3A_1531 = arith.addf %add3A_1279, %mul3A_1530 : vector<16xf32>
      %add3A_1532 = arith.addi %add3A_1521, %mul3A_1524 : vector<16xi32>
      %mul3A_1533 = arith.muli %select_n3A_1393, %select_n3A_1466 : vector<16xi32>
      %sub3A_1534 = arith.subi %broadcast_in_dim3A_63, %add3A_1532 : vector<16xi32>
      %mul3A_1535 = arith.muli %mul3A_1533, %sub3A_1534 : vector<16xi32>
      %mul3A_1536 = arith.muli %mul3A_1535, %scan3A_61#14 : vector<16xi32>
      %add3A_1537 = arith.addi %add3A_1526, %mul3A_1536 : vector<16xi32>
      %convert_element_type3A_1538 = arith.sitofp %mul3A_1535 : vector<16xi32> to vector<16xf32>
      %mul3A_1539 = arith.constant 1.000000e+30 : f32
      %mul3A_1540 = vector.broadcast %mul3A_1539 : f32 to vector<16xf32>
      %mul3A_1541 = arith.mulf %convert_element_type3A_1538, %mul3A_1540 : vector<16xf32>
      %add3A_1542 = arith.addf %add3A_1290, %mul3A_1541 : vector<16xf32>
      %add3A_1543 = arith.addi %add3A_1532, %mul3A_1535 : vector<16xi32>
      %mul3A_1544 = arith.muli %select_n3A_1395, %select_n3A_1466 : vector<16xi32>
      %sub3A_1545 = arith.subi %broadcast_in_dim3A_63, %add3A_1543 : vector<16xi32>
      %mul3A_1546 = arith.muli %mul3A_1544, %sub3A_1545 : vector<16xi32>
      %mul3A_1547 = arith.muli %mul3A_1546, %scan3A_61#15 : vector<16xi32>
      %add3A_1548 = arith.addi %add3A_1537, %mul3A_1547 : vector<16xi32>
      %convert_element_type3A_1549 = arith.sitofp %mul3A_1546 : vector<16xi32> to vector<16xf32>
      %mul3A_1550 = arith.constant 1.000000e+30 : f32
      %mul3A_1551 = vector.broadcast %mul3A_1550 : f32 to vector<16xf32>
      %mul3A_1552 = arith.mulf %convert_element_type3A_1549, %mul3A_1551 : vector<16xf32>
      %add3A_1553 = arith.addf %add3A_1301, %mul3A_1552 : vector<16xf32>
      %add3A_1554 = arith.addi %add3A_1543, %mul3A_1546 : vector<16xi32>
      %lt3A_1555 = arith.constant 0 : i32
      %lt3A_1556 = vector.broadcast %lt3A_1555 : i32 to vector<16xi32>
      %lt3A_1557 = arith.cmpi slt, %min3A_1464, %lt3A_1556 : vector<16xi32>
      %add3A_1558 = arith.constant 16 : i32
      %add3A_1559 = vector.broadcast %add3A_1558 : i32 to vector<16xi32>
      %add3A_1560 = arith.addi %min3A_1464, %add3A_1559 : vector<16xi32>
      %select_n3A_1561 = arith.select %lt3A_1557, %add3A_1560, %min3A_1464 : vector<16xi1>, vector<16xi32>
      %broadcast_in_dim3A_1562 = vector.shape_cast %select_n3A_1561 : vector<16xi32> to vector<16x1xi32>
      %gather3A_1563 = vector.shape_cast %broadcast_in_dim3A_1562 : vector<16x1xi32> to vector<16xi32>
      %gather3A_1564 = tpu.dynamic_gather %add3A_1548[%gather3A_1563] in [0] : vector<16xi32>, vector<16xi32> -> vector<16xi32>
      %eq3A_1565 = arith.constant 5 : i32
      %eq3A_1566 = vector.broadcast %eq3A_1565 : i32 to vector<16xi32>
      %eq3A_1567 = arith.cmpi eq, %iota3A, %eq3A_1566 : vector<16xi32>
      %select_n3A_1568 = arith.select %eq3A_1567, %gather3A_1564, %select_n3A_1316 : vector<16xi1>, vector<16xi32>
      %min3A_1569 = arith.minimumf %add3A_1476, %add3A_1487 : vector<16xf32>
      %min3A_1570 = arith.minimumf %min3A_1569, %add3A_1498 : vector<16xf32>
      %min3A_1571 = arith.minimumf %min3A_1570, %add3A_1509 : vector<16xf32>
      %min3A_1572 = arith.minimumf %min3A_1571, %add3A_1520 : vector<16xf32>
      %min3A_1573 = arith.minimumf %min3A_1572, %add3A_1531 : vector<16xf32>
      %min3A_1574 = arith.minimumf %min3A_1573, %add3A_1542 : vector<16xf32>
      %min3A_1575 = arith.minimumf %min3A_1574, %add3A_1553 : vector<16xf32>
      %xor3A_1576 = arith.constant 1 : i32
      %xor3A_1577 = vector.broadcast %xor3A_1576 : i32 to vector<16xi32>
      %xor3A_1578 = arith.xori %iota3A, %xor3A_1577 : vector<16xi32>
      %lt3A_1579 = arith.constant 0 : i32
      %lt3A_1580 = vector.broadcast %lt3A_1579 : i32 to vector<16xi32>
      %lt3A_1581 = arith.cmpi slt, %xor3A_1578, %lt3A_1580 : vector<16xi32>
      %add3A_1582 = arith.constant 16 : i32
      %add3A_1583 = vector.broadcast %add3A_1582 : i32 to vector<16xi32>
      %add3A_1584 = arith.addi %xor3A_1578, %add3A_1583 : vector<16xi32>
      %select_n3A_1585 = arith.select %lt3A_1581, %add3A_1584, %xor3A_1578 : vector<16xi1>, vector<16xi32>
      %broadcast_in_dim3A_1586 = vector.shape_cast %select_n3A_1585 : vector<16xi32> to vector<16x1xi32>
      %gather3A_1587 = vector.shape_cast %broadcast_in_dim3A_1586 : vector<16x1xi32> to vector<16xi32>
      %gather3A_1588 = tpu.dynamic_gather %min3A_1575[%gather3A_1587] in [0] : vector<16xf32>, vector<16xi32> -> vector<16xf32>
      %min3A_1589 = arith.minimumf %min3A_1575, %gather3A_1588 : vector<16xf32>
      %xor3A_1590 = arith.constant 2 : i32
      %xor3A_1591 = vector.broadcast %xor3A_1590 : i32 to vector<16xi32>
      %xor3A_1592 = arith.xori %iota3A, %xor3A_1591 : vector<16xi32>
      %lt3A_1593 = arith.constant 0 : i32
      %lt3A_1594 = vector.broadcast %lt3A_1593 : i32 to vector<16xi32>
      %lt3A_1595 = arith.cmpi slt, %xor3A_1592, %lt3A_1594 : vector<16xi32>
      %add3A_1596 = arith.constant 16 : i32
      %add3A_1597 = vector.broadcast %add3A_1596 : i32 to vector<16xi32>
      %add3A_1598 = arith.addi %xor3A_1592, %add3A_1597 : vector<16xi32>
      %select_n3A_1599 = arith.select %lt3A_1595, %add3A_1598, %xor3A_1592 : vector<16xi1>, vector<16xi32>
      %broadcast_in_dim3A_1600 = vector.shape_cast %select_n3A_1599 : vector<16xi32> to vector<16x1xi32>
      %gather3A_1601 = vector.shape_cast %broadcast_in_dim3A_1600 : vector<16x1xi32> to vector<16xi32>
      %gather3A_1602 = tpu.dynamic_gather %min3A_1589[%gather3A_1601] in [0] : vector<16xf32>, vector<16xi32> -> vector<16xf32>
      %min3A_1603 = arith.minimumf %min3A_1589, %gather3A_1602 : vector<16xf32>
      %xor3A_1604 = arith.constant 4 : i32
      %xor3A_1605 = vector.broadcast %xor3A_1604 : i32 to vector<16xi32>
      %xor3A_1606 = arith.xori %iota3A, %xor3A_1605 : vector<16xi32>
      %lt3A_1607 = arith.constant 0 : i32
      %lt3A_1608 = vector.broadcast %lt3A_1607 : i32 to vector<16xi32>
      %lt3A_1609 = arith.cmpi slt, %xor3A_1606, %lt3A_1608 : vector<16xi32>
      %add3A_1610 = arith.constant 16 : i32
      %add3A_1611 = vector.broadcast %add3A_1610 : i32 to vector<16xi32>
      %add3A_1612 = arith.addi %xor3A_1606, %add3A_1611 : vector<16xi32>
      %select_n3A_1613 = arith.select %lt3A_1609, %add3A_1612, %xor3A_1606 : vector<16xi1>, vector<16xi32>
      %broadcast_in_dim3A_1614 = vector.shape_cast %select_n3A_1613 : vector<16xi32> to vector<16x1xi32>
      %gather3A_1615 = vector.shape_cast %broadcast_in_dim3A_1614 : vector<16x1xi32> to vector<16xi32>
      %gather3A_1616 = tpu.dynamic_gather %min3A_1603[%gather3A_1615] in [0] : vector<16xf32>, vector<16xi32> -> vector<16xf32>
      %min3A_1617 = arith.minimumf %min3A_1603, %gather3A_1616 : vector<16xf32>
      %xor3A_1618 = arith.constant 8 : i32
      %xor3A_1619 = vector.broadcast %xor3A_1618 : i32 to vector<16xi32>
      %xor3A_1620 = arith.xori %iota3A, %xor3A_1619 : vector<16xi32>
      %lt3A_1621 = arith.constant 0 : i32
      %lt3A_1622 = vector.broadcast %lt3A_1621 : i32 to vector<16xi32>
      %lt3A_1623 = arith.cmpi slt, %xor3A_1620, %lt3A_1622 : vector<16xi32>
      %add3A_1624 = arith.constant 16 : i32
      %add3A_1625 = vector.broadcast %add3A_1624 : i32 to vector<16xi32>
      %add3A_1626 = arith.addi %xor3A_1620, %add3A_1625 : vector<16xi32>
      %select_n3A_1627 = arith.select %lt3A_1623, %add3A_1626, %xor3A_1620 : vector<16xi1>, vector<16xi32>
      %broadcast_in_dim3A_1628 = vector.shape_cast %select_n3A_1627 : vector<16xi32> to vector<16x1xi32>
      %gather3A_1629 = vector.shape_cast %broadcast_in_dim3A_1628 : vector<16x1xi32> to vector<16xi32>
      %gather3A_1630 = tpu.dynamic_gather %min3A_1617[%gather3A_1629] in [0] : vector<16xf32>, vector<16xi32> -> vector<16xf32>
      %min3A_1631 = arith.minimumf %min3A_1617, %gather3A_1630 : vector<16xf32>
      %eq3A_1632 = arith.cmpf oeq, %add3A_1476, %min3A_1631 : vector<16xf32>
      %select_n3A_1633 = arith.select %eq3A_1632, %broadcast_in_dim3A_63, %broadcast_in_dim3A_65 : vector<16xi1>, vector<16xi32>
      %eq3A_1634 = arith.cmpf oeq, %add3A_1487, %min3A_1631 : vector<16xf32>
      %select_n3A_1635 = arith.select %eq3A_1634, %broadcast_in_dim3A_63, %broadcast_in_dim3A_65 : vector<16xi1>, vector<16xi32>
      %eq3A_1636 = arith.cmpf oeq, %add3A_1498, %min3A_1631 : vector<16xf32>
      %select_n3A_1637 = arith.select %eq3A_1636, %broadcast_in_dim3A_63, %broadcast_in_dim3A_65 : vector<16xi1>, vector<16xi32>
      %eq3A_1638 = arith.cmpf oeq, %add3A_1509, %min3A_1631 : vector<16xf32>
      %select_n3A_1639 = arith.select %eq3A_1638, %broadcast_in_dim3A_63, %broadcast_in_dim3A_65 : vector<16xi1>, vector<16xi32>
      %eq3A_1640 = arith.cmpf oeq, %add3A_1520, %min3A_1631 : vector<16xf32>
      %select_n3A_1641 = arith.select %eq3A_1640, %broadcast_in_dim3A_63, %broadcast_in_dim3A_65 : vector<16xi1>, vector<16xi32>
      %eq3A_1642 = arith.cmpf oeq, %add3A_1531, %min3A_1631 : vector<16xf32>
      %select_n3A_1643 = arith.select %eq3A_1642, %broadcast_in_dim3A_63, %broadcast_in_dim3A_65 : vector<16xi1>, vector<16xi32>
      %eq3A_1644 = arith.cmpf oeq, %add3A_1542, %min3A_1631 : vector<16xf32>
      %select_n3A_1645 = arith.select %eq3A_1644, %broadcast_in_dim3A_63, %broadcast_in_dim3A_65 : vector<16xi1>, vector<16xi32>
      %eq3A_1646 = arith.cmpf oeq, %add3A_1553, %min3A_1631 : vector<16xf32>
      %select_n3A_1647 = arith.select %eq3A_1646, %broadcast_in_dim3A_63, %broadcast_in_dim3A_65 : vector<16xi1>, vector<16xi32>
      %max3A_1648 = arith.maxsi %select_n3A_1633, %select_n3A_1635 : vector<16xi32>
      %max3A_1649 = arith.maxsi %max3A_1648, %select_n3A_1637 : vector<16xi32>
      %max3A_1650 = arith.maxsi %max3A_1649, %select_n3A_1639 : vector<16xi32>
      %max3A_1651 = arith.maxsi %max3A_1650, %select_n3A_1641 : vector<16xi32>
      %max3A_1652 = arith.maxsi %max3A_1651, %select_n3A_1643 : vector<16xi32>
      %max3A_1653 = arith.maxsi %max3A_1652, %select_n3A_1645 : vector<16xi32>
      %max3A_1654 = arith.maxsi %max3A_1653, %select_n3A_1647 : vector<16xi32>
      %mul3A_1655 = arith.muli %max3A_1654, %iota3A : vector<16xi32>
      %sub3A_1656 = arith.subi %broadcast_in_dim3A_63, %max3A_1654 : vector<16xi32>
      %mul3A_1657 = arith.constant 16 : i32
      %mul3A_1658 = vector.broadcast %mul3A_1657 : i32 to vector<16xi32>
      %mul3A_1659 = arith.muli %sub3A_1656, %mul3A_1658 : vector<16xi32>
      %add3A_1660 = arith.addi %mul3A_1655, %mul3A_1659 : vector<16xi32>
      %xor3A_1661 = arith.constant 1 : i32
      %xor3A_1662 = vector.broadcast %xor3A_1661 : i32 to vector<16xi32>
      %xor3A_1663 = arith.xori %iota3A, %xor3A_1662 : vector<16xi32>
      %lt3A_1664 = arith.constant 0 : i32
      %lt3A_1665 = vector.broadcast %lt3A_1664 : i32 to vector<16xi32>
      %lt3A_1666 = arith.cmpi slt, %xor3A_1663, %lt3A_1665 : vector<16xi32>
      %add3A_1667 = arith.constant 16 : i32
      %add3A_1668 = vector.broadcast %add3A_1667 : i32 to vector<16xi32>
      %add3A_1669 = arith.addi %xor3A_1663, %add3A_1668 : vector<16xi32>
      %select_n3A_1670 = arith.select %lt3A_1666, %add3A_1669, %xor3A_1663 : vector<16xi1>, vector<16xi32>
      %broadcast_in_dim3A_1671 = vector.shape_cast %select_n3A_1670 : vector<16xi32> to vector<16x1xi32>
      %gather3A_1672 = vector.shape_cast %broadcast_in_dim3A_1671 : vector<16x1xi32> to vector<16xi32>
      %gather3A_1673 = tpu.dynamic_gather %add3A_1660[%gather3A_1672] in [0] : vector<16xi32>, vector<16xi32> -> vector<16xi32>
      %min3A_1674 = arith.minsi %add3A_1660, %gather3A_1673 : vector<16xi32>
      %xor3A_1675 = arith.constant 2 : i32
      %xor3A_1676 = vector.broadcast %xor3A_1675 : i32 to vector<16xi32>
      %xor3A_1677 = arith.xori %iota3A, %xor3A_1676 : vector<16xi32>
      %lt3A_1678 = arith.constant 0 : i32
      %lt3A_1679 = vector.broadcast %lt3A_1678 : i32 to vector<16xi32>
      %lt3A_1680 = arith.cmpi slt, %xor3A_1677, %lt3A_1679 : vector<16xi32>
      %add3A_1681 = arith.constant 16 : i32
      %add3A_1682 = vector.broadcast %add3A_1681 : i32 to vector<16xi32>
      %add3A_1683 = arith.addi %xor3A_1677, %add3A_1682 : vector<16xi32>
      %select_n3A_1684 = arith.select %lt3A_1680, %add3A_1683, %xor3A_1677 : vector<16xi1>, vector<16xi32>
      %broadcast_in_dim3A_1685 = vector.shape_cast %select_n3A_1684 : vector<16xi32> to vector<16x1xi32>
      %gather3A_1686 = vector.shape_cast %broadcast_in_dim3A_1685 : vector<16x1xi32> to vector<16xi32>
      %gather3A_1687 = tpu.dynamic_gather %min3A_1674[%gather3A_1686] in [0] : vector<16xi32>, vector<16xi32> -> vector<16xi32>
      %min3A_1688 = arith.minsi %min3A_1674, %gather3A_1687 : vector<16xi32>
      %xor3A_1689 = arith.constant 4 : i32
      %xor3A_1690 = vector.broadcast %xor3A_1689 : i32 to vector<16xi32>
      %xor3A_1691 = arith.xori %iota3A, %xor3A_1690 : vector<16xi32>
      %lt3A_1692 = arith.constant 0 : i32
      %lt3A_1693 = vector.broadcast %lt3A_1692 : i32 to vector<16xi32>
      %lt3A_1694 = arith.cmpi slt, %xor3A_1691, %lt3A_1693 : vector<16xi32>
      %add3A_1695 = arith.constant 16 : i32
      %add3A_1696 = vector.broadcast %add3A_1695 : i32 to vector<16xi32>
      %add3A_1697 = arith.addi %xor3A_1691, %add3A_1696 : vector<16xi32>
      %select_n3A_1698 = arith.select %lt3A_1694, %add3A_1697, %xor3A_1691 : vector<16xi1>, vector<16xi32>
      %broadcast_in_dim3A_1699 = vector.shape_cast %select_n3A_1698 : vector<16xi32> to vector<16x1xi32>
      %gather3A_1700 = vector.shape_cast %broadcast_in_dim3A_1699 : vector<16x1xi32> to vector<16xi32>
      %gather3A_1701 = tpu.dynamic_gather %min3A_1688[%gather3A_1700] in [0] : vector<16xi32>, vector<16xi32> -> vector<16xi32>
      %min3A_1702 = arith.minsi %min3A_1688, %gather3A_1701 : vector<16xi32>
      %xor3A_1703 = arith.constant 8 : i32
      %xor3A_1704 = vector.broadcast %xor3A_1703 : i32 to vector<16xi32>
      %xor3A_1705 = arith.xori %iota3A, %xor3A_1704 : vector<16xi32>
      %lt3A_1706 = arith.constant 0 : i32
      %lt3A_1707 = vector.broadcast %lt3A_1706 : i32 to vector<16xi32>
      %lt3A_1708 = arith.cmpi slt, %xor3A_1705, %lt3A_1707 : vector<16xi32>
      %add3A_1709 = arith.constant 16 : i32
      %add3A_1710 = vector.broadcast %add3A_1709 : i32 to vector<16xi32>
      %add3A_1711 = arith.addi %xor3A_1705, %add3A_1710 : vector<16xi32>
      %select_n3A_1712 = arith.select %lt3A_1708, %add3A_1711, %xor3A_1705 : vector<16xi1>, vector<16xi32>
      %broadcast_in_dim3A_1713 = vector.shape_cast %select_n3A_1712 : vector<16xi32> to vector<16x1xi32>
      %gather3A_1714 = vector.shape_cast %broadcast_in_dim3A_1713 : vector<16x1xi32> to vector<16xi32>
      %gather3A_1715 = tpu.dynamic_gather %min3A_1702[%gather3A_1714] in [0] : vector<16xi32>, vector<16xi32> -> vector<16xi32>
      %min3A_1716 = arith.minsi %min3A_1702, %gather3A_1715 : vector<16xi32>
      %eq3A_1717 = arith.cmpi eq, %iota3A, %min3A_1716 : vector<16xi32>
      %select_n3A_1718 = arith.select %eq3A_1717, %broadcast_in_dim3A_63, %broadcast_in_dim3A_65 : vector<16xi1>, vector<16xi32>
      %mul3A_1719 = arith.muli %select_n3A_1633, %select_n3A_1718 : vector<16xi32>
      %sub3A_1720 = arith.subi %broadcast_in_dim3A_63, %broadcast_in_dim3A_65 : vector<16xi32>
      %mul3A_1721 = arith.muli %mul3A_1719, %sub3A_1720 : vector<16xi32>
      %mul3A_1722 = arith.muli %mul3A_1721, %scan3A_61#8 : vector<16xi32>
      %add3A_1723 = arith.addi %broadcast_in_dim3A_65, %mul3A_1722 : vector<16xi32>
      %convert_element_type3A_1724 = arith.sitofp %mul3A_1721 : vector<16xi32> to vector<16xf32>
      %mul3A_1725 = arith.constant 1.000000e+30 : f32
      %mul3A_1726 = vector.broadcast %mul3A_1725 : f32 to vector<16xf32>
      %mul3A_1727 = arith.mulf %convert_element_type3A_1724, %mul3A_1726 : vector<16xf32>
      %add3A_1728 = arith.addf %add3A_1476, %mul3A_1727 : vector<16xf32>
      %add3A_1729 = arith.addi %broadcast_in_dim3A_65, %mul3A_1721 : vector<16xi32>
      %mul3A_1730 = arith.muli %select_n3A_1635, %select_n3A_1718 : vector<16xi32>
      %sub3A_1731 = arith.subi %broadcast_in_dim3A_63, %add3A_1729 : vector<16xi32>
      %mul3A_1732 = arith.muli %mul3A_1730, %sub3A_1731 : vector<16xi32>
      %mul3A_1733 = arith.muli %mul3A_1732, %scan3A_61#9 : vector<16xi32>
      %add3A_1734 = arith.addi %add3A_1723, %mul3A_1733 : vector<16xi32>
      %convert_element_type3A_1735 = arith.sitofp %mul3A_1732 : vector<16xi32> to vector<16xf32>
      %mul3A_1736 = arith.constant 1.000000e+30 : f32
      %mul3A_1737 = vector.broadcast %mul3A_1736 : f32 to vector<16xf32>
      %mul3A_1738 = arith.mulf %convert_element_type3A_1735, %mul3A_1737 : vector<16xf32>
      %add3A_1739 = arith.addf %add3A_1487, %mul3A_1738 : vector<16xf32>
      %add3A_1740 = arith.addi %add3A_1729, %mul3A_1732 : vector<16xi32>
      %mul3A_1741 = arith.muli %select_n3A_1637, %select_n3A_1718 : vector<16xi32>
      %sub3A_1742 = arith.subi %broadcast_in_dim3A_63, %add3A_1740 : vector<16xi32>
      %mul3A_1743 = arith.muli %mul3A_1741, %sub3A_1742 : vector<16xi32>
      %mul3A_1744 = arith.muli %mul3A_1743, %scan3A_61#10 : vector<16xi32>
      %add3A_1745 = arith.addi %add3A_1734, %mul3A_1744 : vector<16xi32>
      %convert_element_type3A_1746 = arith.sitofp %mul3A_1743 : vector<16xi32> to vector<16xf32>
      %mul3A_1747 = arith.constant 1.000000e+30 : f32
      %mul3A_1748 = vector.broadcast %mul3A_1747 : f32 to vector<16xf32>
      %mul3A_1749 = arith.mulf %convert_element_type3A_1746, %mul3A_1748 : vector<16xf32>
      %add3A_1750 = arith.addf %add3A_1498, %mul3A_1749 : vector<16xf32>
      %add3A_1751 = arith.addi %add3A_1740, %mul3A_1743 : vector<16xi32>
      %mul3A_1752 = arith.muli %select_n3A_1639, %select_n3A_1718 : vector<16xi32>
      %sub3A_1753 = arith.subi %broadcast_in_dim3A_63, %add3A_1751 : vector<16xi32>
      %mul3A_1754 = arith.muli %mul3A_1752, %sub3A_1753 : vector<16xi32>
      %mul3A_1755 = arith.muli %mul3A_1754, %scan3A_61#11 : vector<16xi32>
      %add3A_1756 = arith.addi %add3A_1745, %mul3A_1755 : vector<16xi32>
      %convert_element_type3A_1757 = arith.sitofp %mul3A_1754 : vector<16xi32> to vector<16xf32>
      %mul3A_1758 = arith.constant 1.000000e+30 : f32
      %mul3A_1759 = vector.broadcast %mul3A_1758 : f32 to vector<16xf32>
      %mul3A_1760 = arith.mulf %convert_element_type3A_1757, %mul3A_1759 : vector<16xf32>
      %add3A_1761 = arith.addf %add3A_1509, %mul3A_1760 : vector<16xf32>
      %add3A_1762 = arith.addi %add3A_1751, %mul3A_1754 : vector<16xi32>
      %mul3A_1763 = arith.muli %select_n3A_1641, %select_n3A_1718 : vector<16xi32>
      %sub3A_1764 = arith.subi %broadcast_in_dim3A_63, %add3A_1762 : vector<16xi32>
      %mul3A_1765 = arith.muli %mul3A_1763, %sub3A_1764 : vector<16xi32>
      %mul3A_1766 = arith.muli %mul3A_1765, %scan3A_61#12 : vector<16xi32>
      %add3A_1767 = arith.addi %add3A_1756, %mul3A_1766 : vector<16xi32>
      %convert_element_type3A_1768 = arith.sitofp %mul3A_1765 : vector<16xi32> to vector<16xf32>
      %mul3A_1769 = arith.constant 1.000000e+30 : f32
      %mul3A_1770 = vector.broadcast %mul3A_1769 : f32 to vector<16xf32>
      %mul3A_1771 = arith.mulf %convert_element_type3A_1768, %mul3A_1770 : vector<16xf32>
      %add3A_1772 = arith.addf %add3A_1520, %mul3A_1771 : vector<16xf32>
      %add3A_1773 = arith.addi %add3A_1762, %mul3A_1765 : vector<16xi32>
      %mul3A_1774 = arith.muli %select_n3A_1643, %select_n3A_1718 : vector<16xi32>
      %sub3A_1775 = arith.subi %broadcast_in_dim3A_63, %add3A_1773 : vector<16xi32>
      %mul3A_1776 = arith.muli %mul3A_1774, %sub3A_1775 : vector<16xi32>
      %mul3A_1777 = arith.muli %mul3A_1776, %scan3A_61#13 : vector<16xi32>
      %add3A_1778 = arith.addi %add3A_1767, %mul3A_1777 : vector<16xi32>
      %convert_element_type3A_1779 = arith.sitofp %mul3A_1776 : vector<16xi32> to vector<16xf32>
      %mul3A_1780 = arith.constant 1.000000e+30 : f32
      %mul3A_1781 = vector.broadcast %mul3A_1780 : f32 to vector<16xf32>
      %mul3A_1782 = arith.mulf %convert_element_type3A_1779, %mul3A_1781 : vector<16xf32>
      %add3A_1783 = arith.addf %add3A_1531, %mul3A_1782 : vector<16xf32>
      %add3A_1784 = arith.addi %add3A_1773, %mul3A_1776 : vector<16xi32>
      %mul3A_1785 = arith.muli %select_n3A_1645, %select_n3A_1718 : vector<16xi32>
      %sub3A_1786 = arith.subi %broadcast_in_dim3A_63, %add3A_1784 : vector<16xi32>
      %mul3A_1787 = arith.muli %mul3A_1785, %sub3A_1786 : vector<16xi32>
      %mul3A_1788 = arith.muli %mul3A_1787, %scan3A_61#14 : vector<16xi32>
      %add3A_1789 = arith.addi %add3A_1778, %mul3A_1788 : vector<16xi32>
      %convert_element_type3A_1790 = arith.sitofp %mul3A_1787 : vector<16xi32> to vector<16xf32>
      %mul3A_1791 = arith.constant 1.000000e+30 : f32
      %mul3A_1792 = vector.broadcast %mul3A_1791 : f32 to vector<16xf32>
      %mul3A_1793 = arith.mulf %convert_element_type3A_1790, %mul3A_1792 : vector<16xf32>
      %add3A_1794 = arith.addf %add3A_1542, %mul3A_1793 : vector<16xf32>
      %add3A_1795 = arith.addi %add3A_1784, %mul3A_1787 : vector<16xi32>
      %mul3A_1796 = arith.muli %select_n3A_1647, %select_n3A_1718 : vector<16xi32>
      %sub3A_1797 = arith.subi %broadcast_in_dim3A_63, %add3A_1795 : vector<16xi32>
      %mul3A_1798 = arith.muli %mul3A_1796, %sub3A_1797 : vector<16xi32>
      %mul3A_1799 = arith.muli %mul3A_1798, %scan3A_61#15 : vector<16xi32>
      %add3A_1800 = arith.addi %add3A_1789, %mul3A_1799 : vector<16xi32>
      %convert_element_type3A_1801 = arith.sitofp %mul3A_1798 : vector<16xi32> to vector<16xf32>
      %mul3A_1802 = arith.constant 1.000000e+30 : f32
      %mul3A_1803 = vector.broadcast %mul3A_1802 : f32 to vector<16xf32>
      %mul3A_1804 = arith.mulf %convert_element_type3A_1801, %mul3A_1803 : vector<16xf32>
      %add3A_1805 = arith.addf %add3A_1553, %mul3A_1804 : vector<16xf32>
      %add3A_1806 = arith.addi %add3A_1795, %mul3A_1798 : vector<16xi32>
      %lt3A_1807 = arith.constant 0 : i32
      %lt3A_1808 = vector.broadcast %lt3A_1807 : i32 to vector<16xi32>
      %lt3A_1809 = arith.cmpi slt, %min3A_1716, %lt3A_1808 : vector<16xi32>
      %add3A_1810 = arith.constant 16 : i32
      %add3A_1811 = vector.broadcast %add3A_1810 : i32 to vector<16xi32>
      %add3A_1812 = arith.addi %min3A_1716, %add3A_1811 : vector<16xi32>
      %select_n3A_1813 = arith.select %lt3A_1809, %add3A_1812, %min3A_1716 : vector<16xi1>, vector<16xi32>
      %broadcast_in_dim3A_1814 = vector.shape_cast %select_n3A_1813 : vector<16xi32> to vector<16x1xi32>
      %gather3A_1815 = vector.shape_cast %broadcast_in_dim3A_1814 : vector<16x1xi32> to vector<16xi32>
      %gather3A_1816 = tpu.dynamic_gather %add3A_1800[%gather3A_1815] in [0] : vector<16xi32>, vector<16xi32> -> vector<16xi32>
      %eq3A_1817 = arith.constant 6 : i32
      %eq3A_1818 = vector.broadcast %eq3A_1817 : i32 to vector<16xi32>
      %eq3A_1819 = arith.cmpi eq, %iota3A, %eq3A_1818 : vector<16xi32>
      %select_n3A_1820 = arith.select %eq3A_1819, %gather3A_1816, %select_n3A_1568 : vector<16xi1>, vector<16xi32>
      %min3A_1821 = arith.minimumf %add3A_1728, %add3A_1739 : vector<16xf32>
      %min3A_1822 = arith.minimumf %min3A_1821, %add3A_1750 : vector<16xf32>
      %min3A_1823 = arith.minimumf %min3A_1822, %add3A_1761 : vector<16xf32>
      %min3A_1824 = arith.minimumf %min3A_1823, %add3A_1772 : vector<16xf32>
      %min3A_1825 = arith.minimumf %min3A_1824, %add3A_1783 : vector<16xf32>
      %min3A_1826 = arith.minimumf %min3A_1825, %add3A_1794 : vector<16xf32>
      %min3A_1827 = arith.minimumf %min3A_1826, %add3A_1805 : vector<16xf32>
      %xor3A_1828 = arith.constant 1 : i32
      %xor3A_1829 = vector.broadcast %xor3A_1828 : i32 to vector<16xi32>
      %xor3A_1830 = arith.xori %iota3A, %xor3A_1829 : vector<16xi32>
      %lt3A_1831 = arith.constant 0 : i32
      %lt3A_1832 = vector.broadcast %lt3A_1831 : i32 to vector<16xi32>
      %lt3A_1833 = arith.cmpi slt, %xor3A_1830, %lt3A_1832 : vector<16xi32>
      %add3A_1834 = arith.constant 16 : i32
      %add3A_1835 = vector.broadcast %add3A_1834 : i32 to vector<16xi32>
      %add3A_1836 = arith.addi %xor3A_1830, %add3A_1835 : vector<16xi32>
      %select_n3A_1837 = arith.select %lt3A_1833, %add3A_1836, %xor3A_1830 : vector<16xi1>, vector<16xi32>
      %broadcast_in_dim3A_1838 = vector.shape_cast %select_n3A_1837 : vector<16xi32> to vector<16x1xi32>
      %gather3A_1839 = vector.shape_cast %broadcast_in_dim3A_1838 : vector<16x1xi32> to vector<16xi32>
      %gather3A_1840 = tpu.dynamic_gather %min3A_1827[%gather3A_1839] in [0] : vector<16xf32>, vector<16xi32> -> vector<16xf32>
      %min3A_1841 = arith.minimumf %min3A_1827, %gather3A_1840 : vector<16xf32>
      %xor3A_1842 = arith.constant 2 : i32
      %xor3A_1843 = vector.broadcast %xor3A_1842 : i32 to vector<16xi32>
      %xor3A_1844 = arith.xori %iota3A, %xor3A_1843 : vector<16xi32>
      %lt3A_1845 = arith.constant 0 : i32
      %lt3A_1846 = vector.broadcast %lt3A_1845 : i32 to vector<16xi32>
      %lt3A_1847 = arith.cmpi slt, %xor3A_1844, %lt3A_1846 : vector<16xi32>
      %add3A_1848 = arith.constant 16 : i32
      %add3A_1849 = vector.broadcast %add3A_1848 : i32 to vector<16xi32>
      %add3A_1850 = arith.addi %xor3A_1844, %add3A_1849 : vector<16xi32>
      %select_n3A_1851 = arith.select %lt3A_1847, %add3A_1850, %xor3A_1844 : vector<16xi1>, vector<16xi32>
      %broadcast_in_dim3A_1852 = vector.shape_cast %select_n3A_1851 : vector<16xi32> to vector<16x1xi32>
      %gather3A_1853 = vector.shape_cast %broadcast_in_dim3A_1852 : vector<16x1xi32> to vector<16xi32>
      %gather3A_1854 = tpu.dynamic_gather %min3A_1841[%gather3A_1853] in [0] : vector<16xf32>, vector<16xi32> -> vector<16xf32>
      %min3A_1855 = arith.minimumf %min3A_1841, %gather3A_1854 : vector<16xf32>
      %xor3A_1856 = arith.constant 4 : i32
      %xor3A_1857 = vector.broadcast %xor3A_1856 : i32 to vector<16xi32>
      %xor3A_1858 = arith.xori %iota3A, %xor3A_1857 : vector<16xi32>
      %lt3A_1859 = arith.constant 0 : i32
      %lt3A_1860 = vector.broadcast %lt3A_1859 : i32 to vector<16xi32>
      %lt3A_1861 = arith.cmpi slt, %xor3A_1858, %lt3A_1860 : vector<16xi32>
      %add3A_1862 = arith.constant 16 : i32
      %add3A_1863 = vector.broadcast %add3A_1862 : i32 to vector<16xi32>
      %add3A_1864 = arith.addi %xor3A_1858, %add3A_1863 : vector<16xi32>
      %select_n3A_1865 = arith.select %lt3A_1861, %add3A_1864, %xor3A_1858 : vector<16xi1>, vector<16xi32>
      %broadcast_in_dim3A_1866 = vector.shape_cast %select_n3A_1865 : vector<16xi32> to vector<16x1xi32>
      %gather3A_1867 = vector.shape_cast %broadcast_in_dim3A_1866 : vector<16x1xi32> to vector<16xi32>
      %gather3A_1868 = tpu.dynamic_gather %min3A_1855[%gather3A_1867] in [0] : vector<16xf32>, vector<16xi32> -> vector<16xf32>
      %min3A_1869 = arith.minimumf %min3A_1855, %gather3A_1868 : vector<16xf32>
      %xor3A_1870 = arith.constant 8 : i32
      %xor3A_1871 = vector.broadcast %xor3A_1870 : i32 to vector<16xi32>
      %xor3A_1872 = arith.xori %iota3A, %xor3A_1871 : vector<16xi32>
      %lt3A_1873 = arith.constant 0 : i32
      %lt3A_1874 = vector.broadcast %lt3A_1873 : i32 to vector<16xi32>
      %lt3A_1875 = arith.cmpi slt, %xor3A_1872, %lt3A_1874 : vector<16xi32>
      %add3A_1876 = arith.constant 16 : i32
      %add3A_1877 = vector.broadcast %add3A_1876 : i32 to vector<16xi32>
      %add3A_1878 = arith.addi %xor3A_1872, %add3A_1877 : vector<16xi32>
      %select_n3A_1879 = arith.select %lt3A_1875, %add3A_1878, %xor3A_1872 : vector<16xi1>, vector<16xi32>
      %broadcast_in_dim3A_1880 = vector.shape_cast %select_n3A_1879 : vector<16xi32> to vector<16x1xi32>
      %gather3A_1881 = vector.shape_cast %broadcast_in_dim3A_1880 : vector<16x1xi32> to vector<16xi32>
      %gather3A_1882 = tpu.dynamic_gather %min3A_1869[%gather3A_1881] in [0] : vector<16xf32>, vector<16xi32> -> vector<16xf32>
      %min3A_1883 = arith.minimumf %min3A_1869, %gather3A_1882 : vector<16xf32>
      %eq3A_1884 = arith.cmpf oeq, %add3A_1728, %min3A_1883 : vector<16xf32>
      %select_n3A_1885 = arith.select %eq3A_1884, %broadcast_in_dim3A_63, %broadcast_in_dim3A_65 : vector<16xi1>, vector<16xi32>
      %eq3A_1886 = arith.cmpf oeq, %add3A_1739, %min3A_1883 : vector<16xf32>
      %select_n3A_1887 = arith.select %eq3A_1886, %broadcast_in_dim3A_63, %broadcast_in_dim3A_65 : vector<16xi1>, vector<16xi32>
      %eq3A_1888 = arith.cmpf oeq, %add3A_1750, %min3A_1883 : vector<16xf32>
      %select_n3A_1889 = arith.select %eq3A_1888, %broadcast_in_dim3A_63, %broadcast_in_dim3A_65 : vector<16xi1>, vector<16xi32>
      %eq3A_1890 = arith.cmpf oeq, %add3A_1761, %min3A_1883 : vector<16xf32>
      %select_n3A_1891 = arith.select %eq3A_1890, %broadcast_in_dim3A_63, %broadcast_in_dim3A_65 : vector<16xi1>, vector<16xi32>
      %eq3A_1892 = arith.cmpf oeq, %add3A_1772, %min3A_1883 : vector<16xf32>
      %select_n3A_1893 = arith.select %eq3A_1892, %broadcast_in_dim3A_63, %broadcast_in_dim3A_65 : vector<16xi1>, vector<16xi32>
      %eq3A_1894 = arith.cmpf oeq, %add3A_1783, %min3A_1883 : vector<16xf32>
      %select_n3A_1895 = arith.select %eq3A_1894, %broadcast_in_dim3A_63, %broadcast_in_dim3A_65 : vector<16xi1>, vector<16xi32>
      %eq3A_1896 = arith.cmpf oeq, %add3A_1794, %min3A_1883 : vector<16xf32>
      %select_n3A_1897 = arith.select %eq3A_1896, %broadcast_in_dim3A_63, %broadcast_in_dim3A_65 : vector<16xi1>, vector<16xi32>
      %eq3A_1898 = arith.cmpf oeq, %add3A_1805, %min3A_1883 : vector<16xf32>
      %select_n3A_1899 = arith.select %eq3A_1898, %broadcast_in_dim3A_63, %broadcast_in_dim3A_65 : vector<16xi1>, vector<16xi32>
      %max3A_1900 = arith.maxsi %select_n3A_1885, %select_n3A_1887 : vector<16xi32>
      %max3A_1901 = arith.maxsi %max3A_1900, %select_n3A_1889 : vector<16xi32>
      %max3A_1902 = arith.maxsi %max3A_1901, %select_n3A_1891 : vector<16xi32>
      %max3A_1903 = arith.maxsi %max3A_1902, %select_n3A_1893 : vector<16xi32>
      %max3A_1904 = arith.maxsi %max3A_1903, %select_n3A_1895 : vector<16xi32>
      %max3A_1905 = arith.maxsi %max3A_1904, %select_n3A_1897 : vector<16xi32>
      %max3A_1906 = arith.maxsi %max3A_1905, %select_n3A_1899 : vector<16xi32>
      %mul3A_1907 = arith.muli %max3A_1906, %iota3A : vector<16xi32>
      %sub3A_1908 = arith.subi %broadcast_in_dim3A_63, %max3A_1906 : vector<16xi32>
      %mul3A_1909 = arith.constant 16 : i32
      %mul3A_1910 = vector.broadcast %mul3A_1909 : i32 to vector<16xi32>
      %mul3A_1911 = arith.muli %sub3A_1908, %mul3A_1910 : vector<16xi32>
      %add3A_1912 = arith.addi %mul3A_1907, %mul3A_1911 : vector<16xi32>
      %xor3A_1913 = arith.constant 1 : i32
      %xor3A_1914 = vector.broadcast %xor3A_1913 : i32 to vector<16xi32>
      %xor3A_1915 = arith.xori %iota3A, %xor3A_1914 : vector<16xi32>
      %lt3A_1916 = arith.constant 0 : i32
      %lt3A_1917 = vector.broadcast %lt3A_1916 : i32 to vector<16xi32>
      %lt3A_1918 = arith.cmpi slt, %xor3A_1915, %lt3A_1917 : vector<16xi32>
      %add3A_1919 = arith.constant 16 : i32
      %add3A_1920 = vector.broadcast %add3A_1919 : i32 to vector<16xi32>
      %add3A_1921 = arith.addi %xor3A_1915, %add3A_1920 : vector<16xi32>
      %select_n3A_1922 = arith.select %lt3A_1918, %add3A_1921, %xor3A_1915 : vector<16xi1>, vector<16xi32>
      %broadcast_in_dim3A_1923 = vector.shape_cast %select_n3A_1922 : vector<16xi32> to vector<16x1xi32>
      %gather3A_1924 = vector.shape_cast %broadcast_in_dim3A_1923 : vector<16x1xi32> to vector<16xi32>
      %gather3A_1925 = tpu.dynamic_gather %add3A_1912[%gather3A_1924] in [0] : vector<16xi32>, vector<16xi32> -> vector<16xi32>
      %min3A_1926 = arith.minsi %add3A_1912, %gather3A_1925 : vector<16xi32>
      %xor3A_1927 = arith.constant 2 : i32
      %xor3A_1928 = vector.broadcast %xor3A_1927 : i32 to vector<16xi32>
      %xor3A_1929 = arith.xori %iota3A, %xor3A_1928 : vector<16xi32>
      %lt3A_1930 = arith.constant 0 : i32
      %lt3A_1931 = vector.broadcast %lt3A_1930 : i32 to vector<16xi32>
      %lt3A_1932 = arith.cmpi slt, %xor3A_1929, %lt3A_1931 : vector<16xi32>
      %add3A_1933 = arith.constant 16 : i32
      %add3A_1934 = vector.broadcast %add3A_1933 : i32 to vector<16xi32>
      %add3A_1935 = arith.addi %xor3A_1929, %add3A_1934 : vector<16xi32>
      %select_n3A_1936 = arith.select %lt3A_1932, %add3A_1935, %xor3A_1929 : vector<16xi1>, vector<16xi32>
      %broadcast_in_dim3A_1937 = vector.shape_cast %select_n3A_1936 : vector<16xi32> to vector<16x1xi32>
      %gather3A_1938 = vector.shape_cast %broadcast_in_dim3A_1937 : vector<16x1xi32> to vector<16xi32>
      %gather3A_1939 = tpu.dynamic_gather %min3A_1926[%gather3A_1938] in [0] : vector<16xi32>, vector<16xi32> -> vector<16xi32>
      %min3A_1940 = arith.minsi %min3A_1926, %gather3A_1939 : vector<16xi32>
      %xor3A_1941 = arith.constant 4 : i32
      %xor3A_1942 = vector.broadcast %xor3A_1941 : i32 to vector<16xi32>
      %xor3A_1943 = arith.xori %iota3A, %xor3A_1942 : vector<16xi32>
      %lt3A_1944 = arith.constant 0 : i32
      %lt3A_1945 = vector.broadcast %lt3A_1944 : i32 to vector<16xi32>
      %lt3A_1946 = arith.cmpi slt, %xor3A_1943, %lt3A_1945 : vector<16xi32>
      %add3A_1947 = arith.constant 16 : i32
      %add3A_1948 = vector.broadcast %add3A_1947 : i32 to vector<16xi32>
      %add3A_1949 = arith.addi %xor3A_1943, %add3A_1948 : vector<16xi32>
      %select_n3A_1950 = arith.select %lt3A_1946, %add3A_1949, %xor3A_1943 : vector<16xi1>, vector<16xi32>
      %broadcast_in_dim3A_1951 = vector.shape_cast %select_n3A_1950 : vector<16xi32> to vector<16x1xi32>
      %gather3A_1952 = vector.shape_cast %broadcast_in_dim3A_1951 : vector<16x1xi32> to vector<16xi32>
      %gather3A_1953 = tpu.dynamic_gather %min3A_1940[%gather3A_1952] in [0] : vector<16xi32>, vector<16xi32> -> vector<16xi32>
      %min3A_1954 = arith.minsi %min3A_1940, %gather3A_1953 : vector<16xi32>
      %xor3A_1955 = arith.constant 8 : i32
      %xor3A_1956 = vector.broadcast %xor3A_1955 : i32 to vector<16xi32>
      %xor3A_1957 = arith.xori %iota3A, %xor3A_1956 : vector<16xi32>
      %lt3A_1958 = arith.constant 0 : i32
      %lt3A_1959 = vector.broadcast %lt3A_1958 : i32 to vector<16xi32>
      %lt3A_1960 = arith.cmpi slt, %xor3A_1957, %lt3A_1959 : vector<16xi32>
      %add3A_1961 = arith.constant 16 : i32
      %add3A_1962 = vector.broadcast %add3A_1961 : i32 to vector<16xi32>
      %add3A_1963 = arith.addi %xor3A_1957, %add3A_1962 : vector<16xi32>
      %select_n3A_1964 = arith.select %lt3A_1960, %add3A_1963, %xor3A_1957 : vector<16xi1>, vector<16xi32>
      %broadcast_in_dim3A_1965 = vector.shape_cast %select_n3A_1964 : vector<16xi32> to vector<16x1xi32>
      %gather3A_1966 = vector.shape_cast %broadcast_in_dim3A_1965 : vector<16x1xi32> to vector<16xi32>
      %gather3A_1967 = tpu.dynamic_gather %min3A_1954[%gather3A_1966] in [0] : vector<16xi32>, vector<16xi32> -> vector<16xi32>
      %min3A_1968 = arith.minsi %min3A_1954, %gather3A_1967 : vector<16xi32>
      %eq3A_1969 = arith.cmpi eq, %iota3A, %min3A_1968 : vector<16xi32>
      %select_n3A_1970 = arith.select %eq3A_1969, %broadcast_in_dim3A_63, %broadcast_in_dim3A_65 : vector<16xi1>, vector<16xi32>
      %mul3A_1971 = arith.muli %select_n3A_1885, %select_n3A_1970 : vector<16xi32>
      %sub3A_1972 = arith.subi %broadcast_in_dim3A_63, %broadcast_in_dim3A_65 : vector<16xi32>
      %mul3A_1973 = arith.muli %mul3A_1971, %sub3A_1972 : vector<16xi32>
      %mul3A_1974 = arith.muli %mul3A_1973, %scan3A_61#8 : vector<16xi32>
      %add3A_1975 = arith.addi %broadcast_in_dim3A_65, %mul3A_1974 : vector<16xi32>
      %convert_element_type3A_1976 = arith.sitofp %mul3A_1973 : vector<16xi32> to vector<16xf32>
      %mul3A_1977 = arith.constant 1.000000e+30 : f32
      %mul3A_1978 = vector.broadcast %mul3A_1977 : f32 to vector<16xf32>
      %mul3A_1979 = arith.mulf %convert_element_type3A_1976, %mul3A_1978 : vector<16xf32>
      %add3A_1980 = arith.addf %add3A_1728, %mul3A_1979 : vector<16xf32>
      %add3A_1981 = arith.addi %broadcast_in_dim3A_65, %mul3A_1973 : vector<16xi32>
      %mul3A_1982 = arith.muli %select_n3A_1887, %select_n3A_1970 : vector<16xi32>
      %sub3A_1983 = arith.subi %broadcast_in_dim3A_63, %add3A_1981 : vector<16xi32>
      %mul3A_1984 = arith.muli %mul3A_1982, %sub3A_1983 : vector<16xi32>
      %mul3A_1985 = arith.muli %mul3A_1984, %scan3A_61#9 : vector<16xi32>
      %add3A_1986 = arith.addi %add3A_1975, %mul3A_1985 : vector<16xi32>
      %convert_element_type3A_1987 = arith.sitofp %mul3A_1984 : vector<16xi32> to vector<16xf32>
      %mul3A_1988 = arith.constant 1.000000e+30 : f32
      %mul3A_1989 = vector.broadcast %mul3A_1988 : f32 to vector<16xf32>
      %mul3A_1990 = arith.mulf %convert_element_type3A_1987, %mul3A_1989 : vector<16xf32>
      %add3A_1991 = arith.addf %add3A_1739, %mul3A_1990 : vector<16xf32>
      %add3A_1992 = arith.addi %add3A_1981, %mul3A_1984 : vector<16xi32>
      %mul3A_1993 = arith.muli %select_n3A_1889, %select_n3A_1970 : vector<16xi32>
      %sub3A_1994 = arith.subi %broadcast_in_dim3A_63, %add3A_1992 : vector<16xi32>
      %mul3A_1995 = arith.muli %mul3A_1993, %sub3A_1994 : vector<16xi32>
      %mul3A_1996 = arith.muli %mul3A_1995, %scan3A_61#10 : vector<16xi32>
      %add3A_1997 = arith.addi %add3A_1986, %mul3A_1996 : vector<16xi32>
      %convert_element_type3A_1998 = arith.sitofp %mul3A_1995 : vector<16xi32> to vector<16xf32>
      %mul3A_1999 = arith.constant 1.000000e+30 : f32
      %mul3A_2000 = vector.broadcast %mul3A_1999 : f32 to vector<16xf32>
      %mul3A_2001 = arith.mulf %convert_element_type3A_1998, %mul3A_2000 : vector<16xf32>
      %add3A_2002 = arith.addf %add3A_1750, %mul3A_2001 : vector<16xf32>
      %add3A_2003 = arith.addi %add3A_1992, %mul3A_1995 : vector<16xi32>
      %mul3A_2004 = arith.muli %select_n3A_1891, %select_n3A_1970 : vector<16xi32>
      %sub3A_2005 = arith.subi %broadcast_in_dim3A_63, %add3A_2003 : vector<16xi32>
      %mul3A_2006 = arith.muli %mul3A_2004, %sub3A_2005 : vector<16xi32>
      %mul3A_2007 = arith.muli %mul3A_2006, %scan3A_61#11 : vector<16xi32>
      %add3A_2008 = arith.addi %add3A_1997, %mul3A_2007 : vector<16xi32>
      %convert_element_type3A_2009 = arith.sitofp %mul3A_2006 : vector<16xi32> to vector<16xf32>
      %mul3A_2010 = arith.constant 1.000000e+30 : f32
      %mul3A_2011 = vector.broadcast %mul3A_2010 : f32 to vector<16xf32>
      %mul3A_2012 = arith.mulf %convert_element_type3A_2009, %mul3A_2011 : vector<16xf32>
      %add3A_2013 = arith.addf %add3A_1761, %mul3A_2012 : vector<16xf32>
      %add3A_2014 = arith.addi %add3A_2003, %mul3A_2006 : vector<16xi32>
      %mul3A_2015 = arith.muli %select_n3A_1893, %select_n3A_1970 : vector<16xi32>
      %sub3A_2016 = arith.subi %broadcast_in_dim3A_63, %add3A_2014 : vector<16xi32>
      %mul3A_2017 = arith.muli %mul3A_2015, %sub3A_2016 : vector<16xi32>
      %mul3A_2018 = arith.muli %mul3A_2017, %scan3A_61#12 : vector<16xi32>
      %add3A_2019 = arith.addi %add3A_2008, %mul3A_2018 : vector<16xi32>
      %convert_element_type3A_2020 = arith.sitofp %mul3A_2017 : vector<16xi32> to vector<16xf32>
      %mul3A_2021 = arith.constant 1.000000e+30 : f32
      %mul3A_2022 = vector.broadcast %mul3A_2021 : f32 to vector<16xf32>
      %mul3A_2023 = arith.mulf %convert_element_type3A_2020, %mul3A_2022 : vector<16xf32>
      %add3A_2024 = arith.addf %add3A_1772, %mul3A_2023 : vector<16xf32>
      %add3A_2025 = arith.addi %add3A_2014, %mul3A_2017 : vector<16xi32>
      %mul3A_2026 = arith.muli %select_n3A_1895, %select_n3A_1970 : vector<16xi32>
      %sub3A_2027 = arith.subi %broadcast_in_dim3A_63, %add3A_2025 : vector<16xi32>
      %mul3A_2028 = arith.muli %mul3A_2026, %sub3A_2027 : vector<16xi32>
      %mul3A_2029 = arith.muli %mul3A_2028, %scan3A_61#13 : vector<16xi32>
      %add3A_2030 = arith.addi %add3A_2019, %mul3A_2029 : vector<16xi32>
      %convert_element_type3A_2031 = arith.sitofp %mul3A_2028 : vector<16xi32> to vector<16xf32>
      %mul3A_2032 = arith.constant 1.000000e+30 : f32
      %mul3A_2033 = vector.broadcast %mul3A_2032 : f32 to vector<16xf32>
      %mul3A_2034 = arith.mulf %convert_element_type3A_2031, %mul3A_2033 : vector<16xf32>
      %add3A_2035 = arith.addf %add3A_1783, %mul3A_2034 : vector<16xf32>
      %add3A_2036 = arith.addi %add3A_2025, %mul3A_2028 : vector<16xi32>
      %mul3A_2037 = arith.muli %select_n3A_1897, %select_n3A_1970 : vector<16xi32>
      %sub3A_2038 = arith.subi %broadcast_in_dim3A_63, %add3A_2036 : vector<16xi32>
      %mul3A_2039 = arith.muli %mul3A_2037, %sub3A_2038 : vector<16xi32>
      %mul3A_2040 = arith.muli %mul3A_2039, %scan3A_61#14 : vector<16xi32>
      %add3A_2041 = arith.addi %add3A_2030, %mul3A_2040 : vector<16xi32>
      %convert_element_type3A_2042 = arith.sitofp %mul3A_2039 : vector<16xi32> to vector<16xf32>
      %mul3A_2043 = arith.constant 1.000000e+30 : f32
      %mul3A_2044 = vector.broadcast %mul3A_2043 : f32 to vector<16xf32>
      %mul3A_2045 = arith.mulf %convert_element_type3A_2042, %mul3A_2044 : vector<16xf32>
      %add3A_2046 = arith.addf %add3A_1794, %mul3A_2045 : vector<16xf32>
      %add3A_2047 = arith.addi %add3A_2036, %mul3A_2039 : vector<16xi32>
      %mul3A_2048 = arith.muli %select_n3A_1899, %select_n3A_1970 : vector<16xi32>
      %sub3A_2049 = arith.subi %broadcast_in_dim3A_63, %add3A_2047 : vector<16xi32>
      %mul3A_2050 = arith.muli %mul3A_2048, %sub3A_2049 : vector<16xi32>
      %mul3A_2051 = arith.muli %mul3A_2050, %scan3A_61#15 : vector<16xi32>
      %add3A_2052 = arith.addi %add3A_2041, %mul3A_2051 : vector<16xi32>
      %convert_element_type3A_2053 = arith.sitofp %mul3A_2050 : vector<16xi32> to vector<16xf32>
      %mul3A_2054 = arith.constant 1.000000e+30 : f32
      %mul3A_2055 = vector.broadcast %mul3A_2054 : f32 to vector<16xf32>
      %mul3A_2056 = arith.mulf %convert_element_type3A_2053, %mul3A_2055 : vector<16xf32>
      %add3A_2057 = arith.addf %add3A_1805, %mul3A_2056 : vector<16xf32>
      %add3A_2058 = arith.addi %add3A_2047, %mul3A_2050 : vector<16xi32>
      %lt3A_2059 = arith.constant 0 : i32
      %lt3A_2060 = vector.broadcast %lt3A_2059 : i32 to vector<16xi32>
      %lt3A_2061 = arith.cmpi slt, %min3A_1968, %lt3A_2060 : vector<16xi32>
      %add3A_2062 = arith.constant 16 : i32
      %add3A_2063 = vector.broadcast %add3A_2062 : i32 to vector<16xi32>
      %add3A_2064 = arith.addi %min3A_1968, %add3A_2063 : vector<16xi32>
      %select_n3A_2065 = arith.select %lt3A_2061, %add3A_2064, %min3A_1968 : vector<16xi1>, vector<16xi32>
      %broadcast_in_dim3A_2066 = vector.shape_cast %select_n3A_2065 : vector<16xi32> to vector<16x1xi32>
      %gather3A_2067 = vector.shape_cast %broadcast_in_dim3A_2066 : vector<16x1xi32> to vector<16xi32>
      %gather3A_2068 = tpu.dynamic_gather %add3A_2052[%gather3A_2067] in [0] : vector<16xi32>, vector<16xi32> -> vector<16xi32>
      %eq3A_2069 = arith.constant 7 : i32
      %eq3A_2070 = vector.broadcast %eq3A_2069 : i32 to vector<16xi32>
      %eq3A_2071 = arith.cmpi eq, %iota3A, %eq3A_2070 : vector<16xi32>
      %select_n3A_2072 = arith.select %eq3A_2071, %gather3A_2068, %select_n3A_1820 : vector<16xi1>, vector<16xi32>
      %min3A_2073 = arith.minimumf %add3A_1980, %add3A_1991 : vector<16xf32>
      %min3A_2074 = arith.minimumf %min3A_2073, %add3A_2002 : vector<16xf32>
      %min3A_2075 = arith.minimumf %min3A_2074, %add3A_2013 : vector<16xf32>
      %min3A_2076 = arith.minimumf %min3A_2075, %add3A_2024 : vector<16xf32>
      %min3A_2077 = arith.minimumf %min3A_2076, %add3A_2035 : vector<16xf32>
      %min3A_2078 = arith.minimumf %min3A_2077, %add3A_2046 : vector<16xf32>
      %min3A_2079 = arith.minimumf %min3A_2078, %add3A_2057 : vector<16xf32>
      %xor3A_2080 = arith.constant 1 : i32
      %xor3A_2081 = vector.broadcast %xor3A_2080 : i32 to vector<16xi32>
      %xor3A_2082 = arith.xori %iota3A, %xor3A_2081 : vector<16xi32>
      %lt3A_2083 = arith.constant 0 : i32
      %lt3A_2084 = vector.broadcast %lt3A_2083 : i32 to vector<16xi32>
      %lt3A_2085 = arith.cmpi slt, %xor3A_2082, %lt3A_2084 : vector<16xi32>
      %add3A_2086 = arith.constant 16 : i32
      %add3A_2087 = vector.broadcast %add3A_2086 : i32 to vector<16xi32>
      %add3A_2088 = arith.addi %xor3A_2082, %add3A_2087 : vector<16xi32>
      %select_n3A_2089 = arith.select %lt3A_2085, %add3A_2088, %xor3A_2082 : vector<16xi1>, vector<16xi32>
      %broadcast_in_dim3A_2090 = vector.shape_cast %select_n3A_2089 : vector<16xi32> to vector<16x1xi32>
      %gather3A_2091 = vector.shape_cast %broadcast_in_dim3A_2090 : vector<16x1xi32> to vector<16xi32>
      %gather3A_2092 = tpu.dynamic_gather %min3A_2079[%gather3A_2091] in [0] : vector<16xf32>, vector<16xi32> -> vector<16xf32>
      %min3A_2093 = arith.minimumf %min3A_2079, %gather3A_2092 : vector<16xf32>
      %xor3A_2094 = arith.constant 2 : i32
      %xor3A_2095 = vector.broadcast %xor3A_2094 : i32 to vector<16xi32>
      %xor3A_2096 = arith.xori %iota3A, %xor3A_2095 : vector<16xi32>
      %lt3A_2097 = arith.constant 0 : i32
      %lt3A_2098 = vector.broadcast %lt3A_2097 : i32 to vector<16xi32>
      %lt3A_2099 = arith.cmpi slt, %xor3A_2096, %lt3A_2098 : vector<16xi32>
      %add3A_2100 = arith.constant 16 : i32
      %add3A_2101 = vector.broadcast %add3A_2100 : i32 to vector<16xi32>
      %add3A_2102 = arith.addi %xor3A_2096, %add3A_2101 : vector<16xi32>
      %select_n3A_2103 = arith.select %lt3A_2099, %add3A_2102, %xor3A_2096 : vector<16xi1>, vector<16xi32>
      %broadcast_in_dim3A_2104 = vector.shape_cast %select_n3A_2103 : vector<16xi32> to vector<16x1xi32>
      %gather3A_2105 = vector.shape_cast %broadcast_in_dim3A_2104 : vector<16x1xi32> to vector<16xi32>
      %gather3A_2106 = tpu.dynamic_gather %min3A_2093[%gather3A_2105] in [0] : vector<16xf32>, vector<16xi32> -> vector<16xf32>
      %min3A_2107 = arith.minimumf %min3A_2093, %gather3A_2106 : vector<16xf32>
      %xor3A_2108 = arith.constant 4 : i32
      %xor3A_2109 = vector.broadcast %xor3A_2108 : i32 to vector<16xi32>
      %xor3A_2110 = arith.xori %iota3A, %xor3A_2109 : vector<16xi32>
      %lt3A_2111 = arith.constant 0 : i32
      %lt3A_2112 = vector.broadcast %lt3A_2111 : i32 to vector<16xi32>
      %lt3A_2113 = arith.cmpi slt, %xor3A_2110, %lt3A_2112 : vector<16xi32>
      %add3A_2114 = arith.constant 16 : i32
      %add3A_2115 = vector.broadcast %add3A_2114 : i32 to vector<16xi32>
      %add3A_2116 = arith.addi %xor3A_2110, %add3A_2115 : vector<16xi32>
      %select_n3A_2117 = arith.select %lt3A_2113, %add3A_2116, %xor3A_2110 : vector<16xi1>, vector<16xi32>
      %broadcast_in_dim3A_2118 = vector.shape_cast %select_n3A_2117 : vector<16xi32> to vector<16x1xi32>
      %gather3A_2119 = vector.shape_cast %broadcast_in_dim3A_2118 : vector<16x1xi32> to vector<16xi32>
      %gather3A_2120 = tpu.dynamic_gather %min3A_2107[%gather3A_2119] in [0] : vector<16xf32>, vector<16xi32> -> vector<16xf32>
      %min3A_2121 = arith.minimumf %min3A_2107, %gather3A_2120 : vector<16xf32>
      %xor3A_2122 = arith.constant 8 : i32
      %xor3A_2123 = vector.broadcast %xor3A_2122 : i32 to vector<16xi32>
      %xor3A_2124 = arith.xori %iota3A, %xor3A_2123 : vector<16xi32>
      %lt3A_2125 = arith.constant 0 : i32
      %lt3A_2126 = vector.broadcast %lt3A_2125 : i32 to vector<16xi32>
      %lt3A_2127 = arith.cmpi slt, %xor3A_2124, %lt3A_2126 : vector<16xi32>
      %add3A_2128 = arith.constant 16 : i32
      %add3A_2129 = vector.broadcast %add3A_2128 : i32 to vector<16xi32>
      %add3A_2130 = arith.addi %xor3A_2124, %add3A_2129 : vector<16xi32>
      %select_n3A_2131 = arith.select %lt3A_2127, %add3A_2130, %xor3A_2124 : vector<16xi1>, vector<16xi32>
      %broadcast_in_dim3A_2132 = vector.shape_cast %select_n3A_2131 : vector<16xi32> to vector<16x1xi32>
      %gather3A_2133 = vector.shape_cast %broadcast_in_dim3A_2132 : vector<16x1xi32> to vector<16xi32>
      %gather3A_2134 = tpu.dynamic_gather %min3A_2121[%gather3A_2133] in [0] : vector<16xf32>, vector<16xi32> -> vector<16xf32>
      %min3A_2135 = arith.minimumf %min3A_2121, %gather3A_2134 : vector<16xf32>
      %eq3A_2136 = arith.cmpf oeq, %add3A_1980, %min3A_2135 : vector<16xf32>
      %select_n3A_2137 = arith.select %eq3A_2136, %broadcast_in_dim3A_63, %broadcast_in_dim3A_65 : vector<16xi1>, vector<16xi32>
      %eq3A_2138 = arith.cmpf oeq, %add3A_1991, %min3A_2135 : vector<16xf32>
      %select_n3A_2139 = arith.select %eq3A_2138, %broadcast_in_dim3A_63, %broadcast_in_dim3A_65 : vector<16xi1>, vector<16xi32>
      %eq3A_2140 = arith.cmpf oeq, %add3A_2002, %min3A_2135 : vector<16xf32>
      %select_n3A_2141 = arith.select %eq3A_2140, %broadcast_in_dim3A_63, %broadcast_in_dim3A_65 : vector<16xi1>, vector<16xi32>
      %eq3A_2142 = arith.cmpf oeq, %add3A_2013, %min3A_2135 : vector<16xf32>
      %select_n3A_2143 = arith.select %eq3A_2142, %broadcast_in_dim3A_63, %broadcast_in_dim3A_65 : vector<16xi1>, vector<16xi32>
      %eq3A_2144 = arith.cmpf oeq, %add3A_2024, %min3A_2135 : vector<16xf32>
      %select_n3A_2145 = arith.select %eq3A_2144, %broadcast_in_dim3A_63, %broadcast_in_dim3A_65 : vector<16xi1>, vector<16xi32>
      %eq3A_2146 = arith.cmpf oeq, %add3A_2035, %min3A_2135 : vector<16xf32>
      %select_n3A_2147 = arith.select %eq3A_2146, %broadcast_in_dim3A_63, %broadcast_in_dim3A_65 : vector<16xi1>, vector<16xi32>
      %eq3A_2148 = arith.cmpf oeq, %add3A_2046, %min3A_2135 : vector<16xf32>
      %select_n3A_2149 = arith.select %eq3A_2148, %broadcast_in_dim3A_63, %broadcast_in_dim3A_65 : vector<16xi1>, vector<16xi32>
      %eq3A_2150 = arith.cmpf oeq, %add3A_2057, %min3A_2135 : vector<16xf32>
      %select_n3A_2151 = arith.select %eq3A_2150, %broadcast_in_dim3A_63, %broadcast_in_dim3A_65 : vector<16xi1>, vector<16xi32>
      %max3A_2152 = arith.maxsi %select_n3A_2137, %select_n3A_2139 : vector<16xi32>
      %max3A_2153 = arith.maxsi %max3A_2152, %select_n3A_2141 : vector<16xi32>
      %max3A_2154 = arith.maxsi %max3A_2153, %select_n3A_2143 : vector<16xi32>
      %max3A_2155 = arith.maxsi %max3A_2154, %select_n3A_2145 : vector<16xi32>
      %max3A_2156 = arith.maxsi %max3A_2155, %select_n3A_2147 : vector<16xi32>
      %max3A_2157 = arith.maxsi %max3A_2156, %select_n3A_2149 : vector<16xi32>
      %max3A_2158 = arith.maxsi %max3A_2157, %select_n3A_2151 : vector<16xi32>
      %mul3A_2159 = arith.muli %max3A_2158, %iota3A : vector<16xi32>
      %sub3A_2160 = arith.subi %broadcast_in_dim3A_63, %max3A_2158 : vector<16xi32>
      %mul3A_2161 = arith.constant 16 : i32
      %mul3A_2162 = vector.broadcast %mul3A_2161 : i32 to vector<16xi32>
      %mul3A_2163 = arith.muli %sub3A_2160, %mul3A_2162 : vector<16xi32>
      %add3A_2164 = arith.addi %mul3A_2159, %mul3A_2163 : vector<16xi32>
      %xor3A_2165 = arith.constant 1 : i32
      %xor3A_2166 = vector.broadcast %xor3A_2165 : i32 to vector<16xi32>
      %xor3A_2167 = arith.xori %iota3A, %xor3A_2166 : vector<16xi32>
      %lt3A_2168 = arith.constant 0 : i32
      %lt3A_2169 = vector.broadcast %lt3A_2168 : i32 to vector<16xi32>
      %lt3A_2170 = arith.cmpi slt, %xor3A_2167, %lt3A_2169 : vector<16xi32>
      %add3A_2171 = arith.constant 16 : i32
      %add3A_2172 = vector.broadcast %add3A_2171 : i32 to vector<16xi32>
      %add3A_2173 = arith.addi %xor3A_2167, %add3A_2172 : vector<16xi32>
      %select_n3A_2174 = arith.select %lt3A_2170, %add3A_2173, %xor3A_2167 : vector<16xi1>, vector<16xi32>
      %broadcast_in_dim3A_2175 = vector.shape_cast %select_n3A_2174 : vector<16xi32> to vector<16x1xi32>
      %gather3A_2176 = vector.shape_cast %broadcast_in_dim3A_2175 : vector<16x1xi32> to vector<16xi32>
      %gather3A_2177 = tpu.dynamic_gather %add3A_2164[%gather3A_2176] in [0] : vector<16xi32>, vector<16xi32> -> vector<16xi32>
      %min3A_2178 = arith.minsi %add3A_2164, %gather3A_2177 : vector<16xi32>
      %xor3A_2179 = arith.constant 2 : i32
      %xor3A_2180 = vector.broadcast %xor3A_2179 : i32 to vector<16xi32>
      %xor3A_2181 = arith.xori %iota3A, %xor3A_2180 : vector<16xi32>
      %lt3A_2182 = arith.constant 0 : i32
      %lt3A_2183 = vector.broadcast %lt3A_2182 : i32 to vector<16xi32>
      %lt3A_2184 = arith.cmpi slt, %xor3A_2181, %lt3A_2183 : vector<16xi32>
      %add3A_2185 = arith.constant 16 : i32
      %add3A_2186 = vector.broadcast %add3A_2185 : i32 to vector<16xi32>
      %add3A_2187 = arith.addi %xor3A_2181, %add3A_2186 : vector<16xi32>
      %select_n3A_2188 = arith.select %lt3A_2184, %add3A_2187, %xor3A_2181 : vector<16xi1>, vector<16xi32>
      %broadcast_in_dim3A_2189 = vector.shape_cast %select_n3A_2188 : vector<16xi32> to vector<16x1xi32>
      %gather3A_2190 = vector.shape_cast %broadcast_in_dim3A_2189 : vector<16x1xi32> to vector<16xi32>
      %gather3A_2191 = tpu.dynamic_gather %min3A_2178[%gather3A_2190] in [0] : vector<16xi32>, vector<16xi32> -> vector<16xi32>
      %min3A_2192 = arith.minsi %min3A_2178, %gather3A_2191 : vector<16xi32>
      %xor3A_2193 = arith.constant 4 : i32
      %xor3A_2194 = vector.broadcast %xor3A_2193 : i32 to vector<16xi32>
      %xor3A_2195 = arith.xori %iota3A, %xor3A_2194 : vector<16xi32>
      %lt3A_2196 = arith.constant 0 : i32
      %lt3A_2197 = vector.broadcast %lt3A_2196 : i32 to vector<16xi32>
      %lt3A_2198 = arith.cmpi slt, %xor3A_2195, %lt3A_2197 : vector<16xi32>
      %add3A_2199 = arith.constant 16 : i32
      %add3A_2200 = vector.broadcast %add3A_2199 : i32 to vector<16xi32>
      %add3A_2201 = arith.addi %xor3A_2195, %add3A_2200 : vector<16xi32>
      %select_n3A_2202 = arith.select %lt3A_2198, %add3A_2201, %xor3A_2195 : vector<16xi1>, vector<16xi32>
      %broadcast_in_dim3A_2203 = vector.shape_cast %select_n3A_2202 : vector<16xi32> to vector<16x1xi32>
      %gather3A_2204 = vector.shape_cast %broadcast_in_dim3A_2203 : vector<16x1xi32> to vector<16xi32>
      %gather3A_2205 = tpu.dynamic_gather %min3A_2192[%gather3A_2204] in [0] : vector<16xi32>, vector<16xi32> -> vector<16xi32>
      %min3A_2206 = arith.minsi %min3A_2192, %gather3A_2205 : vector<16xi32>
      %xor3A_2207 = arith.constant 8 : i32
      %xor3A_2208 = vector.broadcast %xor3A_2207 : i32 to vector<16xi32>
      %xor3A_2209 = arith.xori %iota3A, %xor3A_2208 : vector<16xi32>
      %lt3A_2210 = arith.constant 0 : i32
      %lt3A_2211 = vector.broadcast %lt3A_2210 : i32 to vector<16xi32>
      %lt3A_2212 = arith.cmpi slt, %xor3A_2209, %lt3A_2211 : vector<16xi32>
      %add3A_2213 = arith.constant 16 : i32
      %add3A_2214 = vector.broadcast %add3A_2213 : i32 to vector<16xi32>
      %add3A_2215 = arith.addi %xor3A_2209, %add3A_2214 : vector<16xi32>
      %select_n3A_2216 = arith.select %lt3A_2212, %add3A_2215, %xor3A_2209 : vector<16xi1>, vector<16xi32>
      %broadcast_in_dim3A_2217 = vector.shape_cast %select_n3A_2216 : vector<16xi32> to vector<16x1xi32>
      %gather3A_2218 = vector.shape_cast %broadcast_in_dim3A_2217 : vector<16x1xi32> to vector<16xi32>
      %gather3A_2219 = tpu.dynamic_gather %min3A_2206[%gather3A_2218] in [0] : vector<16xi32>, vector<16xi32> -> vector<16xi32>
      %min3A_2220 = arith.minsi %min3A_2206, %gather3A_2219 : vector<16xi32>
      %eq3A_2221 = arith.cmpi eq, %iota3A, %min3A_2220 : vector<16xi32>
      %select_n3A_2222 = arith.select %eq3A_2221, %broadcast_in_dim3A_63, %broadcast_in_dim3A_65 : vector<16xi1>, vector<16xi32>
      %mul3A_2223 = arith.muli %select_n3A_2137, %select_n3A_2222 : vector<16xi32>
      %sub3A_2224 = arith.subi %broadcast_in_dim3A_63, %broadcast_in_dim3A_65 : vector<16xi32>
      %mul3A_2225 = arith.muli %mul3A_2223, %sub3A_2224 : vector<16xi32>
      %mul3A_2226 = arith.muli %mul3A_2225, %scan3A_61#8 : vector<16xi32>
      %add3A_2227 = arith.addi %broadcast_in_dim3A_65, %mul3A_2226 : vector<16xi32>
      %convert_element_type3A_2228 = arith.sitofp %mul3A_2225 : vector<16xi32> to vector<16xf32>
      %mul3A_2229 = arith.constant 1.000000e+30 : f32
      %mul3A_2230 = vector.broadcast %mul3A_2229 : f32 to vector<16xf32>
      %mul3A_2231 = arith.mulf %convert_element_type3A_2228, %mul3A_2230 : vector<16xf32>
      %add3A_2232 = arith.addf %add3A_1980, %mul3A_2231 : vector<16xf32>
      %add3A_2233 = arith.addi %broadcast_in_dim3A_65, %mul3A_2225 : vector<16xi32>
      %mul3A_2234 = arith.muli %select_n3A_2139, %select_n3A_2222 : vector<16xi32>
      %sub3A_2235 = arith.subi %broadcast_in_dim3A_63, %add3A_2233 : vector<16xi32>
      %mul3A_2236 = arith.muli %mul3A_2234, %sub3A_2235 : vector<16xi32>
      %mul3A_2237 = arith.muli %mul3A_2236, %scan3A_61#9 : vector<16xi32>
      %add3A_2238 = arith.addi %add3A_2227, %mul3A_2237 : vector<16xi32>
      %convert_element_type3A_2239 = arith.sitofp %mul3A_2236 : vector<16xi32> to vector<16xf32>
      %mul3A_2240 = arith.constant 1.000000e+30 : f32
      %mul3A_2241 = vector.broadcast %mul3A_2240 : f32 to vector<16xf32>
      %mul3A_2242 = arith.mulf %convert_element_type3A_2239, %mul3A_2241 : vector<16xf32>
      %add3A_2243 = arith.addf %add3A_1991, %mul3A_2242 : vector<16xf32>
      %add3A_2244 = arith.addi %add3A_2233, %mul3A_2236 : vector<16xi32>
      %mul3A_2245 = arith.muli %select_n3A_2141, %select_n3A_2222 : vector<16xi32>
      %sub3A_2246 = arith.subi %broadcast_in_dim3A_63, %add3A_2244 : vector<16xi32>
      %mul3A_2247 = arith.muli %mul3A_2245, %sub3A_2246 : vector<16xi32>
      %mul3A_2248 = arith.muli %mul3A_2247, %scan3A_61#10 : vector<16xi32>
      %add3A_2249 = arith.addi %add3A_2238, %mul3A_2248 : vector<16xi32>
      %convert_element_type3A_2250 = arith.sitofp %mul3A_2247 : vector<16xi32> to vector<16xf32>
      %mul3A_2251 = arith.constant 1.000000e+30 : f32
      %mul3A_2252 = vector.broadcast %mul3A_2251 : f32 to vector<16xf32>
      %mul3A_2253 = arith.mulf %convert_element_type3A_2250, %mul3A_2252 : vector<16xf32>
      %add3A_2254 = arith.addf %add3A_2002, %mul3A_2253 : vector<16xf32>
      %add3A_2255 = arith.addi %add3A_2244, %mul3A_2247 : vector<16xi32>
      %mul3A_2256 = arith.muli %select_n3A_2143, %select_n3A_2222 : vector<16xi32>
      %sub3A_2257 = arith.subi %broadcast_in_dim3A_63, %add3A_2255 : vector<16xi32>
      %mul3A_2258 = arith.muli %mul3A_2256, %sub3A_2257 : vector<16xi32>
      %mul3A_2259 = arith.muli %mul3A_2258, %scan3A_61#11 : vector<16xi32>
      %add3A_2260 = arith.addi %add3A_2249, %mul3A_2259 : vector<16xi32>
      %convert_element_type3A_2261 = arith.sitofp %mul3A_2258 : vector<16xi32> to vector<16xf32>
      %mul3A_2262 = arith.constant 1.000000e+30 : f32
      %mul3A_2263 = vector.broadcast %mul3A_2262 : f32 to vector<16xf32>
      %mul3A_2264 = arith.mulf %convert_element_type3A_2261, %mul3A_2263 : vector<16xf32>
      %add3A_2265 = arith.addf %add3A_2013, %mul3A_2264 : vector<16xf32>
      %add3A_2266 = arith.addi %add3A_2255, %mul3A_2258 : vector<16xi32>
      %mul3A_2267 = arith.muli %select_n3A_2145, %select_n3A_2222 : vector<16xi32>
      %sub3A_2268 = arith.subi %broadcast_in_dim3A_63, %add3A_2266 : vector<16xi32>
      %mul3A_2269 = arith.muli %mul3A_2267, %sub3A_2268 : vector<16xi32>
      %mul3A_2270 = arith.muli %mul3A_2269, %scan3A_61#12 : vector<16xi32>
      %add3A_2271 = arith.addi %add3A_2260, %mul3A_2270 : vector<16xi32>
      %convert_element_type3A_2272 = arith.sitofp %mul3A_2269 : vector<16xi32> to vector<16xf32>
      %mul3A_2273 = arith.constant 1.000000e+30 : f32
      %mul3A_2274 = vector.broadcast %mul3A_2273 : f32 to vector<16xf32>
      %mul3A_2275 = arith.mulf %convert_element_type3A_2272, %mul3A_2274 : vector<16xf32>
      %add3A_2276 = arith.addf %add3A_2024, %mul3A_2275 : vector<16xf32>
      %add3A_2277 = arith.addi %add3A_2266, %mul3A_2269 : vector<16xi32>
      %mul3A_2278 = arith.muli %select_n3A_2147, %select_n3A_2222 : vector<16xi32>
      %sub3A_2279 = arith.subi %broadcast_in_dim3A_63, %add3A_2277 : vector<16xi32>
      %mul3A_2280 = arith.muli %mul3A_2278, %sub3A_2279 : vector<16xi32>
      %mul3A_2281 = arith.muli %mul3A_2280, %scan3A_61#13 : vector<16xi32>
      %add3A_2282 = arith.addi %add3A_2271, %mul3A_2281 : vector<16xi32>
      %convert_element_type3A_2283 = arith.sitofp %mul3A_2280 : vector<16xi32> to vector<16xf32>
      %mul3A_2284 = arith.constant 1.000000e+30 : f32
      %mul3A_2285 = vector.broadcast %mul3A_2284 : f32 to vector<16xf32>
      %mul3A_2286 = arith.mulf %convert_element_type3A_2283, %mul3A_2285 : vector<16xf32>
      %add3A_2287 = arith.addf %add3A_2035, %mul3A_2286 : vector<16xf32>
      %add3A_2288 = arith.addi %add3A_2277, %mul3A_2280 : vector<16xi32>
      %mul3A_2289 = arith.muli %select_n3A_2149, %select_n3A_2222 : vector<16xi32>
      %sub3A_2290 = arith.subi %broadcast_in_dim3A_63, %add3A_2288 : vector<16xi32>
      %mul3A_2291 = arith.muli %mul3A_2289, %sub3A_2290 : vector<16xi32>
      %mul3A_2292 = arith.muli %mul3A_2291, %scan3A_61#14 : vector<16xi32>
      %add3A_2293 = arith.addi %add3A_2282, %mul3A_2292 : vector<16xi32>
      %convert_element_type3A_2294 = arith.sitofp %mul3A_2291 : vector<16xi32> to vector<16xf32>
      %mul3A_2295 = arith.constant 1.000000e+30 : f32
      %mul3A_2296 = vector.broadcast %mul3A_2295 : f32 to vector<16xf32>
      %mul3A_2297 = arith.mulf %convert_element_type3A_2294, %mul3A_2296 : vector<16xf32>
      %add3A_2298 = arith.addf %add3A_2046, %mul3A_2297 : vector<16xf32>
      %add3A_2299 = arith.addi %add3A_2288, %mul3A_2291 : vector<16xi32>
      %mul3A_2300 = arith.muli %select_n3A_2151, %select_n3A_2222 : vector<16xi32>
      %sub3A_2301 = arith.subi %broadcast_in_dim3A_63, %add3A_2299 : vector<16xi32>
      %mul3A_2302 = arith.muli %mul3A_2300, %sub3A_2301 : vector<16xi32>
      %mul3A_2303 = arith.muli %mul3A_2302, %scan3A_61#15 : vector<16xi32>
      %add3A_2304 = arith.addi %add3A_2293, %mul3A_2303 : vector<16xi32>
      %convert_element_type3A_2305 = arith.sitofp %mul3A_2302 : vector<16xi32> to vector<16xf32>
      %mul3A_2306 = arith.constant 1.000000e+30 : f32
      %mul3A_2307 = vector.broadcast %mul3A_2306 : f32 to vector<16xf32>
      %mul3A_2308 = arith.mulf %convert_element_type3A_2305, %mul3A_2307 : vector<16xf32>
      %add3A_2309 = arith.addf %add3A_2057, %mul3A_2308 : vector<16xf32>
      %add3A_2310 = arith.addi %add3A_2299, %mul3A_2302 : vector<16xi32>
      %lt3A_2311 = arith.constant 0 : i32
      %lt3A_2312 = vector.broadcast %lt3A_2311 : i32 to vector<16xi32>
      %lt3A_2313 = arith.cmpi slt, %min3A_2220, %lt3A_2312 : vector<16xi32>
      %add3A_2314 = arith.constant 16 : i32
      %add3A_2315 = vector.broadcast %add3A_2314 : i32 to vector<16xi32>
      %add3A_2316 = arith.addi %min3A_2220, %add3A_2315 : vector<16xi32>
      %select_n3A_2317 = arith.select %lt3A_2313, %add3A_2316, %min3A_2220 : vector<16xi1>, vector<16xi32>
      %broadcast_in_dim3A_2318 = vector.shape_cast %select_n3A_2317 : vector<16xi32> to vector<16x1xi32>
      %gather3A_2319 = vector.shape_cast %broadcast_in_dim3A_2318 : vector<16x1xi32> to vector<16xi32>
      %gather3A_2320 = tpu.dynamic_gather %add3A_2304[%gather3A_2319] in [0] : vector<16xi32>, vector<16xi32> -> vector<16xi32>
      %eq3A_2321 = arith.constant 8 : i32
      %eq3A_2322 = vector.broadcast %eq3A_2321 : i32 to vector<16xi32>
      %eq3A_2323 = arith.cmpi eq, %iota3A, %eq3A_2322 : vector<16xi32>
      %select_n3A_2324 = arith.select %eq3A_2323, %gather3A_2320, %select_n3A_2072 : vector<16xi1>, vector<16xi32>
      %min3A_2325 = arith.minimumf %add3A_2232, %add3A_2243 : vector<16xf32>
      %min3A_2326 = arith.minimumf %min3A_2325, %add3A_2254 : vector<16xf32>
      %min3A_2327 = arith.minimumf %min3A_2326, %add3A_2265 : vector<16xf32>
      %min3A_2328 = arith.minimumf %min3A_2327, %add3A_2276 : vector<16xf32>
      %min3A_2329 = arith.minimumf %min3A_2328, %add3A_2287 : vector<16xf32>
      %min3A_2330 = arith.minimumf %min3A_2329, %add3A_2298 : vector<16xf32>
      %min3A_2331 = arith.minimumf %min3A_2330, %add3A_2309 : vector<16xf32>
      %xor3A_2332 = arith.constant 1 : i32
      %xor3A_2333 = vector.broadcast %xor3A_2332 : i32 to vector<16xi32>
      %xor3A_2334 = arith.xori %iota3A, %xor3A_2333 : vector<16xi32>
      %lt3A_2335 = arith.constant 0 : i32
      %lt3A_2336 = vector.broadcast %lt3A_2335 : i32 to vector<16xi32>
      %lt3A_2337 = arith.cmpi slt, %xor3A_2334, %lt3A_2336 : vector<16xi32>
      %add3A_2338 = arith.constant 16 : i32
      %add3A_2339 = vector.broadcast %add3A_2338 : i32 to vector<16xi32>
      %add3A_2340 = arith.addi %xor3A_2334, %add3A_2339 : vector<16xi32>
      %select_n3A_2341 = arith.select %lt3A_2337, %add3A_2340, %xor3A_2334 : vector<16xi1>, vector<16xi32>
      %broadcast_in_dim3A_2342 = vector.shape_cast %select_n3A_2341 : vector<16xi32> to vector<16x1xi32>
      %gather3A_2343 = vector.shape_cast %broadcast_in_dim3A_2342 : vector<16x1xi32> to vector<16xi32>
      %gather3A_2344 = tpu.dynamic_gather %min3A_2331[%gather3A_2343] in [0] : vector<16xf32>, vector<16xi32> -> vector<16xf32>
      %min3A_2345 = arith.minimumf %min3A_2331, %gather3A_2344 : vector<16xf32>
      %xor3A_2346 = arith.constant 2 : i32
      %xor3A_2347 = vector.broadcast %xor3A_2346 : i32 to vector<16xi32>
      %xor3A_2348 = arith.xori %iota3A, %xor3A_2347 : vector<16xi32>
      %lt3A_2349 = arith.constant 0 : i32
      %lt3A_2350 = vector.broadcast %lt3A_2349 : i32 to vector<16xi32>
      %lt3A_2351 = arith.cmpi slt, %xor3A_2348, %lt3A_2350 : vector<16xi32>
      %add3A_2352 = arith.constant 16 : i32
      %add3A_2353 = vector.broadcast %add3A_2352 : i32 to vector<16xi32>
      %add3A_2354 = arith.addi %xor3A_2348, %add3A_2353 : vector<16xi32>
      %select_n3A_2355 = arith.select %lt3A_2351, %add3A_2354, %xor3A_2348 : vector<16xi1>, vector<16xi32>
      %broadcast_in_dim3A_2356 = vector.shape_cast %select_n3A_2355 : vector<16xi32> to vector<16x1xi32>
      %gather3A_2357 = vector.shape_cast %broadcast_in_dim3A_2356 : vector<16x1xi32> to vector<16xi32>
      %gather3A_2358 = tpu.dynamic_gather %min3A_2345[%gather3A_2357] in [0] : vector<16xf32>, vector<16xi32> -> vector<16xf32>
      %min3A_2359 = arith.minimumf %min3A_2345, %gather3A_2358 : vector<16xf32>
      %xor3A_2360 = arith.constant 4 : i32
      %xor3A_2361 = vector.broadcast %xor3A_2360 : i32 to vector<16xi32>
      %xor3A_2362 = arith.xori %iota3A, %xor3A_2361 : vector<16xi32>
      %lt3A_2363 = arith.constant 0 : i32
      %lt3A_2364 = vector.broadcast %lt3A_2363 : i32 to vector<16xi32>
      %lt3A_2365 = arith.cmpi slt, %xor3A_2362, %lt3A_2364 : vector<16xi32>
      %add3A_2366 = arith.constant 16 : i32
      %add3A_2367 = vector.broadcast %add3A_2366 : i32 to vector<16xi32>
      %add3A_2368 = arith.addi %xor3A_2362, %add3A_2367 : vector<16xi32>
      %select_n3A_2369 = arith.select %lt3A_2365, %add3A_2368, %xor3A_2362 : vector<16xi1>, vector<16xi32>
      %broadcast_in_dim3A_2370 = vector.shape_cast %select_n3A_2369 : vector<16xi32> to vector<16x1xi32>
      %gather3A_2371 = vector.shape_cast %broadcast_in_dim3A_2370 : vector<16x1xi32> to vector<16xi32>
      %gather3A_2372 = tpu.dynamic_gather %min3A_2359[%gather3A_2371] in [0] : vector<16xf32>, vector<16xi32> -> vector<16xf32>
      %min3A_2373 = arith.minimumf %min3A_2359, %gather3A_2372 : vector<16xf32>
      %xor3A_2374 = arith.constant 8 : i32
      %xor3A_2375 = vector.broadcast %xor3A_2374 : i32 to vector<16xi32>
      %xor3A_2376 = arith.xori %iota3A, %xor3A_2375 : vector<16xi32>
      %lt3A_2377 = arith.constant 0 : i32
      %lt3A_2378 = vector.broadcast %lt3A_2377 : i32 to vector<16xi32>
      %lt3A_2379 = arith.cmpi slt, %xor3A_2376, %lt3A_2378 : vector<16xi32>
      %add3A_2380 = arith.constant 16 : i32
      %add3A_2381 = vector.broadcast %add3A_2380 : i32 to vector<16xi32>
      %add3A_2382 = arith.addi %xor3A_2376, %add3A_2381 : vector<16xi32>
      %select_n3A_2383 = arith.select %lt3A_2379, %add3A_2382, %xor3A_2376 : vector<16xi1>, vector<16xi32>
      %broadcast_in_dim3A_2384 = vector.shape_cast %select_n3A_2383 : vector<16xi32> to vector<16x1xi32>
      %gather3A_2385 = vector.shape_cast %broadcast_in_dim3A_2384 : vector<16x1xi32> to vector<16xi32>
      %gather3A_2386 = tpu.dynamic_gather %min3A_2373[%gather3A_2385] in [0] : vector<16xf32>, vector<16xi32> -> vector<16xf32>
      %min3A_2387 = arith.minimumf %min3A_2373, %gather3A_2386 : vector<16xf32>
      %eq3A_2388 = arith.cmpf oeq, %add3A_2232, %min3A_2387 : vector<16xf32>
      %select_n3A_2389 = arith.select %eq3A_2388, %broadcast_in_dim3A_63, %broadcast_in_dim3A_65 : vector<16xi1>, vector<16xi32>
      %eq3A_2390 = arith.cmpf oeq, %add3A_2243, %min3A_2387 : vector<16xf32>
      %select_n3A_2391 = arith.select %eq3A_2390, %broadcast_in_dim3A_63, %broadcast_in_dim3A_65 : vector<16xi1>, vector<16xi32>
      %eq3A_2392 = arith.cmpf oeq, %add3A_2254, %min3A_2387 : vector<16xf32>
      %select_n3A_2393 = arith.select %eq3A_2392, %broadcast_in_dim3A_63, %broadcast_in_dim3A_65 : vector<16xi1>, vector<16xi32>
      %eq3A_2394 = arith.cmpf oeq, %add3A_2265, %min3A_2387 : vector<16xf32>
      %select_n3A_2395 = arith.select %eq3A_2394, %broadcast_in_dim3A_63, %broadcast_in_dim3A_65 : vector<16xi1>, vector<16xi32>
      %eq3A_2396 = arith.cmpf oeq, %add3A_2276, %min3A_2387 : vector<16xf32>
      %select_n3A_2397 = arith.select %eq3A_2396, %broadcast_in_dim3A_63, %broadcast_in_dim3A_65 : vector<16xi1>, vector<16xi32>
      %eq3A_2398 = arith.cmpf oeq, %add3A_2287, %min3A_2387 : vector<16xf32>
      %select_n3A_2399 = arith.select %eq3A_2398, %broadcast_in_dim3A_63, %broadcast_in_dim3A_65 : vector<16xi1>, vector<16xi32>
      %eq3A_2400 = arith.cmpf oeq, %add3A_2298, %min3A_2387 : vector<16xf32>
      %select_n3A_2401 = arith.select %eq3A_2400, %broadcast_in_dim3A_63, %broadcast_in_dim3A_65 : vector<16xi1>, vector<16xi32>
      %eq3A_2402 = arith.cmpf oeq, %add3A_2309, %min3A_2387 : vector<16xf32>
      %select_n3A_2403 = arith.select %eq3A_2402, %broadcast_in_dim3A_63, %broadcast_in_dim3A_65 : vector<16xi1>, vector<16xi32>
      %max3A_2404 = arith.maxsi %select_n3A_2389, %select_n3A_2391 : vector<16xi32>
      %max3A_2405 = arith.maxsi %max3A_2404, %select_n3A_2393 : vector<16xi32>
      %max3A_2406 = arith.maxsi %max3A_2405, %select_n3A_2395 : vector<16xi32>
      %max3A_2407 = arith.maxsi %max3A_2406, %select_n3A_2397 : vector<16xi32>
      %max3A_2408 = arith.maxsi %max3A_2407, %select_n3A_2399 : vector<16xi32>
      %max3A_2409 = arith.maxsi %max3A_2408, %select_n3A_2401 : vector<16xi32>
      %max3A_2410 = arith.maxsi %max3A_2409, %select_n3A_2403 : vector<16xi32>
      %mul3A_2411 = arith.muli %max3A_2410, %iota3A : vector<16xi32>
      %sub3A_2412 = arith.subi %broadcast_in_dim3A_63, %max3A_2410 : vector<16xi32>
      %mul3A_2413 = arith.constant 16 : i32
      %mul3A_2414 = vector.broadcast %mul3A_2413 : i32 to vector<16xi32>
      %mul3A_2415 = arith.muli %sub3A_2412, %mul3A_2414 : vector<16xi32>
      %add3A_2416 = arith.addi %mul3A_2411, %mul3A_2415 : vector<16xi32>
      %xor3A_2417 = arith.constant 1 : i32
      %xor3A_2418 = vector.broadcast %xor3A_2417 : i32 to vector<16xi32>
      %xor3A_2419 = arith.xori %iota3A, %xor3A_2418 : vector<16xi32>
      %lt3A_2420 = arith.constant 0 : i32
      %lt3A_2421 = vector.broadcast %lt3A_2420 : i32 to vector<16xi32>
      %lt3A_2422 = arith.cmpi slt, %xor3A_2419, %lt3A_2421 : vector<16xi32>
      %add3A_2423 = arith.constant 16 : i32
      %add3A_2424 = vector.broadcast %add3A_2423 : i32 to vector<16xi32>
      %add3A_2425 = arith.addi %xor3A_2419, %add3A_2424 : vector<16xi32>
      %select_n3A_2426 = arith.select %lt3A_2422, %add3A_2425, %xor3A_2419 : vector<16xi1>, vector<16xi32>
      %broadcast_in_dim3A_2427 = vector.shape_cast %select_n3A_2426 : vector<16xi32> to vector<16x1xi32>
      %gather3A_2428 = vector.shape_cast %broadcast_in_dim3A_2427 : vector<16x1xi32> to vector<16xi32>
      %gather3A_2429 = tpu.dynamic_gather %add3A_2416[%gather3A_2428] in [0] : vector<16xi32>, vector<16xi32> -> vector<16xi32>
      %min3A_2430 = arith.minsi %add3A_2416, %gather3A_2429 : vector<16xi32>
      %xor3A_2431 = arith.constant 2 : i32
      %xor3A_2432 = vector.broadcast %xor3A_2431 : i32 to vector<16xi32>
      %xor3A_2433 = arith.xori %iota3A, %xor3A_2432 : vector<16xi32>
      %lt3A_2434 = arith.constant 0 : i32
      %lt3A_2435 = vector.broadcast %lt3A_2434 : i32 to vector<16xi32>
      %lt3A_2436 = arith.cmpi slt, %xor3A_2433, %lt3A_2435 : vector<16xi32>
      %add3A_2437 = arith.constant 16 : i32
      %add3A_2438 = vector.broadcast %add3A_2437 : i32 to vector<16xi32>
      %add3A_2439 = arith.addi %xor3A_2433, %add3A_2438 : vector<16xi32>
      %select_n3A_2440 = arith.select %lt3A_2436, %add3A_2439, %xor3A_2433 : vector<16xi1>, vector<16xi32>
      %broadcast_in_dim3A_2441 = vector.shape_cast %select_n3A_2440 : vector<16xi32> to vector<16x1xi32>
      %gather3A_2442 = vector.shape_cast %broadcast_in_dim3A_2441 : vector<16x1xi32> to vector<16xi32>
      %gather3A_2443 = tpu.dynamic_gather %min3A_2430[%gather3A_2442] in [0] : vector<16xi32>, vector<16xi32> -> vector<16xi32>
      %min3A_2444 = arith.minsi %min3A_2430, %gather3A_2443 : vector<16xi32>
      %xor3A_2445 = arith.constant 4 : i32
      %xor3A_2446 = vector.broadcast %xor3A_2445 : i32 to vector<16xi32>
      %xor3A_2447 = arith.xori %iota3A, %xor3A_2446 : vector<16xi32>
      %lt3A_2448 = arith.constant 0 : i32
      %lt3A_2449 = vector.broadcast %lt3A_2448 : i32 to vector<16xi32>
      %lt3A_2450 = arith.cmpi slt, %xor3A_2447, %lt3A_2449 : vector<16xi32>
      %add3A_2451 = arith.constant 16 : i32
      %add3A_2452 = vector.broadcast %add3A_2451 : i32 to vector<16xi32>
      %add3A_2453 = arith.addi %xor3A_2447, %add3A_2452 : vector<16xi32>
      %select_n3A_2454 = arith.select %lt3A_2450, %add3A_2453, %xor3A_2447 : vector<16xi1>, vector<16xi32>
      %broadcast_in_dim3A_2455 = vector.shape_cast %select_n3A_2454 : vector<16xi32> to vector<16x1xi32>
      %gather3A_2456 = vector.shape_cast %broadcast_in_dim3A_2455 : vector<16x1xi32> to vector<16xi32>
      %gather3A_2457 = tpu.dynamic_gather %min3A_2444[%gather3A_2456] in [0] : vector<16xi32>, vector<16xi32> -> vector<16xi32>
      %min3A_2458 = arith.minsi %min3A_2444, %gather3A_2457 : vector<16xi32>
      %xor3A_2459 = arith.constant 8 : i32
      %xor3A_2460 = vector.broadcast %xor3A_2459 : i32 to vector<16xi32>
      %xor3A_2461 = arith.xori %iota3A, %xor3A_2460 : vector<16xi32>
      %lt3A_2462 = arith.constant 0 : i32
      %lt3A_2463 = vector.broadcast %lt3A_2462 : i32 to vector<16xi32>
      %lt3A_2464 = arith.cmpi slt, %xor3A_2461, %lt3A_2463 : vector<16xi32>
      %add3A_2465 = arith.constant 16 : i32
      %add3A_2466 = vector.broadcast %add3A_2465 : i32 to vector<16xi32>
      %add3A_2467 = arith.addi %xor3A_2461, %add3A_2466 : vector<16xi32>
      %select_n3A_2468 = arith.select %lt3A_2464, %add3A_2467, %xor3A_2461 : vector<16xi1>, vector<16xi32>
      %broadcast_in_dim3A_2469 = vector.shape_cast %select_n3A_2468 : vector<16xi32> to vector<16x1xi32>
      %gather3A_2470 = vector.shape_cast %broadcast_in_dim3A_2469 : vector<16x1xi32> to vector<16xi32>
      %gather3A_2471 = tpu.dynamic_gather %min3A_2458[%gather3A_2470] in [0] : vector<16xi32>, vector<16xi32> -> vector<16xi32>
      %min3A_2472 = arith.minsi %min3A_2458, %gather3A_2471 : vector<16xi32>
      %eq3A_2473 = arith.cmpi eq, %iota3A, %min3A_2472 : vector<16xi32>
      %select_n3A_2474 = arith.select %eq3A_2473, %broadcast_in_dim3A_63, %broadcast_in_dim3A_65 : vector<16xi1>, vector<16xi32>
      %mul3A_2475 = arith.muli %select_n3A_2389, %select_n3A_2474 : vector<16xi32>
      %sub3A_2476 = arith.subi %broadcast_in_dim3A_63, %broadcast_in_dim3A_65 : vector<16xi32>
      %mul3A_2477 = arith.muli %mul3A_2475, %sub3A_2476 : vector<16xi32>
      %mul3A_2478 = arith.muli %mul3A_2477, %scan3A_61#8 : vector<16xi32>
      %add3A_2479 = arith.addi %broadcast_in_dim3A_65, %mul3A_2478 : vector<16xi32>
      %convert_element_type3A_2480 = arith.sitofp %mul3A_2477 : vector<16xi32> to vector<16xf32>
      %mul3A_2481 = arith.constant 1.000000e+30 : f32
      %mul3A_2482 = vector.broadcast %mul3A_2481 : f32 to vector<16xf32>
      %mul3A_2483 = arith.mulf %convert_element_type3A_2480, %mul3A_2482 : vector<16xf32>
      %add3A_2484 = arith.addf %add3A_2232, %mul3A_2483 : vector<16xf32>
      %add3A_2485 = arith.addi %broadcast_in_dim3A_65, %mul3A_2477 : vector<16xi32>
      %mul3A_2486 = arith.muli %select_n3A_2391, %select_n3A_2474 : vector<16xi32>
      %sub3A_2487 = arith.subi %broadcast_in_dim3A_63, %add3A_2485 : vector<16xi32>
      %mul3A_2488 = arith.muli %mul3A_2486, %sub3A_2487 : vector<16xi32>
      %mul3A_2489 = arith.muli %mul3A_2488, %scan3A_61#9 : vector<16xi32>
      %add3A_2490 = arith.addi %add3A_2479, %mul3A_2489 : vector<16xi32>
      %convert_element_type3A_2491 = arith.sitofp %mul3A_2488 : vector<16xi32> to vector<16xf32>
      %mul3A_2492 = arith.constant 1.000000e+30 : f32
      %mul3A_2493 = vector.broadcast %mul3A_2492 : f32 to vector<16xf32>
      %mul3A_2494 = arith.mulf %convert_element_type3A_2491, %mul3A_2493 : vector<16xf32>
      %add3A_2495 = arith.addf %add3A_2243, %mul3A_2494 : vector<16xf32>
      %add3A_2496 = arith.addi %add3A_2485, %mul3A_2488 : vector<16xi32>
      %mul3A_2497 = arith.muli %select_n3A_2393, %select_n3A_2474 : vector<16xi32>
      %sub3A_2498 = arith.subi %broadcast_in_dim3A_63, %add3A_2496 : vector<16xi32>
      %mul3A_2499 = arith.muli %mul3A_2497, %sub3A_2498 : vector<16xi32>
      %mul3A_2500 = arith.muli %mul3A_2499, %scan3A_61#10 : vector<16xi32>
      %add3A_2501 = arith.addi %add3A_2490, %mul3A_2500 : vector<16xi32>
      %convert_element_type3A_2502 = arith.sitofp %mul3A_2499 : vector<16xi32> to vector<16xf32>
      %mul3A_2503 = arith.constant 1.000000e+30 : f32
      %mul3A_2504 = vector.broadcast %mul3A_2503 : f32 to vector<16xf32>
      %mul3A_2505 = arith.mulf %convert_element_type3A_2502, %mul3A_2504 : vector<16xf32>
      %add3A_2506 = arith.addf %add3A_2254, %mul3A_2505 : vector<16xf32>
      %add3A_2507 = arith.addi %add3A_2496, %mul3A_2499 : vector<16xi32>
      %mul3A_2508 = arith.muli %select_n3A_2395, %select_n3A_2474 : vector<16xi32>
      %sub3A_2509 = arith.subi %broadcast_in_dim3A_63, %add3A_2507 : vector<16xi32>
      %mul3A_2510 = arith.muli %mul3A_2508, %sub3A_2509 : vector<16xi32>
      %mul3A_2511 = arith.muli %mul3A_2510, %scan3A_61#11 : vector<16xi32>
      %add3A_2512 = arith.addi %add3A_2501, %mul3A_2511 : vector<16xi32>
      %convert_element_type3A_2513 = arith.sitofp %mul3A_2510 : vector<16xi32> to vector<16xf32>
      %mul3A_2514 = arith.constant 1.000000e+30 : f32
      %mul3A_2515 = vector.broadcast %mul3A_2514 : f32 to vector<16xf32>
      %mul3A_2516 = arith.mulf %convert_element_type3A_2513, %mul3A_2515 : vector<16xf32>
      %add3A_2517 = arith.addf %add3A_2265, %mul3A_2516 : vector<16xf32>
      %add3A_2518 = arith.addi %add3A_2507, %mul3A_2510 : vector<16xi32>
      %mul3A_2519 = arith.muli %select_n3A_2397, %select_n3A_2474 : vector<16xi32>
      %sub3A_2520 = arith.subi %broadcast_in_dim3A_63, %add3A_2518 : vector<16xi32>
      %mul3A_2521 = arith.muli %mul3A_2519, %sub3A_2520 : vector<16xi32>
      %mul3A_2522 = arith.muli %mul3A_2521, %scan3A_61#12 : vector<16xi32>
      %add3A_2523 = arith.addi %add3A_2512, %mul3A_2522 : vector<16xi32>
      %convert_element_type3A_2524 = arith.sitofp %mul3A_2521 : vector<16xi32> to vector<16xf32>
      %mul3A_2525 = arith.constant 1.000000e+30 : f32
      %mul3A_2526 = vector.broadcast %mul3A_2525 : f32 to vector<16xf32>
      %mul3A_2527 = arith.mulf %convert_element_type3A_2524, %mul3A_2526 : vector<16xf32>
      %add3A_2528 = arith.addf %add3A_2276, %mul3A_2527 : vector<16xf32>
      %add3A_2529 = arith.addi %add3A_2518, %mul3A_2521 : vector<16xi32>
      %mul3A_2530 = arith.muli %select_n3A_2399, %select_n3A_2474 : vector<16xi32>
      %sub3A_2531 = arith.subi %broadcast_in_dim3A_63, %add3A_2529 : vector<16xi32>
      %mul3A_2532 = arith.muli %mul3A_2530, %sub3A_2531 : vector<16xi32>
      %mul3A_2533 = arith.muli %mul3A_2532, %scan3A_61#13 : vector<16xi32>
      %add3A_2534 = arith.addi %add3A_2523, %mul3A_2533 : vector<16xi32>
      %convert_element_type3A_2535 = arith.sitofp %mul3A_2532 : vector<16xi32> to vector<16xf32>
      %mul3A_2536 = arith.constant 1.000000e+30 : f32
      %mul3A_2537 = vector.broadcast %mul3A_2536 : f32 to vector<16xf32>
      %mul3A_2538 = arith.mulf %convert_element_type3A_2535, %mul3A_2537 : vector<16xf32>
      %add3A_2539 = arith.addf %add3A_2287, %mul3A_2538 : vector<16xf32>
      %add3A_2540 = arith.addi %add3A_2529, %mul3A_2532 : vector<16xi32>
      %mul3A_2541 = arith.muli %select_n3A_2401, %select_n3A_2474 : vector<16xi32>
      %sub3A_2542 = arith.subi %broadcast_in_dim3A_63, %add3A_2540 : vector<16xi32>
      %mul3A_2543 = arith.muli %mul3A_2541, %sub3A_2542 : vector<16xi32>
      %mul3A_2544 = arith.muli %mul3A_2543, %scan3A_61#14 : vector<16xi32>
      %add3A_2545 = arith.addi %add3A_2534, %mul3A_2544 : vector<16xi32>
      %convert_element_type3A_2546 = arith.sitofp %mul3A_2543 : vector<16xi32> to vector<16xf32>
      %mul3A_2547 = arith.constant 1.000000e+30 : f32
      %mul3A_2548 = vector.broadcast %mul3A_2547 : f32 to vector<16xf32>
      %mul3A_2549 = arith.mulf %convert_element_type3A_2546, %mul3A_2548 : vector<16xf32>
      %add3A_2550 = arith.addf %add3A_2298, %mul3A_2549 : vector<16xf32>
      %add3A_2551 = arith.addi %add3A_2540, %mul3A_2543 : vector<16xi32>
      %mul3A_2552 = arith.muli %select_n3A_2403, %select_n3A_2474 : vector<16xi32>
      %sub3A_2553 = arith.subi %broadcast_in_dim3A_63, %add3A_2551 : vector<16xi32>
      %mul3A_2554 = arith.muli %mul3A_2552, %sub3A_2553 : vector<16xi32>
      %mul3A_2555 = arith.muli %mul3A_2554, %scan3A_61#15 : vector<16xi32>
      %add3A_2556 = arith.addi %add3A_2545, %mul3A_2555 : vector<16xi32>
      %convert_element_type3A_2557 = arith.sitofp %mul3A_2554 : vector<16xi32> to vector<16xf32>
      %mul3A_2558 = arith.constant 1.000000e+30 : f32
      %mul3A_2559 = vector.broadcast %mul3A_2558 : f32 to vector<16xf32>
      %mul3A_2560 = arith.mulf %convert_element_type3A_2557, %mul3A_2559 : vector<16xf32>
      %add3A_2561 = arith.addf %add3A_2309, %mul3A_2560 : vector<16xf32>
      %add3A_2562 = arith.addi %add3A_2551, %mul3A_2554 : vector<16xi32>
      %lt3A_2563 = arith.constant 0 : i32
      %lt3A_2564 = vector.broadcast %lt3A_2563 : i32 to vector<16xi32>
      %lt3A_2565 = arith.cmpi slt, %min3A_2472, %lt3A_2564 : vector<16xi32>
      %add3A_2566 = arith.constant 16 : i32
      %add3A_2567 = vector.broadcast %add3A_2566 : i32 to vector<16xi32>
      %add3A_2568 = arith.addi %min3A_2472, %add3A_2567 : vector<16xi32>
      %select_n3A_2569 = arith.select %lt3A_2565, %add3A_2568, %min3A_2472 : vector<16xi1>, vector<16xi32>
      %broadcast_in_dim3A_2570 = vector.shape_cast %select_n3A_2569 : vector<16xi32> to vector<16x1xi32>
      %gather3A_2571 = vector.shape_cast %broadcast_in_dim3A_2570 : vector<16x1xi32> to vector<16xi32>
      %gather3A_2572 = tpu.dynamic_gather %add3A_2556[%gather3A_2571] in [0] : vector<16xi32>, vector<16xi32> -> vector<16xi32>
      %eq3A_2573 = arith.constant 9 : i32
      %eq3A_2574 = vector.broadcast %eq3A_2573 : i32 to vector<16xi32>
      %eq3A_2575 = arith.cmpi eq, %iota3A, %eq3A_2574 : vector<16xi32>
      %select_n3A_2576 = arith.select %eq3A_2575, %gather3A_2572, %select_n3A_2324 : vector<16xi1>, vector<16xi32>
      %min3A_2577 = arith.minimumf %add3A_2484, %add3A_2495 : vector<16xf32>
      %min3A_2578 = arith.minimumf %min3A_2577, %add3A_2506 : vector<16xf32>
      %min3A_2579 = arith.minimumf %min3A_2578, %add3A_2517 : vector<16xf32>
      %min3A_2580 = arith.minimumf %min3A_2579, %add3A_2528 : vector<16xf32>
      %min3A_2581 = arith.minimumf %min3A_2580, %add3A_2539 : vector<16xf32>
      %min3A_2582 = arith.minimumf %min3A_2581, %add3A_2550 : vector<16xf32>
      %min3A_2583 = arith.minimumf %min3A_2582, %add3A_2561 : vector<16xf32>
      %xor3A_2584 = arith.constant 1 : i32
      %xor3A_2585 = vector.broadcast %xor3A_2584 : i32 to vector<16xi32>
      %xor3A_2586 = arith.xori %iota3A, %xor3A_2585 : vector<16xi32>
      %lt3A_2587 = arith.constant 0 : i32
      %lt3A_2588 = vector.broadcast %lt3A_2587 : i32 to vector<16xi32>
      %lt3A_2589 = arith.cmpi slt, %xor3A_2586, %lt3A_2588 : vector<16xi32>
      %add3A_2590 = arith.constant 16 : i32
      %add3A_2591 = vector.broadcast %add3A_2590 : i32 to vector<16xi32>
      %add3A_2592 = arith.addi %xor3A_2586, %add3A_2591 : vector<16xi32>
      %select_n3A_2593 = arith.select %lt3A_2589, %add3A_2592, %xor3A_2586 : vector<16xi1>, vector<16xi32>
      %broadcast_in_dim3A_2594 = vector.shape_cast %select_n3A_2593 : vector<16xi32> to vector<16x1xi32>
      %gather3A_2595 = vector.shape_cast %broadcast_in_dim3A_2594 : vector<16x1xi32> to vector<16xi32>
      %gather3A_2596 = tpu.dynamic_gather %min3A_2583[%gather3A_2595] in [0] : vector<16xf32>, vector<16xi32> -> vector<16xf32>
      %min3A_2597 = arith.minimumf %min3A_2583, %gather3A_2596 : vector<16xf32>
      %xor3A_2598 = arith.constant 2 : i32
      %xor3A_2599 = vector.broadcast %xor3A_2598 : i32 to vector<16xi32>
      %xor3A_2600 = arith.xori %iota3A, %xor3A_2599 : vector<16xi32>
      %lt3A_2601 = arith.constant 0 : i32
      %lt3A_2602 = vector.broadcast %lt3A_2601 : i32 to vector<16xi32>
      %lt3A_2603 = arith.cmpi slt, %xor3A_2600, %lt3A_2602 : vector<16xi32>
      %add3A_2604 = arith.constant 16 : i32
      %add3A_2605 = vector.broadcast %add3A_2604 : i32 to vector<16xi32>
      %add3A_2606 = arith.addi %xor3A_2600, %add3A_2605 : vector<16xi32>
      %select_n3A_2607 = arith.select %lt3A_2603, %add3A_2606, %xor3A_2600 : vector<16xi1>, vector<16xi32>
      %broadcast_in_dim3A_2608 = vector.shape_cast %select_n3A_2607 : vector<16xi32> to vector<16x1xi32>
      %gather3A_2609 = vector.shape_cast %broadcast_in_dim3A_2608 : vector<16x1xi32> to vector<16xi32>
      %gather3A_2610 = tpu.dynamic_gather %min3A_2597[%gather3A_2609] in [0] : vector<16xf32>, vector<16xi32> -> vector<16xf32>
      %min3A_2611 = arith.minimumf %min3A_2597, %gather3A_2610 : vector<16xf32>
      %xor3A_2612 = arith.constant 4 : i32
      %xor3A_2613 = vector.broadcast %xor3A_2612 : i32 to vector<16xi32>
      %xor3A_2614 = arith.xori %iota3A, %xor3A_2613 : vector<16xi32>
      %lt3A_2615 = arith.constant 0 : i32
      %lt3A_2616 = vector.broadcast %lt3A_2615 : i32 to vector<16xi32>
      %lt3A_2617 = arith.cmpi slt, %xor3A_2614, %lt3A_2616 : vector<16xi32>
      %add3A_2618 = arith.constant 16 : i32
      %add3A_2619 = vector.broadcast %add3A_2618 : i32 to vector<16xi32>
      %add3A_2620 = arith.addi %xor3A_2614, %add3A_2619 : vector<16xi32>
      %select_n3A_2621 = arith.select %lt3A_2617, %add3A_2620, %xor3A_2614 : vector<16xi1>, vector<16xi32>
      %broadcast_in_dim3A_2622 = vector.shape_cast %select_n3A_2621 : vector<16xi32> to vector<16x1xi32>
      %gather3A_2623 = vector.shape_cast %broadcast_in_dim3A_2622 : vector<16x1xi32> to vector<16xi32>
      %gather3A_2624 = tpu.dynamic_gather %min3A_2611[%gather3A_2623] in [0] : vector<16xf32>, vector<16xi32> -> vector<16xf32>
      %min3A_2625 = arith.minimumf %min3A_2611, %gather3A_2624 : vector<16xf32>
      %xor3A_2626 = arith.constant 8 : i32
      %xor3A_2627 = vector.broadcast %xor3A_2626 : i32 to vector<16xi32>
      %xor3A_2628 = arith.xori %iota3A, %xor3A_2627 : vector<16xi32>
      %lt3A_2629 = arith.constant 0 : i32
      %lt3A_2630 = vector.broadcast %lt3A_2629 : i32 to vector<16xi32>
      %lt3A_2631 = arith.cmpi slt, %xor3A_2628, %lt3A_2630 : vector<16xi32>
      %add3A_2632 = arith.constant 16 : i32
      %add3A_2633 = vector.broadcast %add3A_2632 : i32 to vector<16xi32>
      %add3A_2634 = arith.addi %xor3A_2628, %add3A_2633 : vector<16xi32>
      %select_n3A_2635 = arith.select %lt3A_2631, %add3A_2634, %xor3A_2628 : vector<16xi1>, vector<16xi32>
      %broadcast_in_dim3A_2636 = vector.shape_cast %select_n3A_2635 : vector<16xi32> to vector<16x1xi32>
      %gather3A_2637 = vector.shape_cast %broadcast_in_dim3A_2636 : vector<16x1xi32> to vector<16xi32>
      %gather3A_2638 = tpu.dynamic_gather %min3A_2625[%gather3A_2637] in [0] : vector<16xf32>, vector<16xi32> -> vector<16xf32>
      %min3A_2639 = arith.minimumf %min3A_2625, %gather3A_2638 : vector<16xf32>
      %eq3A_2640 = arith.cmpf oeq, %add3A_2484, %min3A_2639 : vector<16xf32>
      %select_n3A_2641 = arith.select %eq3A_2640, %broadcast_in_dim3A_63, %broadcast_in_dim3A_65 : vector<16xi1>, vector<16xi32>
      %eq3A_2642 = arith.cmpf oeq, %add3A_2495, %min3A_2639 : vector<16xf32>
      %select_n3A_2643 = arith.select %eq3A_2642, %broadcast_in_dim3A_63, %broadcast_in_dim3A_65 : vector<16xi1>, vector<16xi32>
      %eq3A_2644 = arith.cmpf oeq, %add3A_2506, %min3A_2639 : vector<16xf32>
      %select_n3A_2645 = arith.select %eq3A_2644, %broadcast_in_dim3A_63, %broadcast_in_dim3A_65 : vector<16xi1>, vector<16xi32>
      %eq3A_2646 = arith.cmpf oeq, %add3A_2517, %min3A_2639 : vector<16xf32>
      %select_n3A_2647 = arith.select %eq3A_2646, %broadcast_in_dim3A_63, %broadcast_in_dim3A_65 : vector<16xi1>, vector<16xi32>
      %eq3A_2648 = arith.cmpf oeq, %add3A_2528, %min3A_2639 : vector<16xf32>
      %select_n3A_2649 = arith.select %eq3A_2648, %broadcast_in_dim3A_63, %broadcast_in_dim3A_65 : vector<16xi1>, vector<16xi32>
      %eq3A_2650 = arith.cmpf oeq, %add3A_2539, %min3A_2639 : vector<16xf32>
      %select_n3A_2651 = arith.select %eq3A_2650, %broadcast_in_dim3A_63, %broadcast_in_dim3A_65 : vector<16xi1>, vector<16xi32>
      %eq3A_2652 = arith.cmpf oeq, %add3A_2550, %min3A_2639 : vector<16xf32>
      %select_n3A_2653 = arith.select %eq3A_2652, %broadcast_in_dim3A_63, %broadcast_in_dim3A_65 : vector<16xi1>, vector<16xi32>
      %eq3A_2654 = arith.cmpf oeq, %add3A_2561, %min3A_2639 : vector<16xf32>
      %select_n3A_2655 = arith.select %eq3A_2654, %broadcast_in_dim3A_63, %broadcast_in_dim3A_65 : vector<16xi1>, vector<16xi32>
      %max3A_2656 = arith.maxsi %select_n3A_2641, %select_n3A_2643 : vector<16xi32>
      %max3A_2657 = arith.maxsi %max3A_2656, %select_n3A_2645 : vector<16xi32>
      %max3A_2658 = arith.maxsi %max3A_2657, %select_n3A_2647 : vector<16xi32>
      %max3A_2659 = arith.maxsi %max3A_2658, %select_n3A_2649 : vector<16xi32>
      %max3A_2660 = arith.maxsi %max3A_2659, %select_n3A_2651 : vector<16xi32>
      %max3A_2661 = arith.maxsi %max3A_2660, %select_n3A_2653 : vector<16xi32>
      %max3A_2662 = arith.maxsi %max3A_2661, %select_n3A_2655 : vector<16xi32>
      %mul3A_2663 = arith.muli %max3A_2662, %iota3A : vector<16xi32>
      %sub3A_2664 = arith.subi %broadcast_in_dim3A_63, %max3A_2662 : vector<16xi32>
      %mul3A_2665 = arith.constant 16 : i32
      %mul3A_2666 = vector.broadcast %mul3A_2665 : i32 to vector<16xi32>
      %mul3A_2667 = arith.muli %sub3A_2664, %mul3A_2666 : vector<16xi32>
      %add3A_2668 = arith.addi %mul3A_2663, %mul3A_2667 : vector<16xi32>
      %xor3A_2669 = arith.constant 1 : i32
      %xor3A_2670 = vector.broadcast %xor3A_2669 : i32 to vector<16xi32>
      %xor3A_2671 = arith.xori %iota3A, %xor3A_2670 : vector<16xi32>
      %lt3A_2672 = arith.constant 0 : i32
      %lt3A_2673 = vector.broadcast %lt3A_2672 : i32 to vector<16xi32>
      %lt3A_2674 = arith.cmpi slt, %xor3A_2671, %lt3A_2673 : vector<16xi32>
      %add3A_2675 = arith.constant 16 : i32
      %add3A_2676 = vector.broadcast %add3A_2675 : i32 to vector<16xi32>
      %add3A_2677 = arith.addi %xor3A_2671, %add3A_2676 : vector<16xi32>
      %select_n3A_2678 = arith.select %lt3A_2674, %add3A_2677, %xor3A_2671 : vector<16xi1>, vector<16xi32>
      %broadcast_in_dim3A_2679 = vector.shape_cast %select_n3A_2678 : vector<16xi32> to vector<16x1xi32>
      %gather3A_2680 = vector.shape_cast %broadcast_in_dim3A_2679 : vector<16x1xi32> to vector<16xi32>
      %gather3A_2681 = tpu.dynamic_gather %add3A_2668[%gather3A_2680] in [0] : vector<16xi32>, vector<16xi32> -> vector<16xi32>
      %min3A_2682 = arith.minsi %add3A_2668, %gather3A_2681 : vector<16xi32>
      %xor3A_2683 = arith.constant 2 : i32
      %xor3A_2684 = vector.broadcast %xor3A_2683 : i32 to vector<16xi32>
      %xor3A_2685 = arith.xori %iota3A, %xor3A_2684 : vector<16xi32>
      %lt3A_2686 = arith.constant 0 : i32
      %lt3A_2687 = vector.broadcast %lt3A_2686 : i32 to vector<16xi32>
      %lt3A_2688 = arith.cmpi slt, %xor3A_2685, %lt3A_2687 : vector<16xi32>
      %add3A_2689 = arith.constant 16 : i32
      %add3A_2690 = vector.broadcast %add3A_2689 : i32 to vector<16xi32>
      %add3A_2691 = arith.addi %xor3A_2685, %add3A_2690 : vector<16xi32>
      %select_n3A_2692 = arith.select %lt3A_2688, %add3A_2691, %xor3A_2685 : vector<16xi1>, vector<16xi32>
      %broadcast_in_dim3A_2693 = vector.shape_cast %select_n3A_2692 : vector<16xi32> to vector<16x1xi32>
      %gather3A_2694 = vector.shape_cast %broadcast_in_dim3A_2693 : vector<16x1xi32> to vector<16xi32>
      %gather3A_2695 = tpu.dynamic_gather %min3A_2682[%gather3A_2694] in [0] : vector<16xi32>, vector<16xi32> -> vector<16xi32>
      %min3A_2696 = arith.minsi %min3A_2682, %gather3A_2695 : vector<16xi32>
      %xor3A_2697 = arith.constant 4 : i32
      %xor3A_2698 = vector.broadcast %xor3A_2697 : i32 to vector<16xi32>
      %xor3A_2699 = arith.xori %iota3A, %xor3A_2698 : vector<16xi32>
      %lt3A_2700 = arith.constant 0 : i32
      %lt3A_2701 = vector.broadcast %lt3A_2700 : i32 to vector<16xi32>
      %lt3A_2702 = arith.cmpi slt, %xor3A_2699, %lt3A_2701 : vector<16xi32>
      %add3A_2703 = arith.constant 16 : i32
      %add3A_2704 = vector.broadcast %add3A_2703 : i32 to vector<16xi32>
      %add3A_2705 = arith.addi %xor3A_2699, %add3A_2704 : vector<16xi32>
      %select_n3A_2706 = arith.select %lt3A_2702, %add3A_2705, %xor3A_2699 : vector<16xi1>, vector<16xi32>
      %broadcast_in_dim3A_2707 = vector.shape_cast %select_n3A_2706 : vector<16xi32> to vector<16x1xi32>
      %gather3A_2708 = vector.shape_cast %broadcast_in_dim3A_2707 : vector<16x1xi32> to vector<16xi32>
      %gather3A_2709 = tpu.dynamic_gather %min3A_2696[%gather3A_2708] in [0] : vector<16xi32>, vector<16xi32> -> vector<16xi32>
      %min3A_2710 = arith.minsi %min3A_2696, %gather3A_2709 : vector<16xi32>
      %xor3A_2711 = arith.constant 8 : i32
      %xor3A_2712 = vector.broadcast %xor3A_2711 : i32 to vector<16xi32>
      %xor3A_2713 = arith.xori %iota3A, %xor3A_2712 : vector<16xi32>
      %lt3A_2714 = arith.constant 0 : i32
      %lt3A_2715 = vector.broadcast %lt3A_2714 : i32 to vector<16xi32>
      %lt3A_2716 = arith.cmpi slt, %xor3A_2713, %lt3A_2715 : vector<16xi32>
      %add3A_2717 = arith.constant 16 : i32
      %add3A_2718 = vector.broadcast %add3A_2717 : i32 to vector<16xi32>
      %add3A_2719 = arith.addi %xor3A_2713, %add3A_2718 : vector<16xi32>
      %select_n3A_2720 = arith.select %lt3A_2716, %add3A_2719, %xor3A_2713 : vector<16xi1>, vector<16xi32>
      %broadcast_in_dim3A_2721 = vector.shape_cast %select_n3A_2720 : vector<16xi32> to vector<16x1xi32>
      %gather3A_2722 = vector.shape_cast %broadcast_in_dim3A_2721 : vector<16x1xi32> to vector<16xi32>
      %gather3A_2723 = tpu.dynamic_gather %min3A_2710[%gather3A_2722] in [0] : vector<16xi32>, vector<16xi32> -> vector<16xi32>
      %min3A_2724 = arith.minsi %min3A_2710, %gather3A_2723 : vector<16xi32>
      %eq3A_2725 = arith.cmpi eq, %iota3A, %min3A_2724 : vector<16xi32>
      %select_n3A_2726 = arith.select %eq3A_2725, %broadcast_in_dim3A_63, %broadcast_in_dim3A_65 : vector<16xi1>, vector<16xi32>
      %mul3A_2727 = arith.muli %select_n3A_2641, %select_n3A_2726 : vector<16xi32>
      %sub3A_2728 = arith.subi %broadcast_in_dim3A_63, %broadcast_in_dim3A_65 : vector<16xi32>
      %mul3A_2729 = arith.muli %mul3A_2727, %sub3A_2728 : vector<16xi32>
      %mul3A_2730 = arith.muli %mul3A_2729, %scan3A_61#8 : vector<16xi32>
      %add3A_2731 = arith.addi %broadcast_in_dim3A_65, %mul3A_2730 : vector<16xi32>
      %convert_element_type3A_2732 = arith.sitofp %mul3A_2729 : vector<16xi32> to vector<16xf32>
      %mul3A_2733 = arith.constant 1.000000e+30 : f32
      %mul3A_2734 = vector.broadcast %mul3A_2733 : f32 to vector<16xf32>
      %mul3A_2735 = arith.mulf %convert_element_type3A_2732, %mul3A_2734 : vector<16xf32>
      %add3A_2736 = arith.addf %add3A_2484, %mul3A_2735 : vector<16xf32>
      %add3A_2737 = arith.addi %broadcast_in_dim3A_65, %mul3A_2729 : vector<16xi32>
      %mul3A_2738 = arith.muli %select_n3A_2643, %select_n3A_2726 : vector<16xi32>
      %sub3A_2739 = arith.subi %broadcast_in_dim3A_63, %add3A_2737 : vector<16xi32>
      %mul3A_2740 = arith.muli %mul3A_2738, %sub3A_2739 : vector<16xi32>
      %mul3A_2741 = arith.muli %mul3A_2740, %scan3A_61#9 : vector<16xi32>
      %add3A_2742 = arith.addi %add3A_2731, %mul3A_2741 : vector<16xi32>
      %convert_element_type3A_2743 = arith.sitofp %mul3A_2740 : vector<16xi32> to vector<16xf32>
      %mul3A_2744 = arith.constant 1.000000e+30 : f32
      %mul3A_2745 = vector.broadcast %mul3A_2744 : f32 to vector<16xf32>
      %mul3A_2746 = arith.mulf %convert_element_type3A_2743, %mul3A_2745 : vector<16xf32>
      %add3A_2747 = arith.addf %add3A_2495, %mul3A_2746 : vector<16xf32>
      %add3A_2748 = arith.addi %add3A_2737, %mul3A_2740 : vector<16xi32>
      %mul3A_2749 = arith.muli %select_n3A_2645, %select_n3A_2726 : vector<16xi32>
      %sub3A_2750 = arith.subi %broadcast_in_dim3A_63, %add3A_2748 : vector<16xi32>
      %mul3A_2751 = arith.muli %mul3A_2749, %sub3A_2750 : vector<16xi32>
      %mul3A_2752 = arith.muli %mul3A_2751, %scan3A_61#10 : vector<16xi32>
      %add3A_2753 = arith.addi %add3A_2742, %mul3A_2752 : vector<16xi32>
      %convert_element_type3A_2754 = arith.sitofp %mul3A_2751 : vector<16xi32> to vector<16xf32>
      %mul3A_2755 = arith.constant 1.000000e+30 : f32
      %mul3A_2756 = vector.broadcast %mul3A_2755 : f32 to vector<16xf32>
      %mul3A_2757 = arith.mulf %convert_element_type3A_2754, %mul3A_2756 : vector<16xf32>
      %add3A_2758 = arith.addf %add3A_2506, %mul3A_2757 : vector<16xf32>
      %add3A_2759 = arith.addi %add3A_2748, %mul3A_2751 : vector<16xi32>
      %mul3A_2760 = arith.muli %select_n3A_2647, %select_n3A_2726 : vector<16xi32>
      %sub3A_2761 = arith.subi %broadcast_in_dim3A_63, %add3A_2759 : vector<16xi32>
      %mul3A_2762 = arith.muli %mul3A_2760, %sub3A_2761 : vector<16xi32>
      %mul3A_2763 = arith.muli %mul3A_2762, %scan3A_61#11 : vector<16xi32>
      %add3A_2764 = arith.addi %add3A_2753, %mul3A_2763 : vector<16xi32>
      %convert_element_type3A_2765 = arith.sitofp %mul3A_2762 : vector<16xi32> to vector<16xf32>
      %mul3A_2766 = arith.constant 1.000000e+30 : f32
      %mul3A_2767 = vector.broadcast %mul3A_2766 : f32 to vector<16xf32>
      %mul3A_2768 = arith.mulf %convert_element_type3A_2765, %mul3A_2767 : vector<16xf32>
      %add3A_2769 = arith.addf %add3A_2517, %mul3A_2768 : vector<16xf32>
      %add3A_2770 = arith.addi %add3A_2759, %mul3A_2762 : vector<16xi32>
      %mul3A_2771 = arith.muli %select_n3A_2649, %select_n3A_2726 : vector<16xi32>
      %sub3A_2772 = arith.subi %broadcast_in_dim3A_63, %add3A_2770 : vector<16xi32>
      %mul3A_2773 = arith.muli %mul3A_2771, %sub3A_2772 : vector<16xi32>
      %mul3A_2774 = arith.muli %mul3A_2773, %scan3A_61#12 : vector<16xi32>
      %add3A_2775 = arith.addi %add3A_2764, %mul3A_2774 : vector<16xi32>
      %convert_element_type3A_2776 = arith.sitofp %mul3A_2773 : vector<16xi32> to vector<16xf32>
      %mul3A_2777 = arith.constant 1.000000e+30 : f32
      %mul3A_2778 = vector.broadcast %mul3A_2777 : f32 to vector<16xf32>
      %mul3A_2779 = arith.mulf %convert_element_type3A_2776, %mul3A_2778 : vector<16xf32>
      %add3A_2780 = arith.addf %add3A_2528, %mul3A_2779 : vector<16xf32>
      %add3A_2781 = arith.addi %add3A_2770, %mul3A_2773 : vector<16xi32>
      %mul3A_2782 = arith.muli %select_n3A_2651, %select_n3A_2726 : vector<16xi32>
      %sub3A_2783 = arith.subi %broadcast_in_dim3A_63, %add3A_2781 : vector<16xi32>
      %mul3A_2784 = arith.muli %mul3A_2782, %sub3A_2783 : vector<16xi32>
      %mul3A_2785 = arith.muli %mul3A_2784, %scan3A_61#13 : vector<16xi32>
      %add3A_2786 = arith.addi %add3A_2775, %mul3A_2785 : vector<16xi32>
      %convert_element_type3A_2787 = arith.sitofp %mul3A_2784 : vector<16xi32> to vector<16xf32>
      %mul3A_2788 = arith.constant 1.000000e+30 : f32
      %mul3A_2789 = vector.broadcast %mul3A_2788 : f32 to vector<16xf32>
      %mul3A_2790 = arith.mulf %convert_element_type3A_2787, %mul3A_2789 : vector<16xf32>
      %add3A_2791 = arith.addf %add3A_2539, %mul3A_2790 : vector<16xf32>
      %add3A_2792 = arith.addi %add3A_2781, %mul3A_2784 : vector<16xi32>
      %mul3A_2793 = arith.muli %select_n3A_2653, %select_n3A_2726 : vector<16xi32>
      %sub3A_2794 = arith.subi %broadcast_in_dim3A_63, %add3A_2792 : vector<16xi32>
      %mul3A_2795 = arith.muli %mul3A_2793, %sub3A_2794 : vector<16xi32>
      %mul3A_2796 = arith.muli %mul3A_2795, %scan3A_61#14 : vector<16xi32>
      %add3A_2797 = arith.addi %add3A_2786, %mul3A_2796 : vector<16xi32>
      %convert_element_type3A_2798 = arith.sitofp %mul3A_2795 : vector<16xi32> to vector<16xf32>
      %mul3A_2799 = arith.constant 1.000000e+30 : f32
      %mul3A_2800 = vector.broadcast %mul3A_2799 : f32 to vector<16xf32>
      %mul3A_2801 = arith.mulf %convert_element_type3A_2798, %mul3A_2800 : vector<16xf32>
      %add3A_2802 = arith.addf %add3A_2550, %mul3A_2801 : vector<16xf32>
      %add3A_2803 = arith.addi %add3A_2792, %mul3A_2795 : vector<16xi32>
      %mul3A_2804 = arith.muli %select_n3A_2655, %select_n3A_2726 : vector<16xi32>
      %sub3A_2805 = arith.subi %broadcast_in_dim3A_63, %add3A_2803 : vector<16xi32>
      %mul3A_2806 = arith.muli %mul3A_2804, %sub3A_2805 : vector<16xi32>
      %mul3A_2807 = arith.muli %mul3A_2806, %scan3A_61#15 : vector<16xi32>
      %add3A_2808 = arith.addi %add3A_2797, %mul3A_2807 : vector<16xi32>
      %convert_element_type3A_2809 = arith.sitofp %mul3A_2806 : vector<16xi32> to vector<16xf32>
      %mul3A_2810 = arith.constant 1.000000e+30 : f32
      %mul3A_2811 = vector.broadcast %mul3A_2810 : f32 to vector<16xf32>
      %mul3A_2812 = arith.mulf %convert_element_type3A_2809, %mul3A_2811 : vector<16xf32>
      %add3A_2813 = arith.addf %add3A_2561, %mul3A_2812 : vector<16xf32>
      %add3A_2814 = arith.addi %add3A_2803, %mul3A_2806 : vector<16xi32>
      %lt3A_2815 = arith.constant 0 : i32
      %lt3A_2816 = vector.broadcast %lt3A_2815 : i32 to vector<16xi32>
      %lt3A_2817 = arith.cmpi slt, %min3A_2724, %lt3A_2816 : vector<16xi32>
      %add3A_2818 = arith.constant 16 : i32
      %add3A_2819 = vector.broadcast %add3A_2818 : i32 to vector<16xi32>
      %add3A_2820 = arith.addi %min3A_2724, %add3A_2819 : vector<16xi32>
      %select_n3A_2821 = arith.select %lt3A_2817, %add3A_2820, %min3A_2724 : vector<16xi1>, vector<16xi32>
      %broadcast_in_dim3A_2822 = vector.shape_cast %select_n3A_2821 : vector<16xi32> to vector<16x1xi32>
      %gather3A_2823 = vector.shape_cast %broadcast_in_dim3A_2822 : vector<16x1xi32> to vector<16xi32>
      %gather3A_2824 = tpu.dynamic_gather %add3A_2808[%gather3A_2823] in [0] : vector<16xi32>, vector<16xi32> -> vector<16xi32>
      %eq3A_2825 = arith.constant 10 : i32
      %eq3A_2826 = vector.broadcast %eq3A_2825 : i32 to vector<16xi32>
      %eq3A_2827 = arith.cmpi eq, %iota3A, %eq3A_2826 : vector<16xi32>
      %select_n3A_2828 = arith.select %eq3A_2827, %gather3A_2824, %select_n3A_2576 : vector<16xi1>, vector<16xi32>
      %min3A_2829 = arith.minimumf %add3A_2736, %add3A_2747 : vector<16xf32>
      %min3A_2830 = arith.minimumf %min3A_2829, %add3A_2758 : vector<16xf32>
      %min3A_2831 = arith.minimumf %min3A_2830, %add3A_2769 : vector<16xf32>
      %min3A_2832 = arith.minimumf %min3A_2831, %add3A_2780 : vector<16xf32>
      %min3A_2833 = arith.minimumf %min3A_2832, %add3A_2791 : vector<16xf32>
      %min3A_2834 = arith.minimumf %min3A_2833, %add3A_2802 : vector<16xf32>
      %min3A_2835 = arith.minimumf %min3A_2834, %add3A_2813 : vector<16xf32>
      %xor3A_2836 = arith.constant 1 : i32
      %xor3A_2837 = vector.broadcast %xor3A_2836 : i32 to vector<16xi32>
      %xor3A_2838 = arith.xori %iota3A, %xor3A_2837 : vector<16xi32>
      %lt3A_2839 = arith.constant 0 : i32
      %lt3A_2840 = vector.broadcast %lt3A_2839 : i32 to vector<16xi32>
      %lt3A_2841 = arith.cmpi slt, %xor3A_2838, %lt3A_2840 : vector<16xi32>
      %add3A_2842 = arith.constant 16 : i32
      %add3A_2843 = vector.broadcast %add3A_2842 : i32 to vector<16xi32>
      %add3A_2844 = arith.addi %xor3A_2838, %add3A_2843 : vector<16xi32>
      %select_n3A_2845 = arith.select %lt3A_2841, %add3A_2844, %xor3A_2838 : vector<16xi1>, vector<16xi32>
      %broadcast_in_dim3A_2846 = vector.shape_cast %select_n3A_2845 : vector<16xi32> to vector<16x1xi32>
      %gather3A_2847 = vector.shape_cast %broadcast_in_dim3A_2846 : vector<16x1xi32> to vector<16xi32>
      %gather3A_2848 = tpu.dynamic_gather %min3A_2835[%gather3A_2847] in [0] : vector<16xf32>, vector<16xi32> -> vector<16xf32>
      %min3A_2849 = arith.minimumf %min3A_2835, %gather3A_2848 : vector<16xf32>
      %xor3A_2850 = arith.constant 2 : i32
      %xor3A_2851 = vector.broadcast %xor3A_2850 : i32 to vector<16xi32>
      %xor3A_2852 = arith.xori %iota3A, %xor3A_2851 : vector<16xi32>
      %lt3A_2853 = arith.constant 0 : i32
      %lt3A_2854 = vector.broadcast %lt3A_2853 : i32 to vector<16xi32>
      %lt3A_2855 = arith.cmpi slt, %xor3A_2852, %lt3A_2854 : vector<16xi32>
      %add3A_2856 = arith.constant 16 : i32
      %add3A_2857 = vector.broadcast %add3A_2856 : i32 to vector<16xi32>
      %add3A_2858 = arith.addi %xor3A_2852, %add3A_2857 : vector<16xi32>
      %select_n3A_2859 = arith.select %lt3A_2855, %add3A_2858, %xor3A_2852 : vector<16xi1>, vector<16xi32>
      %broadcast_in_dim3A_2860 = vector.shape_cast %select_n3A_2859 : vector<16xi32> to vector<16x1xi32>
      %gather3A_2861 = vector.shape_cast %broadcast_in_dim3A_2860 : vector<16x1xi32> to vector<16xi32>
      %gather3A_2862 = tpu.dynamic_gather %min3A_2849[%gather3A_2861] in [0] : vector<16xf32>, vector<16xi32> -> vector<16xf32>
      %min3A_2863 = arith.minimumf %min3A_2849, %gather3A_2862 : vector<16xf32>
      %xor3A_2864 = arith.constant 4 : i32
      %xor3A_2865 = vector.broadcast %xor3A_2864 : i32 to vector<16xi32>
      %xor3A_2866 = arith.xori %iota3A, %xor3A_2865 : vector<16xi32>
      %lt3A_2867 = arith.constant 0 : i32
      %lt3A_2868 = vector.broadcast %lt3A_2867 : i32 to vector<16xi32>
      %lt3A_2869 = arith.cmpi slt, %xor3A_2866, %lt3A_2868 : vector<16xi32>
      %add3A_2870 = arith.constant 16 : i32
      %add3A_2871 = vector.broadcast %add3A_2870 : i32 to vector<16xi32>
      %add3A_2872 = arith.addi %xor3A_2866, %add3A_2871 : vector<16xi32>
      %select_n3A_2873 = arith.select %lt3A_2869, %add3A_2872, %xor3A_2866 : vector<16xi1>, vector<16xi32>
      %broadcast_in_dim3A_2874 = vector.shape_cast %select_n3A_2873 : vector<16xi32> to vector<16x1xi32>
      %gather3A_2875 = vector.shape_cast %broadcast_in_dim3A_2874 : vector<16x1xi32> to vector<16xi32>
      %gather3A_2876 = tpu.dynamic_gather %min3A_2863[%gather3A_2875] in [0] : vector<16xf32>, vector<16xi32> -> vector<16xf32>
      %min3A_2877 = arith.minimumf %min3A_2863, %gather3A_2876 : vector<16xf32>
      %xor3A_2878 = arith.constant 8 : i32
      %xor3A_2879 = vector.broadcast %xor3A_2878 : i32 to vector<16xi32>
      %xor3A_2880 = arith.xori %iota3A, %xor3A_2879 : vector<16xi32>
      %lt3A_2881 = arith.constant 0 : i32
      %lt3A_2882 = vector.broadcast %lt3A_2881 : i32 to vector<16xi32>
      %lt3A_2883 = arith.cmpi slt, %xor3A_2880, %lt3A_2882 : vector<16xi32>
      %add3A_2884 = arith.constant 16 : i32
      %add3A_2885 = vector.broadcast %add3A_2884 : i32 to vector<16xi32>
      %add3A_2886 = arith.addi %xor3A_2880, %add3A_2885 : vector<16xi32>
      %select_n3A_2887 = arith.select %lt3A_2883, %add3A_2886, %xor3A_2880 : vector<16xi1>, vector<16xi32>
      %broadcast_in_dim3A_2888 = vector.shape_cast %select_n3A_2887 : vector<16xi32> to vector<16x1xi32>
      %gather3A_2889 = vector.shape_cast %broadcast_in_dim3A_2888 : vector<16x1xi32> to vector<16xi32>
      %gather3A_2890 = tpu.dynamic_gather %min3A_2877[%gather3A_2889] in [0] : vector<16xf32>, vector<16xi32> -> vector<16xf32>
      %min3A_2891 = arith.minimumf %min3A_2877, %gather3A_2890 : vector<16xf32>
      %eq3A_2892 = arith.cmpf oeq, %add3A_2736, %min3A_2891 : vector<16xf32>
      %select_n3A_2893 = arith.select %eq3A_2892, %broadcast_in_dim3A_63, %broadcast_in_dim3A_65 : vector<16xi1>, vector<16xi32>
      %eq3A_2894 = arith.cmpf oeq, %add3A_2747, %min3A_2891 : vector<16xf32>
      %select_n3A_2895 = arith.select %eq3A_2894, %broadcast_in_dim3A_63, %broadcast_in_dim3A_65 : vector<16xi1>, vector<16xi32>
      %eq3A_2896 = arith.cmpf oeq, %add3A_2758, %min3A_2891 : vector<16xf32>
      %select_n3A_2897 = arith.select %eq3A_2896, %broadcast_in_dim3A_63, %broadcast_in_dim3A_65 : vector<16xi1>, vector<16xi32>
      %eq3A_2898 = arith.cmpf oeq, %add3A_2769, %min3A_2891 : vector<16xf32>
      %select_n3A_2899 = arith.select %eq3A_2898, %broadcast_in_dim3A_63, %broadcast_in_dim3A_65 : vector<16xi1>, vector<16xi32>
      %eq3A_2900 = arith.cmpf oeq, %add3A_2780, %min3A_2891 : vector<16xf32>
      %select_n3A_2901 = arith.select %eq3A_2900, %broadcast_in_dim3A_63, %broadcast_in_dim3A_65 : vector<16xi1>, vector<16xi32>
      %eq3A_2902 = arith.cmpf oeq, %add3A_2791, %min3A_2891 : vector<16xf32>
      %select_n3A_2903 = arith.select %eq3A_2902, %broadcast_in_dim3A_63, %broadcast_in_dim3A_65 : vector<16xi1>, vector<16xi32>
      %eq3A_2904 = arith.cmpf oeq, %add3A_2802, %min3A_2891 : vector<16xf32>
      %select_n3A_2905 = arith.select %eq3A_2904, %broadcast_in_dim3A_63, %broadcast_in_dim3A_65 : vector<16xi1>, vector<16xi32>
      %eq3A_2906 = arith.cmpf oeq, %add3A_2813, %min3A_2891 : vector<16xf32>
      %select_n3A_2907 = arith.select %eq3A_2906, %broadcast_in_dim3A_63, %broadcast_in_dim3A_65 : vector<16xi1>, vector<16xi32>
      %max3A_2908 = arith.maxsi %select_n3A_2893, %select_n3A_2895 : vector<16xi32>
      %max3A_2909 = arith.maxsi %max3A_2908, %select_n3A_2897 : vector<16xi32>
      %max3A_2910 = arith.maxsi %max3A_2909, %select_n3A_2899 : vector<16xi32>
      %max3A_2911 = arith.maxsi %max3A_2910, %select_n3A_2901 : vector<16xi32>
      %max3A_2912 = arith.maxsi %max3A_2911, %select_n3A_2903 : vector<16xi32>
      %max3A_2913 = arith.maxsi %max3A_2912, %select_n3A_2905 : vector<16xi32>
      %max3A_2914 = arith.maxsi %max3A_2913, %select_n3A_2907 : vector<16xi32>
      %mul3A_2915 = arith.muli %max3A_2914, %iota3A : vector<16xi32>
      %sub3A_2916 = arith.subi %broadcast_in_dim3A_63, %max3A_2914 : vector<16xi32>
      %mul3A_2917 = arith.constant 16 : i32
      %mul3A_2918 = vector.broadcast %mul3A_2917 : i32 to vector<16xi32>
      %mul3A_2919 = arith.muli %sub3A_2916, %mul3A_2918 : vector<16xi32>
      %add3A_2920 = arith.addi %mul3A_2915, %mul3A_2919 : vector<16xi32>
      %xor3A_2921 = arith.constant 1 : i32
      %xor3A_2922 = vector.broadcast %xor3A_2921 : i32 to vector<16xi32>
      %xor3A_2923 = arith.xori %iota3A, %xor3A_2922 : vector<16xi32>
      %lt3A_2924 = arith.constant 0 : i32
      %lt3A_2925 = vector.broadcast %lt3A_2924 : i32 to vector<16xi32>
      %lt3A_2926 = arith.cmpi slt, %xor3A_2923, %lt3A_2925 : vector<16xi32>
      %add3A_2927 = arith.constant 16 : i32
      %add3A_2928 = vector.broadcast %add3A_2927 : i32 to vector<16xi32>
      %add3A_2929 = arith.addi %xor3A_2923, %add3A_2928 : vector<16xi32>
      %select_n3A_2930 = arith.select %lt3A_2926, %add3A_2929, %xor3A_2923 : vector<16xi1>, vector<16xi32>
      %broadcast_in_dim3A_2931 = vector.shape_cast %select_n3A_2930 : vector<16xi32> to vector<16x1xi32>
      %gather3A_2932 = vector.shape_cast %broadcast_in_dim3A_2931 : vector<16x1xi32> to vector<16xi32>
      %gather3A_2933 = tpu.dynamic_gather %add3A_2920[%gather3A_2932] in [0] : vector<16xi32>, vector<16xi32> -> vector<16xi32>
      %min3A_2934 = arith.minsi %add3A_2920, %gather3A_2933 : vector<16xi32>
      %xor3A_2935 = arith.constant 2 : i32
      %xor3A_2936 = vector.broadcast %xor3A_2935 : i32 to vector<16xi32>
      %xor3A_2937 = arith.xori %iota3A, %xor3A_2936 : vector<16xi32>
      %lt3A_2938 = arith.constant 0 : i32
      %lt3A_2939 = vector.broadcast %lt3A_2938 : i32 to vector<16xi32>
      %lt3A_2940 = arith.cmpi slt, %xor3A_2937, %lt3A_2939 : vector<16xi32>
      %add3A_2941 = arith.constant 16 : i32
      %add3A_2942 = vector.broadcast %add3A_2941 : i32 to vector<16xi32>
      %add3A_2943 = arith.addi %xor3A_2937, %add3A_2942 : vector<16xi32>
      %select_n3A_2944 = arith.select %lt3A_2940, %add3A_2943, %xor3A_2937 : vector<16xi1>, vector<16xi32>
      %broadcast_in_dim3A_2945 = vector.shape_cast %select_n3A_2944 : vector<16xi32> to vector<16x1xi32>
      %gather3A_2946 = vector.shape_cast %broadcast_in_dim3A_2945 : vector<16x1xi32> to vector<16xi32>
      %gather3A_2947 = tpu.dynamic_gather %min3A_2934[%gather3A_2946] in [0] : vector<16xi32>, vector<16xi32> -> vector<16xi32>
      %min3A_2948 = arith.minsi %min3A_2934, %gather3A_2947 : vector<16xi32>
      %xor3A_2949 = arith.constant 4 : i32
      %xor3A_2950 = vector.broadcast %xor3A_2949 : i32 to vector<16xi32>
      %xor3A_2951 = arith.xori %iota3A, %xor3A_2950 : vector<16xi32>
      %lt3A_2952 = arith.constant 0 : i32
      %lt3A_2953 = vector.broadcast %lt3A_2952 : i32 to vector<16xi32>
      %lt3A_2954 = arith.cmpi slt, %xor3A_2951, %lt3A_2953 : vector<16xi32>
      %add3A_2955 = arith.constant 16 : i32
      %add3A_2956 = vector.broadcast %add3A_2955 : i32 to vector<16xi32>
      %add3A_2957 = arith.addi %xor3A_2951, %add3A_2956 : vector<16xi32>
      %select_n3A_2958 = arith.select %lt3A_2954, %add3A_2957, %xor3A_2951 : vector<16xi1>, vector<16xi32>
      %broadcast_in_dim3A_2959 = vector.shape_cast %select_n3A_2958 : vector<16xi32> to vector<16x1xi32>
      %gather3A_2960 = vector.shape_cast %broadcast_in_dim3A_2959 : vector<16x1xi32> to vector<16xi32>
      %gather3A_2961 = tpu.dynamic_gather %min3A_2948[%gather3A_2960] in [0] : vector<16xi32>, vector<16xi32> -> vector<16xi32>
      %min3A_2962 = arith.minsi %min3A_2948, %gather3A_2961 : vector<16xi32>
      %xor3A_2963 = arith.constant 8 : i32
      %xor3A_2964 = vector.broadcast %xor3A_2963 : i32 to vector<16xi32>
      %xor3A_2965 = arith.xori %iota3A, %xor3A_2964 : vector<16xi32>
      %lt3A_2966 = arith.constant 0 : i32
      %lt3A_2967 = vector.broadcast %lt3A_2966 : i32 to vector<16xi32>
      %lt3A_2968 = arith.cmpi slt, %xor3A_2965, %lt3A_2967 : vector<16xi32>
      %add3A_2969 = arith.constant 16 : i32
      %add3A_2970 = vector.broadcast %add3A_2969 : i32 to vector<16xi32>
      %add3A_2971 = arith.addi %xor3A_2965, %add3A_2970 : vector<16xi32>
      %select_n3A_2972 = arith.select %lt3A_2968, %add3A_2971, %xor3A_2965 : vector<16xi1>, vector<16xi32>
      %broadcast_in_dim3A_2973 = vector.shape_cast %select_n3A_2972 : vector<16xi32> to vector<16x1xi32>
      %gather3A_2974 = vector.shape_cast %broadcast_in_dim3A_2973 : vector<16x1xi32> to vector<16xi32>
      %gather3A_2975 = tpu.dynamic_gather %min3A_2962[%gather3A_2974] in [0] : vector<16xi32>, vector<16xi32> -> vector<16xi32>
      %min3A_2976 = arith.minsi %min3A_2962, %gather3A_2975 : vector<16xi32>
      %eq3A_2977 = arith.cmpi eq, %iota3A, %min3A_2976 : vector<16xi32>
      %select_n3A_2978 = arith.select %eq3A_2977, %broadcast_in_dim3A_63, %broadcast_in_dim3A_65 : vector<16xi1>, vector<16xi32>
      %mul3A_2979 = arith.muli %select_n3A_2893, %select_n3A_2978 : vector<16xi32>
      %sub3A_2980 = arith.subi %broadcast_in_dim3A_63, %broadcast_in_dim3A_65 : vector<16xi32>
      %mul3A_2981 = arith.muli %mul3A_2979, %sub3A_2980 : vector<16xi32>
      %mul3A_2982 = arith.muli %mul3A_2981, %scan3A_61#8 : vector<16xi32>
      %add3A_2983 = arith.addi %broadcast_in_dim3A_65, %mul3A_2982 : vector<16xi32>
      %convert_element_type3A_2984 = arith.sitofp %mul3A_2981 : vector<16xi32> to vector<16xf32>
      %mul3A_2985 = arith.constant 1.000000e+30 : f32
      %mul3A_2986 = vector.broadcast %mul3A_2985 : f32 to vector<16xf32>
      %mul3A_2987 = arith.mulf %convert_element_type3A_2984, %mul3A_2986 : vector<16xf32>
      %add3A_2988 = arith.addf %add3A_2736, %mul3A_2987 : vector<16xf32>
      %add3A_2989 = arith.addi %broadcast_in_dim3A_65, %mul3A_2981 : vector<16xi32>
      %mul3A_2990 = arith.muli %select_n3A_2895, %select_n3A_2978 : vector<16xi32>
      %sub3A_2991 = arith.subi %broadcast_in_dim3A_63, %add3A_2989 : vector<16xi32>
      %mul3A_2992 = arith.muli %mul3A_2990, %sub3A_2991 : vector<16xi32>
      %mul3A_2993 = arith.muli %mul3A_2992, %scan3A_61#9 : vector<16xi32>
      %add3A_2994 = arith.addi %add3A_2983, %mul3A_2993 : vector<16xi32>
      %convert_element_type3A_2995 = arith.sitofp %mul3A_2992 : vector<16xi32> to vector<16xf32>
      %mul3A_2996 = arith.constant 1.000000e+30 : f32
      %mul3A_2997 = vector.broadcast %mul3A_2996 : f32 to vector<16xf32>
      %mul3A_2998 = arith.mulf %convert_element_type3A_2995, %mul3A_2997 : vector<16xf32>
      %add3A_2999 = arith.addf %add3A_2747, %mul3A_2998 : vector<16xf32>
      %add3A_3000 = arith.addi %add3A_2989, %mul3A_2992 : vector<16xi32>
      %mul3A_3001 = arith.muli %select_n3A_2897, %select_n3A_2978 : vector<16xi32>
      %sub3A_3002 = arith.subi %broadcast_in_dim3A_63, %add3A_3000 : vector<16xi32>
      %mul3A_3003 = arith.muli %mul3A_3001, %sub3A_3002 : vector<16xi32>
      %mul3A_3004 = arith.muli %mul3A_3003, %scan3A_61#10 : vector<16xi32>
      %add3A_3005 = arith.addi %add3A_2994, %mul3A_3004 : vector<16xi32>
      %convert_element_type3A_3006 = arith.sitofp %mul3A_3003 : vector<16xi32> to vector<16xf32>
      %mul3A_3007 = arith.constant 1.000000e+30 : f32
      %mul3A_3008 = vector.broadcast %mul3A_3007 : f32 to vector<16xf32>
      %mul3A_3009 = arith.mulf %convert_element_type3A_3006, %mul3A_3008 : vector<16xf32>
      %add3A_3010 = arith.addf %add3A_2758, %mul3A_3009 : vector<16xf32>
      %add3A_3011 = arith.addi %add3A_3000, %mul3A_3003 : vector<16xi32>
      %mul3A_3012 = arith.muli %select_n3A_2899, %select_n3A_2978 : vector<16xi32>
      %sub3A_3013 = arith.subi %broadcast_in_dim3A_63, %add3A_3011 : vector<16xi32>
      %mul3A_3014 = arith.muli %mul3A_3012, %sub3A_3013 : vector<16xi32>
      %mul3A_3015 = arith.muli %mul3A_3014, %scan3A_61#11 : vector<16xi32>
      %add3A_3016 = arith.addi %add3A_3005, %mul3A_3015 : vector<16xi32>
      %convert_element_type3A_3017 = arith.sitofp %mul3A_3014 : vector<16xi32> to vector<16xf32>
      %mul3A_3018 = arith.constant 1.000000e+30 : f32
      %mul3A_3019 = vector.broadcast %mul3A_3018 : f32 to vector<16xf32>
      %mul3A_3020 = arith.mulf %convert_element_type3A_3017, %mul3A_3019 : vector<16xf32>
      %add3A_3021 = arith.addf %add3A_2769, %mul3A_3020 : vector<16xf32>
      %add3A_3022 = arith.addi %add3A_3011, %mul3A_3014 : vector<16xi32>
      %mul3A_3023 = arith.muli %select_n3A_2901, %select_n3A_2978 : vector<16xi32>
      %sub3A_3024 = arith.subi %broadcast_in_dim3A_63, %add3A_3022 : vector<16xi32>
      %mul3A_3025 = arith.muli %mul3A_3023, %sub3A_3024 : vector<16xi32>
      %mul3A_3026 = arith.muli %mul3A_3025, %scan3A_61#12 : vector<16xi32>
      %add3A_3027 = arith.addi %add3A_3016, %mul3A_3026 : vector<16xi32>
      %convert_element_type3A_3028 = arith.sitofp %mul3A_3025 : vector<16xi32> to vector<16xf32>
      %mul3A_3029 = arith.constant 1.000000e+30 : f32
      %mul3A_3030 = vector.broadcast %mul3A_3029 : f32 to vector<16xf32>
      %mul3A_3031 = arith.mulf %convert_element_type3A_3028, %mul3A_3030 : vector<16xf32>
      %add3A_3032 = arith.addf %add3A_2780, %mul3A_3031 : vector<16xf32>
      %add3A_3033 = arith.addi %add3A_3022, %mul3A_3025 : vector<16xi32>
      %mul3A_3034 = arith.muli %select_n3A_2903, %select_n3A_2978 : vector<16xi32>
      %sub3A_3035 = arith.subi %broadcast_in_dim3A_63, %add3A_3033 : vector<16xi32>
      %mul3A_3036 = arith.muli %mul3A_3034, %sub3A_3035 : vector<16xi32>
      %mul3A_3037 = arith.muli %mul3A_3036, %scan3A_61#13 : vector<16xi32>
      %add3A_3038 = arith.addi %add3A_3027, %mul3A_3037 : vector<16xi32>
      %convert_element_type3A_3039 = arith.sitofp %mul3A_3036 : vector<16xi32> to vector<16xf32>
      %mul3A_3040 = arith.constant 1.000000e+30 : f32
      %mul3A_3041 = vector.broadcast %mul3A_3040 : f32 to vector<16xf32>
      %mul3A_3042 = arith.mulf %convert_element_type3A_3039, %mul3A_3041 : vector<16xf32>
      %add3A_3043 = arith.addf %add3A_2791, %mul3A_3042 : vector<16xf32>
      %add3A_3044 = arith.addi %add3A_3033, %mul3A_3036 : vector<16xi32>
      %mul3A_3045 = arith.muli %select_n3A_2905, %select_n3A_2978 : vector<16xi32>
      %sub3A_3046 = arith.subi %broadcast_in_dim3A_63, %add3A_3044 : vector<16xi32>
      %mul3A_3047 = arith.muli %mul3A_3045, %sub3A_3046 : vector<16xi32>
      %mul3A_3048 = arith.muli %mul3A_3047, %scan3A_61#14 : vector<16xi32>
      %add3A_3049 = arith.addi %add3A_3038, %mul3A_3048 : vector<16xi32>
      %convert_element_type3A_3050 = arith.sitofp %mul3A_3047 : vector<16xi32> to vector<16xf32>
      %mul3A_3051 = arith.constant 1.000000e+30 : f32
      %mul3A_3052 = vector.broadcast %mul3A_3051 : f32 to vector<16xf32>
      %mul3A_3053 = arith.mulf %convert_element_type3A_3050, %mul3A_3052 : vector<16xf32>
      %add3A_3054 = arith.addf %add3A_2802, %mul3A_3053 : vector<16xf32>
      %add3A_3055 = arith.addi %add3A_3044, %mul3A_3047 : vector<16xi32>
      %mul3A_3056 = arith.muli %select_n3A_2907, %select_n3A_2978 : vector<16xi32>
      %sub3A_3057 = arith.subi %broadcast_in_dim3A_63, %add3A_3055 : vector<16xi32>
      %mul3A_3058 = arith.muli %mul3A_3056, %sub3A_3057 : vector<16xi32>
      %mul3A_3059 = arith.muli %mul3A_3058, %scan3A_61#15 : vector<16xi32>
      %add3A_3060 = arith.addi %add3A_3049, %mul3A_3059 : vector<16xi32>
      %convert_element_type3A_3061 = arith.sitofp %mul3A_3058 : vector<16xi32> to vector<16xf32>
      %mul3A_3062 = arith.constant 1.000000e+30 : f32
      %mul3A_3063 = vector.broadcast %mul3A_3062 : f32 to vector<16xf32>
      %mul3A_3064 = arith.mulf %convert_element_type3A_3061, %mul3A_3063 : vector<16xf32>
      %add3A_3065 = arith.addf %add3A_2813, %mul3A_3064 : vector<16xf32>
      %add3A_3066 = arith.addi %add3A_3055, %mul3A_3058 : vector<16xi32>
      %lt3A_3067 = arith.constant 0 : i32
      %lt3A_3068 = vector.broadcast %lt3A_3067 : i32 to vector<16xi32>
      %lt3A_3069 = arith.cmpi slt, %min3A_2976, %lt3A_3068 : vector<16xi32>
      %add3A_3070 = arith.constant 16 : i32
      %add3A_3071 = vector.broadcast %add3A_3070 : i32 to vector<16xi32>
      %add3A_3072 = arith.addi %min3A_2976, %add3A_3071 : vector<16xi32>
      %select_n3A_3073 = arith.select %lt3A_3069, %add3A_3072, %min3A_2976 : vector<16xi1>, vector<16xi32>
      %broadcast_in_dim3A_3074 = vector.shape_cast %select_n3A_3073 : vector<16xi32> to vector<16x1xi32>
      %gather3A_3075 = vector.shape_cast %broadcast_in_dim3A_3074 : vector<16x1xi32> to vector<16xi32>
      %gather3A_3076 = tpu.dynamic_gather %add3A_3060[%gather3A_3075] in [0] : vector<16xi32>, vector<16xi32> -> vector<16xi32>
      %eq3A_3077 = arith.constant 11 : i32
      %eq3A_3078 = vector.broadcast %eq3A_3077 : i32 to vector<16xi32>
      %eq3A_3079 = arith.cmpi eq, %iota3A, %eq3A_3078 : vector<16xi32>
      %select_n3A_3080 = arith.select %eq3A_3079, %gather3A_3076, %select_n3A_2828 : vector<16xi1>, vector<16xi32>
      %min3A_3081 = arith.minimumf %add3A_2988, %add3A_2999 : vector<16xf32>
      %min3A_3082 = arith.minimumf %min3A_3081, %add3A_3010 : vector<16xf32>
      %min3A_3083 = arith.minimumf %min3A_3082, %add3A_3021 : vector<16xf32>
      %min3A_3084 = arith.minimumf %min3A_3083, %add3A_3032 : vector<16xf32>
      %min3A_3085 = arith.minimumf %min3A_3084, %add3A_3043 : vector<16xf32>
      %min3A_3086 = arith.minimumf %min3A_3085, %add3A_3054 : vector<16xf32>
      %min3A_3087 = arith.minimumf %min3A_3086, %add3A_3065 : vector<16xf32>
      %xor3A_3088 = arith.constant 1 : i32
      %xor3A_3089 = vector.broadcast %xor3A_3088 : i32 to vector<16xi32>
      %xor3A_3090 = arith.xori %iota3A, %xor3A_3089 : vector<16xi32>
      %lt3A_3091 = arith.constant 0 : i32
      %lt3A_3092 = vector.broadcast %lt3A_3091 : i32 to vector<16xi32>
      %lt3A_3093 = arith.cmpi slt, %xor3A_3090, %lt3A_3092 : vector<16xi32>
      %add3A_3094 = arith.constant 16 : i32
      %add3A_3095 = vector.broadcast %add3A_3094 : i32 to vector<16xi32>
      %add3A_3096 = arith.addi %xor3A_3090, %add3A_3095 : vector<16xi32>
      %select_n3A_3097 = arith.select %lt3A_3093, %add3A_3096, %xor3A_3090 : vector<16xi1>, vector<16xi32>
      %broadcast_in_dim3A_3098 = vector.shape_cast %select_n3A_3097 : vector<16xi32> to vector<16x1xi32>
      %gather3A_3099 = vector.shape_cast %broadcast_in_dim3A_3098 : vector<16x1xi32> to vector<16xi32>
      %gather3A_3100 = tpu.dynamic_gather %min3A_3087[%gather3A_3099] in [0] : vector<16xf32>, vector<16xi32> -> vector<16xf32>
      %min3A_3101 = arith.minimumf %min3A_3087, %gather3A_3100 : vector<16xf32>
      %xor3A_3102 = arith.constant 2 : i32
      %xor3A_3103 = vector.broadcast %xor3A_3102 : i32 to vector<16xi32>
      %xor3A_3104 = arith.xori %iota3A, %xor3A_3103 : vector<16xi32>
      %lt3A_3105 = arith.constant 0 : i32
      %lt3A_3106 = vector.broadcast %lt3A_3105 : i32 to vector<16xi32>
      %lt3A_3107 = arith.cmpi slt, %xor3A_3104, %lt3A_3106 : vector<16xi32>
      %add3A_3108 = arith.constant 16 : i32
      %add3A_3109 = vector.broadcast %add3A_3108 : i32 to vector<16xi32>
      %add3A_3110 = arith.addi %xor3A_3104, %add3A_3109 : vector<16xi32>
      %select_n3A_3111 = arith.select %lt3A_3107, %add3A_3110, %xor3A_3104 : vector<16xi1>, vector<16xi32>
      %broadcast_in_dim3A_3112 = vector.shape_cast %select_n3A_3111 : vector<16xi32> to vector<16x1xi32>
      %gather3A_3113 = vector.shape_cast %broadcast_in_dim3A_3112 : vector<16x1xi32> to vector<16xi32>
      %gather3A_3114 = tpu.dynamic_gather %min3A_3101[%gather3A_3113] in [0] : vector<16xf32>, vector<16xi32> -> vector<16xf32>
      %min3A_3115 = arith.minimumf %min3A_3101, %gather3A_3114 : vector<16xf32>
      %xor3A_3116 = arith.constant 4 : i32
      %xor3A_3117 = vector.broadcast %xor3A_3116 : i32 to vector<16xi32>
      %xor3A_3118 = arith.xori %iota3A, %xor3A_3117 : vector<16xi32>
      %lt3A_3119 = arith.constant 0 : i32
      %lt3A_3120 = vector.broadcast %lt3A_3119 : i32 to vector<16xi32>
      %lt3A_3121 = arith.cmpi slt, %xor3A_3118, %lt3A_3120 : vector<16xi32>
      %add3A_3122 = arith.constant 16 : i32
      %add3A_3123 = vector.broadcast %add3A_3122 : i32 to vector<16xi32>
      %add3A_3124 = arith.addi %xor3A_3118, %add3A_3123 : vector<16xi32>
      %select_n3A_3125 = arith.select %lt3A_3121, %add3A_3124, %xor3A_3118 : vector<16xi1>, vector<16xi32>
      %broadcast_in_dim3A_3126 = vector.shape_cast %select_n3A_3125 : vector<16xi32> to vector<16x1xi32>
      %gather3A_3127 = vector.shape_cast %broadcast_in_dim3A_3126 : vector<16x1xi32> to vector<16xi32>
      %gather3A_3128 = tpu.dynamic_gather %min3A_3115[%gather3A_3127] in [0] : vector<16xf32>, vector<16xi32> -> vector<16xf32>
      %min3A_3129 = arith.minimumf %min3A_3115, %gather3A_3128 : vector<16xf32>
      %xor3A_3130 = arith.constant 8 : i32
      %xor3A_3131 = vector.broadcast %xor3A_3130 : i32 to vector<16xi32>
      %xor3A_3132 = arith.xori %iota3A, %xor3A_3131 : vector<16xi32>
      %lt3A_3133 = arith.constant 0 : i32
      %lt3A_3134 = vector.broadcast %lt3A_3133 : i32 to vector<16xi32>
      %lt3A_3135 = arith.cmpi slt, %xor3A_3132, %lt3A_3134 : vector<16xi32>
      %add3A_3136 = arith.constant 16 : i32
      %add3A_3137 = vector.broadcast %add3A_3136 : i32 to vector<16xi32>
      %add3A_3138 = arith.addi %xor3A_3132, %add3A_3137 : vector<16xi32>
      %select_n3A_3139 = arith.select %lt3A_3135, %add3A_3138, %xor3A_3132 : vector<16xi1>, vector<16xi32>
      %broadcast_in_dim3A_3140 = vector.shape_cast %select_n3A_3139 : vector<16xi32> to vector<16x1xi32>
      %gather3A_3141 = vector.shape_cast %broadcast_in_dim3A_3140 : vector<16x1xi32> to vector<16xi32>
      %gather3A_3142 = tpu.dynamic_gather %min3A_3129[%gather3A_3141] in [0] : vector<16xf32>, vector<16xi32> -> vector<16xf32>
      %min3A_3143 = arith.minimumf %min3A_3129, %gather3A_3142 : vector<16xf32>
      %eq3A_3144 = arith.cmpf oeq, %add3A_2988, %min3A_3143 : vector<16xf32>
      %select_n3A_3145 = arith.select %eq3A_3144, %broadcast_in_dim3A_63, %broadcast_in_dim3A_65 : vector<16xi1>, vector<16xi32>
      %eq3A_3146 = arith.cmpf oeq, %add3A_2999, %min3A_3143 : vector<16xf32>
      %select_n3A_3147 = arith.select %eq3A_3146, %broadcast_in_dim3A_63, %broadcast_in_dim3A_65 : vector<16xi1>, vector<16xi32>
      %eq3A_3148 = arith.cmpf oeq, %add3A_3010, %min3A_3143 : vector<16xf32>
      %select_n3A_3149 = arith.select %eq3A_3148, %broadcast_in_dim3A_63, %broadcast_in_dim3A_65 : vector<16xi1>, vector<16xi32>
      %eq3A_3150 = arith.cmpf oeq, %add3A_3021, %min3A_3143 : vector<16xf32>
      %select_n3A_3151 = arith.select %eq3A_3150, %broadcast_in_dim3A_63, %broadcast_in_dim3A_65 : vector<16xi1>, vector<16xi32>
      %eq3A_3152 = arith.cmpf oeq, %add3A_3032, %min3A_3143 : vector<16xf32>
      %select_n3A_3153 = arith.select %eq3A_3152, %broadcast_in_dim3A_63, %broadcast_in_dim3A_65 : vector<16xi1>, vector<16xi32>
      %eq3A_3154 = arith.cmpf oeq, %add3A_3043, %min3A_3143 : vector<16xf32>
      %select_n3A_3155 = arith.select %eq3A_3154, %broadcast_in_dim3A_63, %broadcast_in_dim3A_65 : vector<16xi1>, vector<16xi32>
      %eq3A_3156 = arith.cmpf oeq, %add3A_3054, %min3A_3143 : vector<16xf32>
      %select_n3A_3157 = arith.select %eq3A_3156, %broadcast_in_dim3A_63, %broadcast_in_dim3A_65 : vector<16xi1>, vector<16xi32>
      %eq3A_3158 = arith.cmpf oeq, %add3A_3065, %min3A_3143 : vector<16xf32>
      %select_n3A_3159 = arith.select %eq3A_3158, %broadcast_in_dim3A_63, %broadcast_in_dim3A_65 : vector<16xi1>, vector<16xi32>
      %max3A_3160 = arith.maxsi %select_n3A_3145, %select_n3A_3147 : vector<16xi32>
      %max3A_3161 = arith.maxsi %max3A_3160, %select_n3A_3149 : vector<16xi32>
      %max3A_3162 = arith.maxsi %max3A_3161, %select_n3A_3151 : vector<16xi32>
      %max3A_3163 = arith.maxsi %max3A_3162, %select_n3A_3153 : vector<16xi32>
      %max3A_3164 = arith.maxsi %max3A_3163, %select_n3A_3155 : vector<16xi32>
      %max3A_3165 = arith.maxsi %max3A_3164, %select_n3A_3157 : vector<16xi32>
      %max3A_3166 = arith.maxsi %max3A_3165, %select_n3A_3159 : vector<16xi32>
      %mul3A_3167 = arith.muli %max3A_3166, %iota3A : vector<16xi32>
      %sub3A_3168 = arith.subi %broadcast_in_dim3A_63, %max3A_3166 : vector<16xi32>
      %mul3A_3169 = arith.constant 16 : i32
      %mul3A_3170 = vector.broadcast %mul3A_3169 : i32 to vector<16xi32>
      %mul3A_3171 = arith.muli %sub3A_3168, %mul3A_3170 : vector<16xi32>
      %add3A_3172 = arith.addi %mul3A_3167, %mul3A_3171 : vector<16xi32>
      %xor3A_3173 = arith.constant 1 : i32
      %xor3A_3174 = vector.broadcast %xor3A_3173 : i32 to vector<16xi32>
      %xor3A_3175 = arith.xori %iota3A, %xor3A_3174 : vector<16xi32>
      %lt3A_3176 = arith.constant 0 : i32
      %lt3A_3177 = vector.broadcast %lt3A_3176 : i32 to vector<16xi32>
      %lt3A_3178 = arith.cmpi slt, %xor3A_3175, %lt3A_3177 : vector<16xi32>
      %add3A_3179 = arith.constant 16 : i32
      %add3A_3180 = vector.broadcast %add3A_3179 : i32 to vector<16xi32>
      %add3A_3181 = arith.addi %xor3A_3175, %add3A_3180 : vector<16xi32>
      %select_n3A_3182 = arith.select %lt3A_3178, %add3A_3181, %xor3A_3175 : vector<16xi1>, vector<16xi32>
      %broadcast_in_dim3A_3183 = vector.shape_cast %select_n3A_3182 : vector<16xi32> to vector<16x1xi32>
      %gather3A_3184 = vector.shape_cast %broadcast_in_dim3A_3183 : vector<16x1xi32> to vector<16xi32>
      %gather3A_3185 = tpu.dynamic_gather %add3A_3172[%gather3A_3184] in [0] : vector<16xi32>, vector<16xi32> -> vector<16xi32>
      %min3A_3186 = arith.minsi %add3A_3172, %gather3A_3185 : vector<16xi32>
      %xor3A_3187 = arith.constant 2 : i32
      %xor3A_3188 = vector.broadcast %xor3A_3187 : i32 to vector<16xi32>
      %xor3A_3189 = arith.xori %iota3A, %xor3A_3188 : vector<16xi32>
      %lt3A_3190 = arith.constant 0 : i32
      %lt3A_3191 = vector.broadcast %lt3A_3190 : i32 to vector<16xi32>
      %lt3A_3192 = arith.cmpi slt, %xor3A_3189, %lt3A_3191 : vector<16xi32>
      %add3A_3193 = arith.constant 16 : i32
      %add3A_3194 = vector.broadcast %add3A_3193 : i32 to vector<16xi32>
      %add3A_3195 = arith.addi %xor3A_3189, %add3A_3194 : vector<16xi32>
      %select_n3A_3196 = arith.select %lt3A_3192, %add3A_3195, %xor3A_3189 : vector<16xi1>, vector<16xi32>
      %broadcast_in_dim3A_3197 = vector.shape_cast %select_n3A_3196 : vector<16xi32> to vector<16x1xi32>
      %gather3A_3198 = vector.shape_cast %broadcast_in_dim3A_3197 : vector<16x1xi32> to vector<16xi32>
      %gather3A_3199 = tpu.dynamic_gather %min3A_3186[%gather3A_3198] in [0] : vector<16xi32>, vector<16xi32> -> vector<16xi32>
      %min3A_3200 = arith.minsi %min3A_3186, %gather3A_3199 : vector<16xi32>
      %xor3A_3201 = arith.constant 4 : i32
      %xor3A_3202 = vector.broadcast %xor3A_3201 : i32 to vector<16xi32>
      %xor3A_3203 = arith.xori %iota3A, %xor3A_3202 : vector<16xi32>
      %lt3A_3204 = arith.constant 0 : i32
      %lt3A_3205 = vector.broadcast %lt3A_3204 : i32 to vector<16xi32>
      %lt3A_3206 = arith.cmpi slt, %xor3A_3203, %lt3A_3205 : vector<16xi32>
      %add3A_3207 = arith.constant 16 : i32
      %add3A_3208 = vector.broadcast %add3A_3207 : i32 to vector<16xi32>
      %add3A_3209 = arith.addi %xor3A_3203, %add3A_3208 : vector<16xi32>
      %select_n3A_3210 = arith.select %lt3A_3206, %add3A_3209, %xor3A_3203 : vector<16xi1>, vector<16xi32>
      %broadcast_in_dim3A_3211 = vector.shape_cast %select_n3A_3210 : vector<16xi32> to vector<16x1xi32>
      %gather3A_3212 = vector.shape_cast %broadcast_in_dim3A_3211 : vector<16x1xi32> to vector<16xi32>
      %gather3A_3213 = tpu.dynamic_gather %min3A_3200[%gather3A_3212] in [0] : vector<16xi32>, vector<16xi32> -> vector<16xi32>
      %min3A_3214 = arith.minsi %min3A_3200, %gather3A_3213 : vector<16xi32>
      %xor3A_3215 = arith.constant 8 : i32
      %xor3A_3216 = vector.broadcast %xor3A_3215 : i32 to vector<16xi32>
      %xor3A_3217 = arith.xori %iota3A, %xor3A_3216 : vector<16xi32>
      %lt3A_3218 = arith.constant 0 : i32
      %lt3A_3219 = vector.broadcast %lt3A_3218 : i32 to vector<16xi32>
      %lt3A_3220 = arith.cmpi slt, %xor3A_3217, %lt3A_3219 : vector<16xi32>
      %add3A_3221 = arith.constant 16 : i32
      %add3A_3222 = vector.broadcast %add3A_3221 : i32 to vector<16xi32>
      %add3A_3223 = arith.addi %xor3A_3217, %add3A_3222 : vector<16xi32>
      %select_n3A_3224 = arith.select %lt3A_3220, %add3A_3223, %xor3A_3217 : vector<16xi1>, vector<16xi32>
      %broadcast_in_dim3A_3225 = vector.shape_cast %select_n3A_3224 : vector<16xi32> to vector<16x1xi32>
      %gather3A_3226 = vector.shape_cast %broadcast_in_dim3A_3225 : vector<16x1xi32> to vector<16xi32>
      %gather3A_3227 = tpu.dynamic_gather %min3A_3214[%gather3A_3226] in [0] : vector<16xi32>, vector<16xi32> -> vector<16xi32>
      %min3A_3228 = arith.minsi %min3A_3214, %gather3A_3227 : vector<16xi32>
      %eq3A_3229 = arith.cmpi eq, %iota3A, %min3A_3228 : vector<16xi32>
      %select_n3A_3230 = arith.select %eq3A_3229, %broadcast_in_dim3A_63, %broadcast_in_dim3A_65 : vector<16xi1>, vector<16xi32>
      %mul3A_3231 = arith.muli %select_n3A_3145, %select_n3A_3230 : vector<16xi32>
      %sub3A_3232 = arith.subi %broadcast_in_dim3A_63, %broadcast_in_dim3A_65 : vector<16xi32>
      %mul3A_3233 = arith.muli %mul3A_3231, %sub3A_3232 : vector<16xi32>
      %mul3A_3234 = arith.muli %mul3A_3233, %scan3A_61#8 : vector<16xi32>
      %add3A_3235 = arith.addi %broadcast_in_dim3A_65, %mul3A_3234 : vector<16xi32>
      %convert_element_type3A_3236 = arith.sitofp %mul3A_3233 : vector<16xi32> to vector<16xf32>
      %mul3A_3237 = arith.constant 1.000000e+30 : f32
      %mul3A_3238 = vector.broadcast %mul3A_3237 : f32 to vector<16xf32>
      %mul3A_3239 = arith.mulf %convert_element_type3A_3236, %mul3A_3238 : vector<16xf32>
      %add3A_3240 = arith.addf %add3A_2988, %mul3A_3239 : vector<16xf32>
      %add3A_3241 = arith.addi %broadcast_in_dim3A_65, %mul3A_3233 : vector<16xi32>
      %mul3A_3242 = arith.muli %select_n3A_3147, %select_n3A_3230 : vector<16xi32>
      %sub3A_3243 = arith.subi %broadcast_in_dim3A_63, %add3A_3241 : vector<16xi32>
      %mul3A_3244 = arith.muli %mul3A_3242, %sub3A_3243 : vector<16xi32>
      %mul3A_3245 = arith.muli %mul3A_3244, %scan3A_61#9 : vector<16xi32>
      %add3A_3246 = arith.addi %add3A_3235, %mul3A_3245 : vector<16xi32>
      %convert_element_type3A_3247 = arith.sitofp %mul3A_3244 : vector<16xi32> to vector<16xf32>
      %mul3A_3248 = arith.constant 1.000000e+30 : f32
      %mul3A_3249 = vector.broadcast %mul3A_3248 : f32 to vector<16xf32>
      %mul3A_3250 = arith.mulf %convert_element_type3A_3247, %mul3A_3249 : vector<16xf32>
      %add3A_3251 = arith.addf %add3A_2999, %mul3A_3250 : vector<16xf32>
      %add3A_3252 = arith.addi %add3A_3241, %mul3A_3244 : vector<16xi32>
      %mul3A_3253 = arith.muli %select_n3A_3149, %select_n3A_3230 : vector<16xi32>
      %sub3A_3254 = arith.subi %broadcast_in_dim3A_63, %add3A_3252 : vector<16xi32>
      %mul3A_3255 = arith.muli %mul3A_3253, %sub3A_3254 : vector<16xi32>
      %mul3A_3256 = arith.muli %mul3A_3255, %scan3A_61#10 : vector<16xi32>
      %add3A_3257 = arith.addi %add3A_3246, %mul3A_3256 : vector<16xi32>
      %convert_element_type3A_3258 = arith.sitofp %mul3A_3255 : vector<16xi32> to vector<16xf32>
      %mul3A_3259 = arith.constant 1.000000e+30 : f32
      %mul3A_3260 = vector.broadcast %mul3A_3259 : f32 to vector<16xf32>
      %mul3A_3261 = arith.mulf %convert_element_type3A_3258, %mul3A_3260 : vector<16xf32>
      %add3A_3262 = arith.addf %add3A_3010, %mul3A_3261 : vector<16xf32>
      %add3A_3263 = arith.addi %add3A_3252, %mul3A_3255 : vector<16xi32>
      %mul3A_3264 = arith.muli %select_n3A_3151, %select_n3A_3230 : vector<16xi32>
      %sub3A_3265 = arith.subi %broadcast_in_dim3A_63, %add3A_3263 : vector<16xi32>
      %mul3A_3266 = arith.muli %mul3A_3264, %sub3A_3265 : vector<16xi32>
      %mul3A_3267 = arith.muli %mul3A_3266, %scan3A_61#11 : vector<16xi32>
      %add3A_3268 = arith.addi %add3A_3257, %mul3A_3267 : vector<16xi32>
      %convert_element_type3A_3269 = arith.sitofp %mul3A_3266 : vector<16xi32> to vector<16xf32>
      %mul3A_3270 = arith.constant 1.000000e+30 : f32
      %mul3A_3271 = vector.broadcast %mul3A_3270 : f32 to vector<16xf32>
      %mul3A_3272 = arith.mulf %convert_element_type3A_3269, %mul3A_3271 : vector<16xf32>
      %add3A_3273 = arith.addf %add3A_3021, %mul3A_3272 : vector<16xf32>
      %add3A_3274 = arith.addi %add3A_3263, %mul3A_3266 : vector<16xi32>
      %mul3A_3275 = arith.muli %select_n3A_3153, %select_n3A_3230 : vector<16xi32>
      %sub3A_3276 = arith.subi %broadcast_in_dim3A_63, %add3A_3274 : vector<16xi32>
      %mul3A_3277 = arith.muli %mul3A_3275, %sub3A_3276 : vector<16xi32>
      %mul3A_3278 = arith.muli %mul3A_3277, %scan3A_61#12 : vector<16xi32>
      %add3A_3279 = arith.addi %add3A_3268, %mul3A_3278 : vector<16xi32>
      %convert_element_type3A_3280 = arith.sitofp %mul3A_3277 : vector<16xi32> to vector<16xf32>
      %mul3A_3281 = arith.constant 1.000000e+30 : f32
      %mul3A_3282 = vector.broadcast %mul3A_3281 : f32 to vector<16xf32>
      %mul3A_3283 = arith.mulf %convert_element_type3A_3280, %mul3A_3282 : vector<16xf32>
      %add3A_3284 = arith.addf %add3A_3032, %mul3A_3283 : vector<16xf32>
      %add3A_3285 = arith.addi %add3A_3274, %mul3A_3277 : vector<16xi32>
      %mul3A_3286 = arith.muli %select_n3A_3155, %select_n3A_3230 : vector<16xi32>
      %sub3A_3287 = arith.subi %broadcast_in_dim3A_63, %add3A_3285 : vector<16xi32>
      %mul3A_3288 = arith.muli %mul3A_3286, %sub3A_3287 : vector<16xi32>
      %mul3A_3289 = arith.muli %mul3A_3288, %scan3A_61#13 : vector<16xi32>
      %add3A_3290 = arith.addi %add3A_3279, %mul3A_3289 : vector<16xi32>
      %convert_element_type3A_3291 = arith.sitofp %mul3A_3288 : vector<16xi32> to vector<16xf32>
      %mul3A_3292 = arith.constant 1.000000e+30 : f32
      %mul3A_3293 = vector.broadcast %mul3A_3292 : f32 to vector<16xf32>
      %mul3A_3294 = arith.mulf %convert_element_type3A_3291, %mul3A_3293 : vector<16xf32>
      %add3A_3295 = arith.addf %add3A_3043, %mul3A_3294 : vector<16xf32>
      %add3A_3296 = arith.addi %add3A_3285, %mul3A_3288 : vector<16xi32>
      %mul3A_3297 = arith.muli %select_n3A_3157, %select_n3A_3230 : vector<16xi32>
      %sub3A_3298 = arith.subi %broadcast_in_dim3A_63, %add3A_3296 : vector<16xi32>
      %mul3A_3299 = arith.muli %mul3A_3297, %sub3A_3298 : vector<16xi32>
      %mul3A_3300 = arith.muli %mul3A_3299, %scan3A_61#14 : vector<16xi32>
      %add3A_3301 = arith.addi %add3A_3290, %mul3A_3300 : vector<16xi32>
      %convert_element_type3A_3302 = arith.sitofp %mul3A_3299 : vector<16xi32> to vector<16xf32>
      %mul3A_3303 = arith.constant 1.000000e+30 : f32
      %mul3A_3304 = vector.broadcast %mul3A_3303 : f32 to vector<16xf32>
      %mul3A_3305 = arith.mulf %convert_element_type3A_3302, %mul3A_3304 : vector<16xf32>
      %add3A_3306 = arith.addf %add3A_3054, %mul3A_3305 : vector<16xf32>
      %add3A_3307 = arith.addi %add3A_3296, %mul3A_3299 : vector<16xi32>
      %mul3A_3308 = arith.muli %select_n3A_3159, %select_n3A_3230 : vector<16xi32>
      %sub3A_3309 = arith.subi %broadcast_in_dim3A_63, %add3A_3307 : vector<16xi32>
      %mul3A_3310 = arith.muli %mul3A_3308, %sub3A_3309 : vector<16xi32>
      %mul3A_3311 = arith.muli %mul3A_3310, %scan3A_61#15 : vector<16xi32>
      %add3A_3312 = arith.addi %add3A_3301, %mul3A_3311 : vector<16xi32>
      %convert_element_type3A_3313 = arith.sitofp %mul3A_3310 : vector<16xi32> to vector<16xf32>
      %mul3A_3314 = arith.constant 1.000000e+30 : f32
      %mul3A_3315 = vector.broadcast %mul3A_3314 : f32 to vector<16xf32>
      %mul3A_3316 = arith.mulf %convert_element_type3A_3313, %mul3A_3315 : vector<16xf32>
      %add3A_3317 = arith.addf %add3A_3065, %mul3A_3316 : vector<16xf32>
      %add3A_3318 = arith.addi %add3A_3307, %mul3A_3310 : vector<16xi32>
      %lt3A_3319 = arith.constant 0 : i32
      %lt3A_3320 = vector.broadcast %lt3A_3319 : i32 to vector<16xi32>
      %lt3A_3321 = arith.cmpi slt, %min3A_3228, %lt3A_3320 : vector<16xi32>
      %add3A_3322 = arith.constant 16 : i32
      %add3A_3323 = vector.broadcast %add3A_3322 : i32 to vector<16xi32>
      %add3A_3324 = arith.addi %min3A_3228, %add3A_3323 : vector<16xi32>
      %select_n3A_3325 = arith.select %lt3A_3321, %add3A_3324, %min3A_3228 : vector<16xi1>, vector<16xi32>
      %broadcast_in_dim3A_3326 = vector.shape_cast %select_n3A_3325 : vector<16xi32> to vector<16x1xi32>
      %gather3A_3327 = vector.shape_cast %broadcast_in_dim3A_3326 : vector<16x1xi32> to vector<16xi32>
      %gather3A_3328 = tpu.dynamic_gather %add3A_3312[%gather3A_3327] in [0] : vector<16xi32>, vector<16xi32> -> vector<16xi32>
      %eq3A_3329 = arith.constant 12 : i32
      %eq3A_3330 = vector.broadcast %eq3A_3329 : i32 to vector<16xi32>
      %eq3A_3331 = arith.cmpi eq, %iota3A, %eq3A_3330 : vector<16xi32>
      %select_n3A_3332 = arith.select %eq3A_3331, %gather3A_3328, %select_n3A_3080 : vector<16xi1>, vector<16xi32>
      %min3A_3333 = arith.minimumf %add3A_3240, %add3A_3251 : vector<16xf32>
      %min3A_3334 = arith.minimumf %min3A_3333, %add3A_3262 : vector<16xf32>
      %min3A_3335 = arith.minimumf %min3A_3334, %add3A_3273 : vector<16xf32>
      %min3A_3336 = arith.minimumf %min3A_3335, %add3A_3284 : vector<16xf32>
      %min3A_3337 = arith.minimumf %min3A_3336, %add3A_3295 : vector<16xf32>
      %min3A_3338 = arith.minimumf %min3A_3337, %add3A_3306 : vector<16xf32>
      %min3A_3339 = arith.minimumf %min3A_3338, %add3A_3317 : vector<16xf32>
      %xor3A_3340 = arith.constant 1 : i32
      %xor3A_3341 = vector.broadcast %xor3A_3340 : i32 to vector<16xi32>
      %xor3A_3342 = arith.xori %iota3A, %xor3A_3341 : vector<16xi32>
      %lt3A_3343 = arith.constant 0 : i32
      %lt3A_3344 = vector.broadcast %lt3A_3343 : i32 to vector<16xi32>
      %lt3A_3345 = arith.cmpi slt, %xor3A_3342, %lt3A_3344 : vector<16xi32>
      %add3A_3346 = arith.constant 16 : i32
      %add3A_3347 = vector.broadcast %add3A_3346 : i32 to vector<16xi32>
      %add3A_3348 = arith.addi %xor3A_3342, %add3A_3347 : vector<16xi32>
      %select_n3A_3349 = arith.select %lt3A_3345, %add3A_3348, %xor3A_3342 : vector<16xi1>, vector<16xi32>
      %broadcast_in_dim3A_3350 = vector.shape_cast %select_n3A_3349 : vector<16xi32> to vector<16x1xi32>
      %gather3A_3351 = vector.shape_cast %broadcast_in_dim3A_3350 : vector<16x1xi32> to vector<16xi32>
      %gather3A_3352 = tpu.dynamic_gather %min3A_3339[%gather3A_3351] in [0] : vector<16xf32>, vector<16xi32> -> vector<16xf32>
      %min3A_3353 = arith.minimumf %min3A_3339, %gather3A_3352 : vector<16xf32>
      %xor3A_3354 = arith.constant 2 : i32
      %xor3A_3355 = vector.broadcast %xor3A_3354 : i32 to vector<16xi32>
      %xor3A_3356 = arith.xori %iota3A, %xor3A_3355 : vector<16xi32>
      %lt3A_3357 = arith.constant 0 : i32
      %lt3A_3358 = vector.broadcast %lt3A_3357 : i32 to vector<16xi32>
      %lt3A_3359 = arith.cmpi slt, %xor3A_3356, %lt3A_3358 : vector<16xi32>
      %add3A_3360 = arith.constant 16 : i32
      %add3A_3361 = vector.broadcast %add3A_3360 : i32 to vector<16xi32>
      %add3A_3362 = arith.addi %xor3A_3356, %add3A_3361 : vector<16xi32>
      %select_n3A_3363 = arith.select %lt3A_3359, %add3A_3362, %xor3A_3356 : vector<16xi1>, vector<16xi32>
      %broadcast_in_dim3A_3364 = vector.shape_cast %select_n3A_3363 : vector<16xi32> to vector<16x1xi32>
      %gather3A_3365 = vector.shape_cast %broadcast_in_dim3A_3364 : vector<16x1xi32> to vector<16xi32>
      %gather3A_3366 = tpu.dynamic_gather %min3A_3353[%gather3A_3365] in [0] : vector<16xf32>, vector<16xi32> -> vector<16xf32>
      %min3A_3367 = arith.minimumf %min3A_3353, %gather3A_3366 : vector<16xf32>
      %xor3A_3368 = arith.constant 4 : i32
      %xor3A_3369 = vector.broadcast %xor3A_3368 : i32 to vector<16xi32>
      %xor3A_3370 = arith.xori %iota3A, %xor3A_3369 : vector<16xi32>
      %lt3A_3371 = arith.constant 0 : i32
      %lt3A_3372 = vector.broadcast %lt3A_3371 : i32 to vector<16xi32>
      %lt3A_3373 = arith.cmpi slt, %xor3A_3370, %lt3A_3372 : vector<16xi32>
      %add3A_3374 = arith.constant 16 : i32
      %add3A_3375 = vector.broadcast %add3A_3374 : i32 to vector<16xi32>
      %add3A_3376 = arith.addi %xor3A_3370, %add3A_3375 : vector<16xi32>
      %select_n3A_3377 = arith.select %lt3A_3373, %add3A_3376, %xor3A_3370 : vector<16xi1>, vector<16xi32>
      %broadcast_in_dim3A_3378 = vector.shape_cast %select_n3A_3377 : vector<16xi32> to vector<16x1xi32>
      %gather3A_3379 = vector.shape_cast %broadcast_in_dim3A_3378 : vector<16x1xi32> to vector<16xi32>
      %gather3A_3380 = tpu.dynamic_gather %min3A_3367[%gather3A_3379] in [0] : vector<16xf32>, vector<16xi32> -> vector<16xf32>
      %min3A_3381 = arith.minimumf %min3A_3367, %gather3A_3380 : vector<16xf32>
      %xor3A_3382 = arith.constant 8 : i32
      %xor3A_3383 = vector.broadcast %xor3A_3382 : i32 to vector<16xi32>
      %xor3A_3384 = arith.xori %iota3A, %xor3A_3383 : vector<16xi32>
      %lt3A_3385 = arith.constant 0 : i32
      %lt3A_3386 = vector.broadcast %lt3A_3385 : i32 to vector<16xi32>
      %lt3A_3387 = arith.cmpi slt, %xor3A_3384, %lt3A_3386 : vector<16xi32>
      %add3A_3388 = arith.constant 16 : i32
      %add3A_3389 = vector.broadcast %add3A_3388 : i32 to vector<16xi32>
      %add3A_3390 = arith.addi %xor3A_3384, %add3A_3389 : vector<16xi32>
      %select_n3A_3391 = arith.select %lt3A_3387, %add3A_3390, %xor3A_3384 : vector<16xi1>, vector<16xi32>
      %broadcast_in_dim3A_3392 = vector.shape_cast %select_n3A_3391 : vector<16xi32> to vector<16x1xi32>
      %gather3A_3393 = vector.shape_cast %broadcast_in_dim3A_3392 : vector<16x1xi32> to vector<16xi32>
      %gather3A_3394 = tpu.dynamic_gather %min3A_3381[%gather3A_3393] in [0] : vector<16xf32>, vector<16xi32> -> vector<16xf32>
      %min3A_3395 = arith.minimumf %min3A_3381, %gather3A_3394 : vector<16xf32>
      %eq3A_3396 = arith.cmpf oeq, %add3A_3240, %min3A_3395 : vector<16xf32>
      %select_n3A_3397 = arith.select %eq3A_3396, %broadcast_in_dim3A_63, %broadcast_in_dim3A_65 : vector<16xi1>, vector<16xi32>
      %eq3A_3398 = arith.cmpf oeq, %add3A_3251, %min3A_3395 : vector<16xf32>
      %select_n3A_3399 = arith.select %eq3A_3398, %broadcast_in_dim3A_63, %broadcast_in_dim3A_65 : vector<16xi1>, vector<16xi32>
      %eq3A_3400 = arith.cmpf oeq, %add3A_3262, %min3A_3395 : vector<16xf32>
      %select_n3A_3401 = arith.select %eq3A_3400, %broadcast_in_dim3A_63, %broadcast_in_dim3A_65 : vector<16xi1>, vector<16xi32>
      %eq3A_3402 = arith.cmpf oeq, %add3A_3273, %min3A_3395 : vector<16xf32>
      %select_n3A_3403 = arith.select %eq3A_3402, %broadcast_in_dim3A_63, %broadcast_in_dim3A_65 : vector<16xi1>, vector<16xi32>
      %eq3A_3404 = arith.cmpf oeq, %add3A_3284, %min3A_3395 : vector<16xf32>
      %select_n3A_3405 = arith.select %eq3A_3404, %broadcast_in_dim3A_63, %broadcast_in_dim3A_65 : vector<16xi1>, vector<16xi32>
      %eq3A_3406 = arith.cmpf oeq, %add3A_3295, %min3A_3395 : vector<16xf32>
      %select_n3A_3407 = arith.select %eq3A_3406, %broadcast_in_dim3A_63, %broadcast_in_dim3A_65 : vector<16xi1>, vector<16xi32>
      %eq3A_3408 = arith.cmpf oeq, %add3A_3306, %min3A_3395 : vector<16xf32>
      %select_n3A_3409 = arith.select %eq3A_3408, %broadcast_in_dim3A_63, %broadcast_in_dim3A_65 : vector<16xi1>, vector<16xi32>
      %eq3A_3410 = arith.cmpf oeq, %add3A_3317, %min3A_3395 : vector<16xf32>
      %select_n3A_3411 = arith.select %eq3A_3410, %broadcast_in_dim3A_63, %broadcast_in_dim3A_65 : vector<16xi1>, vector<16xi32>
      %max3A_3412 = arith.maxsi %select_n3A_3397, %select_n3A_3399 : vector<16xi32>
      %max3A_3413 = arith.maxsi %max3A_3412, %select_n3A_3401 : vector<16xi32>
      %max3A_3414 = arith.maxsi %max3A_3413, %select_n3A_3403 : vector<16xi32>
      %max3A_3415 = arith.maxsi %max3A_3414, %select_n3A_3405 : vector<16xi32>
      %max3A_3416 = arith.maxsi %max3A_3415, %select_n3A_3407 : vector<16xi32>
      %max3A_3417 = arith.maxsi %max3A_3416, %select_n3A_3409 : vector<16xi32>
      %max3A_3418 = arith.maxsi %max3A_3417, %select_n3A_3411 : vector<16xi32>
      %mul3A_3419 = arith.muli %max3A_3418, %iota3A : vector<16xi32>
      %sub3A_3420 = arith.subi %broadcast_in_dim3A_63, %max3A_3418 : vector<16xi32>
      %mul3A_3421 = arith.constant 16 : i32
      %mul3A_3422 = vector.broadcast %mul3A_3421 : i32 to vector<16xi32>
      %mul3A_3423 = arith.muli %sub3A_3420, %mul3A_3422 : vector<16xi32>
      %add3A_3424 = arith.addi %mul3A_3419, %mul3A_3423 : vector<16xi32>
      %xor3A_3425 = arith.constant 1 : i32
      %xor3A_3426 = vector.broadcast %xor3A_3425 : i32 to vector<16xi32>
      %xor3A_3427 = arith.xori %iota3A, %xor3A_3426 : vector<16xi32>
      %lt3A_3428 = arith.constant 0 : i32
      %lt3A_3429 = vector.broadcast %lt3A_3428 : i32 to vector<16xi32>
      %lt3A_3430 = arith.cmpi slt, %xor3A_3427, %lt3A_3429 : vector<16xi32>
      %add3A_3431 = arith.constant 16 : i32
      %add3A_3432 = vector.broadcast %add3A_3431 : i32 to vector<16xi32>
      %add3A_3433 = arith.addi %xor3A_3427, %add3A_3432 : vector<16xi32>
      %select_n3A_3434 = arith.select %lt3A_3430, %add3A_3433, %xor3A_3427 : vector<16xi1>, vector<16xi32>
      %broadcast_in_dim3A_3435 = vector.shape_cast %select_n3A_3434 : vector<16xi32> to vector<16x1xi32>
      %gather3A_3436 = vector.shape_cast %broadcast_in_dim3A_3435 : vector<16x1xi32> to vector<16xi32>
      %gather3A_3437 = tpu.dynamic_gather %add3A_3424[%gather3A_3436] in [0] : vector<16xi32>, vector<16xi32> -> vector<16xi32>
      %min3A_3438 = arith.minsi %add3A_3424, %gather3A_3437 : vector<16xi32>
      %xor3A_3439 = arith.constant 2 : i32
      %xor3A_3440 = vector.broadcast %xor3A_3439 : i32 to vector<16xi32>
      %xor3A_3441 = arith.xori %iota3A, %xor3A_3440 : vector<16xi32>
      %lt3A_3442 = arith.constant 0 : i32
      %lt3A_3443 = vector.broadcast %lt3A_3442 : i32 to vector<16xi32>
      %lt3A_3444 = arith.cmpi slt, %xor3A_3441, %lt3A_3443 : vector<16xi32>
      %add3A_3445 = arith.constant 16 : i32
      %add3A_3446 = vector.broadcast %add3A_3445 : i32 to vector<16xi32>
      %add3A_3447 = arith.addi %xor3A_3441, %add3A_3446 : vector<16xi32>
      %select_n3A_3448 = arith.select %lt3A_3444, %add3A_3447, %xor3A_3441 : vector<16xi1>, vector<16xi32>
      %broadcast_in_dim3A_3449 = vector.shape_cast %select_n3A_3448 : vector<16xi32> to vector<16x1xi32>
      %gather3A_3450 = vector.shape_cast %broadcast_in_dim3A_3449 : vector<16x1xi32> to vector<16xi32>
      %gather3A_3451 = tpu.dynamic_gather %min3A_3438[%gather3A_3450] in [0] : vector<16xi32>, vector<16xi32> -> vector<16xi32>
      %min3A_3452 = arith.minsi %min3A_3438, %gather3A_3451 : vector<16xi32>
      %xor3A_3453 = arith.constant 4 : i32
      %xor3A_3454 = vector.broadcast %xor3A_3453 : i32 to vector<16xi32>
      %xor3A_3455 = arith.xori %iota3A, %xor3A_3454 : vector<16xi32>
      %lt3A_3456 = arith.constant 0 : i32
      %lt3A_3457 = vector.broadcast %lt3A_3456 : i32 to vector<16xi32>
      %lt3A_3458 = arith.cmpi slt, %xor3A_3455, %lt3A_3457 : vector<16xi32>
      %add3A_3459 = arith.constant 16 : i32
      %add3A_3460 = vector.broadcast %add3A_3459 : i32 to vector<16xi32>
      %add3A_3461 = arith.addi %xor3A_3455, %add3A_3460 : vector<16xi32>
      %select_n3A_3462 = arith.select %lt3A_3458, %add3A_3461, %xor3A_3455 : vector<16xi1>, vector<16xi32>
      %broadcast_in_dim3A_3463 = vector.shape_cast %select_n3A_3462 : vector<16xi32> to vector<16x1xi32>
      %gather3A_3464 = vector.shape_cast %broadcast_in_dim3A_3463 : vector<16x1xi32> to vector<16xi32>
      %gather3A_3465 = tpu.dynamic_gather %min3A_3452[%gather3A_3464] in [0] : vector<16xi32>, vector<16xi32> -> vector<16xi32>
      %min3A_3466 = arith.minsi %min3A_3452, %gather3A_3465 : vector<16xi32>
      %xor3A_3467 = arith.constant 8 : i32
      %xor3A_3468 = vector.broadcast %xor3A_3467 : i32 to vector<16xi32>
      %xor3A_3469 = arith.xori %iota3A, %xor3A_3468 : vector<16xi32>
      %lt3A_3470 = arith.constant 0 : i32
      %lt3A_3471 = vector.broadcast %lt3A_3470 : i32 to vector<16xi32>
      %lt3A_3472 = arith.cmpi slt, %xor3A_3469, %lt3A_3471 : vector<16xi32>
      %add3A_3473 = arith.constant 16 : i32
      %add3A_3474 = vector.broadcast %add3A_3473 : i32 to vector<16xi32>
      %add3A_3475 = arith.addi %xor3A_3469, %add3A_3474 : vector<16xi32>
      %select_n3A_3476 = arith.select %lt3A_3472, %add3A_3475, %xor3A_3469 : vector<16xi1>, vector<16xi32>
      %broadcast_in_dim3A_3477 = vector.shape_cast %select_n3A_3476 : vector<16xi32> to vector<16x1xi32>
      %gather3A_3478 = vector.shape_cast %broadcast_in_dim3A_3477 : vector<16x1xi32> to vector<16xi32>
      %gather3A_3479 = tpu.dynamic_gather %min3A_3466[%gather3A_3478] in [0] : vector<16xi32>, vector<16xi32> -> vector<16xi32>
      %min3A_3480 = arith.minsi %min3A_3466, %gather3A_3479 : vector<16xi32>
      %eq3A_3481 = arith.cmpi eq, %iota3A, %min3A_3480 : vector<16xi32>
      %select_n3A_3482 = arith.select %eq3A_3481, %broadcast_in_dim3A_63, %broadcast_in_dim3A_65 : vector<16xi1>, vector<16xi32>
      %mul3A_3483 = arith.muli %select_n3A_3397, %select_n3A_3482 : vector<16xi32>
      %sub3A_3484 = arith.subi %broadcast_in_dim3A_63, %broadcast_in_dim3A_65 : vector<16xi32>
      %mul3A_3485 = arith.muli %mul3A_3483, %sub3A_3484 : vector<16xi32>
      %mul3A_3486 = arith.muli %mul3A_3485, %scan3A_61#8 : vector<16xi32>
      %add3A_3487 = arith.addi %broadcast_in_dim3A_65, %mul3A_3486 : vector<16xi32>
      %convert_element_type3A_3488 = arith.sitofp %mul3A_3485 : vector<16xi32> to vector<16xf32>
      %mul3A_3489 = arith.constant 1.000000e+30 : f32
      %mul3A_3490 = vector.broadcast %mul3A_3489 : f32 to vector<16xf32>
      %mul3A_3491 = arith.mulf %convert_element_type3A_3488, %mul3A_3490 : vector<16xf32>
      %add3A_3492 = arith.addf %add3A_3240, %mul3A_3491 : vector<16xf32>
      %add3A_3493 = arith.addi %broadcast_in_dim3A_65, %mul3A_3485 : vector<16xi32>
      %mul3A_3494 = arith.muli %select_n3A_3399, %select_n3A_3482 : vector<16xi32>
      %sub3A_3495 = arith.subi %broadcast_in_dim3A_63, %add3A_3493 : vector<16xi32>
      %mul3A_3496 = arith.muli %mul3A_3494, %sub3A_3495 : vector<16xi32>
      %mul3A_3497 = arith.muli %mul3A_3496, %scan3A_61#9 : vector<16xi32>
      %add3A_3498 = arith.addi %add3A_3487, %mul3A_3497 : vector<16xi32>
      %convert_element_type3A_3499 = arith.sitofp %mul3A_3496 : vector<16xi32> to vector<16xf32>
      %mul3A_3500 = arith.constant 1.000000e+30 : f32
      %mul3A_3501 = vector.broadcast %mul3A_3500 : f32 to vector<16xf32>
      %mul3A_3502 = arith.mulf %convert_element_type3A_3499, %mul3A_3501 : vector<16xf32>
      %add3A_3503 = arith.addf %add3A_3251, %mul3A_3502 : vector<16xf32>
      %add3A_3504 = arith.addi %add3A_3493, %mul3A_3496 : vector<16xi32>
      %mul3A_3505 = arith.muli %select_n3A_3401, %select_n3A_3482 : vector<16xi32>
      %sub3A_3506 = arith.subi %broadcast_in_dim3A_63, %add3A_3504 : vector<16xi32>
      %mul3A_3507 = arith.muli %mul3A_3505, %sub3A_3506 : vector<16xi32>
      %mul3A_3508 = arith.muli %mul3A_3507, %scan3A_61#10 : vector<16xi32>
      %add3A_3509 = arith.addi %add3A_3498, %mul3A_3508 : vector<16xi32>
      %convert_element_type3A_3510 = arith.sitofp %mul3A_3507 : vector<16xi32> to vector<16xf32>
      %mul3A_3511 = arith.constant 1.000000e+30 : f32
      %mul3A_3512 = vector.broadcast %mul3A_3511 : f32 to vector<16xf32>
      %mul3A_3513 = arith.mulf %convert_element_type3A_3510, %mul3A_3512 : vector<16xf32>
      %add3A_3514 = arith.addf %add3A_3262, %mul3A_3513 : vector<16xf32>
      %add3A_3515 = arith.addi %add3A_3504, %mul3A_3507 : vector<16xi32>
      %mul3A_3516 = arith.muli %select_n3A_3403, %select_n3A_3482 : vector<16xi32>
      %sub3A_3517 = arith.subi %broadcast_in_dim3A_63, %add3A_3515 : vector<16xi32>
      %mul3A_3518 = arith.muli %mul3A_3516, %sub3A_3517 : vector<16xi32>
      %mul3A_3519 = arith.muli %mul3A_3518, %scan3A_61#11 : vector<16xi32>
      %add3A_3520 = arith.addi %add3A_3509, %mul3A_3519 : vector<16xi32>
      %convert_element_type3A_3521 = arith.sitofp %mul3A_3518 : vector<16xi32> to vector<16xf32>
      %mul3A_3522 = arith.constant 1.000000e+30 : f32
      %mul3A_3523 = vector.broadcast %mul3A_3522 : f32 to vector<16xf32>
      %mul3A_3524 = arith.mulf %convert_element_type3A_3521, %mul3A_3523 : vector<16xf32>
      %add3A_3525 = arith.addf %add3A_3273, %mul3A_3524 : vector<16xf32>
      %add3A_3526 = arith.addi %add3A_3515, %mul3A_3518 : vector<16xi32>
      %mul3A_3527 = arith.muli %select_n3A_3405, %select_n3A_3482 : vector<16xi32>
      %sub3A_3528 = arith.subi %broadcast_in_dim3A_63, %add3A_3526 : vector<16xi32>
      %mul3A_3529 = arith.muli %mul3A_3527, %sub3A_3528 : vector<16xi32>
      %mul3A_3530 = arith.muli %mul3A_3529, %scan3A_61#12 : vector<16xi32>
      %add3A_3531 = arith.addi %add3A_3520, %mul3A_3530 : vector<16xi32>
      %convert_element_type3A_3532 = arith.sitofp %mul3A_3529 : vector<16xi32> to vector<16xf32>
      %mul3A_3533 = arith.constant 1.000000e+30 : f32
      %mul3A_3534 = vector.broadcast %mul3A_3533 : f32 to vector<16xf32>
      %mul3A_3535 = arith.mulf %convert_element_type3A_3532, %mul3A_3534 : vector<16xf32>
      %add3A_3536 = arith.addf %add3A_3284, %mul3A_3535 : vector<16xf32>
      %add3A_3537 = arith.addi %add3A_3526, %mul3A_3529 : vector<16xi32>
      %mul3A_3538 = arith.muli %select_n3A_3407, %select_n3A_3482 : vector<16xi32>
      %sub3A_3539 = arith.subi %broadcast_in_dim3A_63, %add3A_3537 : vector<16xi32>
      %mul3A_3540 = arith.muli %mul3A_3538, %sub3A_3539 : vector<16xi32>
      %mul3A_3541 = arith.muli %mul3A_3540, %scan3A_61#13 : vector<16xi32>
      %add3A_3542 = arith.addi %add3A_3531, %mul3A_3541 : vector<16xi32>
      %convert_element_type3A_3543 = arith.sitofp %mul3A_3540 : vector<16xi32> to vector<16xf32>
      %mul3A_3544 = arith.constant 1.000000e+30 : f32
      %mul3A_3545 = vector.broadcast %mul3A_3544 : f32 to vector<16xf32>
      %mul3A_3546 = arith.mulf %convert_element_type3A_3543, %mul3A_3545 : vector<16xf32>
      %add3A_3547 = arith.addf %add3A_3295, %mul3A_3546 : vector<16xf32>
      %add3A_3548 = arith.addi %add3A_3537, %mul3A_3540 : vector<16xi32>
      %mul3A_3549 = arith.muli %select_n3A_3409, %select_n3A_3482 : vector<16xi32>
      %sub3A_3550 = arith.subi %broadcast_in_dim3A_63, %add3A_3548 : vector<16xi32>
      %mul3A_3551 = arith.muli %mul3A_3549, %sub3A_3550 : vector<16xi32>
      %mul3A_3552 = arith.muli %mul3A_3551, %scan3A_61#14 : vector<16xi32>
      %add3A_3553 = arith.addi %add3A_3542, %mul3A_3552 : vector<16xi32>
      %convert_element_type3A_3554 = arith.sitofp %mul3A_3551 : vector<16xi32> to vector<16xf32>
      %mul3A_3555 = arith.constant 1.000000e+30 : f32
      %mul3A_3556 = vector.broadcast %mul3A_3555 : f32 to vector<16xf32>
      %mul3A_3557 = arith.mulf %convert_element_type3A_3554, %mul3A_3556 : vector<16xf32>
      %add3A_3558 = arith.addf %add3A_3306, %mul3A_3557 : vector<16xf32>
      %add3A_3559 = arith.addi %add3A_3548, %mul3A_3551 : vector<16xi32>
      %mul3A_3560 = arith.muli %select_n3A_3411, %select_n3A_3482 : vector<16xi32>
      %sub3A_3561 = arith.subi %broadcast_in_dim3A_63, %add3A_3559 : vector<16xi32>
      %mul3A_3562 = arith.muli %mul3A_3560, %sub3A_3561 : vector<16xi32>
      %mul3A_3563 = arith.muli %mul3A_3562, %scan3A_61#15 : vector<16xi32>
      %add3A_3564 = arith.addi %add3A_3553, %mul3A_3563 : vector<16xi32>
      %convert_element_type3A_3565 = arith.sitofp %mul3A_3562 : vector<16xi32> to vector<16xf32>
      %mul3A_3566 = arith.constant 1.000000e+30 : f32
      %mul3A_3567 = vector.broadcast %mul3A_3566 : f32 to vector<16xf32>
      %mul3A_3568 = arith.mulf %convert_element_type3A_3565, %mul3A_3567 : vector<16xf32>
      %add3A_3569 = arith.addf %add3A_3317, %mul3A_3568 : vector<16xf32>
      %add3A_3570 = arith.addi %add3A_3559, %mul3A_3562 : vector<16xi32>
      %lt3A_3571 = arith.constant 0 : i32
      %lt3A_3572 = vector.broadcast %lt3A_3571 : i32 to vector<16xi32>
      %lt3A_3573 = arith.cmpi slt, %min3A_3480, %lt3A_3572 : vector<16xi32>
      %add3A_3574 = arith.constant 16 : i32
      %add3A_3575 = vector.broadcast %add3A_3574 : i32 to vector<16xi32>
      %add3A_3576 = arith.addi %min3A_3480, %add3A_3575 : vector<16xi32>
      %select_n3A_3577 = arith.select %lt3A_3573, %add3A_3576, %min3A_3480 : vector<16xi1>, vector<16xi32>
      %broadcast_in_dim3A_3578 = vector.shape_cast %select_n3A_3577 : vector<16xi32> to vector<16x1xi32>
      %gather3A_3579 = vector.shape_cast %broadcast_in_dim3A_3578 : vector<16x1xi32> to vector<16xi32>
      %gather3A_3580 = tpu.dynamic_gather %add3A_3564[%gather3A_3579] in [0] : vector<16xi32>, vector<16xi32> -> vector<16xi32>
      %eq3A_3581 = arith.constant 13 : i32
      %eq3A_3582 = vector.broadcast %eq3A_3581 : i32 to vector<16xi32>
      %eq3A_3583 = arith.cmpi eq, %iota3A, %eq3A_3582 : vector<16xi32>
      %select_n3A_3584 = arith.select %eq3A_3583, %gather3A_3580, %select_n3A_3332 : vector<16xi1>, vector<16xi32>
      %min3A_3585 = arith.minimumf %add3A_3492, %add3A_3503 : vector<16xf32>
      %min3A_3586 = arith.minimumf %min3A_3585, %add3A_3514 : vector<16xf32>
      %min3A_3587 = arith.minimumf %min3A_3586, %add3A_3525 : vector<16xf32>
      %min3A_3588 = arith.minimumf %min3A_3587, %add3A_3536 : vector<16xf32>
      %min3A_3589 = arith.minimumf %min3A_3588, %add3A_3547 : vector<16xf32>
      %min3A_3590 = arith.minimumf %min3A_3589, %add3A_3558 : vector<16xf32>
      %min3A_3591 = arith.minimumf %min3A_3590, %add3A_3569 : vector<16xf32>
      %xor3A_3592 = arith.constant 1 : i32
      %xor3A_3593 = vector.broadcast %xor3A_3592 : i32 to vector<16xi32>
      %xor3A_3594 = arith.xori %iota3A, %xor3A_3593 : vector<16xi32>
      %lt3A_3595 = arith.constant 0 : i32
      %lt3A_3596 = vector.broadcast %lt3A_3595 : i32 to vector<16xi32>
      %lt3A_3597 = arith.cmpi slt, %xor3A_3594, %lt3A_3596 : vector<16xi32>
      %add3A_3598 = arith.constant 16 : i32
      %add3A_3599 = vector.broadcast %add3A_3598 : i32 to vector<16xi32>
      %add3A_3600 = arith.addi %xor3A_3594, %add3A_3599 : vector<16xi32>
      %select_n3A_3601 = arith.select %lt3A_3597, %add3A_3600, %xor3A_3594 : vector<16xi1>, vector<16xi32>
      %broadcast_in_dim3A_3602 = vector.shape_cast %select_n3A_3601 : vector<16xi32> to vector<16x1xi32>
      %gather3A_3603 = vector.shape_cast %broadcast_in_dim3A_3602 : vector<16x1xi32> to vector<16xi32>
      %gather3A_3604 = tpu.dynamic_gather %min3A_3591[%gather3A_3603] in [0] : vector<16xf32>, vector<16xi32> -> vector<16xf32>
      %min3A_3605 = arith.minimumf %min3A_3591, %gather3A_3604 : vector<16xf32>
      %xor3A_3606 = arith.constant 2 : i32
      %xor3A_3607 = vector.broadcast %xor3A_3606 : i32 to vector<16xi32>
      %xor3A_3608 = arith.xori %iota3A, %xor3A_3607 : vector<16xi32>
      %lt3A_3609 = arith.constant 0 : i32
      %lt3A_3610 = vector.broadcast %lt3A_3609 : i32 to vector<16xi32>
      %lt3A_3611 = arith.cmpi slt, %xor3A_3608, %lt3A_3610 : vector<16xi32>
      %add3A_3612 = arith.constant 16 : i32
      %add3A_3613 = vector.broadcast %add3A_3612 : i32 to vector<16xi32>
      %add3A_3614 = arith.addi %xor3A_3608, %add3A_3613 : vector<16xi32>
      %select_n3A_3615 = arith.select %lt3A_3611, %add3A_3614, %xor3A_3608 : vector<16xi1>, vector<16xi32>
      %broadcast_in_dim3A_3616 = vector.shape_cast %select_n3A_3615 : vector<16xi32> to vector<16x1xi32>
      %gather3A_3617 = vector.shape_cast %broadcast_in_dim3A_3616 : vector<16x1xi32> to vector<16xi32>
      %gather3A_3618 = tpu.dynamic_gather %min3A_3605[%gather3A_3617] in [0] : vector<16xf32>, vector<16xi32> -> vector<16xf32>
      %min3A_3619 = arith.minimumf %min3A_3605, %gather3A_3618 : vector<16xf32>
      %xor3A_3620 = arith.constant 4 : i32
      %xor3A_3621 = vector.broadcast %xor3A_3620 : i32 to vector<16xi32>
      %xor3A_3622 = arith.xori %iota3A, %xor3A_3621 : vector<16xi32>
      %lt3A_3623 = arith.constant 0 : i32
      %lt3A_3624 = vector.broadcast %lt3A_3623 : i32 to vector<16xi32>
      %lt3A_3625 = arith.cmpi slt, %xor3A_3622, %lt3A_3624 : vector<16xi32>
      %add3A_3626 = arith.constant 16 : i32
      %add3A_3627 = vector.broadcast %add3A_3626 : i32 to vector<16xi32>
      %add3A_3628 = arith.addi %xor3A_3622, %add3A_3627 : vector<16xi32>
      %select_n3A_3629 = arith.select %lt3A_3625, %add3A_3628, %xor3A_3622 : vector<16xi1>, vector<16xi32>
      %broadcast_in_dim3A_3630 = vector.shape_cast %select_n3A_3629 : vector<16xi32> to vector<16x1xi32>
      %gather3A_3631 = vector.shape_cast %broadcast_in_dim3A_3630 : vector<16x1xi32> to vector<16xi32>
      %gather3A_3632 = tpu.dynamic_gather %min3A_3619[%gather3A_3631] in [0] : vector<16xf32>, vector<16xi32> -> vector<16xf32>
      %min3A_3633 = arith.minimumf %min3A_3619, %gather3A_3632 : vector<16xf32>
      %xor3A_3634 = arith.constant 8 : i32
      %xor3A_3635 = vector.broadcast %xor3A_3634 : i32 to vector<16xi32>
      %xor3A_3636 = arith.xori %iota3A, %xor3A_3635 : vector<16xi32>
      %lt3A_3637 = arith.constant 0 : i32
      %lt3A_3638 = vector.broadcast %lt3A_3637 : i32 to vector<16xi32>
      %lt3A_3639 = arith.cmpi slt, %xor3A_3636, %lt3A_3638 : vector<16xi32>
      %add3A_3640 = arith.constant 16 : i32
      %add3A_3641 = vector.broadcast %add3A_3640 : i32 to vector<16xi32>
      %add3A_3642 = arith.addi %xor3A_3636, %add3A_3641 : vector<16xi32>
      %select_n3A_3643 = arith.select %lt3A_3639, %add3A_3642, %xor3A_3636 : vector<16xi1>, vector<16xi32>
      %broadcast_in_dim3A_3644 = vector.shape_cast %select_n3A_3643 : vector<16xi32> to vector<16x1xi32>
      %gather3A_3645 = vector.shape_cast %broadcast_in_dim3A_3644 : vector<16x1xi32> to vector<16xi32>
      %gather3A_3646 = tpu.dynamic_gather %min3A_3633[%gather3A_3645] in [0] : vector<16xf32>, vector<16xi32> -> vector<16xf32>
      %min3A_3647 = arith.minimumf %min3A_3633, %gather3A_3646 : vector<16xf32>
      %eq3A_3648 = arith.cmpf oeq, %add3A_3492, %min3A_3647 : vector<16xf32>
      %select_n3A_3649 = arith.select %eq3A_3648, %broadcast_in_dim3A_63, %broadcast_in_dim3A_65 : vector<16xi1>, vector<16xi32>
      %eq3A_3650 = arith.cmpf oeq, %add3A_3503, %min3A_3647 : vector<16xf32>
      %select_n3A_3651 = arith.select %eq3A_3650, %broadcast_in_dim3A_63, %broadcast_in_dim3A_65 : vector<16xi1>, vector<16xi32>
      %eq3A_3652 = arith.cmpf oeq, %add3A_3514, %min3A_3647 : vector<16xf32>
      %select_n3A_3653 = arith.select %eq3A_3652, %broadcast_in_dim3A_63, %broadcast_in_dim3A_65 : vector<16xi1>, vector<16xi32>
      %eq3A_3654 = arith.cmpf oeq, %add3A_3525, %min3A_3647 : vector<16xf32>
      %select_n3A_3655 = arith.select %eq3A_3654, %broadcast_in_dim3A_63, %broadcast_in_dim3A_65 : vector<16xi1>, vector<16xi32>
      %eq3A_3656 = arith.cmpf oeq, %add3A_3536, %min3A_3647 : vector<16xf32>
      %select_n3A_3657 = arith.select %eq3A_3656, %broadcast_in_dim3A_63, %broadcast_in_dim3A_65 : vector<16xi1>, vector<16xi32>
      %eq3A_3658 = arith.cmpf oeq, %add3A_3547, %min3A_3647 : vector<16xf32>
      %select_n3A_3659 = arith.select %eq3A_3658, %broadcast_in_dim3A_63, %broadcast_in_dim3A_65 : vector<16xi1>, vector<16xi32>
      %eq3A_3660 = arith.cmpf oeq, %add3A_3558, %min3A_3647 : vector<16xf32>
      %select_n3A_3661 = arith.select %eq3A_3660, %broadcast_in_dim3A_63, %broadcast_in_dim3A_65 : vector<16xi1>, vector<16xi32>
      %eq3A_3662 = arith.cmpf oeq, %add3A_3569, %min3A_3647 : vector<16xf32>
      %select_n3A_3663 = arith.select %eq3A_3662, %broadcast_in_dim3A_63, %broadcast_in_dim3A_65 : vector<16xi1>, vector<16xi32>
      %max3A_3664 = arith.maxsi %select_n3A_3649, %select_n3A_3651 : vector<16xi32>
      %max3A_3665 = arith.maxsi %max3A_3664, %select_n3A_3653 : vector<16xi32>
      %max3A_3666 = arith.maxsi %max3A_3665, %select_n3A_3655 : vector<16xi32>
      %max3A_3667 = arith.maxsi %max3A_3666, %select_n3A_3657 : vector<16xi32>
      %max3A_3668 = arith.maxsi %max3A_3667, %select_n3A_3659 : vector<16xi32>
      %max3A_3669 = arith.maxsi %max3A_3668, %select_n3A_3661 : vector<16xi32>
      %max3A_3670 = arith.maxsi %max3A_3669, %select_n3A_3663 : vector<16xi32>
      %mul3A_3671 = arith.muli %max3A_3670, %iota3A : vector<16xi32>
      %sub3A_3672 = arith.subi %broadcast_in_dim3A_63, %max3A_3670 : vector<16xi32>
      %mul3A_3673 = arith.constant 16 : i32
      %mul3A_3674 = vector.broadcast %mul3A_3673 : i32 to vector<16xi32>
      %mul3A_3675 = arith.muli %sub3A_3672, %mul3A_3674 : vector<16xi32>
      %add3A_3676 = arith.addi %mul3A_3671, %mul3A_3675 : vector<16xi32>
      %xor3A_3677 = arith.constant 1 : i32
      %xor3A_3678 = vector.broadcast %xor3A_3677 : i32 to vector<16xi32>
      %xor3A_3679 = arith.xori %iota3A, %xor3A_3678 : vector<16xi32>
      %lt3A_3680 = arith.constant 0 : i32
      %lt3A_3681 = vector.broadcast %lt3A_3680 : i32 to vector<16xi32>
      %lt3A_3682 = arith.cmpi slt, %xor3A_3679, %lt3A_3681 : vector<16xi32>
      %add3A_3683 = arith.constant 16 : i32
      %add3A_3684 = vector.broadcast %add3A_3683 : i32 to vector<16xi32>
      %add3A_3685 = arith.addi %xor3A_3679, %add3A_3684 : vector<16xi32>
      %select_n3A_3686 = arith.select %lt3A_3682, %add3A_3685, %xor3A_3679 : vector<16xi1>, vector<16xi32>
      %broadcast_in_dim3A_3687 = vector.shape_cast %select_n3A_3686 : vector<16xi32> to vector<16x1xi32>
      %gather3A_3688 = vector.shape_cast %broadcast_in_dim3A_3687 : vector<16x1xi32> to vector<16xi32>
      %gather3A_3689 = tpu.dynamic_gather %add3A_3676[%gather3A_3688] in [0] : vector<16xi32>, vector<16xi32> -> vector<16xi32>
      %min3A_3690 = arith.minsi %add3A_3676, %gather3A_3689 : vector<16xi32>
      %xor3A_3691 = arith.constant 2 : i32
      %xor3A_3692 = vector.broadcast %xor3A_3691 : i32 to vector<16xi32>
      %xor3A_3693 = arith.xori %iota3A, %xor3A_3692 : vector<16xi32>
      %lt3A_3694 = arith.constant 0 : i32
      %lt3A_3695 = vector.broadcast %lt3A_3694 : i32 to vector<16xi32>
      %lt3A_3696 = arith.cmpi slt, %xor3A_3693, %lt3A_3695 : vector<16xi32>
      %add3A_3697 = arith.constant 16 : i32
      %add3A_3698 = vector.broadcast %add3A_3697 : i32 to vector<16xi32>
      %add3A_3699 = arith.addi %xor3A_3693, %add3A_3698 : vector<16xi32>
      %select_n3A_3700 = arith.select %lt3A_3696, %add3A_3699, %xor3A_3693 : vector<16xi1>, vector<16xi32>
      %broadcast_in_dim3A_3701 = vector.shape_cast %select_n3A_3700 : vector<16xi32> to vector<16x1xi32>
      %gather3A_3702 = vector.shape_cast %broadcast_in_dim3A_3701 : vector<16x1xi32> to vector<16xi32>
      %gather3A_3703 = tpu.dynamic_gather %min3A_3690[%gather3A_3702] in [0] : vector<16xi32>, vector<16xi32> -> vector<16xi32>
      %min3A_3704 = arith.minsi %min3A_3690, %gather3A_3703 : vector<16xi32>
      %xor3A_3705 = arith.constant 4 : i32
      %xor3A_3706 = vector.broadcast %xor3A_3705 : i32 to vector<16xi32>
      %xor3A_3707 = arith.xori %iota3A, %xor3A_3706 : vector<16xi32>
      %lt3A_3708 = arith.constant 0 : i32
      %lt3A_3709 = vector.broadcast %lt3A_3708 : i32 to vector<16xi32>
      %lt3A_3710 = arith.cmpi slt, %xor3A_3707, %lt3A_3709 : vector<16xi32>
      %add3A_3711 = arith.constant 16 : i32
      %add3A_3712 = vector.broadcast %add3A_3711 : i32 to vector<16xi32>
      %add3A_3713 = arith.addi %xor3A_3707, %add3A_3712 : vector<16xi32>
      %select_n3A_3714 = arith.select %lt3A_3710, %add3A_3713, %xor3A_3707 : vector<16xi1>, vector<16xi32>
      %broadcast_in_dim3A_3715 = vector.shape_cast %select_n3A_3714 : vector<16xi32> to vector<16x1xi32>
      %gather3A_3716 = vector.shape_cast %broadcast_in_dim3A_3715 : vector<16x1xi32> to vector<16xi32>
      %gather3A_3717 = tpu.dynamic_gather %min3A_3704[%gather3A_3716] in [0] : vector<16xi32>, vector<16xi32> -> vector<16xi32>
      %min3A_3718 = arith.minsi %min3A_3704, %gather3A_3717 : vector<16xi32>
      %xor3A_3719 = arith.constant 8 : i32
      %xor3A_3720 = vector.broadcast %xor3A_3719 : i32 to vector<16xi32>
      %xor3A_3721 = arith.xori %iota3A, %xor3A_3720 : vector<16xi32>
      %lt3A_3722 = arith.constant 0 : i32
      %lt3A_3723 = vector.broadcast %lt3A_3722 : i32 to vector<16xi32>
      %lt3A_3724 = arith.cmpi slt, %xor3A_3721, %lt3A_3723 : vector<16xi32>
      %add3A_3725 = arith.constant 16 : i32
      %add3A_3726 = vector.broadcast %add3A_3725 : i32 to vector<16xi32>
      %add3A_3727 = arith.addi %xor3A_3721, %add3A_3726 : vector<16xi32>
      %select_n3A_3728 = arith.select %lt3A_3724, %add3A_3727, %xor3A_3721 : vector<16xi1>, vector<16xi32>
      %broadcast_in_dim3A_3729 = vector.shape_cast %select_n3A_3728 : vector<16xi32> to vector<16x1xi32>
      %gather3A_3730 = vector.shape_cast %broadcast_in_dim3A_3729 : vector<16x1xi32> to vector<16xi32>
      %gather3A_3731 = tpu.dynamic_gather %min3A_3718[%gather3A_3730] in [0] : vector<16xi32>, vector<16xi32> -> vector<16xi32>
      %min3A_3732 = arith.minsi %min3A_3718, %gather3A_3731 : vector<16xi32>
      %eq3A_3733 = arith.cmpi eq, %iota3A, %min3A_3732 : vector<16xi32>
      %select_n3A_3734 = arith.select %eq3A_3733, %broadcast_in_dim3A_63, %broadcast_in_dim3A_65 : vector<16xi1>, vector<16xi32>
      %mul3A_3735 = arith.muli %select_n3A_3649, %select_n3A_3734 : vector<16xi32>
      %sub3A_3736 = arith.subi %broadcast_in_dim3A_63, %broadcast_in_dim3A_65 : vector<16xi32>
      %mul3A_3737 = arith.muli %mul3A_3735, %sub3A_3736 : vector<16xi32>
      %mul3A_3738 = arith.muli %mul3A_3737, %scan3A_61#8 : vector<16xi32>
      %add3A_3739 = arith.addi %broadcast_in_dim3A_65, %mul3A_3738 : vector<16xi32>
      %convert_element_type3A_3740 = arith.sitofp %mul3A_3737 : vector<16xi32> to vector<16xf32>
      %mul3A_3741 = arith.constant 1.000000e+30 : f32
      %mul3A_3742 = vector.broadcast %mul3A_3741 : f32 to vector<16xf32>
      %mul3A_3743 = arith.mulf %convert_element_type3A_3740, %mul3A_3742 : vector<16xf32>
      %add3A_3744 = arith.addf %add3A_3492, %mul3A_3743 : vector<16xf32>
      %add3A_3745 = arith.addi %broadcast_in_dim3A_65, %mul3A_3737 : vector<16xi32>
      %mul3A_3746 = arith.muli %select_n3A_3651, %select_n3A_3734 : vector<16xi32>
      %sub3A_3747 = arith.subi %broadcast_in_dim3A_63, %add3A_3745 : vector<16xi32>
      %mul3A_3748 = arith.muli %mul3A_3746, %sub3A_3747 : vector<16xi32>
      %mul3A_3749 = arith.muli %mul3A_3748, %scan3A_61#9 : vector<16xi32>
      %add3A_3750 = arith.addi %add3A_3739, %mul3A_3749 : vector<16xi32>
      %convert_element_type3A_3751 = arith.sitofp %mul3A_3748 : vector<16xi32> to vector<16xf32>
      %mul3A_3752 = arith.constant 1.000000e+30 : f32
      %mul3A_3753 = vector.broadcast %mul3A_3752 : f32 to vector<16xf32>
      %mul3A_3754 = arith.mulf %convert_element_type3A_3751, %mul3A_3753 : vector<16xf32>
      %add3A_3755 = arith.addf %add3A_3503, %mul3A_3754 : vector<16xf32>
      %add3A_3756 = arith.addi %add3A_3745, %mul3A_3748 : vector<16xi32>
      %mul3A_3757 = arith.muli %select_n3A_3653, %select_n3A_3734 : vector<16xi32>
      %sub3A_3758 = arith.subi %broadcast_in_dim3A_63, %add3A_3756 : vector<16xi32>
      %mul3A_3759 = arith.muli %mul3A_3757, %sub3A_3758 : vector<16xi32>
      %mul3A_3760 = arith.muli %mul3A_3759, %scan3A_61#10 : vector<16xi32>
      %add3A_3761 = arith.addi %add3A_3750, %mul3A_3760 : vector<16xi32>
      %convert_element_type3A_3762 = arith.sitofp %mul3A_3759 : vector<16xi32> to vector<16xf32>
      %mul3A_3763 = arith.constant 1.000000e+30 : f32
      %mul3A_3764 = vector.broadcast %mul3A_3763 : f32 to vector<16xf32>
      %mul3A_3765 = arith.mulf %convert_element_type3A_3762, %mul3A_3764 : vector<16xf32>
      %add3A_3766 = arith.addf %add3A_3514, %mul3A_3765 : vector<16xf32>
      %add3A_3767 = arith.addi %add3A_3756, %mul3A_3759 : vector<16xi32>
      %mul3A_3768 = arith.muli %select_n3A_3655, %select_n3A_3734 : vector<16xi32>
      %sub3A_3769 = arith.subi %broadcast_in_dim3A_63, %add3A_3767 : vector<16xi32>
      %mul3A_3770 = arith.muli %mul3A_3768, %sub3A_3769 : vector<16xi32>
      %mul3A_3771 = arith.muli %mul3A_3770, %scan3A_61#11 : vector<16xi32>
      %add3A_3772 = arith.addi %add3A_3761, %mul3A_3771 : vector<16xi32>
      %convert_element_type3A_3773 = arith.sitofp %mul3A_3770 : vector<16xi32> to vector<16xf32>
      %mul3A_3774 = arith.constant 1.000000e+30 : f32
      %mul3A_3775 = vector.broadcast %mul3A_3774 : f32 to vector<16xf32>
      %mul3A_3776 = arith.mulf %convert_element_type3A_3773, %mul3A_3775 : vector<16xf32>
      %add3A_3777 = arith.addf %add3A_3525, %mul3A_3776 : vector<16xf32>
      %add3A_3778 = arith.addi %add3A_3767, %mul3A_3770 : vector<16xi32>
      %mul3A_3779 = arith.muli %select_n3A_3657, %select_n3A_3734 : vector<16xi32>
      %sub3A_3780 = arith.subi %broadcast_in_dim3A_63, %add3A_3778 : vector<16xi32>
      %mul3A_3781 = arith.muli %mul3A_3779, %sub3A_3780 : vector<16xi32>
      %mul3A_3782 = arith.muli %mul3A_3781, %scan3A_61#12 : vector<16xi32>
      %add3A_3783 = arith.addi %add3A_3772, %mul3A_3782 : vector<16xi32>
      %convert_element_type3A_3784 = arith.sitofp %mul3A_3781 : vector<16xi32> to vector<16xf32>
      %mul3A_3785 = arith.constant 1.000000e+30 : f32
      %mul3A_3786 = vector.broadcast %mul3A_3785 : f32 to vector<16xf32>
      %mul3A_3787 = arith.mulf %convert_element_type3A_3784, %mul3A_3786 : vector<16xf32>
      %add3A_3788 = arith.addf %add3A_3536, %mul3A_3787 : vector<16xf32>
      %add3A_3789 = arith.addi %add3A_3778, %mul3A_3781 : vector<16xi32>
      %mul3A_3790 = arith.muli %select_n3A_3659, %select_n3A_3734 : vector<16xi32>
      %sub3A_3791 = arith.subi %broadcast_in_dim3A_63, %add3A_3789 : vector<16xi32>
      %mul3A_3792 = arith.muli %mul3A_3790, %sub3A_3791 : vector<16xi32>
      %mul3A_3793 = arith.muli %mul3A_3792, %scan3A_61#13 : vector<16xi32>
      %add3A_3794 = arith.addi %add3A_3783, %mul3A_3793 : vector<16xi32>
      %convert_element_type3A_3795 = arith.sitofp %mul3A_3792 : vector<16xi32> to vector<16xf32>
      %mul3A_3796 = arith.constant 1.000000e+30 : f32
      %mul3A_3797 = vector.broadcast %mul3A_3796 : f32 to vector<16xf32>
      %mul3A_3798 = arith.mulf %convert_element_type3A_3795, %mul3A_3797 : vector<16xf32>
      %add3A_3799 = arith.addf %add3A_3547, %mul3A_3798 : vector<16xf32>
      %add3A_3800 = arith.addi %add3A_3789, %mul3A_3792 : vector<16xi32>
      %mul3A_3801 = arith.muli %select_n3A_3661, %select_n3A_3734 : vector<16xi32>
      %sub3A_3802 = arith.subi %broadcast_in_dim3A_63, %add3A_3800 : vector<16xi32>
      %mul3A_3803 = arith.muli %mul3A_3801, %sub3A_3802 : vector<16xi32>
      %mul3A_3804 = arith.muli %mul3A_3803, %scan3A_61#14 : vector<16xi32>
      %add3A_3805 = arith.addi %add3A_3794, %mul3A_3804 : vector<16xi32>
      %convert_element_type3A_3806 = arith.sitofp %mul3A_3803 : vector<16xi32> to vector<16xf32>
      %mul3A_3807 = arith.constant 1.000000e+30 : f32
      %mul3A_3808 = vector.broadcast %mul3A_3807 : f32 to vector<16xf32>
      %mul3A_3809 = arith.mulf %convert_element_type3A_3806, %mul3A_3808 : vector<16xf32>
      %add3A_3810 = arith.addf %add3A_3558, %mul3A_3809 : vector<16xf32>
      %add3A_3811 = arith.addi %add3A_3800, %mul3A_3803 : vector<16xi32>
      %mul3A_3812 = arith.muli %select_n3A_3663, %select_n3A_3734 : vector<16xi32>
      %sub3A_3813 = arith.subi %broadcast_in_dim3A_63, %add3A_3811 : vector<16xi32>
      %mul3A_3814 = arith.muli %mul3A_3812, %sub3A_3813 : vector<16xi32>
      %mul3A_3815 = arith.muli %mul3A_3814, %scan3A_61#15 : vector<16xi32>
      %add3A_3816 = arith.addi %add3A_3805, %mul3A_3815 : vector<16xi32>
      %convert_element_type3A_3817 = arith.sitofp %mul3A_3814 : vector<16xi32> to vector<16xf32>
      %mul3A_3818 = arith.constant 1.000000e+30 : f32
      %mul3A_3819 = vector.broadcast %mul3A_3818 : f32 to vector<16xf32>
      %mul3A_3820 = arith.mulf %convert_element_type3A_3817, %mul3A_3819 : vector<16xf32>
      %add3A_3821 = arith.addf %add3A_3569, %mul3A_3820 : vector<16xf32>
      %add3A_3822 = arith.addi %add3A_3811, %mul3A_3814 : vector<16xi32>
      %lt3A_3823 = arith.constant 0 : i32
      %lt3A_3824 = vector.broadcast %lt3A_3823 : i32 to vector<16xi32>
      %lt3A_3825 = arith.cmpi slt, %min3A_3732, %lt3A_3824 : vector<16xi32>
      %add3A_3826 = arith.constant 16 : i32
      %add3A_3827 = vector.broadcast %add3A_3826 : i32 to vector<16xi32>
      %add3A_3828 = arith.addi %min3A_3732, %add3A_3827 : vector<16xi32>
      %select_n3A_3829 = arith.select %lt3A_3825, %add3A_3828, %min3A_3732 : vector<16xi1>, vector<16xi32>
      %broadcast_in_dim3A_3830 = vector.shape_cast %select_n3A_3829 : vector<16xi32> to vector<16x1xi32>
      %gather3A_3831 = vector.shape_cast %broadcast_in_dim3A_3830 : vector<16x1xi32> to vector<16xi32>
      %gather3A_3832 = tpu.dynamic_gather %add3A_3816[%gather3A_3831] in [0] : vector<16xi32>, vector<16xi32> -> vector<16xi32>
      %eq3A_3833 = arith.constant 14 : i32
      %eq3A_3834 = vector.broadcast %eq3A_3833 : i32 to vector<16xi32>
      %eq3A_3835 = arith.cmpi eq, %iota3A, %eq3A_3834 : vector<16xi32>
      %select_n3A_3836 = arith.select %eq3A_3835, %gather3A_3832, %select_n3A_3584 : vector<16xi1>, vector<16xi32>
      %min3A_3837 = arith.minimumf %add3A_3744, %add3A_3755 : vector<16xf32>
      %min3A_3838 = arith.minimumf %min3A_3837, %add3A_3766 : vector<16xf32>
      %min3A_3839 = arith.minimumf %min3A_3838, %add3A_3777 : vector<16xf32>
      %min3A_3840 = arith.minimumf %min3A_3839, %add3A_3788 : vector<16xf32>
      %min3A_3841 = arith.minimumf %min3A_3840, %add3A_3799 : vector<16xf32>
      %min3A_3842 = arith.minimumf %min3A_3841, %add3A_3810 : vector<16xf32>
      %min3A_3843 = arith.minimumf %min3A_3842, %add3A_3821 : vector<16xf32>
      %xor3A_3844 = arith.constant 1 : i32
      %xor3A_3845 = vector.broadcast %xor3A_3844 : i32 to vector<16xi32>
      %xor3A_3846 = arith.xori %iota3A, %xor3A_3845 : vector<16xi32>
      %lt3A_3847 = arith.constant 0 : i32
      %lt3A_3848 = vector.broadcast %lt3A_3847 : i32 to vector<16xi32>
      %lt3A_3849 = arith.cmpi slt, %xor3A_3846, %lt3A_3848 : vector<16xi32>
      %add3A_3850 = arith.constant 16 : i32
      %add3A_3851 = vector.broadcast %add3A_3850 : i32 to vector<16xi32>
      %add3A_3852 = arith.addi %xor3A_3846, %add3A_3851 : vector<16xi32>
      %select_n3A_3853 = arith.select %lt3A_3849, %add3A_3852, %xor3A_3846 : vector<16xi1>, vector<16xi32>
      %broadcast_in_dim3A_3854 = vector.shape_cast %select_n3A_3853 : vector<16xi32> to vector<16x1xi32>
      %gather3A_3855 = vector.shape_cast %broadcast_in_dim3A_3854 : vector<16x1xi32> to vector<16xi32>
      %gather3A_3856 = tpu.dynamic_gather %min3A_3843[%gather3A_3855] in [0] : vector<16xf32>, vector<16xi32> -> vector<16xf32>
      %min3A_3857 = arith.minimumf %min3A_3843, %gather3A_3856 : vector<16xf32>
      %xor3A_3858 = arith.constant 2 : i32
      %xor3A_3859 = vector.broadcast %xor3A_3858 : i32 to vector<16xi32>
      %xor3A_3860 = arith.xori %iota3A, %xor3A_3859 : vector<16xi32>
      %lt3A_3861 = arith.constant 0 : i32
      %lt3A_3862 = vector.broadcast %lt3A_3861 : i32 to vector<16xi32>
      %lt3A_3863 = arith.cmpi slt, %xor3A_3860, %lt3A_3862 : vector<16xi32>
      %add3A_3864 = arith.constant 16 : i32
      %add3A_3865 = vector.broadcast %add3A_3864 : i32 to vector<16xi32>
      %add3A_3866 = arith.addi %xor3A_3860, %add3A_3865 : vector<16xi32>
      %select_n3A_3867 = arith.select %lt3A_3863, %add3A_3866, %xor3A_3860 : vector<16xi1>, vector<16xi32>
      %broadcast_in_dim3A_3868 = vector.shape_cast %select_n3A_3867 : vector<16xi32> to vector<16x1xi32>
      %gather3A_3869 = vector.shape_cast %broadcast_in_dim3A_3868 : vector<16x1xi32> to vector<16xi32>
      %gather3A_3870 = tpu.dynamic_gather %min3A_3857[%gather3A_3869] in [0] : vector<16xf32>, vector<16xi32> -> vector<16xf32>
      %min3A_3871 = arith.minimumf %min3A_3857, %gather3A_3870 : vector<16xf32>
      %xor3A_3872 = arith.constant 4 : i32
      %xor3A_3873 = vector.broadcast %xor3A_3872 : i32 to vector<16xi32>
      %xor3A_3874 = arith.xori %iota3A, %xor3A_3873 : vector<16xi32>
      %lt3A_3875 = arith.constant 0 : i32
      %lt3A_3876 = vector.broadcast %lt3A_3875 : i32 to vector<16xi32>
      %lt3A_3877 = arith.cmpi slt, %xor3A_3874, %lt3A_3876 : vector<16xi32>
      %add3A_3878 = arith.constant 16 : i32
      %add3A_3879 = vector.broadcast %add3A_3878 : i32 to vector<16xi32>
      %add3A_3880 = arith.addi %xor3A_3874, %add3A_3879 : vector<16xi32>
      %select_n3A_3881 = arith.select %lt3A_3877, %add3A_3880, %xor3A_3874 : vector<16xi1>, vector<16xi32>
      %broadcast_in_dim3A_3882 = vector.shape_cast %select_n3A_3881 : vector<16xi32> to vector<16x1xi32>
      %gather3A_3883 = vector.shape_cast %broadcast_in_dim3A_3882 : vector<16x1xi32> to vector<16xi32>
      %gather3A_3884 = tpu.dynamic_gather %min3A_3871[%gather3A_3883] in [0] : vector<16xf32>, vector<16xi32> -> vector<16xf32>
      %min3A_3885 = arith.minimumf %min3A_3871, %gather3A_3884 : vector<16xf32>
      %xor3A_3886 = arith.constant 8 : i32
      %xor3A_3887 = vector.broadcast %xor3A_3886 : i32 to vector<16xi32>
      %xor3A_3888 = arith.xori %iota3A, %xor3A_3887 : vector<16xi32>
      %lt3A_3889 = arith.constant 0 : i32
      %lt3A_3890 = vector.broadcast %lt3A_3889 : i32 to vector<16xi32>
      %lt3A_3891 = arith.cmpi slt, %xor3A_3888, %lt3A_3890 : vector<16xi32>
      %add3A_3892 = arith.constant 16 : i32
      %add3A_3893 = vector.broadcast %add3A_3892 : i32 to vector<16xi32>
      %add3A_3894 = arith.addi %xor3A_3888, %add3A_3893 : vector<16xi32>
      %select_n3A_3895 = arith.select %lt3A_3891, %add3A_3894, %xor3A_3888 : vector<16xi1>, vector<16xi32>
      %broadcast_in_dim3A_3896 = vector.shape_cast %select_n3A_3895 : vector<16xi32> to vector<16x1xi32>
      %gather3A_3897 = vector.shape_cast %broadcast_in_dim3A_3896 : vector<16x1xi32> to vector<16xi32>
      %gather3A_3898 = tpu.dynamic_gather %min3A_3885[%gather3A_3897] in [0] : vector<16xf32>, vector<16xi32> -> vector<16xf32>
      %min3A_3899 = arith.minimumf %min3A_3885, %gather3A_3898 : vector<16xf32>
      %eq3A_3900 = arith.cmpf oeq, %add3A_3744, %min3A_3899 : vector<16xf32>
      %select_n3A_3901 = arith.select %eq3A_3900, %broadcast_in_dim3A_63, %broadcast_in_dim3A_65 : vector<16xi1>, vector<16xi32>
      %eq3A_3902 = arith.cmpf oeq, %add3A_3755, %min3A_3899 : vector<16xf32>
      %select_n3A_3903 = arith.select %eq3A_3902, %broadcast_in_dim3A_63, %broadcast_in_dim3A_65 : vector<16xi1>, vector<16xi32>
      %eq3A_3904 = arith.cmpf oeq, %add3A_3766, %min3A_3899 : vector<16xf32>
      %select_n3A_3905 = arith.select %eq3A_3904, %broadcast_in_dim3A_63, %broadcast_in_dim3A_65 : vector<16xi1>, vector<16xi32>
      %eq3A_3906 = arith.cmpf oeq, %add3A_3777, %min3A_3899 : vector<16xf32>
      %select_n3A_3907 = arith.select %eq3A_3906, %broadcast_in_dim3A_63, %broadcast_in_dim3A_65 : vector<16xi1>, vector<16xi32>
      %eq3A_3908 = arith.cmpf oeq, %add3A_3788, %min3A_3899 : vector<16xf32>
      %select_n3A_3909 = arith.select %eq3A_3908, %broadcast_in_dim3A_63, %broadcast_in_dim3A_65 : vector<16xi1>, vector<16xi32>
      %eq3A_3910 = arith.cmpf oeq, %add3A_3799, %min3A_3899 : vector<16xf32>
      %select_n3A_3911 = arith.select %eq3A_3910, %broadcast_in_dim3A_63, %broadcast_in_dim3A_65 : vector<16xi1>, vector<16xi32>
      %eq3A_3912 = arith.cmpf oeq, %add3A_3810, %min3A_3899 : vector<16xf32>
      %select_n3A_3913 = arith.select %eq3A_3912, %broadcast_in_dim3A_63, %broadcast_in_dim3A_65 : vector<16xi1>, vector<16xi32>
      %eq3A_3914 = arith.cmpf oeq, %add3A_3821, %min3A_3899 : vector<16xf32>
      %select_n3A_3915 = arith.select %eq3A_3914, %broadcast_in_dim3A_63, %broadcast_in_dim3A_65 : vector<16xi1>, vector<16xi32>
      %max3A_3916 = arith.maxsi %select_n3A_3901, %select_n3A_3903 : vector<16xi32>
      %max3A_3917 = arith.maxsi %max3A_3916, %select_n3A_3905 : vector<16xi32>
      %max3A_3918 = arith.maxsi %max3A_3917, %select_n3A_3907 : vector<16xi32>
      %max3A_3919 = arith.maxsi %max3A_3918, %select_n3A_3909 : vector<16xi32>
      %max3A_3920 = arith.maxsi %max3A_3919, %select_n3A_3911 : vector<16xi32>
      %max3A_3921 = arith.maxsi %max3A_3920, %select_n3A_3913 : vector<16xi32>
      %max3A_3922 = arith.maxsi %max3A_3921, %select_n3A_3915 : vector<16xi32>
      %mul3A_3923 = arith.muli %max3A_3922, %iota3A : vector<16xi32>
      %sub3A_3924 = arith.subi %broadcast_in_dim3A_63, %max3A_3922 : vector<16xi32>
      %mul3A_3925 = arith.constant 16 : i32
      %mul3A_3926 = vector.broadcast %mul3A_3925 : i32 to vector<16xi32>
      %mul3A_3927 = arith.muli %sub3A_3924, %mul3A_3926 : vector<16xi32>
      %add3A_3928 = arith.addi %mul3A_3923, %mul3A_3927 : vector<16xi32>
      %xor3A_3929 = arith.constant 1 : i32
      %xor3A_3930 = vector.broadcast %xor3A_3929 : i32 to vector<16xi32>
      %xor3A_3931 = arith.xori %iota3A, %xor3A_3930 : vector<16xi32>
      %lt3A_3932 = arith.constant 0 : i32
      %lt3A_3933 = vector.broadcast %lt3A_3932 : i32 to vector<16xi32>
      %lt3A_3934 = arith.cmpi slt, %xor3A_3931, %lt3A_3933 : vector<16xi32>
      %add3A_3935 = arith.constant 16 : i32
      %add3A_3936 = vector.broadcast %add3A_3935 : i32 to vector<16xi32>
      %add3A_3937 = arith.addi %xor3A_3931, %add3A_3936 : vector<16xi32>
      %select_n3A_3938 = arith.select %lt3A_3934, %add3A_3937, %xor3A_3931 : vector<16xi1>, vector<16xi32>
      %broadcast_in_dim3A_3939 = vector.shape_cast %select_n3A_3938 : vector<16xi32> to vector<16x1xi32>
      %gather3A_3940 = vector.shape_cast %broadcast_in_dim3A_3939 : vector<16x1xi32> to vector<16xi32>
      %gather3A_3941 = tpu.dynamic_gather %add3A_3928[%gather3A_3940] in [0] : vector<16xi32>, vector<16xi32> -> vector<16xi32>
      %min3A_3942 = arith.minsi %add3A_3928, %gather3A_3941 : vector<16xi32>
      %xor3A_3943 = arith.constant 2 : i32
      %xor3A_3944 = vector.broadcast %xor3A_3943 : i32 to vector<16xi32>
      %xor3A_3945 = arith.xori %iota3A, %xor3A_3944 : vector<16xi32>
      %lt3A_3946 = arith.constant 0 : i32
      %lt3A_3947 = vector.broadcast %lt3A_3946 : i32 to vector<16xi32>
      %lt3A_3948 = arith.cmpi slt, %xor3A_3945, %lt3A_3947 : vector<16xi32>
      %add3A_3949 = arith.constant 16 : i32
      %add3A_3950 = vector.broadcast %add3A_3949 : i32 to vector<16xi32>
      %add3A_3951 = arith.addi %xor3A_3945, %add3A_3950 : vector<16xi32>
      %select_n3A_3952 = arith.select %lt3A_3948, %add3A_3951, %xor3A_3945 : vector<16xi1>, vector<16xi32>
      %broadcast_in_dim3A_3953 = vector.shape_cast %select_n3A_3952 : vector<16xi32> to vector<16x1xi32>
      %gather3A_3954 = vector.shape_cast %broadcast_in_dim3A_3953 : vector<16x1xi32> to vector<16xi32>
      %gather3A_3955 = tpu.dynamic_gather %min3A_3942[%gather3A_3954] in [0] : vector<16xi32>, vector<16xi32> -> vector<16xi32>
      %min3A_3956 = arith.minsi %min3A_3942, %gather3A_3955 : vector<16xi32>
      %xor3A_3957 = arith.constant 4 : i32
      %xor3A_3958 = vector.broadcast %xor3A_3957 : i32 to vector<16xi32>
      %xor3A_3959 = arith.xori %iota3A, %xor3A_3958 : vector<16xi32>
      %lt3A_3960 = arith.constant 0 : i32
      %lt3A_3961 = vector.broadcast %lt3A_3960 : i32 to vector<16xi32>
      %lt3A_3962 = arith.cmpi slt, %xor3A_3959, %lt3A_3961 : vector<16xi32>
      %add3A_3963 = arith.constant 16 : i32
      %add3A_3964 = vector.broadcast %add3A_3963 : i32 to vector<16xi32>
      %add3A_3965 = arith.addi %xor3A_3959, %add3A_3964 : vector<16xi32>
      %select_n3A_3966 = arith.select %lt3A_3962, %add3A_3965, %xor3A_3959 : vector<16xi1>, vector<16xi32>
      %broadcast_in_dim3A_3967 = vector.shape_cast %select_n3A_3966 : vector<16xi32> to vector<16x1xi32>
      %gather3A_3968 = vector.shape_cast %broadcast_in_dim3A_3967 : vector<16x1xi32> to vector<16xi32>
      %gather3A_3969 = tpu.dynamic_gather %min3A_3956[%gather3A_3968] in [0] : vector<16xi32>, vector<16xi32> -> vector<16xi32>
      %min3A_3970 = arith.minsi %min3A_3956, %gather3A_3969 : vector<16xi32>
      %xor3A_3971 = arith.constant 8 : i32
      %xor3A_3972 = vector.broadcast %xor3A_3971 : i32 to vector<16xi32>
      %xor3A_3973 = arith.xori %iota3A, %xor3A_3972 : vector<16xi32>
      %lt3A_3974 = arith.constant 0 : i32
      %lt3A_3975 = vector.broadcast %lt3A_3974 : i32 to vector<16xi32>
      %lt3A_3976 = arith.cmpi slt, %xor3A_3973, %lt3A_3975 : vector<16xi32>
      %add3A_3977 = arith.constant 16 : i32
      %add3A_3978 = vector.broadcast %add3A_3977 : i32 to vector<16xi32>
      %add3A_3979 = arith.addi %xor3A_3973, %add3A_3978 : vector<16xi32>
      %select_n3A_3980 = arith.select %lt3A_3976, %add3A_3979, %xor3A_3973 : vector<16xi1>, vector<16xi32>
      %broadcast_in_dim3A_3981 = vector.shape_cast %select_n3A_3980 : vector<16xi32> to vector<16x1xi32>
      %gather3A_3982 = vector.shape_cast %broadcast_in_dim3A_3981 : vector<16x1xi32> to vector<16xi32>
      %gather3A_3983 = tpu.dynamic_gather %min3A_3970[%gather3A_3982] in [0] : vector<16xi32>, vector<16xi32> -> vector<16xi32>
      %min3A_3984 = arith.minsi %min3A_3970, %gather3A_3983 : vector<16xi32>
      %eq3A_3985 = arith.cmpi eq, %iota3A, %min3A_3984 : vector<16xi32>
      %select_n3A_3986 = arith.select %eq3A_3985, %broadcast_in_dim3A_63, %broadcast_in_dim3A_65 : vector<16xi1>, vector<16xi32>
      %mul3A_3987 = arith.muli %select_n3A_3901, %select_n3A_3986 : vector<16xi32>
      %sub3A_3988 = arith.subi %broadcast_in_dim3A_63, %broadcast_in_dim3A_65 : vector<16xi32>
      %mul3A_3989 = arith.muli %mul3A_3987, %sub3A_3988 : vector<16xi32>
      %mul3A_3990 = arith.muli %mul3A_3989, %scan3A_61#8 : vector<16xi32>
      %add3A_3991 = arith.addi %broadcast_in_dim3A_65, %mul3A_3990 : vector<16xi32>
      %convert_element_type3A_3992 = arith.sitofp %mul3A_3989 : vector<16xi32> to vector<16xf32>
      %mul3A_3993 = arith.constant 1.000000e+30 : f32
      %mul3A_3994 = vector.broadcast %mul3A_3993 : f32 to vector<16xf32>
      %mul3A_3995 = arith.mulf %convert_element_type3A_3992, %mul3A_3994 : vector<16xf32>
      %add3A_3996 = arith.addf %add3A_3744, %mul3A_3995 : vector<16xf32>
      %add3A_3997 = arith.addi %broadcast_in_dim3A_65, %mul3A_3989 : vector<16xi32>
      %mul3A_3998 = arith.muli %select_n3A_3903, %select_n3A_3986 : vector<16xi32>
      %sub3A_3999 = arith.subi %broadcast_in_dim3A_63, %add3A_3997 : vector<16xi32>
      %mul3A_4000 = arith.muli %mul3A_3998, %sub3A_3999 : vector<16xi32>
      %mul3A_4001 = arith.muli %mul3A_4000, %scan3A_61#9 : vector<16xi32>
      %add3A_4002 = arith.addi %add3A_3991, %mul3A_4001 : vector<16xi32>
      %convert_element_type3A_4003 = arith.sitofp %mul3A_4000 : vector<16xi32> to vector<16xf32>
      %mul3A_4004 = arith.constant 1.000000e+30 : f32
      %mul3A_4005 = vector.broadcast %mul3A_4004 : f32 to vector<16xf32>
      %mul3A_4006 = arith.mulf %convert_element_type3A_4003, %mul3A_4005 : vector<16xf32>
      %add3A_4007 = arith.addf %add3A_3755, %mul3A_4006 : vector<16xf32>
      %add3A_4008 = arith.addi %add3A_3997, %mul3A_4000 : vector<16xi32>
      %mul3A_4009 = arith.muli %select_n3A_3905, %select_n3A_3986 : vector<16xi32>
      %sub3A_4010 = arith.subi %broadcast_in_dim3A_63, %add3A_4008 : vector<16xi32>
      %mul3A_4011 = arith.muli %mul3A_4009, %sub3A_4010 : vector<16xi32>
      %mul3A_4012 = arith.muli %mul3A_4011, %scan3A_61#10 : vector<16xi32>
      %add3A_4013 = arith.addi %add3A_4002, %mul3A_4012 : vector<16xi32>
      %convert_element_type3A_4014 = arith.sitofp %mul3A_4011 : vector<16xi32> to vector<16xf32>
      %mul3A_4015 = arith.constant 1.000000e+30 : f32
      %mul3A_4016 = vector.broadcast %mul3A_4015 : f32 to vector<16xf32>
      %mul3A_4017 = arith.mulf %convert_element_type3A_4014, %mul3A_4016 : vector<16xf32>
      %add3A_4018 = arith.addf %add3A_3766, %mul3A_4017 : vector<16xf32>
      %add3A_4019 = arith.addi %add3A_4008, %mul3A_4011 : vector<16xi32>
      %mul3A_4020 = arith.muli %select_n3A_3907, %select_n3A_3986 : vector<16xi32>
      %sub3A_4021 = arith.subi %broadcast_in_dim3A_63, %add3A_4019 : vector<16xi32>
      %mul3A_4022 = arith.muli %mul3A_4020, %sub3A_4021 : vector<16xi32>
      %mul3A_4023 = arith.muli %mul3A_4022, %scan3A_61#11 : vector<16xi32>
      %add3A_4024 = arith.addi %add3A_4013, %mul3A_4023 : vector<16xi32>
      %convert_element_type3A_4025 = arith.sitofp %mul3A_4022 : vector<16xi32> to vector<16xf32>
      %mul3A_4026 = arith.constant 1.000000e+30 : f32
      %mul3A_4027 = vector.broadcast %mul3A_4026 : f32 to vector<16xf32>
      %mul3A_4028 = arith.mulf %convert_element_type3A_4025, %mul3A_4027 : vector<16xf32>
      %add3A_4029 = arith.addf %add3A_3777, %mul3A_4028 : vector<16xf32>
      %add3A_4030 = arith.addi %add3A_4019, %mul3A_4022 : vector<16xi32>
      %mul3A_4031 = arith.muli %select_n3A_3909, %select_n3A_3986 : vector<16xi32>
      %sub3A_4032 = arith.subi %broadcast_in_dim3A_63, %add3A_4030 : vector<16xi32>
      %mul3A_4033 = arith.muli %mul3A_4031, %sub3A_4032 : vector<16xi32>
      %mul3A_4034 = arith.muli %mul3A_4033, %scan3A_61#12 : vector<16xi32>
      %add3A_4035 = arith.addi %add3A_4024, %mul3A_4034 : vector<16xi32>
      %convert_element_type3A_4036 = arith.sitofp %mul3A_4033 : vector<16xi32> to vector<16xf32>
      %mul3A_4037 = arith.constant 1.000000e+30 : f32
      %mul3A_4038 = vector.broadcast %mul3A_4037 : f32 to vector<16xf32>
      %mul3A_4039 = arith.mulf %convert_element_type3A_4036, %mul3A_4038 : vector<16xf32>
      %add3A_4040 = arith.addf %add3A_3788, %mul3A_4039 : vector<16xf32>
      %add3A_4041 = arith.addi %add3A_4030, %mul3A_4033 : vector<16xi32>
      %mul3A_4042 = arith.muli %select_n3A_3911, %select_n3A_3986 : vector<16xi32>
      %sub3A_4043 = arith.subi %broadcast_in_dim3A_63, %add3A_4041 : vector<16xi32>
      %mul3A_4044 = arith.muli %mul3A_4042, %sub3A_4043 : vector<16xi32>
      %mul3A_4045 = arith.muli %mul3A_4044, %scan3A_61#13 : vector<16xi32>
      %add3A_4046 = arith.addi %add3A_4035, %mul3A_4045 : vector<16xi32>
      %convert_element_type3A_4047 = arith.sitofp %mul3A_4044 : vector<16xi32> to vector<16xf32>
      %mul3A_4048 = arith.constant 1.000000e+30 : f32
      %mul3A_4049 = vector.broadcast %mul3A_4048 : f32 to vector<16xf32>
      %mul3A_4050 = arith.mulf %convert_element_type3A_4047, %mul3A_4049 : vector<16xf32>
      %add3A_4051 = arith.addf %add3A_3799, %mul3A_4050 : vector<16xf32>
      %add3A_4052 = arith.addi %add3A_4041, %mul3A_4044 : vector<16xi32>
      %mul3A_4053 = arith.muli %select_n3A_3913, %select_n3A_3986 : vector<16xi32>
      %sub3A_4054 = arith.subi %broadcast_in_dim3A_63, %add3A_4052 : vector<16xi32>
      %mul3A_4055 = arith.muli %mul3A_4053, %sub3A_4054 : vector<16xi32>
      %mul3A_4056 = arith.muli %mul3A_4055, %scan3A_61#14 : vector<16xi32>
      %add3A_4057 = arith.addi %add3A_4046, %mul3A_4056 : vector<16xi32>
      %convert_element_type3A_4058 = arith.sitofp %mul3A_4055 : vector<16xi32> to vector<16xf32>
      %mul3A_4059 = arith.constant 1.000000e+30 : f32
      %mul3A_4060 = vector.broadcast %mul3A_4059 : f32 to vector<16xf32>
      %mul3A_4061 = arith.mulf %convert_element_type3A_4058, %mul3A_4060 : vector<16xf32>
      %add3A_4062 = arith.addf %add3A_3810, %mul3A_4061 : vector<16xf32>
      %add3A_4063 = arith.addi %add3A_4052, %mul3A_4055 : vector<16xi32>
      %mul3A_4064 = arith.muli %select_n3A_3915, %select_n3A_3986 : vector<16xi32>
      %sub3A_4065 = arith.subi %broadcast_in_dim3A_63, %add3A_4063 : vector<16xi32>
      %mul3A_4066 = arith.muli %mul3A_4064, %sub3A_4065 : vector<16xi32>
      %mul3A_4067 = arith.muli %mul3A_4066, %scan3A_61#15 : vector<16xi32>
      %add3A_4068 = arith.addi %add3A_4057, %mul3A_4067 : vector<16xi32>
      %convert_element_type3A_4069 = arith.sitofp %mul3A_4066 : vector<16xi32> to vector<16xf32>
      %mul3A_4070 = arith.constant 1.000000e+30 : f32
      %mul3A_4071 = vector.broadcast %mul3A_4070 : f32 to vector<16xf32>
      %mul3A_4072 = arith.mulf %convert_element_type3A_4069, %mul3A_4071 : vector<16xf32>
      %add3A_4073 = arith.addf %add3A_3821, %mul3A_4072 : vector<16xf32>
      %add3A_4074 = arith.addi %add3A_4063, %mul3A_4066 : vector<16xi32>
      %lt3A_4075 = arith.constant 0 : i32
      %lt3A_4076 = vector.broadcast %lt3A_4075 : i32 to vector<16xi32>
      %lt3A_4077 = arith.cmpi slt, %min3A_3984, %lt3A_4076 : vector<16xi32>
      %add3A_4078 = arith.constant 16 : i32
      %add3A_4079 = vector.broadcast %add3A_4078 : i32 to vector<16xi32>
      %add3A_4080 = arith.addi %min3A_3984, %add3A_4079 : vector<16xi32>
      %select_n3A_4081 = arith.select %lt3A_4077, %add3A_4080, %min3A_3984 : vector<16xi1>, vector<16xi32>
      %broadcast_in_dim3A_4082 = vector.shape_cast %select_n3A_4081 : vector<16xi32> to vector<16x1xi32>
      %gather3A_4083 = vector.shape_cast %broadcast_in_dim3A_4082 : vector<16x1xi32> to vector<16xi32>
      %gather3A_4084 = tpu.dynamic_gather %add3A_4068[%gather3A_4083] in [0] : vector<16xi32>, vector<16xi32> -> vector<16xi32>
      %eq3A_4085 = arith.constant 15 : i32
      %eq3A_4086 = vector.broadcast %eq3A_4085 : i32 to vector<16xi32>
      %eq3A_4087 = arith.cmpi eq, %iota3A, %eq3A_4086 : vector<16xi32>
      %select_n3A_4088 = arith.select %eq3A_4087, %gather3A_4084, %select_n3A_3836 : vector<16xi1>, vector<16xi32>
      %swap3A = arith.constant 0 : index
      %swap3A_4089 = tpu.vector_load %arg5[%swap3A] {strides = array<i32>} : memref<16xi32, #tpu.memory_space<vmem>>, vector<16xi32>,
      %swap3A_4090 = vector.shape_cast %swap3A_4089 : vector<16xi32> to vector<16xi32>
      %swap3A_4091 = vector.shape_cast %select_n3A_4088 : vector<16xi32> to vector<16xi32>
      tpu.vector_store %arg5[%swap3A], %swap3A_4091 {strides = array<i32>} : memref<16xi32, #tpu.memory_space<vmem>>, vector<16xi32>,
      "tpu.region"() ({
        %run_scoped3A = tpu.sem_alloc : memref<!tpu.dma_semaphore, #tpu.memory_space<semaphore_mem>>
        %dma_start3A = arith.constant 0 : i32
        %dma_start3A_4092 = tpu.memref_slice %arg3[%add3A_9, %dma_start3A] : memref<4096x16xi32, #tpu.memory_space<hbm>> -> memref<1x16xi32, #tpu.memory_space<hbm>>
        %dma_start3A_4093 = tpu.memref_squeeze %dma_start3A_4092 : memref<1x16xi32, #tpu.memory_space<hbm>> -> memref<16xi32, #tpu.memory_space<hbm>>
        %dma_start3A_4094 = arith.constant 0 : i32
        %dma_start3A_4095 = tpu.memref_slice %arg3[%add3A_9, %dma_start3A_4094] : memref<4096x16xi32, #tpu.memory_space<hbm>> -> memref<1x16xi32, #tpu.memory_space<hbm>>
        %dma_start3A_4096 = tpu.memref_squeeze %dma_start3A_4095 : memref<1x16xi32, #tpu.memory_space<hbm>> -> memref<16xi32, #tpu.memory_space<hbm>>
        tpu.enqueue_dma source(%arg5 : memref<16xi32, #tpu.memory_space<vmem>>) target(%dma_start3A_4096 : memref<16xi32, #tpu.memory_space<hbm>>) target_semaphore(%run_scoped3A : memref<!tpu.dma_semaphore, #tpu.memory_space<semaphore_mem>>)
        %dma_wait3A = arith.constant 0 : i32
        %dma_wait3A_4097 = tpu.memref_slice %arg3[%add3A_9, %dma_wait3A] : memref<4096x16xi32, #tpu.memory_space<hbm>> -> memref<1x16xi32, #tpu.memory_space<hbm>>
        %dma_wait3A_4098 = tpu.memref_squeeze %dma_wait3A_4097 : memref<1x16xi32, #tpu.memory_space<hbm>> -> memref<16xi32, #tpu.memory_space<hbm>>
        %dma_wait3A_4099 = arith.constant 0 : i32
        %dma_wait3A_4100 = tpu.memref_slice %arg3[%add3A_9, %dma_wait3A_4099] : memref<4096x16xi32, #tpu.memory_space<hbm>> -> memref<1x16xi32, #tpu.memory_space<hbm>>
        %dma_wait3A_4101 = tpu.memref_squeeze %dma_wait3A_4100 : memref<1x16xi32, #tpu.memory_space<hbm>> -> memref<16xi32, #tpu.memory_space<hbm>>
        tpu.wait_dma2 semaphore(%run_scoped3A : memref<!tpu.dma_semaphore, #tpu.memory_space<semaphore_mem>>) src(%arg5 : memref<16xi32, #tpu.memory_space<vmem>>) dst(%dma_wait3A_4101 : memref<16xi32, #tpu.memory_space<hbm>>)
        tpu.yield
      }) : () -> ()
    }
    %scan3A_7 = arith.constant 128 : i32
    return
  }
}

module attributes {stable_mosaic.version = 14 : i64} {
  func.func @_dist_body(%arg0: i32, %arg1: memref<1x256x1024xf32, #tpu.memory_space<vmem>>, %arg2: memref<1024x1024xf32, #tpu.memory_space<vmem>>) attributes {dimension_semantics = [#tpu.dimension_semantics<arbitrary>], iteration_bounds = array<i64: 4>, scalar_prefetch = 0 : i64, scratch_operands = 0 : i64, tpu.core_type = #tpu.core_type<tc>, window_params = [{transform_indices = @transform_0, window_bounds = array<i64: 1, 256, 1024>}, {transform_indices = @transform_1, window_bounds = array<i64: 1024, 1024>}]} {
    %get3A = arith.constant 0 : index
    %get3A_0 = arith.constant 0 : index
    %get3A_1 = arith.constant 0 : index
    %get3A_2 = vector.load %arg1[%get3A, %get3A_0, %get3A_1] : memref<1x256x1024xf32, #tpu.memory_space<vmem>>, vector<1x256x1024xf32>
    %get3A_3 = vector.shape_cast %get3A_2 : vector<1x256x1024xf32> to vector<256x1024xf32>
    %mul3A = arith.mulf %get3A_3, %get3A_3 : vector<256x1024xf32>
    %reduce_sum3A = arith.constant dense<0.000000e+00> : vector<1024xf32>
    %reduce_sum3A_4 = vector.multi_reduction <add>, %mul3A, %reduce_sum3A [0] : vector<256x1024xf32> to vector<1024xf32>
    %convert_element_type3A = arith.truncf %get3A_3 : vector<256x1024xf32> to vector<256x1024xbf16>
    %dot_general3A = arith.constant dense<0.000000e+00> : vector<1024x1024xf32>
    %dot_general3A_5 = tpu.matmul %convert_element_type3A, %convert_element_type3A, %dot_general3A {dimension_numbers = #tpu.dot_dimension_numbers<[0], [0], [1], [1], [0, 1, 1, 1], [], []>, transpose_lhs_hint = false} : vector<256x1024xbf16>, vector<256x1024xbf16>, vector<1024x1024xf32> -> vector<1024x1024xf32>
    %broadcast_in_dim3A = vector.shape_cast %reduce_sum3A_4 : vector<1024xf32> to vector<1024x1xf32>
    %mul3A_6 = arith.constant 2.000000e+00 : f32
    %mul3A_7 = vector.broadcast %mul3A_6 : f32 to vector<1024x1024xf32>
    %mul3A_8 = arith.mulf %mul3A_7, %dot_general3A_5 : vector<1024x1024xf32>
    %sub3A = vector.broadcast %broadcast_in_dim3A : vector<1024x1xf32> to vector<1024x1024xf32>
    %sub3A_9 = arith.subf %sub3A, %mul3A_8 : vector<1024x1024xf32>
    %broadcast_in_dim3A_10 = vector.shape_cast %reduce_sum3A_4 : vector<1024xf32> to vector<1x1024xf32>
    %add3A = vector.broadcast %broadcast_in_dim3A_10 : vector<1x1024xf32> to vector<1024x1024xf32>
    %add3A_11 = arith.addf %sub3A_9, %add3A : vector<1024x1024xf32>
    %swap3A = arith.constant 0 : index
    %swap3A_12 = arith.constant 0 : index
    %swap3A_13 = vector.load %arg2[%swap3A, %swap3A_12] : memref<1024x1024xf32, #tpu.memory_space<vmem>>, vector<1024x1024xf32>
    tpu.vector_store %arg2[%swap3A, %swap3A_12], %add3A_11 {strides = array<i32>} : memref<1024x1024xf32, #tpu.memory_space<vmem>>, vector<1024x1024xf32>,
    return
  }
  func.func @transform_0(%arg0: i32) -> (i32, i32, i32) {
    %c0_i32 = arith.constant 0 : i32
    %c0_i32_0 = arith.constant 0 : i32
    %c0_i32_1 = arith.constant 0 : i32
    return %arg0, %c0_i32, %c0_i32_0 : i32, i32, i32
  }
  func.func @transform_1(%arg0: i32) -> (i32, i32) {
    %c0_i32 = arith.constant 0 : i32
    %c0_i32_0 = arith.constant 0 : i32
    return %arg0, %c0_i32 : i32, i32
  }
}

module attributes {stable_mosaic.version = 14 : i64} {
  func.func @_gather_body(%arg0: i32, %arg1: memref<1x256x1024xf32, #tpu.memory_space<vmem>>, %arg2: memref<1x1024x16xi32, #tpu.memory_space<vmem>>, %arg3: memref<1x256x1024xf32, #tpu.memory_space<vmem>>) attributes {dimension_semantics = [#tpu.dimension_semantics<arbitrary>], iteration_bounds = array<i64: 4>, scalar_prefetch = 0 : i64, scratch_operands = 0 : i64, tpu.core_type = #tpu.core_type<tc>, window_params = [{transform_indices = @transform_0, window_bounds = array<i64: 1, 256, 1024>}, {transform_indices = @transform_1, window_bounds = array<i64: 1, 1024, 16>}, {transform_indices = @transform_2, window_bounds = array<i64: 1, 256, 1024>}]} {
    %get3A = arith.constant 0 : index
    %get3A_0 = arith.constant 0 : index
    %get3A_1 = arith.constant 0 : index
    %get3A_2 = vector.load %arg1[%get3A, %get3A_0, %get3A_1] : memref<1x256x1024xf32, #tpu.memory_space<vmem>>, vector<1x256x1024xf32>
    %get3A_3 = vector.shape_cast %get3A_2 : vector<1x256x1024xf32> to vector<256x1024xf32>
    %get3A_4 = arith.constant 0 : index
    %get3A_5 = arith.constant 0 : index
    %get3A_6 = arith.constant 0 : index
    %get3A_7 = vector.load %arg2[%get3A_4, %get3A_5, %get3A_6] : memref<1x1024x16xi32, #tpu.memory_space<vmem>>, vector<1x1024x16xi32>
    %get3A_8 = vector.shape_cast %get3A_7 : vector<1x1024x16xi32> to vector<1024x16xi32>
    %iota3A = tpu.iota {dimensions = array<i32: 1>} : vector<1024x1024xi32>
    %broadcast_in_dim3A = arith.constant 0.000000e+00 : f32
    %broadcast_in_dim3A_9 = vector.broadcast %broadcast_in_dim3A : f32 to vector<1024x1024xf32>
    %slice3A = vector.extract_strided_slice %get3A_8 {offsets = [0, 0], sizes = [1024, 1], strides = [1, 1]} : vector<1024x16xi32> to vector<1024x1xi32>
    %eq3A = vector.broadcast %slice3A : vector<1024x1xi32> to vector<1024x1024xi32>
    %eq3A_10 = arith.cmpi eq, %iota3A, %eq3A : vector<1024x1024xi32>
    %convert_element_type3A = arith.extui %eq3A_10 : vector<1024x1024xi1> to vector<1024x1024xi32>
    %convert_element_type3A_11 = arith.sitofp %convert_element_type3A : vector<1024x1024xi32> to vector<1024x1024xf32>
    %add3A = arith.addf %broadcast_in_dim3A_9, %convert_element_type3A_11 : vector<1024x1024xf32>
    %slice3A_12 = vector.extract_strided_slice %get3A_8 {offsets = [0, 1], sizes = [1024, 1], strides = [1, 1]} : vector<1024x16xi32> to vector<1024x1xi32>
    %eq3A_13 = vector.broadcast %slice3A_12 : vector<1024x1xi32> to vector<1024x1024xi32>
    %eq3A_14 = arith.cmpi eq, %iota3A, %eq3A_13 : vector<1024x1024xi32>
    %convert_element_type3A_15 = arith.extui %eq3A_14 : vector<1024x1024xi1> to vector<1024x1024xi32>
    %convert_element_type3A_16 = arith.sitofp %convert_element_type3A_15 : vector<1024x1024xi32> to vector<1024x1024xf32>
    %add3A_17 = arith.addf %add3A, %convert_element_type3A_16 : vector<1024x1024xf32>
    %slice3A_18 = vector.extract_strided_slice %get3A_8 {offsets = [0, 2], sizes = [1024, 1], strides = [1, 1]} : vector<1024x16xi32> to vector<1024x1xi32>
    %eq3A_19 = vector.broadcast %slice3A_18 : vector<1024x1xi32> to vector<1024x1024xi32>
    %eq3A_20 = arith.cmpi eq, %iota3A, %eq3A_19 : vector<1024x1024xi32>
    %convert_element_type3A_21 = arith.extui %eq3A_20 : vector<1024x1024xi1> to vector<1024x1024xi32>
    %convert_element_type3A_22 = arith.sitofp %convert_element_type3A_21 : vector<1024x1024xi32> to vector<1024x1024xf32>
    %add3A_23 = arith.addf %add3A_17, %convert_element_type3A_22 : vector<1024x1024xf32>
    %slice3A_24 = vector.extract_strided_slice %get3A_8 {offsets = [0, 3], sizes = [1024, 1], strides = [1, 1]} : vector<1024x16xi32> to vector<1024x1xi32>
    %eq3A_25 = vector.broadcast %slice3A_24 : vector<1024x1xi32> to vector<1024x1024xi32>
    %eq3A_26 = arith.cmpi eq, %iota3A, %eq3A_25 : vector<1024x1024xi32>
    %convert_element_type3A_27 = arith.extui %eq3A_26 : vector<1024x1024xi1> to vector<1024x1024xi32>
    %convert_element_type3A_28 = arith.sitofp %convert_element_type3A_27 : vector<1024x1024xi32> to vector<1024x1024xf32>
    %add3A_29 = arith.addf %add3A_23, %convert_element_type3A_28 : vector<1024x1024xf32>
    %slice3A_30 = vector.extract_strided_slice %get3A_8 {offsets = [0, 4], sizes = [1024, 1], strides = [1, 1]} : vector<1024x16xi32> to vector<1024x1xi32>
    %eq3A_31 = vector.broadcast %slice3A_30 : vector<1024x1xi32> to vector<1024x1024xi32>
    %eq3A_32 = arith.cmpi eq, %iota3A, %eq3A_31 : vector<1024x1024xi32>
    %convert_element_type3A_33 = arith.extui %eq3A_32 : vector<1024x1024xi1> to vector<1024x1024xi32>
    %convert_element_type3A_34 = arith.sitofp %convert_element_type3A_33 : vector<1024x1024xi32> to vector<1024x1024xf32>
    %add3A_35 = arith.addf %add3A_29, %convert_element_type3A_34 : vector<1024x1024xf32>
    %slice3A_36 = vector.extract_strided_slice %get3A_8 {offsets = [0, 5], sizes = [1024, 1], strides = [1, 1]} : vector<1024x16xi32> to vector<1024x1xi32>
    %eq3A_37 = vector.broadcast %slice3A_36 : vector<1024x1xi32> to vector<1024x1024xi32>
    %eq3A_38 = arith.cmpi eq, %iota3A, %eq3A_37 : vector<1024x1024xi32>
    %convert_element_type3A_39 = arith.extui %eq3A_38 : vector<1024x1024xi1> to vector<1024x1024xi32>
    %convert_element_type3A_40 = arith.sitofp %convert_element_type3A_39 : vector<1024x1024xi32> to vector<1024x1024xf32>
    %add3A_41 = arith.addf %add3A_35, %convert_element_type3A_40 : vector<1024x1024xf32>
    %slice3A_42 = vector.extract_strided_slice %get3A_8 {offsets = [0, 6], sizes = [1024, 1], strides = [1, 1]} : vector<1024x16xi32> to vector<1024x1xi32>
    %eq3A_43 = vector.broadcast %slice3A_42 : vector<1024x1xi32> to vector<1024x1024xi32>
    %eq3A_44 = arith.cmpi eq, %iota3A, %eq3A_43 : vector<1024x1024xi32>
    %convert_element_type3A_45 = arith.extui %eq3A_44 : vector<1024x1024xi1> to vector<1024x1024xi32>
    %convert_element_type3A_46 = arith.sitofp %convert_element_type3A_45 : vector<1024x1024xi32> to vector<1024x1024xf32>
    %add3A_47 = arith.addf %add3A_41, %convert_element_type3A_46 : vector<1024x1024xf32>
    %slice3A_48 = vector.extract_strided_slice %get3A_8 {offsets = [0, 7], sizes = [1024, 1], strides = [1, 1]} : vector<1024x16xi32> to vector<1024x1xi32>
    %eq3A_49 = vector.broadcast %slice3A_48 : vector<1024x1xi32> to vector<1024x1024xi32>
    %eq3A_50 = arith.cmpi eq, %iota3A, %eq3A_49 : vector<1024x1024xi32>
    %convert_element_type3A_51 = arith.extui %eq3A_50 : vector<1024x1024xi1> to vector<1024x1024xi32>
    %convert_element_type3A_52 = arith.sitofp %convert_element_type3A_51 : vector<1024x1024xi32> to vector<1024x1024xf32>
    %add3A_53 = arith.addf %add3A_47, %convert_element_type3A_52 : vector<1024x1024xf32>
    %slice3A_54 = vector.extract_strided_slice %get3A_8 {offsets = [0, 8], sizes = [1024, 1], strides = [1, 1]} : vector<1024x16xi32> to vector<1024x1xi32>
    %eq3A_55 = vector.broadcast %slice3A_54 : vector<1024x1xi32> to vector<1024x1024xi32>
    %eq3A_56 = arith.cmpi eq, %iota3A, %eq3A_55 : vector<1024x1024xi32>
    %convert_element_type3A_57 = arith.extui %eq3A_56 : vector<1024x1024xi1> to vector<1024x1024xi32>
    %convert_element_type3A_58 = arith.sitofp %convert_element_type3A_57 : vector<1024x1024xi32> to vector<1024x1024xf32>
    %add3A_59 = arith.addf %add3A_53, %convert_element_type3A_58 : vector<1024x1024xf32>
    %slice3A_60 = vector.extract_strided_slice %get3A_8 {offsets = [0, 9], sizes = [1024, 1], strides = [1, 1]} : vector<1024x16xi32> to vector<1024x1xi32>
    %eq3A_61 = vector.broadcast %slice3A_60 : vector<1024x1xi32> to vector<1024x1024xi32>
    %eq3A_62 = arith.cmpi eq, %iota3A, %eq3A_61 : vector<1024x1024xi32>
    %convert_element_type3A_63 = arith.extui %eq3A_62 : vector<1024x1024xi1> to vector<1024x1024xi32>
    %convert_element_type3A_64 = arith.sitofp %convert_element_type3A_63 : vector<1024x1024xi32> to vector<1024x1024xf32>
    %add3A_65 = arith.addf %add3A_59, %convert_element_type3A_64 : vector<1024x1024xf32>
    %slice3A_66 = vector.extract_strided_slice %get3A_8 {offsets = [0, 10], sizes = [1024, 1], strides = [1, 1]} : vector<1024x16xi32> to vector<1024x1xi32>
    %eq3A_67 = vector.broadcast %slice3A_66 : vector<1024x1xi32> to vector<1024x1024xi32>
    %eq3A_68 = arith.cmpi eq, %iota3A, %eq3A_67 : vector<1024x1024xi32>
    %convert_element_type3A_69 = arith.extui %eq3A_68 : vector<1024x1024xi1> to vector<1024x1024xi32>
    %convert_element_type3A_70 = arith.sitofp %convert_element_type3A_69 : vector<1024x1024xi32> to vector<1024x1024xf32>
    %add3A_71 = arith.addf %add3A_65, %convert_element_type3A_70 : vector<1024x1024xf32>
    %slice3A_72 = vector.extract_strided_slice %get3A_8 {offsets = [0, 11], sizes = [1024, 1], strides = [1, 1]} : vector<1024x16xi32> to vector<1024x1xi32>
    %eq3A_73 = vector.broadcast %slice3A_72 : vector<1024x1xi32> to vector<1024x1024xi32>
    %eq3A_74 = arith.cmpi eq, %iota3A, %eq3A_73 : vector<1024x1024xi32>
    %convert_element_type3A_75 = arith.extui %eq3A_74 : vector<1024x1024xi1> to vector<1024x1024xi32>
    %convert_element_type3A_76 = arith.sitofp %convert_element_type3A_75 : vector<1024x1024xi32> to vector<1024x1024xf32>
    %add3A_77 = arith.addf %add3A_71, %convert_element_type3A_76 : vector<1024x1024xf32>
    %slice3A_78 = vector.extract_strided_slice %get3A_8 {offsets = [0, 12], sizes = [1024, 1], strides = [1, 1]} : vector<1024x16xi32> to vector<1024x1xi32>
    %eq3A_79 = vector.broadcast %slice3A_78 : vector<1024x1xi32> to vector<1024x1024xi32>
    %eq3A_80 = arith.cmpi eq, %iota3A, %eq3A_79 : vector<1024x1024xi32>
    %convert_element_type3A_81 = arith.extui %eq3A_80 : vector<1024x1024xi1> to vector<1024x1024xi32>
    %convert_element_type3A_82 = arith.sitofp %convert_element_type3A_81 : vector<1024x1024xi32> to vector<1024x1024xf32>
    %add3A_83 = arith.addf %add3A_77, %convert_element_type3A_82 : vector<1024x1024xf32>
    %slice3A_84 = vector.extract_strided_slice %get3A_8 {offsets = [0, 13], sizes = [1024, 1], strides = [1, 1]} : vector<1024x16xi32> to vector<1024x1xi32>
    %eq3A_85 = vector.broadcast %slice3A_84 : vector<1024x1xi32> to vector<1024x1024xi32>
    %eq3A_86 = arith.cmpi eq, %iota3A, %eq3A_85 : vector<1024x1024xi32>
    %convert_element_type3A_87 = arith.extui %eq3A_86 : vector<1024x1024xi1> to vector<1024x1024xi32>
    %convert_element_type3A_88 = arith.sitofp %convert_element_type3A_87 : vector<1024x1024xi32> to vector<1024x1024xf32>
    %add3A_89 = arith.addf %add3A_83, %convert_element_type3A_88 : vector<1024x1024xf32>
    %slice3A_90 = vector.extract_strided_slice %get3A_8 {offsets = [0, 14], sizes = [1024, 1], strides = [1, 1]} : vector<1024x16xi32> to vector<1024x1xi32>
    %eq3A_91 = vector.broadcast %slice3A_90 : vector<1024x1xi32> to vector<1024x1024xi32>
    %eq3A_92 = arith.cmpi eq, %iota3A, %eq3A_91 : vector<1024x1024xi32>
    %convert_element_type3A_93 = arith.extui %eq3A_92 : vector<1024x1024xi1> to vector<1024x1024xi32>
    %convert_element_type3A_94 = arith.sitofp %convert_element_type3A_93 : vector<1024x1024xi32> to vector<1024x1024xf32>
    %add3A_95 = arith.addf %add3A_89, %convert_element_type3A_94 : vector<1024x1024xf32>
    %slice3A_96 = vector.extract_strided_slice %get3A_8 {offsets = [0, 15], sizes = [1024, 1], strides = [1, 1]} : vector<1024x16xi32> to vector<1024x1xi32>
    %eq3A_97 = vector.broadcast %slice3A_96 : vector<1024x1xi32> to vector<1024x1024xi32>
    %eq3A_98 = arith.cmpi eq, %iota3A, %eq3A_97 : vector<1024x1024xi32>
    %convert_element_type3A_99 = arith.extui %eq3A_98 : vector<1024x1024xi1> to vector<1024x1024xi32>
    %convert_element_type3A_100 = arith.sitofp %convert_element_type3A_99 : vector<1024x1024xi32> to vector<1024x1024xf32>
    %add3A_101 = arith.addf %add3A_95, %convert_element_type3A_100 : vector<1024x1024xf32>
    %dot_general3A = arith.constant dense<0.000000e+00> : vector<256x1024xf32>
    %dot_general3A_102 = tpu.matmul %get3A_3, %add3A_101, %dot_general3A {dimension_numbers = #tpu.dot_dimension_numbers<[1], [1], [0], [0], [0, 0, 1, 0], [], []>, precision = #tpu.contract_precision<fp32>, transpose_lhs_hint = false} : vector<256x1024xf32>, vector<1024x1024xf32>, vector<256x1024xf32> -> vector<256x1024xf32>
    %mul3A = arith.constant 6.250000e-02 : f32
    %mul3A_103 = vector.broadcast %mul3A : f32 to vector<256x1024xf32>
    %mul3A_104 = arith.mulf %dot_general3A_102, %mul3A_103 : vector<256x1024xf32>
    %swap3A = arith.constant 0 : index
    %swap3A_105 = arith.constant 0 : index
    %swap3A_106 = arith.constant 0 : index
    %swap3A_107 = vector.load %arg3[%swap3A, %swap3A_105, %swap3A_106] : memref<1x256x1024xf32, #tpu.memory_space<vmem>>, vector<1x256x1024xf32>
    %swap3A_108 = vector.shape_cast %swap3A_107 : vector<1x256x1024xf32> to vector<256x1024xf32>
    %swap3A_109 = vector.shape_cast %mul3A_104 : vector<256x1024xf32> to vector<1x256x1024xf32>
    tpu.vector_store %arg3[%swap3A, %swap3A_105, %swap3A_106], %swap3A_109 {strides = array<i32>} : memref<1x256x1024xf32, #tpu.memory_space<vmem>>, vector<1x256x1024xf32>,
    return
  }
  func.func @transform_0(%arg0: i32) -> (i32, i32, i32) {
    %c0_i32 = arith.constant 0 : i32
    %c0_i32_0 = arith.constant 0 : i32
    %c0_i32_1 = arith.constant 0 : i32
    return %arg0, %c0_i32, %c0_i32_0 : i32, i32, i32
  }
  func.func @transform_1(%arg0: i32) -> (i32, i32, i32) {
    %c0_i32 = arith.constant 0 : i32
    %c0_i32_0 = arith.constant 0 : i32
    %c0_i32_1 = arith.constant 0 : i32
    return %arg0, %c0_i32, %c0_i32_0 : i32, i32, i32
  }
  func.func @transform_2(%arg0: i32) -> (i32, i32, i32) {
    %c0_i32 = arith.constant 0 : i32
    %c0_i32_0 = arith.constant 0 : i32
    %c0_i32_1 = arith.constant 0 : i32
    return %arg0, %c0_i32, %c0_i32_0 : i32, i32, i32
  }
}

module attributes {stable_mosaic.version = 14 : i64} {
  func.func @_mha_body(%arg0: i32, %arg1: i32, %arg2: memref<1x256x2048xf32, #tpu.memory_space<vmem>>, %arg3: memref<1x2048x2048xbf16, #tpu.memory_space<vmem>>, %arg4: memref<256x2048xbf16, #tpu.memory_space<vmem>>, %arg5: memref<256x2048xbf16, #tpu.memory_space<vmem>>, %arg6: memref<256x2048xbf16, #tpu.memory_space<vmem>>, %arg7: memref<2048x256xbf16, #tpu.memory_space<vmem>>, %arg8: memref<1x1x256xf32, #tpu.memory_space<vmem>>, %arg9: memref<1x1x256xf32, #tpu.memory_space<vmem>>, %arg10: memref<1x1x256xf32, #tpu.memory_space<vmem>>, %arg11: memref<1x2048xf32, #tpu.memory_space<vmem>>, %arg12: memref<1x512x2048xf32, #tpu.memory_space<vmem>>) attributes {dimension_semantics = [#tpu.dimension_semantics<parallel>, #tpu.dimension_semantics<arbitrary>], iteration_bounds = array<i64: 4, 8>, scalar_prefetch = 0 : i64, scratch_operands = 0 : i64, tpu.core_type = #tpu.core_type<tc>, window_params = [{transform_indices = @transform_0, window_bounds = array<i64: 1, 256, 2048>}, {transform_indices = @transform_1, window_bounds = array<i64: 1, 2048, 2048>}, {transform_indices = @transform_2, window_bounds = array<i64: 256, 2048>}, {transform_indices = @transform_3, window_bounds = array<i64: 256, 2048>}, {transform_indices = @transform_4, window_bounds = array<i64: 256, 2048>}, {transform_indices = @transform_5, window_bounds = array<i64: 2048, 256>}, {transform_indices = @transform_6, window_bounds = array<i64: 1, 1, 256>}, {transform_indices = @transform_7, window_bounds = array<i64: 1, 1, 256>}, {transform_indices = @transform_8, window_bounds = array<i64: 1, 1, 256>}, {pipeline_mode = #tpu.pipeline_mode<synchronous>, transform_indices = @transform_9, window_bounds = array<i64: 1, 2048>}, {transform_indices = @transform_10, window_bounds = array<i64: 1, 512, 2048>}]} {
    %get3A = arith.constant 0 : index
    %get3A_0 = arith.constant 0 : index
    %get3A_1 = arith.constant 0 : index
    %get3A_2 = vector.load %arg2[%get3A, %get3A_0, %get3A_1] : memref<1x256x2048xf32, #tpu.memory_space<vmem>>, vector<1x256x2048xf32>
    %get3A_3 = vector.shape_cast %get3A_2 : vector<1x256x2048xf32> to vector<256x2048xf32>
    %convert_element_type3A = arith.truncf %get3A_3 : vector<256x2048xf32> to vector<256x2048xbf16>
    %get3A_4 = arith.constant 0 : index
    %get3A_5 = arith.constant 0 : index
    %get3A_6 = arith.constant 0 : index
    %get3A_7 = vector.load %arg3[%get3A_4, %get3A_5, %get3A_6] : memref<1x2048x2048xbf16, #tpu.memory_space<vmem>>, vector<1x2048x2048xbf16>
    %get3A_8 = vector.shape_cast %get3A_7 : vector<1x2048x2048xbf16> to vector<2048x2048xbf16>
    %get3A_9 = arith.constant 0 : index
    %get3A_10 = arith.constant 0 : index
    %get3A_11 = vector.load %arg4[%get3A_9, %get3A_10] : memref<256x2048xbf16, #tpu.memory_space<vmem>>, vector<256x2048xbf16>
    %dot_general3A = arith.constant dense<0.000000e+00> : vector<256x256xf32>
    %dot_general3A_12 = tpu.matmul %convert_element_type3A, %get3A_11, %dot_general3A {dimension_numbers = #tpu.dot_dimension_numbers<[1], [1], [0], [0], [0, 0, 1, 0], [], []>, transpose_lhs_hint = false} : vector<256x2048xbf16>, vector<256x2048xbf16>, vector<256x256xf32> -> vector<256x256xf32>
    %get3A_13 = arith.constant 0 : index
    %get3A_14 = arith.constant 0 : index
    %get3A_15 = arith.constant 0 : index
    %get3A_16 = vector.load %arg8[%get3A_13, %get3A_14, %get3A_15] : memref<1x1x256xf32, #tpu.memory_space<vmem>>, vector<1x1x256xf32>
    %get3A_17 = vector.shape_cast %get3A_16 : vector<1x1x256xf32> to vector<1x256xf32>
    %add3A = vector.broadcast %get3A_17 : vector<1x256xf32> to vector<256x256xf32>
    %add3A_18 = arith.addf %dot_general3A_12, %add3A : vector<256x256xf32>
    %get3A_19 = arith.constant 0 : index
    %get3A_20 = arith.constant 0 : index
    %get3A_21 = vector.load %arg5[%get3A_19, %get3A_20] : memref<256x2048xbf16, #tpu.memory_space<vmem>>, vector<256x2048xbf16>
    %dot_general3A_22 = arith.constant dense<0.000000e+00> : vector<2048x256xf32>
    %dot_general3A_23 = tpu.matmul %get3A_8, %get3A_21, %dot_general3A_22 {dimension_numbers = #tpu.dot_dimension_numbers<[1], [1], [0], [0], [0, 0, 1, 0], [], []>, transpose_lhs_hint = false} : vector<2048x2048xbf16>, vector<256x2048xbf16>, vector<2048x256xf32> -> vector<2048x256xf32>
    %get3A_24 = arith.constant 0 : index
    %get3A_25 = arith.constant 0 : index
    %get3A_26 = arith.constant 0 : index
    %get3A_27 = vector.load %arg9[%get3A_24, %get3A_25, %get3A_26] : memref<1x1x256xf32, #tpu.memory_space<vmem>>, vector<1x1x256xf32>
    %get3A_28 = vector.shape_cast %get3A_27 : vector<1x1x256xf32> to vector<1x256xf32>
    %add3A_29 = vector.broadcast %get3A_28 : vector<1x256xf32> to vector<2048x256xf32>
    %add3A_30 = arith.addf %dot_general3A_23, %add3A_29 : vector<2048x256xf32>
    %get3A_31 = arith.constant 0 : index
    %get3A_32 = arith.constant 0 : index
    %get3A_33 = vector.load %arg6[%get3A_31, %get3A_32] : memref<256x2048xbf16, #tpu.memory_space<vmem>>, vector<256x2048xbf16>
    %dot_general3A_34 = arith.constant dense<0.000000e+00> : vector<2048x256xf32>
    %dot_general3A_35 = tpu.matmul %get3A_8, %get3A_33, %dot_general3A_34 {dimension_numbers = #tpu.dot_dimension_numbers<[1], [1], [0], [0], [0, 0, 1, 0], [], []>, transpose_lhs_hint = false} : vector<2048x2048xbf16>, vector<256x2048xbf16>, vector<2048x256xf32> -> vector<2048x256xf32>
    %get3A_36 = arith.constant 0 : index
    %get3A_37 = arith.constant 0 : index
    %get3A_38 = arith.constant 0 : index
    %get3A_39 = vector.load %arg10[%get3A_36, %get3A_37, %get3A_38] : memref<1x1x256xf32, #tpu.memory_space<vmem>>, vector<1x1x256xf32>
    %get3A_40 = vector.shape_cast %get3A_39 : vector<1x1x256xf32> to vector<1x256xf32>
    %add3A_41 = vector.broadcast %get3A_40 : vector<1x256xf32> to vector<2048x256xf32>
    %add3A_42 = arith.addf %dot_general3A_35, %add3A_41 : vector<2048x256xf32>
    %slice3A = vector.extract_strided_slice %add3A_18 {offsets = [0, 0], sizes = [256, 128], strides = [1, 1]} : vector<256x256xf32> to vector<256x128xf32>
    %mul3A = arith.constant 0.0883883461 : f32
    %mul3A_43 = vector.broadcast %mul3A : f32 to vector<256x128xf32>
    %mul3A_44 = arith.mulf %slice3A, %mul3A_43 : vector<256x128xf32>
    %convert_element_type3A_45 = arith.truncf %mul3A_44 : vector<256x128xf32> to vector<256x128xbf16>
    %slice3A_46 = vector.extract_strided_slice %add3A_30 {offsets = [0, 0], sizes = [2048, 128], strides = [1, 1]} : vector<2048x256xf32> to vector<2048x128xf32>
    %convert_element_type3A_47 = arith.truncf %slice3A_46 : vector<2048x128xf32> to vector<2048x128xbf16>
    %dot_general3A_48 = arith.constant dense<0.000000e+00> : vector<256x2048xf32>
    %dot_general3A_49 = tpu.matmul %convert_element_type3A_45, %convert_element_type3A_47, %dot_general3A_48 {dimension_numbers = #tpu.dot_dimension_numbers<[1], [1], [0], [0], [0, 0, 1, 0], [], []>, transpose_lhs_hint = false} : vector<256x128xbf16>, vector<2048x128xbf16>, vector<256x2048xf32> -> vector<256x2048xf32>
    %reduce_max3A = arith.constant dense<0xFF800000> : vector<256xf32>
    %reduce_max3A_50 = vector.multi_reduction <maximumf>, %dot_general3A_49, %reduce_max3A [1] : vector<256x2048xf32> to vector<256xf32>
    %broadcast_in_dim3A = vector.shape_cast %reduce_max3A_50 : vector<256xf32> to vector<256x1xf32>
    %sub3A = vector.broadcast %broadcast_in_dim3A : vector<256x1xf32> to vector<256x2048xf32>
    %sub3A_51 = arith.subf %dot_general3A_49, %sub3A : vector<256x2048xf32>
    %exp3A = math.exp %sub3A_51 : vector<256x2048xf32>
    %reduce_sum3A = arith.constant dense<0.000000e+00> : vector<256xf32>
    %reduce_sum3A_52 = vector.multi_reduction <add>, %exp3A, %reduce_sum3A [1] : vector<256x2048xf32> to vector<256xf32>
    %broadcast_in_dim3A_53 = vector.shape_cast %reduce_sum3A_52 : vector<256xf32> to vector<256x1xf32>
    %div3A = vector.broadcast %broadcast_in_dim3A_53 : vector<256x1xf32> to vector<256x2048xf32>
    %div3A_54 = arith.divf %exp3A, %div3A : vector<256x2048xf32>
    %convert_element_type3A_55 = arith.truncf %div3A_54 : vector<256x2048xf32> to vector<256x2048xbf16>
    %slice3A_56 = vector.extract_strided_slice %add3A_42 {offsets = [0, 0], sizes = [2048, 128], strides = [1, 1]} : vector<2048x256xf32> to vector<2048x128xf32>
    %convert_element_type3A_57 = arith.truncf %slice3A_56 : vector<2048x128xf32> to vector<2048x128xbf16>
    %dot_general3A_58 = arith.constant dense<0.000000e+00> : vector<256x128xf32>
    %dot_general3A_59 = tpu.matmul %convert_element_type3A_55, %convert_element_type3A_57, %dot_general3A_58 {dimension_numbers = #tpu.dot_dimension_numbers<[1], [0], [0], [1], [0, 0, 1, 1], [], []>, transpose_lhs_hint = false} : vector<256x2048xbf16>, vector<2048x128xbf16>, vector<256x128xf32> -> vector<256x128xf32>
    %slice3A_60 = vector.extract_strided_slice %add3A_18 {offsets = [0, 128], sizes = [256, 128], strides = [1, 1]} : vector<256x256xf32> to vector<256x128xf32>
    %mul3A_61 = arith.constant 0.0883883461 : f32
    %mul3A_62 = vector.broadcast %mul3A_61 : f32 to vector<256x128xf32>
    %mul3A_63 = arith.mulf %slice3A_60, %mul3A_62 : vector<256x128xf32>
    %convert_element_type3A_64 = arith.truncf %mul3A_63 : vector<256x128xf32> to vector<256x128xbf16>
    %slice3A_65 = vector.extract_strided_slice %add3A_30 {offsets = [0, 128], sizes = [2048, 128], strides = [1, 1]} : vector<2048x256xf32> to vector<2048x128xf32>
    %convert_element_type3A_66 = arith.truncf %slice3A_65 : vector<2048x128xf32> to vector<2048x128xbf16>
    %dot_general3A_67 = arith.constant dense<0.000000e+00> : vector<256x2048xf32>
    %dot_general3A_68 = tpu.matmul %convert_element_type3A_64, %convert_element_type3A_66, %dot_general3A_67 {dimension_numbers = #tpu.dot_dimension_numbers<[1], [1], [0], [0], [0, 0, 1, 0], [], []>, transpose_lhs_hint = false} : vector<256x128xbf16>, vector<2048x128xbf16>, vector<256x2048xf32> -> vector<256x2048xf32>
    %reduce_max3A_69 = arith.constant dense<0xFF800000> : vector<256xf32>
    %reduce_max3A_70 = vector.multi_reduction <maximumf>, %dot_general3A_68, %reduce_max3A_69 [1] : vector<256x2048xf32> to vector<256xf32>
    %broadcast_in_dim3A_71 = vector.shape_cast %reduce_max3A_70 : vector<256xf32> to vector<256x1xf32>
    %sub3A_72 = vector.broadcast %broadcast_in_dim3A_71 : vector<256x1xf32> to vector<256x2048xf32>
    %sub3A_73 = arith.subf %dot_general3A_68, %sub3A_72 : vector<256x2048xf32>
    %exp3A_74 = math.exp %sub3A_73 : vector<256x2048xf32>
    %reduce_sum3A_75 = arith.constant dense<0.000000e+00> : vector<256xf32>
    %reduce_sum3A_76 = vector.multi_reduction <add>, %exp3A_74, %reduce_sum3A_75 [1] : vector<256x2048xf32> to vector<256xf32>
    %broadcast_in_dim3A_77 = vector.shape_cast %reduce_sum3A_76 : vector<256xf32> to vector<256x1xf32>
    %div3A_78 = vector.broadcast %broadcast_in_dim3A_77 : vector<256x1xf32> to vector<256x2048xf32>
    %div3A_79 = arith.divf %exp3A_74, %div3A_78 : vector<256x2048xf32>
    %convert_element_type3A_80 = arith.truncf %div3A_79 : vector<256x2048xf32> to vector<256x2048xbf16>
    %slice3A_81 = vector.extract_strided_slice %add3A_42 {offsets = [0, 128], sizes = [2048, 128], strides = [1, 1]} : vector<2048x256xf32> to vector<2048x128xf32>
    %convert_element_type3A_82 = arith.truncf %slice3A_81 : vector<2048x128xf32> to vector<2048x128xbf16>
    %dot_general3A_83 = arith.constant dense<0.000000e+00> : vector<256x128xf32>
    %dot_general3A_84 = tpu.matmul %convert_element_type3A_80, %convert_element_type3A_82, %dot_general3A_83 {dimension_numbers = #tpu.dot_dimension_numbers<[1], [0], [0], [1], [0, 0, 1, 1], [], []>, transpose_lhs_hint = false} : vector<256x2048xbf16>, vector<2048x128xbf16>, vector<256x128xf32> -> vector<256x128xf32>
    %concatenate3A = tpu.concatenate %dot_general3A_59, %dot_general3A_84 in 1 : vector<256x128xf32>, vector<256x128xf32> -> vector<256x256xf32>
    %convert_element_type3A_85 = arith.truncf %concatenate3A : vector<256x256xf32> to vector<256x256xbf16>
    %get3A_86 = arith.constant 0 : index
    %get3A_87 = arith.constant 0 : index
    %get3A_88 = vector.load %arg7[%get3A_86, %get3A_87] : memref<2048x256xbf16, #tpu.memory_space<vmem>>, vector<2048x256xbf16>
    %dot_general3A_89 = arith.constant dense<0.000000e+00> : vector<256x2048xf32>
    %dot_general3A_90 = tpu.matmul %convert_element_type3A_85, %get3A_88, %dot_general3A_89 {dimension_numbers = #tpu.dot_dimension_numbers<[1], [1], [0], [0], [0, 0, 1, 0], [], []>, transpose_lhs_hint = false} : vector<256x256xbf16>, vector<2048x256xbf16>, vector<256x2048xf32> -> vector<256x2048xf32>
    %eq3A = arith.constant 0 : i32
    %eq3A_91 = arith.cmpi eq, %arg1, %eq3A : i32
    %convert_element_type3A_92 = arith.extui %eq3A_91 : i1 to i32
    %cond3A = arith.constant 0 : i32
    %cond3A_93 = arith.cmpi ne, %convert_element_type3A_92, %cond3A : i32
    scf.if %cond3A_93 {
      %swap3A = arith.constant 0 : index
      %swap3A_98 = arith.constant 0 : index
      %swap3A_99 = arith.constant 0 : index
      %swap3A_100 = vector.load %arg12[%swap3A, %swap3A_98, %swap3A_99] : memref<1x512x2048xf32, #tpu.memory_space<vmem>>, vector<1x256x2048xf32>
      %swap3A_101 = vector.shape_cast %swap3A_100 : vector<1x256x2048xf32> to vector<256x2048xf32>
      %swap3A_102 = vector.shape_cast %get3A_3 : vector<256x2048xf32> to vector<1x256x2048xf32>
      tpu.vector_store %arg12[%swap3A, %swap3A_98, %swap3A_99], %swap3A_102 {strides = array<i32>} : memref<1x512x2048xf32, #tpu.memory_space<vmem>>, vector<1x256x2048xf32>,
      %get3A_103 = arith.constant 0 : index
      %get3A_104 = arith.constant 0 : index
      %get3A_105 = vector.load %arg11[%get3A_103, %get3A_104] : memref<1x2048xf32, #tpu.memory_space<vmem>>, vector<1x2048xf32>
      %get3A_106 = vector.shape_cast %get3A_105 : vector<1x2048xf32> to vector<2048xf32>
      %broadcast_in_dim3A_107 = vector.shape_cast %get3A_106 : vector<2048xf32> to vector<1x2048xf32>
      %add3A_108 = vector.broadcast %broadcast_in_dim3A_107 : vector<1x2048xf32> to vector<256x2048xf32>
      %add3A_109 = arith.addf %dot_general3A_90, %add3A_108 : vector<256x2048xf32>
      %swap3A_110 = arith.constant 0 : index
      %swap3A_111 = arith.constant 256 : index
      %swap3A_112 = arith.constant 0 : index
      %swap3A_113 = vector.load %arg12[%swap3A_110, %swap3A_111, %swap3A_112] : memref<1x512x2048xf32, #tpu.memory_space<vmem>>, vector<1x256x2048xf32>
      %swap3A_114 = vector.shape_cast %swap3A_113 : vector<1x256x2048xf32> to vector<256x2048xf32>
      %swap3A_115 = vector.shape_cast %add3A_109 : vector<256x2048xf32> to vector<1x256x2048xf32>
      tpu.vector_store %arg12[%swap3A_110, %swap3A_111, %swap3A_112], %swap3A_115 {strides = array<i32>} : memref<1x512x2048xf32, #tpu.memory_space<vmem>>, vector<1x256x2048xf32>,
    } else {
    }
    %ne3A = arith.constant 0 : i32
    %ne3A_94 = arith.cmpi ne, %arg1, %ne3A : i32
    %convert_element_type3A_95 = arith.extui %ne3A_94 : i1 to i32
    %cond3A_96 = arith.constant 0 : i32
    %cond3A_97 = arith.cmpi ne, %convert_element_type3A_95, %cond3A_96 : i32
    scf.if %cond3A_97 {
      %get3A_98 = arith.constant 0 : index
      %get3A_99 = arith.constant 256 : index
      %get3A_100 = arith.constant 0 : index
      %get3A_101 = vector.load %arg12[%get3A_98, %get3A_99, %get3A_100] : memref<1x512x2048xf32, #tpu.memory_space<vmem>>, vector<1x256x2048xf32>
      %get3A_102 = vector.shape_cast %get3A_101 : vector<1x256x2048xf32> to vector<256x2048xf32>
      %add3A_103 = arith.addf %get3A_102, %dot_general3A_90 : vector<256x2048xf32>
      %swap3A = arith.constant 0 : index
      %swap3A_104 = arith.constant 256 : index
      %swap3A_105 = arith.constant 0 : index
      %swap3A_106 = vector.load %arg12[%swap3A, %swap3A_104, %swap3A_105] : memref<1x512x2048xf32, #tpu.memory_space<vmem>>, vector<1x256x2048xf32>
      %swap3A_107 = vector.shape_cast %swap3A_106 : vector<1x256x2048xf32> to vector<256x2048xf32>
      %swap3A_108 = vector.shape_cast %add3A_103 : vector<256x2048xf32> to vector<1x256x2048xf32>
      tpu.vector_store %arg12[%swap3A, %swap3A_104, %swap3A_105], %swap3A_108 {strides = array<i32>} : memref<1x512x2048xf32, #tpu.memory_space<vmem>>, vector<1x256x2048xf32>,
    } else {
    }
    return
  }
  func.func @transform_0(%arg0: i32, %arg1: i32) -> (i32, i32, i32) {
    %c0_i32 = arith.constant 0 : i32
    %c0_i32_0 = arith.constant 0 : i32
    %c0_i32_1 = arith.constant 0 : i32
    return %arg0, %c0_i32, %c0_i32_0 : i32, i32, i32
  }
  func.func @transform_1(%arg0: i32, %arg1: i32) -> (i32, i32, i32) {
    %c0_i32 = arith.constant 0 : i32
    %c0_i32_0 = arith.constant 0 : i32
    %c0_i32_1 = arith.constant 0 : i32
    return %arg0, %c0_i32, %c0_i32_0 : i32, i32, i32
  }
  func.func @transform_2(%arg0: i32, %arg1: i32) -> (i32, i32) {
    %c0_i32 = arith.constant 0 : i32
    %c0_i32_0 = arith.constant 0 : i32
    return %arg1, %c0_i32 : i32, i32
  }
  func.func @transform_3(%arg0: i32, %arg1: i32) -> (i32, i32) {
    %c0_i32 = arith.constant 0 : i32
    %c0_i32_0 = arith.constant 0 : i32
    return %arg1, %c0_i32 : i32, i32
  }
  func.func @transform_4(%arg0: i32, %arg1: i32) -> (i32, i32) {
    %c0_i32 = arith.constant 0 : i32
    %c0_i32_0 = arith.constant 0 : i32
    return %arg1, %c0_i32 : i32, i32
  }
  func.func @transform_5(%arg0: i32, %arg1: i32) -> (i32, i32) {
    %c0_i32 = arith.constant 0 : i32
    %c0_i32_0 = arith.constant 0 : i32
    return %c0_i32, %arg1 : i32, i32
  }
  func.func @transform_6(%arg0: i32, %arg1: i32) -> (i32, i32, i32) {
    %c0_i32 = arith.constant 0 : i32
    %c0_i32_0 = arith.constant 0 : i32
    %c0_i32_1 = arith.constant 0 : i32
    return %arg1, %c0_i32, %c0_i32_0 : i32, i32, i32
  }
  func.func @transform_7(%arg0: i32, %arg1: i32) -> (i32, i32, i32) {
    %c0_i32 = arith.constant 0 : i32
    %c0_i32_0 = arith.constant 0 : i32
    %c0_i32_1 = arith.constant 0 : i32
    return %arg1, %c0_i32, %c0_i32_0 : i32, i32, i32
  }
  func.func @transform_8(%arg0: i32, %arg1: i32) -> (i32, i32, i32) {
    %c0_i32 = arith.constant 0 : i32
    %c0_i32_0 = arith.constant 0 : i32
    %c0_i32_1 = arith.constant 0 : i32
    return %arg1, %c0_i32, %c0_i32_0 : i32, i32, i32
  }
  func.func @transform_9(%arg0: i32, %arg1: i32) -> (i32, i32) {
    %c0_i32 = arith.constant 0 : i32
    %c0_i32_0 = arith.constant 0 : i32
    %c0_i32_1 = arith.constant 0 : i32
    return %c0_i32, %c0_i32_0 : i32, i32
  }
  func.func @transform_10(%arg0: i32, %arg1: i32) -> (i32, i32, i32) {
    %c0_i32 = arith.constant 0 : i32
    %c0_i32_0 = arith.constant 0 : i32
    %c0_i32_1 = arith.constant 0 : i32
    return %arg0, %c0_i32, %c0_i32_0 : i32, i32, i32
  }
}

</mosaic_0001>

<sc_bundles>
// kernel: kernel.6.cloned.1.call-start
scs
__scs_entry_jumppad:
0x0: {  	(pc) =	sbr.rel $0x88, $3  }
0x1: {  	(tag) =	ssettag $0x0;
	lr =	simm.s32 $0x1  }
0x2: {  	[smem:$0x3F9B] =	sst lr;
	_ =	strace $0xD0000000  }
0x3: {  	_ = 	snop  }
0x4: {  	_ = 	snop  }
0x5: {  	_ = 	snop  }
0x6: {  	_ = 	snop  }
0x7: {  	_ = 	snop  }
__scs_overlays_trampoline_lowered:
0x8: {  	[smem:$0x3FAA] =	sst s0  }
0x9: {  	[smem:$0x3FAB] =	sst s1  }
0xa: {  	[smem:$0x3FAC] =	sst s2  }
0xb: {  	[smem:$0x3FAD] =	sst s3  }
0xc: {  	[smem:$0x3FAE] =	sst s4  }
0xd: {  	[smem:$0x3FAF] =	sst s5  }
0xe: {  	[smem:$0x3FB0] =	sst s6  }
0xf: {  	[smem:$0x3FB1] =	sst s7  }
0x10: {  	[smem:$0x3FB2] =	sst s8  }
0x11: {  	[smem:$0x3FB3] =	sst s9;
	s0 =	simm.s32 @!p0 $0x0  }
0x12: {  	s1 =	sld [smem:$0x3F99];
	s0 =	simm.s32 @p0 $0x1  }
0x13: {  	[smem:$0x3FB4] =	sst s0;
	s0 =	simm.s32 @!p1 $0x0  }
0x14: {  	s2 =	sld [smem:$0x3F98];
	s0 =	simm.s32 @p1 $0x1  }
0x15: {  	[smem:$0x3FB5] =	sst s0;
	s0 =	simm.s32 @!p2 $0x0  }
0x16: {  	s3 =	sld [smem:$0x3FDB];
	s0 =	simm.s32 @p2 $0x1  }
0x17: {  	s4 =	simm.s32 $0x1BF5;
	[smem:$0x3FB7] =	sst s0  }
0x18: {  	s0 =	sld [smem:$0x3F9A];
	_ =	swait.ge [sflag:s4], $0x0  }
0x19: {  	s7 =	sld [smem:$0x3F9B]  }
0x1a: {  	s8 =	sadd.s32 $0xFFFFE003, lr  }
0x1b: {  	s9 =	sadd.s32 $0xFFFFFEF7, lr;
	s5 =	simm.s32 $0xFFFFFFFF;
	p2 =	slt.u32 s8, $0xFFFFF086  }
0x1c: {  	p1 =	slt.u32 s9, $0xF7A;
	s5 =	simm.s32 @!p2 $0x0  }
0x1d: {  	s5 =	simm.s32 @p1 $0x1;
	p0 =	seq.s32 s7, s2  }
0x1e: {  	s7 =	smul.u32 @!p0 $0xF7A, s2;
	p2 =	seq.s32 @!p0 s5, $0x0  }
0x1f: {  	s9 =	smul.u32 $0xF7A, s1;
	s8 =	simm.s32 @!p0 $0x1BF5;
	p2 =	por !p2, p0  }
0x20: {  	[sflag:s8] =	ssyncset.s32 @!p0 $0xFFFFF086;
	s6 =	sadd.s32 @!p0 s3, s7;
	s7 =	simm.s32 @!p0 $0x108  }
0x21: {  	s3 =	sadd.s32 s3, s9;
	s6 =	sadd.s32 @!p0 $0x88, s6;
	s7 =	simm.s32 @p2 $0x1082  }
0x22: {  	[simem:s7], [sflag:s8] =	dma.local @!p0 [hbm:s6], $0xF7A  }
0x23: {  	s9 =	sor.u32 $0xD0000000, s2;
	s6 =	simm.s32 $0x108;
	_ =	swait.ge @!p0 [sflag:s8], $0x0  }
0x24: {  	s3 =	sadd.s32 $0x88, s3;
	s6 =	simm.s32 @!p1 $0x1082;
	[sflag:s4] =	ssyncset.s32 $0xFFFFF086  }
0x25: {  	[simem:s6], [sflag:s4] =	dma.local [hbm:s3], $0xF7A  }
0x26: {  	[smem:$0x3F9B] =	sst s1;
	(tag) =	ssettag s2;
	_ =	strace s9  }
0x27: {  	s1 =	sld [smem:$0x3FAB]  }
0x28: {  	s2 =	sld [smem:$0x3FAC]  }
0x29: {  	s4 =	sld [smem:$0x3FAE]  }
0x2a: {  	p0 =	seq.s32 s5, $0x0;
	s5 =	sld [smem:$0x3FAF]  }
0x2b: {  	s6 =	sld [smem:$0x3FB0]  }
0x2c: {  	s7 =	sld [smem:$0x3FB1]  }
0x2d: {  	s3 =	simm.s32 $0x108;
	s8 =	sld [smem:$0x3FB2]  }
0x2e: {  	s3 =	simm.s32 @!p0 $0x1082;
	s9 =	sld [smem:$0x3FB3]  }
0x2f: {  	lr =	sadd.s32 s0, s3;
	s0 =	sld [smem:$0x3FAA]  }
0x30: {  	s3 =	sld [smem:$0x3FAD]  }
0x31: {  	[smem:$0x3FB6] =	sst s10  }
0x32: {  	s10 =	sld [smem:$0x3FB4];
	_ =	sdelay $0x3  }
0x33: {  	p0 =	seq.s32 s10, $0x1;
	s10 =	sld [smem:$0x3FB6];
	_ =	sdelay $0x3  }
0x34: {  	[smem:$0x3FB6] =	sst s10  }
0x35: {  	s10 =	sld [smem:$0x3FB5];
	_ =	sdelay $0x3  }
0x36: {  	p1 =	seq.s32 s10, $0x1;
	s10 =	sld [smem:$0x3FB6];
	_ =	sdelay $0x3  }
0x37: {  	[smem:$0x3FB6] =	sst s10  }
0x38: {  	s10 =	sld [smem:$0x3FB7]  }
0x39: {  	_ = 	snop;
	(pc) =	sbr.ind lr, $3  }
0x3a: {  	_ = 	snop  }
0x3b: {  	_ = 	snop  }
0x3c: {  	p2 =	seq.s32 s10, $0x1;
	s10 =	sld [smem:$0x3FB6]  }
0x3d: {  	_ =	shalt  }
0x3e: {  	_ =	shalt  }
0x3f: {  	_ =	shalt  }
0x40: {  	_ =	shalt  }
0x41: {  	_ =	shalt  }
0x42: {  	_ =	shalt  }
0x43: {  	_ =	shalt  }
0x44: {  	_ =	shalt  }
0x45: {  	_ =	shalt  }
0x46: {  	_ =	shalt  }
0x47: {  	_ =	shalt  }
0x48: {  	_ =	shalt  }
0x49: {  	_ =	shalt  }
0x4a: {  	_ =	shalt  }
0x4b: {  	_ =	shalt  }
0x4c: {  	_ =	shalt  }
0x4d: {  	_ =	shalt  }
0x4e: {  	_ =	shalt  }
0x4f: {  	_ =	shalt  }
0x50: {  	_ =	shalt  }
0x51: {  	_ =	shalt  }
0x52: {  	_ =	shalt  }
0x53: {  	_ =	shalt  }
0x54: {  	_ =	shalt  }
0x55: {  	_ =	shalt  }
0x56: {  	_ =	shalt  }
0x57: {  	_ =	shalt  }
0x58: {  	_ =	shalt  }
0x59: {  	_ =	shalt  }
0x5a: {  	_ =	shalt  }
0x5b: {  	_ =	shalt  }
0x5c: {  	_ =	shalt  }
0x5d: {  	_ =	shalt  }
0x5e: {  	_ =	shalt  }
0x5f: {  	_ =	shalt  }
0x60: {  	_ =	shalt  }
0x61: {  	_ =	shalt  }
0x62: {  	_ =	shalt  }
0x63: {  	_ =	shalt  }
0x64: {  	_ =	shalt  }
0x65: {  	_ =	shalt  }
0x66: {  	_ =	shalt  }
0x67: {  	_ =	shalt  }
0x68: {  	_ =	shalt  }
0x69: {  	_ =	shalt  }
0x6a: {  	_ =	shalt  }
0x6b: {  	_ =	shalt  }
0x6c: {  	_ =	shalt  }
0x6d: {  	_ =	shalt  }
0x6e: {  	_ =	shalt  }
0x6f: {  	_ =	shalt  }
0x70: {  	_ =	shalt  }
0x71: {  	_ =	shalt  }
0x72: {  	_ =	shalt  }
0x73: {  	_ =	shalt  }
0x74: {  	_ =	shalt  }
0x75: {  	_ =	shalt  }
0x76: {  	_ =	shalt  }
0x77: {  	_ =	shalt  }
0x78: {  	_ =	shalt  }
0x79: {  	_ =	shalt  }
0x7a: {  	_ =	shalt  }
0x7b: {  	_ =	shalt  }
0x7c: {  	_ =	shalt  }
0x7d: {  	_ =	shalt  }
0x7e: {  	_ =	shalt  }
0x7f: {  	_ =	shalt  }
0x80: {  	_ =	shalt  }
0x81: {  	_ =	shalt  }
0x82: {  	_ =	shalt  }
0x83: {  	_ =	shalt  }
0x84: {  	_ =	shalt  }
0x85: {  	_ =	shalt  }
0x86: {  	_ =	shalt  }
0x87: {  	_ =	shalt  }
.Lfunc_end0:
.L_simem_size_0:
called_computation_lowered:
.L_overlay_start_0:
0x88: {  	s2 =	sld [smem:$0x3FD9]  }
0x89: {  	s3 =	sld [smem:$0x3FFE];
	_ =	sdelay $0x1  }
0x8a: {  	s1 =	srdreg.scid  }
0x8b: {  	s0 =	sand.u32 $0x1, s1  }
0x8c: {  	s17 =	sshll.u32 s0, $0xA;
	s2 =	sadd.s32 s3, s2  }
0x8d: {  	s2 =	sadd.s32 s2, s17  }
0x8e: {  	[smem:$0x3FC2] =	sst s2  }
0x8f: {  	_ = 	snop  }
0x90: {  	s2 =	sld [smem:$0x3FD0];
	(tm) =	ssettm $0x1  }
0x91: {  	s18 =	sld [smem:$0x3FFB];
	_ =	sdelay $0x3  }
0x92: {  	_ =	strace s18  }
0x93: {  	s3 =	sld [smem:$0x3FFC];
	_ =	sdelay $0x3  }
0x94: {  	_ =	strace s3  }
0x95: {  	s3 =	sld [smem:$0x3FFD];
	_ =	sdelay $0x3  }
0x96: {  	_ =	strace s3  }
0x97: {  	_ =	strace $0x8FFFFFFF  }
0x98: {  	s19 =	sld [smem:$0x3FDB];
	_ =	sdelay $0x1  }
0x99: {  	s4 =	simm.s32 $_scs_section_size  }
0x9a: {  	s5 =	simm.s32 $_size__tile_overlayer_lowered;
	s6 =	simm.s32 $_tile_overlayer_lowered  }
0x9b: {  	s22 =	simm.s32 $0x1BFF;
	s21 =	sshll.u32 s6, $0x1;
	s3 =	sadd.s32 s4, s19  }
0x9c: {  	s7 =	simm.s32 $0x0;
	s20 =	sshll.u32 s5, $0x1;
	s5 =	sadd.s32 s21, s3  }
0x9d: {  	[timem:s7], [sflag:s22] =	dma.local [hbm:s5], s20  }
0x9e: {  	_ =	swait.ge [sflag:s22], s20  }
0x9f: {  	s4 =	ssub.s32 $0x0, s20;
	[sflag:s22] =	ssyncset.done $0x0  }
0xa0: {  	[sflag:s22] =	ssyncadd.s32 s4;
	_ =	sdelay $0x1  }
0xa1: {  	s23 =	simm.s32 $0x1B8B  }
0xa2: {  	_ =	swait.ge [sflag:s23], $0x1  }
0xa3: {  	[sflag:s23] =	ssyncset.done $0x0  }
0xa4: {  	s25 =	simm.s32 $0x1B8E;
	s24 =	sld [smem:$0x3FFE];
	[sflag:s23] =	ssyncadd.s32 $0xFFFFFFFF  }
0xa5: {  	s26 =	simm.s32 $execute0_lowered;
	[smem:$0x3FD2] =	sst s25  }
0xa6: {  	s5 =	sshll.u32 s26, $0x1;
	_ =	strace $0x80000046;
	[dreg:$0x1] =	wrdreg $0xFFFFFFFF  }
0xa7: {  	s28 =	simm.s32 $_size_execute0_lowered;
	s3 =	sadd.s32 s3, s5;
	[dreg:$0x0] =	wrdreg $0x0  }
0xa8: {  	s5 =	sshll.u32 s28, $0x1;
	[dreg:$0x2] =	wrdreg s3  }
0xa9: {  	[dreg:$0x3] =	wrdreg s5  }
0xaa: {  	[dreg:$0x4] =	wrdreg $0xC0  }
0xab: {  	_ =	task [dreg:s7], $0x5FFFF  }
0xac: {  	[dreg:$0x1] =	wrdreg $0xFFFFFFFF  }
0xad: {  	[dreg:$0x0] =	wrdreg $0x60  }
0xae: {  	[dreg:$0x2] =	wrdreg s2  }
0xaf: {  	[dreg:$0x3] =	wrdreg s24  }
0xb0: {  	[dreg:$0x4] =	wrdreg $0x9  }
0xb1: {  	_ =	task.clear_ibuf [dreg:s7], $0x5FFFF;
	_ =	strace $0x90000046  }
0xb2: {  	s29 =	simm.s32 $0x9;
	_ =	strace $0x80000048  }
0xb3: {  	_ =	swait.ge [sflag:s29], $0x1  }
0xb4: {  	[sflag:s29] =	ssyncadd.s32 $0xFFFFFFFF  }
0xb5: {  	_ =	strace $0x90000048  }
0xb6: {  	_ =	sfence  }
0xb7: {  	s30 =	sld [smem:$0x0];
	_ =	sdelay $0x2  }
0xb8: {  	s31 =	sshll.u32 s1, $0xD;
	s1 =	sshrl.u32 s1, $0x2  }
0xb9: {  	s3 =	sand.u32 $0x4000, s31;
	s1 =	sadd.s32 s1, s30  }
0xba: {  	s0 =	sor.u32 s3, s0;
	s1 =	sshll.u32 s1, $0x11  }
0xbb: {  	s0 =	sor.u32 s1, s0  }
0xbc: {  	s0 =	sadd.s32 $0x8F2B, s0  }
0xbd: {  	[sflag:s0] =	ssyncadd.remote.s32 $0x1  }
0xbe: {  	_ =	sfence.sel $0xFFFF  }
0xbf: {  	[dreg:$0x0] =	wrdreg $0xFFFFFFFF;
	(pc) =	sbr.abs _section_cstart, $3  }
0xc0: {  	[dreg:$0x1] =	wrdreg $0xFFFFFFFF  }
0xc1: {  	_ =	task.clear_ibuf [dreg:s7], $0x2FFFF;
	_ =	strace $0x9FFFFFFF  }
0xc2: {  	(tm) =	ssettm $0x7FFFFFFF  }
0xc3: {  	_ =	shalt  }
tec
execute0_lowered:
.L_overlay_start_1:
0x0: {  	(tag) =	ssettag $0x1  }
0x1: {  	v0 =	vimm.s32 $0xEFCDAB89  }
0x2: {  	v1 =	vimm.s32 $0x67452301;
	v2 =	vimm.s32 $0xDCFE98BA;
	v3 =	vimm.s32 $0x54761032  }
0x3: {  	v4 =	vimm.s32 $0xBA98FEDC;
	v5 =	vimm.s32 $0x32107654;
	v6 =	vimm.s32 $0xFEDCBA98  }
0x4: {  	v7 =	vimm.s32 $0x76543210;
	v0 =	vunpack.c.l.s4.s8 v0;
	v1 =	vunpack.c.l.s4.s8 v1  }
0x5: {  	v2 =	vunpack.c.l.s4.s8 v2;
	v3 =	vunpack.c.l.s4.s8 v3;
	v4 =	vunpack.c.l.s4.s8 v4  }
0x6: {  	v5 =	vunpack.c.l.s4.s8 v5;
	v6 =	vunpack.c.l.s4.s8 v6;
	v0 =	vunpack.c.0.s8.s32 v0  }
0x7: {  	v1 =	vunpack.c.0.s8.s32 v1;
	v2 =	vunpack.c.0.s8.s32 v2;
	v3 =	vunpack.c.0.s8.s32 v3  }
0x8: {  	v7 =	vunpack.c.l.s4.s8 v7;
	v4 =	vunpack.c.0.s8.s32 v4;
	v5 =	vunpack.c.0.s8.s32 v5  }
0x9: {  	v1 =	vcombine.low v1, v0;
	v2 =	vcombine.low v3, v2;
	v3 =	vunpack.c.0.s8.s32 v6  }
0xa: {  	v4 =	vcombine.low v5, v4;
	v5 =	vunpack.c.0.s8.s32 v7  }
0xb: {  	vm0 =	vmmov $0x1;
	v50 =	vand.u32 $0xF, v1;
	v1 =	vand.u32 $0xF, v3  }
0xc: {  	v3 =	vand.u32 $0xF, v4;
	v4 =	vcombine.low v1, v5;
	v1 =	vimm.s32 $0x0  }
0xd: {  	v1 =	vsel vm0, $0xFFFFFFFF, v1  }
0xe: {  	vm14 =	vmmov $0x3;
	[tilespmem:$0x1FF10] =	vst v1;
	v1 =	vimm.s32 $0x0  }
0xf: {  	v1 =	vsel vm14, $0xFFFFFFFF, v1  }
0x10: {  	vm15 =	vmmov $0x7;
	[tilespmem:$0x1FF20] =	vst v1;
	v1 =	vimm.s32 $0x0  }
0x11: {  	s0 =	rddreg [dreg:$0x0];
	v1 =	vsel vm15, $0xFFFFFFFF, v1  }
0x12: {  	s4 =	rddreg [dreg:$0x1];
	s2 =	simm.s32 $0x0;
	vm4 =	vmmov $0xf;
	[tilespmem:$0x1FF30] =	vst v1;
	v1 =	vimm.s32 $0x0  }
0x13: {  	[smem:$0x7FF] =	sst s2;
	v1 =	vsel vm4, $0xFFFFFFFF, v1  }
0x14: {  	s1 =	rddreg [dreg:$0x2];
	vm5 =	vmmov $0x1f;
	_ =	strace $0x80000047;
	[tilespmem:$0x1FF40] =	vst v1;
	v1 =	vimm.s32 $0x0  }
0x15: {  	v1 =	vsel vm5, $0xFFFFFFFF, v1  }
0x16: {  	vm6 =	vmmov $0x3f;
	[tilespmem:$0x1FF50] =	vst v1;
	v1 =	vimm.s32 $0x0  }
0x17: {  	v1 =	vsel vm6, $0xFFFFFFFF, v1  }
0x18: {  	vm7 =	vmmov $0x7f;
	[tilespmem:$0x1FF60] =	vst v1;
	v1 =	vimm.s32 $0x0  }
0x19: {  	v1 =	vsel vm7, $0xFFFFFFFF, v1  }
0x1a: {  	vm8 =	vmmov $0xff;
	[tilespmem:$0x1FF70] =	vst v1;
	v1 =	vimm.s32 $0x0  }
0x1b: {  	v1 =	vsel vm8, $0xFFFFFFFF, v1  }
0x1c: {  	vm9 =	vmmov $0x1ff;
	[tilespmem:$0x1FF80] =	vst v1;
	v1 =	vimm.s32 $0x0  }
0x1d: {  	v1 =	vsel vm9, $0xFFFFFFFF, v1  }
0x1e: {  	vm10 =	vmmov $0x3ff;
	[tilespmem:$0x1FF90] =	vst v1;
	v1 =	vimm.s32 $0x0  }
0x1f: {  	v1 =	vsel vm10, $0xFFFFFFFF, v1  }
0x20: {  	vm11 =	vmmov $0x7ff;
	[tilespmem:$0x1FFA0] =	vst v1;
	v1 =	vimm.s32 $0x0  }
0x21: {  	v1 =	vsel vm11, $0xFFFFFFFF, v1  }
0x22: {  	vm12 =	vmmov $0xfff;
	[tilespmem:$0x1FFB0] =	vst v1;
	v1 =	vimm.s32 $0x0  }
0x23: {  	v1 =	vsel vm12, $0xFFFFFFFF, v1  }
0x24: {  	vm13 =	vmmov $0x1fff;
	[tilespmem:$0x1FFC0] =	vst v1;
	v1 =	vimm.s32 $0x0  }
0x25: {  	s3 =	srdreg.scid;
	v1 =	vsel vm13, $0xFFFFFFFF, v1  }
0x26: {  	s5 =	sand.u32 $0x1, s3;
	vm14 =	vmmov $0x3fff;
	[tilespmem:$0x1FFD0] =	vst v1;
	v1 =	vimm.s32 $0x0  }
0x27: {  	s8 =	simm.s32 $0x1;
	s9 =	simm.s32 $0x0;
	s6 =	ssub.s32 $0x2, s5;
	v1 =	vsel vm14, $0xFFFFFFFF, v1  }
0x28: {  	s3 =	stileid.u32;
	s4 =	sadd.s32 $0x2200, s4;
	s7 =	sshrl.u32 s6, $0x1;
	vm15 =	vmmov $0x7fff;
	[tilespmem:$0x1FFE0] =	vst v1;
	v1 =	vimm.s32 $0x0  }
0x29: {  	s31 =	sshll.u32 s3, $0x8;
	s5 =	sshll.u32 s5, $0x7;
	s6 =	ssub.s32 s6, s7;
	v1 =	vsel vm15, $0xFFFFFFFF, v1  }
0x2a: {  	s5 =	sor.u32 s5, s31;
	s7 =	simm.s32 $0x400;
	v0 =	vlaneseq.u32;
	s6 =	smax.u32 s6, $0x1;
	v2 =	vand.u32 $0xF, v2;
	[tilespmem:$0x1FFF0] =	vst v1  }
.LBB2_1:
0x2b: {  	s10 =	simm.s32 $0x0  }
.LBB2_2:
0x2c: {  	s11 =	sadd.s32 s5, s10  }
0x2d: {  	s12 =	sshll.u32 s10, $0x7;
	s11 =	sshrl.u32 s11, $0x3  }
0x2e: {  	s12 =	sand.u32 $0x380, s12;
	s13 =	sshll.u32 s11, $0xD  }
0x2f: {  	s13 =	sor.u32 s12, s13  }
0x30: {  	s13 =	sshrl.u32 s13, $0x3  }
0x31: {  	s14 =	simm.s32 $0x80;
	s13 =	sadd.s32 s0, s13  }
0x32: {  	[tilespmem:s2], [sflag:$0x1] =	stream.strided.gather [hbm4b:s13+s14], $0x400, s7, s14, $0x38;
	[tilespmem:$0x480] =	vst v63  }
0x33: {  	_ =	swait.ge [sflag:s8], $0x400  }
0x34: {  	[sflag:s8] =	ssyncset.done $0x0  }
0x35: {  	[sflag:s8] =	ssyncadd.s32 $0xFFFFFC00  }
0x36: {  	v5 =	vld [tilespmem:$0x0]  }
0x37: {  	v8 =	vld [tilespmem:s14+$0x0];
	_ =	sdelay $0x1  }
0x38: {  	s31 =	simm.s32 $0x90;
	v9 =	vld [tilespmem:$0x10]  }
0x39: {  	v13 =	vlaneseq.u32;
	v25 =	vld [tilespmem:s31+$0x0]  }
0x3a: {  	v14 =	vor.u32 $0x10, v13;
	v15 =	vor.u32 $0x20, v13;
	v17 =	vor.u32 $0x30, v13;
	v10 =	vld [tilespmem:$0x20]  }
0x3b: {  	v18 =	vor.u32 $0x40, v13;
	v27 =	vor.u32 $0x50, v13;
	vm0 =	vlt.f32 v8, v5  }
0x3c: {  	v20 =	vor.u32 s14, v0;
	v6 =	vor.u32 $0x60, v13;
	v11 =	vld [tilespmem:$0x30];
	v12 =	vsel vm0, v5, v8  }
0x3d: {  	v7 =	vor.u32 $0x70, v13;
	v5 =	vsel vm0, v8, v5;
	vm1 =	vlt.f32 v12, v9  }
0x3e: {  	v26 =	vsel vm0, v13, v20;
	vm15 =	vlt.f32 v25, v5;
	v16 =	vsel vm1, v9, v12  }
0x3f: {  	v1 =	vld [tilespmem:$0x40];
	v28 =	vsel vm1, v14, v26;
	v19 =	vsel vm1, v12, v9;
	vm2 =	vlt.f32 v16, v10  }
0x40: {  	v21 =	vsel vm2, v10, v16;
	v12 =	vsel vm2, v15, v28;
	v22 =	vsel vm2, v16, v10  }
0x41: {  	v24 =	vld [tilespmem:$0x50];
	v9 =	vsel vm2, v28, v15;
	v10 =	vsel vm1, v26, v14;
	vm3 =	vlt.f32 v21, v11  }
0x42: {  	v14 =	vor.u32 s31, v0;
	v28 =	vsel vm15, v5, v25;
	v23 =	vsel vm3, v11, v21  }
0x43: {  	v34 =	vld [tilespmem:$0x60];
	v21 =	vsel vm3, v21, v11;
	v11 =	vsel vm0, v20, v13;
	v8 =	vsel vm3, v12, v17  }
0x44: {  	v12 =	vsel vm3, v17, v12;
	vm0 =	vlt.f32 v28, v19;
	vm5 =	vlt.f32 v23, v1  }
0x45: {  	v26 =	vld [tilespmem:$0x70];
	v16 =	vsel vm15, v11, v14;
	v29 =	vsel vm0, v19, v28;
	v31 =	vsel vm5, v1, v23  }
0x46: {  	v13 =	vsel vm5, v12, v18;
	vm2 =	vlt.f32 v29, v22;
	vm6 =	vlt.f32 v31, v24  }
0x47: {  	v12 =	vsel vm5, v18, v12;
	v30 =	vsel vm2, v22, v29;
	v17 =	vsel vm6, v24, v31  }
0x48: {  	v20 =	vsel vm6, v27, v12;
	vm1 =	vlt.f32 v30, v21;
	vm3 =	vlt.f32 v17, v34  }
0x49: {  	v18 =	vmovc v8;
	v15 =	vsel vm6, v12, v27;
	v32 =	vsel vm1, v21, v30;
	v33 =	vsel vm3, v34, v17  }
0x4a: {  	s13 =	simm.s32 $0xA0;
	s14 =	simm.s32 $0xA0;
	v12 =	vsel vm3, v20, v6;
	v27 =	vsel vm3, v17, v34;
	vm4 =	vlt.f32 v33, v26;
	v17 =	vmovc v13  }
.LBB2_3:
0x4b: {  	v34 =	vld [tilespmem:s14+$0x0];
	p0 =	sne.s32 s13, $0x3F0;
	v24 =	vsel vm6, v31, v24;
	v20 =	vsel vm3, v6, v20;
	v26 =	vsel vm4, v33, v26;
	v6 =	vmovc v12;
	s15 =	smov.u32 s13;
	s13 =	sadd.s32 $0x10, s13  }
0x4c: {  	v31 =	vsel vm0, v10, v16;
	v1 =	vsel vm5, v23, v1;
	v23 =	vmovc v32;
	v7 =	vsel vm4, v20, v7  }
0x4d: {  	v5 =	vsel vm15, v25, v5;
	v19 =	vsel vm0, v28, v19;
	v20 =	vsel vm2, v9, v31  }
0x4e: {  	v22 =	vsel vm2, v29, v22;
	v21 =	vsel vm1, v30, v21;
	v9 =	vsel vm2, v31, v9  }
0x4f: {  	v11 =	vsel vm15, v14, v11;
	v10 =	vsel vm0, v16, v10;
	v8 =	vsel vm1, v20, v8  }
0x50: {  	v14 =	vor.u32 s15, v0;
	v20 =	vsel vm1, v18, v20;
	v18 =	vmovc v8;
	vm15 =	vlt.f32 v34, v5;
	v25 =	vmovc v34  }
0x51: {  	vm5 =	vlt.f32 v23, v1;
	v28 =	vsel vm15, v5, v25;
	v16 =	vsel vm15, v11, v14  }
0x52: {  	v31 =	vsel vm5, v1, v23;
	v13 =	vsel vm5, v20, v13;
	vm0 =	vlt.f32 v28, v19  }
.Ltmp0:
0x53: {  	v32 =	vsel vm5, v17, v20;
	vm6 =	vlt.f32 v31, v24;
	v17 =	vmovc v13;
	v29 =	vsel vm0, v19, v28;
	(pc) =	sbr.rel @p0 .LBB2_3-.Ltmp0, $4  }
0x54: {  	v20 =	vsel vm6, v15, v32;
	v34 =	vsel vm6, v24, v31;
	vm2 =	vlt.f32 v29, v22  }
0x55: {  	v15 =	vsel vm6, v32, v15;
	vm3 =	vlt.f32 v34, v27;
	v30 =	vsel vm2, v22, v29  }
0x56: {  	v12 =	vsel vm3, v20, v12;
	v33 =	vsel vm3, v27, v34;
	vm1 =	vlt.f32 v30, v21  }
0x57: {  	s14 =	sadd.s32 $0x10, s14;
	v27 =	vsel vm3, v34, v27;
	vm4 =	vlt.f32 v33, v26;
	v32 =	vsel vm1, v21, v30  }
0x58: {  	v1 =	vsel vm5, v23, v1;
	v46 =	vsel vm6, v31, v24;
	v47 =	vsel vm4, v33, v26  }
0x59: {  	v48 =	vimm.s32 $0x0;
	v5 =	vsel vm15, v25, v5;
	vm14 =	vlt.f32 v32, v1  }
0x5a: {  	v19 =	vsel vm0, v28, v19;
	v22 =	vsel vm2, v29, v22;
	v49 =	vsel vm14, v1, v32  }
0x5b: {  	v51 =	vmin.f32 v5, v19;
	v26 =	vsel vm14, $0xFFFFFFFF, v48;
	vm8 =	vlt.f32 v49, v46  }
0x5c: {  	v21 =	vsel vm1, v30, v21;
	[tilespmem:$0x1F8D0] =	vst v26;
	v26 =	vmin.f32 v51, v22;
	v52 =	vsel vm8, v46, v49  }
0x5d: {  	v1 =	vsel vm14, v32, v1;
	v26 =	vmin.f32 v26, v21;
	vm9 =	vlt.f32 v52, v27  }
0x5e: {  	v23 =	vsel vm8, v49, v46;
	v55 =	vmin.f32 v26, v1;
	v54 =	vsel vm9, v27, v52  }
0x5f: {  	v26 =	vsel vm9, v52, v27;
	v25 =	vmin.f32 v55, v23;
	vm10 =	vlt.f32 v54, v47  }
0x60: {  	v25 =	vmin.f32 v25, v26;
	v24 =	vsel vm10, v54, v47  }
0x61: {  	v25 =	vmin.f32 v25, v24  }
0x62: {  	v57 =	vperm.xlane v25, v50  }
0x63: {  	v56 =	vimm.s32 $0x0  }
0x64: {  	v27 =	vsel vm10, $0xFFFFFFFF, v56;
	v25 =	vmin.f32 v25, v57  }
0x65: {  	[tilespmem:$0x1F920] =	vst v27;
	v27 =	vperm.xlane v25, v2;
	_ =	sdelay $0x1  }
0x66: {  	v25 =	vmin.f32 v25, v27  }
0x67: {  	v27 =	vperm.xlane v25, v3;
	_ =	sdelay $0x1  }
0x68: {  	v25 =	vmin.f32 v25, v27  }
0x69: {  	v27 =	vperm.xlane v25, v4;
	_ =	sdelay $0x1  }
0x6a: {  	v25 =	vmin.f32 v25, v27  }
0x6b: {  	v53 =	vimm.s32 $0x0;
	vm7 =	veq.f32 v5, v25;
	vm6 =	veq.f32 v19, v25  }
0x6c: {  	v29 =	vsel vm9, $0xFFFFFFFF, v53;
	vm14 =	veq.f32 v22, v25;
	vm9 =	vmor vm7, vm6  }
0x6d: {  	vm13 =	veq.f32 v21, v25;
	vm9 =	vmor vm14, vm9  }
0x6e: {  	vm12 =	veq.f32 v1, v25;
	vm9 =	vmor vm13, vm9  }
0x6f: {  	vm11 =	veq.f32 v23, v25;
	vm9 =	vmor vm12, vm9  }
0x70: {  	vm10 =	veq.f32 v26, v25;
	vm9 =	vmor vm11, vm9  }
0x71: {  	vm5 =	vmor vm10, vm9;
	vm9 =	veq.f32 v24, v25  }
0x72: {  	vm5 =	vmor vm9, vm5  }
0x73: {  	v58 =	vnsel vm5, $0x10, v0  }
0x74: {  	v59 =	vperm.xlane v58, v50;
	_ =	sdelay $0x1  }
0x75: {  	vm5 =	vlt.s32 v58, v59  }
0x76: {  	v25 =	vsel vm5, v58, v59  }
0x77: {  	v27 =	vperm.xlane v25, v2;
	_ =	sdelay $0x1  }
0x78: {  	vm5 =	vlt.s32 v25, v27  }
0x79: {  	v25 =	vsel vm5, v25, v27  }
0x7a: {  	v27 =	vperm.xlane v25, v3;
	_ =	sdelay $0x1  }
0x7b: {  	vm5 =	vlt.s32 v25, v27  }
0x7c: {  	v25 =	vsel vm5, v25, v27  }
0x7d: {  	v27 =	vperm.xlane v25, v4;
	_ =	sdelay $0x1  }
0x7e: {  	vm5 =	vlt.s32 v25, v27  }
0x7f: {  	v25 =	vsel vm5, v25, v27  }
0x80: {  	v60 =	vimm.s32 $0x0;
	vm5 =	veq.s32 v25, v0  }
0x81: {  	[tilespmem:$0x1FA10] =	vst v25;
	v25 =	vsel vm5, $0x1, v60  }
0x82: {  	v47 =	vnsel vm7, $0x0, v25  }
0x83: {  	v61 =	vnsel vm6, $0x0, v25;
	v62 =	vxor.u32 $0x1, v47  }
0x84: {  	v63 =	vmul.u32 v61, v62;
	_ =	sdelay $0x1  }
0x85: {  	v27 =	vadd.s32 v47, v63  }
0x86: {  	v36 =	vnsel vm14, $0x0, v25;
	v37 =	vsub.s32 $0x1, v27  }
0x87: {  	v38 =	vmul.u32 v36, v37;
	_ =	sdelay $0x1  }
0x88: {  	v27 =	vadd.s32 v27, v38  }
0x89: {  	v39 =	vnsel vm13, $0x0, v25;
	v40 =	vsub.s32 $0x1, v27  }
0x8a: {  	v46 =	vmul.u32 v39, v40;
	_ =	sdelay $0x1  }
0x8b: {  	v27 =	vadd.s32 v27, v46  }
0x8c: {  	v41 =	vnsel vm12, $0x0, v25;
	v42 =	vsub.s32 $0x1, v27  }
0x8d: {  	v48 =	vmul.u32 v41, v42;
	_ =	sdelay $0x1  }
0x8e: {  	v27 =	vadd.s32 v27, v48  }
0x8f: {  	v43 =	vnsel vm11, $0x0, v25;
	v44 =	vsub.s32 $0x1, v27  }
0x90: {  	v49 =	vmul.u32 v43, v44  }
0x91: {  	v45 =	vcvt.s32.f32 v47;
	v52 =	vcvt.s32.f32 v63  }
0x92: {  	v54 =	vnsel vm10, $0x0, v25;
	v27 =	vadd.s32 v27, v49  }
0x93: {  	v53 =	vmul.f32 $1.000000020e+30, v45;
	v28 =	vmul.f32 $1.000000020e+30, v52;
	v55 =	vsub.s32 $0x1, v27  }
0x94: {  	v32 =	vcvt.s32.f32 v38;
	v45 =	vmul.u32 v54, v55  }
0x95: {  	v25 =	vnsel vm9, $0x0, v25;
	v5 =	vadd.f32 v53, v5;
	v19 =	vadd.f32 v28, v19  }
0x96: {  	v57 =	vmul.f32 $1.000000020e+30, v32;
	v56 =	vcvt.s32.f32 v46;
	v27 =	vadd.s32 v45, v27  }
0x97: {  	v35 =	vmin.f32 v5, v19;
	v59 =	vcvt.s32.f32 v48;
	v27 =	vsub.s32 $0x1, v27  }
0x98: {  	v58 =	vmul.f32 $1.000000020e+30, v56;
	v60 =	vcvt.s32.f32 v49;
	v61 =	vmul.u32 v25, v27  }
0x99: {  	[tilespmem:$0x1F8E0] =	vst v63;
	v22 =	vadd.f32 v57, v22;
	v62 =	vmul.f32 $1.000000020e+30, v59;
	v63 =	vcvt.s32.f32 v45  }
0x9a: {  	v21 =	vadd.f32 v58, v21;
	v28 =	vmul.f32 $1.000000020e+30, v60;
	v33 =	vcvt.s32.f32 v61  }
0x9b: {  	v37 =	vmin.f32 v35, v22;
	v1 =	vadd.f32 v62, v1;
	v36 =	vmul.f32 $1.000000020e+30, v63  }
0x9c: {  	[tilespmem:$0x1F8F0] =	vst v38;
	v23 =	vadd.f32 v28, v23;
	v27 =	vmin.f32 v37, v21;
	v38 =	vmul.f32 $1.000000020e+30, v33  }
0x9d: {  	v39 =	vmin.f32 v27, v1;
	v25 =	vadd.f32 v36, v26  }
0x9e: {  	v26 =	vmin.f32 v39, v23;
	v24 =	vadd.f32 v38, v24  }
0x9f: {  	v26 =	vmin.f32 v26, v25  }
0xa0: {  	v26 =	vmin.f32 v26, v24  }
0xa1: {  	v40 =	vperm.xlane v26, v50;
	_ =	sdelay $0x1  }
0xa2: {  	v26 =	vmin.f32 v26, v40  }
0xa3: {  	v27 =	vperm.xlane v26, v2;
	_ =	sdelay $0x1  }
0xa4: {  	v26 =	vmin.f32 v26, v27  }
0xa5: {  	v27 =	vperm.xlane v26, v3;
	_ =	sdelay $0x1  }
0xa6: {  	v26 =	vmin.f32 v26, v27  }
0xa7: {  	v27 =	vperm.xlane v26, v4;
	_ =	sdelay $0x1  }
0xa8: {  	v26 =	vmin.f32 v26, v27  }
0xa9: {  	vm5 =	veq.f32 v5, v26;
	vm6 =	veq.f32 v19, v26  }
0xaa: {  	vm14 =	veq.f32 v22, v26;
	vm11 =	vmor vm5, vm6  }
0xab: {  	vm13 =	veq.f32 v21, v26;
	vm7 =	vmor vm14, vm11  }
0xac: {  	vm12 =	veq.f32 v1, v26;
	vm7 =	vmor vm13, vm7  }
0xad: {  	vm11 =	veq.f32 v23, v26;
	vm7 =	vmor vm12, vm7  }
0xae: {  	vm10 =	veq.f32 v25, v26;
	vm7 =	vmor vm11, vm7  }
0xaf: {  	vm9 =	veq.f32 v24, v26;
	vm7 =	vmor vm10, vm7  }
0xb0: {  	vm7 =	vmor vm9, vm7  }
0xb1: {  	v41 =	vnsel vm7, $0x10, v0  }
0xb2: {  	v42 =	vperm.xlane v41, v50;
	_ =	sdelay $0x1  }
0xb3: {  	vm7 =	vlt.s32 v41, v42  }
0xb4: {  	v26 =	vsel vm7, v41, v42  }
0xb5: {  	v27 =	vperm.xlane v26, v2;
	_ =	sdelay $0x1  }
0xb6: {  	vm7 =	vlt.s32 v26, v27  }
0xb7: {  	v26 =	vsel vm7, v26, v27  }
0xb8: {  	v27 =	vperm.xlane v26, v3;
	_ =	sdelay $0x1  }
0xb9: {  	vm7 =	vlt.s32 v26, v27  }
0xba: {  	v26 =	vsel vm7, v26, v27  }
0xbb: {  	v27 =	vperm.xlane v26, v4;
	_ =	sdelay $0x1  }
0xbc: {  	vm7 =	vlt.s32 v26, v27  }
0xbd: {  	v26 =	vsel vm7, v26, v27  }
0xbe: {  	v34 =	vimm.s32 $0x0;
	vm7 =	veq.s32 v26, v0  }
0xbf: {  	[tilespmem:$0x1FA70] =	vst v26;
	v26 =	vsel vm7, $0x1, v34  }
0xc0: {  	v43 =	vnsel vm5, $0x0, v26  }
0xc1: {  	[tilespmem:$0x1F900] =	vst v46;
	v44 =	vnsel vm6, $0x0, v26;
	v46 =	vxor.u32 $0x1, v43  }
0xc2: {  	v51 =	vmul.u32 v44, v46;
	_ =	sdelay $0x1  }
0xc3: {  	v27 =	vadd.s32 v43, v51  }
0xc4: {  	v52 =	vnsel vm14, $0x0, v26;
	v53 =	vsub.s32 $0x1, v27  }
0xc5: {  	v54 =	vmul.u32 v52, v53;
	_ =	sdelay $0x1  }
0xc6: {  	v27 =	vadd.s32 v27, v54  }
0xc7: {  	v55 =	vnsel vm13, $0x0, v26;
	v56 =	vsub.s32 $0x1, v27  }
0xc8: {  	v35 =	vmul.u32 v55, v56;
	_ =	sdelay $0x1  }
0xc9: {  	v27 =	vadd.s32 v27, v35  }
0xca: {  	v57 =	vnsel vm12, $0x0, v26;
	v58 =	vsub.s32 $0x1, v27  }
0xcb: {  	v36 =	vmul.u32 v57, v58;
	_ =	sdelay $0x1  }
0xcc: {  	v27 =	vadd.s32 v27, v36  }
0xcd: {  	v59 =	vnsel vm11, $0x0, v26;
	v60 =	vsub.s32 $0x1, v27  }
0xce: {  	[tilespmem:$0x1F970] =	vst v61;
	v61 =	vmul.u32 v59, v60  }
0xcf: {  	v30 =	vcvt.s32.f32 v43;
	v62 =	vcvt.s32.f32 v51  }
0xd0: {  	v37 =	vnsel vm10, $0x0, v26;
	v27 =	vadd.s32 v27, v61  }
0xd1: {  	v63 =	vmul.f32 $1.000000020e+30, v30;
	v28 =	vmul.f32 $1.000000020e+30, v62;
	v38 =	vsub.s32 $0x1, v27  }
0xd2: {  	v32 =	vcvt.s32.f32 v54;
	v31 =	vmul.u32 v37, v38  }
0xd3: {  	v26 =	vnsel vm9, $0x0, v26;
	v5 =	vadd.f32 v63, v5;
	v19 =	vadd.f32 v28, v19  }
0xd4: {  	v40 =	vmul.f32 $1.000000020e+30, v32;
	v39 =	vcvt.s32.f32 v35;
	v27 =	vadd.s32 v31, v27  }
0xd5: {  	v53 =	vmin.f32 v5, v19;
	v42 =	vcvt.s32.f32 v36;
	v27 =	vsub.s32 $0x1, v27  }
0xd6: {  	[tilespmem:$0x1F930] =	vst v43;
	v41 =	vmul.f32 $1.000000020e+30, v39;
	v43 =	vcvt.s32.f32 v61;
	v44 =	vmul.u32 v26, v27  }
0xd7: {  	[tilespmem:$0x1F940] =	vst v51;
	v22 =	vadd.f32 v40, v22;
	v46 =	vmul.f32 $1.000000020e+30, v42;
	v51 =	vcvt.s32.f32 v31  }
0xd8: {  	v21 =	vadd.f32 v41, v21;
	v28 =	vmul.f32 $1.000000020e+30, v43;
	v52 =	vcvt.s32.f32 v44  }
0xd9: {  	[tilespmem:$0x1F950] =	vst v54;
	v55 =	vmin.f32 v53, v22;
	v1 =	vadd.f32 v46, v1;
	v54 =	vmul.f32 $1.000000020e+30, v51  }
0xda: {  	v23 =	vadd.f32 v28, v23;
	v27 =	vmin.f32 v55, v21;
	v56 =	vmul.f32 $1.000000020e+30, v52  }
0xdb: {  	v57 =	vmin.f32 v27, v1;
	v25 =	vadd.f32 v54, v25  }
0xdc: {  	v26 =	vmin.f32 v57, v23;
	v24 =	vadd.f32 v56, v24  }
0xdd: {  	v26 =	vmin.f32 v26, v25  }
0xde: {  	v26 =	vmin.f32 v26, v24  }
0xdf: {  	v58 =	vperm.xlane v26, v50;
	_ =	sdelay $0x1  }
0xe0: {  	v26 =	vmin.f32 v26, v58  }
0xe1: {  	v27 =	vperm.xlane v26, v2;
	_ =	sdelay $0x1  }
0xe2: {  	v26 =	vmin.f32 v26, v27  }
0xe3: {  	v27 =	vperm.xlane v26, v3;
	_ =	sdelay $0x1  }
0xe4: {  	v26 =	vmin.f32 v26, v27  }
0xe5: {  	v27 =	vperm.xlane v26, v4;
	_ =	sdelay $0x1  }
0xe6: {  	v26 =	vmin.f32 v26, v27  }
0xe7: {  	vm5 =	veq.f32 v5, v26;
	vm6 =	veq.f32 v19, v26  }
0xe8: {  	vm14 =	veq.f32 v22, v26;
	vm9 =	vmor vm5, vm6  }
0xe9: {  	vm13 =	veq.f32 v21, v26;
	vm7 =	vmor vm14, vm9  }
0xea: {  	vm12 =	veq.f32 v1, v26;
	vm7 =	vmor vm13, vm7  }
0xeb: {  	vm11 =	veq.f32 v23, v26;
	vm7 =	vmor vm12, vm7  }
0xec: {  	vm10 =	veq.f32 v25, v26;
	vm7 =	vmor vm11, vm7  }
0xed: {  	vm9 =	veq.f32 v24, v26;
	vm7 =	vmor vm10, vm7  }
0xee: {  	vm7 =	vmor vm9, vm7  }
0xef: {  	v59 =	vnsel vm7, $0x10, v0  }
0xf0: {  	v60 =	vperm.xlane v59, v50;
	_ =	sdelay $0x1  }
0xf1: {  	vm7 =	vlt.s32 v59, v60  }
0xf2: {  	v26 =	vsel vm7, v59, v60  }
0xf3: {  	v27 =	vperm.xlane v26, v2;
	_ =	sdelay $0x1  }
0xf4: {  	vm7 =	vlt.s32 v26, v27  }
0xf5: {  	v26 =	vsel vm7, v26, v27  }
0xf6: {  	v27 =	vperm.xlane v26, v3;
	_ =	sdelay $0x1  }
0xf7: {  	vm7 =	vlt.s32 v26, v27  }
0xf8: {  	v26 =	vsel vm7, v26, v27  }
0xf9: {  	v27 =	vperm.xlane v26, v4;
	_ =	sdelay $0x1  }
0xfa: {  	vm7 =	vlt.s32 v26, v27  }
0xfb: {  	v26 =	vsel vm7, v26, v27  }
0xfc: {  	vm7 =	veq.s32 v26, v0  }
0xfd: {  	[tilespmem:$0x1FA80] =	vst v26;
	v26 =	vsel vm7, $0x1, v34  }
0xfe: {  	v46 =	vnsel vm5, $0x0, v26  }
0xff: {  	[tilespmem:$0x1F990] =	vst v61;
	v61 =	vnsel vm6, $0x0, v26;
	v62 =	vxor.u32 $0x1, v46  }
0x100: {  	v63 =	vmul.u32 v61, v62;
	_ =	sdelay $0x1  }
0x101: {  	v27 =	vadd.s32 v46, v63  }
0x102: {  	v38 =	vnsel vm14, $0x0, v26;
	v39 =	vsub.s32 $0x1, v27  }
0x103: {  	v40 =	vmul.u32 v38, v39;
	_ =	sdelay $0x1  }
0x104: {  	v27 =	vadd.s32 v27, v40  }
0x105: {  	v41 =	vnsel vm13, $0x0, v26;
	v42 =	vsub.s32 $0x1, v27  }
0x106: {  	v43 =	vmul.u32 v41, v42;
	_ =	sdelay $0x1  }
0x107: {  	v27 =	vadd.s32 v27, v43  }
0x108: {  	[tilespmem:$0x1F9E0] =	vst v44;
	v44 =	vnsel vm12, $0x0, v26;
	v51 =	vsub.s32 $0x1, v27  }
0x109: {  	v52 =	vmul.u32 v44, v51;
	_ =	sdelay $0x1  }
0x10a: {  	v27 =	vadd.s32 v27, v52  }
0x10b: {  	v53 =	vnsel vm11, $0x0, v26;
	v54 =	vsub.s32 $0x1, v27  }
0x10c: {  	v37 =	vmul.u32 v53, v54  }
0x10d: {  	v55 =	vcvt.s32.f32 v46  }
0x10e: {  	v58 =	vnsel vm10, $0x0, v26;
	v56 =	vcvt.s32.f32 v63;
	v27 =	vadd.s32 v27, v37  }
0x10f: {  	v57 =	vmul.f32 $1.000000020e+30, v55;
	v60 =	vcvt.s32.f32 v40;
	v59 =	vsub.s32 $0x1, v27  }
0x110: {  	[tilespmem:$0x1F9B0] =	vst v31;
	v28 =	vmul.f32 $1.000000020e+30, v56;
	v31 =	vmul.u32 v58, v59  }
0x111: {  	v26 =	vnsel vm9, $0x0, v26;
	v5 =	vadd.f32 v57, v5;
	v62 =	vmul.f32 $1.000000020e+30, v60  }
0x112: {  	[tilespmem:$0x1F980] =	vst v36;
	v19 =	vadd.f32 v28, v19;
	v61 =	vcvt.s32.f32 v43;
	v27 =	vadd.s32 v31, v27  }
0x113: {  	[tilespmem:$0x1F9A0] =	vst v63;
	v22 =	vadd.f32 v62, v22;
	v36 =	vcvt.s32.f32 v52;
	v27 =	vsub.s32 $0x1, v27  }
0x114: {  	[tilespmem:$0x1F9C0] =	vst v40;
	v63 =	vmul.f32 $1.000000020e+30, v61;
	v38 =	vcvt.s32.f32 v37;
	v39 =	vmul.u32 v26, v27  }
0x115: {  	[tilespmem:$0x1F9D0] =	vst v43;
	v43 =	vmin.f32 v5, v19;
	v40 =	vmul.f32 $1.000000020e+30, v36;
	v41 =	vcvt.s32.f32 v31  }
0x116: {  	v21 =	vadd.f32 v63, v21;
	v28 =	vmul.f32 $1.000000020e+30, v38;
	v42 =	vcvt.s32.f32 v39  }
0x117: {  	v51 =	vmin.f32 v43, v22;
	v1 =	vadd.f32 v40, v1;
	v44 =	vmul.f32 $1.000000020e+30, v41  }
0x118: {  	[tilespmem:$0x1F9F0] =	vst v52;
	v23 =	vadd.f32 v28, v23;
	v27 =	vmin.f32 v51, v21;
	v52 =	vmul.f32 $1.000000020e+30, v42  }
0x119: {  	v53 =	vmin.f32 v27, v1;
	v25 =	vadd.f32 v44, v25  }
0x11a: {  	v26 =	vmin.f32 v53, v23;
	v24 =	vadd.f32 v52, v24  }
0x11b: {  	v26 =	vmin.f32 v26, v25  }
0x11c: {  	v26 =	vmin.f32 v26, v24  }
0x11d: {  	v54 =	vperm.xlane v26, v50;
	_ =	sdelay $0x1  }
0x11e: {  	v26 =	vmin.f32 v26, v54  }
0x11f: {  	v27 =	vperm.xlane v26, v2;
	_ =	sdelay $0x1  }
0x120: {  	v26 =	vmin.f32 v26, v27  }
0x121: {  	v27 =	vperm.xlane v26, v3;
	_ =	sdelay $0x1  }
0x122: {  	v26 =	vmin.f32 v26, v27  }
0x123: {  	v27 =	vperm.xlane v26, v4;
	_ =	sdelay $0x1  }
0x124: {  	v26 =	vmin.f32 v26, v27  }
0x125: {  	vm5 =	veq.f32 v5, v26;
	vm6 =	veq.f32 v19, v26  }
0x126: {  	vm14 =	veq.f32 v22, v26;
	vm10 =	vmor vm5, vm6  }
0x127: {  	vm13 =	veq.f32 v21, v26;
	vm7 =	vmor vm14, vm10  }
0x128: {  	vm12 =	veq.f32 v1, v26;
	vm7 =	vmor vm13, vm7  }
0x129: {  	vm11 =	veq.f32 v23, v26;
	vm7 =	vmor vm12, vm7  }
0x12a: {  	vm10 =	veq.f32 v25, v26;
	vm7 =	vmor vm11, vm7  }
0x12b: {  	vm9 =	veq.f32 v24, v26;
	vm7 =	vmor vm10, vm7  }
0x12c: {  	vm7 =	vmor vm9, vm7  }
0x12d: {  	v55 =	vnsel vm7, $0x10, v0  }
0x12e: {  	v56 =	vperm.xlane v55, v50;
	_ =	sdelay $0x1  }
0x12f: {  	vm7 =	vlt.s32 v55, v56  }
0x130: {  	v26 =	vsel vm7, v55, v56  }
0x131: {  	v27 =	vperm.xlane v26, v2;
	_ =	sdelay $0x1  }
0x132: {  	vm7 =	vlt.s32 v26, v27  }
0x133: {  	v26 =	vsel vm7, v26, v27  }
0x134: {  	v27 =	vperm.xlane v26, v3;
	_ =	sdelay $0x1  }
0x135: {  	vm7 =	vlt.s32 v26, v27  }
0x136: {  	v26 =	vsel vm7, v26, v27  }
0x137: {  	v27 =	vperm.xlane v26, v4;
	_ =	sdelay $0x1  }
0x138: {  	vm7 =	vlt.s32 v26, v27  }
0x139: {  	v26 =	vsel vm7, v26, v27  }
0x13a: {  	vm7 =	veq.s32 v26, v0  }
0x13b: {  	[tilespmem:$0x1FB30] =	vst v26;
	v26 =	vsel vm7, $0x1, v34  }
0x13c: {  	v57 =	vnsel vm5, $0x0, v26  }
0x13d: {  	v58 =	vnsel vm6, $0x0, v26;
	v59 =	vxor.u32 $0x1, v57  }
0x13e: {  	v60 =	vmul.u32 v58, v59;
	_ =	sdelay $0x1  }
0x13f: {  	v27 =	vadd.s32 v57, v60  }
0x140: {  	v61 =	vnsel vm14, $0x0, v26;
	v62 =	vsub.s32 $0x1, v27  }
0x141: {  	v63 =	vmul.u32 v61, v62;
	_ =	sdelay $0x1  }
0x142: {  	v27 =	vadd.s32 v27, v63  }
0x143: {  	[tilespmem:$0x1FA30] =	vst v39;
	v39 =	vnsel vm13, $0x0, v26;
	v40 =	vsub.s32 $0x1, v27  }
0x144: {  	v41 =	vmul.u32 v39, v40;
	_ =	sdelay $0x1  }
0x145: {  	v27 =	vadd.s32 v27, v41  }
0x146: {  	v42 =	vnsel vm12, $0x0, v26;
	v43 =	vsub.s32 $0x1, v27  }
0x147: {  	v44 =	vmul.u32 v42, v43;
	_ =	sdelay $0x1  }
0x148: {  	v27 =	vadd.s32 v27, v44  }
0x149: {  	v51 =	vnsel vm11, $0x0, v26;
	v52 =	vsub.s32 $0x1, v27  }
0x14a: {  	v53 =	vmul.u32 v51, v52  }
0x14b: {  	v30 =	vcvt.s32.f32 v57;
	v54 =	vcvt.s32.f32 v60  }
0x14c: {  	v56 =	vnsel vm10, $0x0, v26;
	v27 =	vadd.s32 v27, v53  }
0x14d: {  	[tilespmem:$0x1FA40] =	vst v57;
	v55 =	vmul.f32 $1.000000020e+30, v30;
	v28 =	vmul.f32 $1.000000020e+30, v54;
	v57 =	vsub.s32 $0x1, v27  }
0x14e: {  	[tilespmem:$0x1FA20] =	vst v31;
	v58 =	vcvt.s32.f32 v63;
	v31 =	vmul.u32 v56, v57  }
0x14f: {  	v26 =	vnsel vm9, $0x0, v26;
	v5 =	vadd.f32 v55, v5;
	v19 =	vadd.f32 v28, v19  }
0x150: {  	[tilespmem:$0x1FA50] =	vst v60;
	v60 =	vmul.f32 $1.000000020e+30, v58;
	v59 =	vcvt.s32.f32 v41;
	v27 =	vadd.s32 v31, v27  }
0x151: {  	v40 =	vmin.f32 v5, v19;
	v62 =	vcvt.s32.f32 v44;
	v27 =	vsub.s32 $0x1, v27  }
0x152: {  	[tilespmem:$0x1FA60] =	vst v63;
	v61 =	vmul.f32 $1.000000020e+30, v59;
	v63 =	vcvt.s32.f32 v53;
	v36 =	vmul.u32 v26, v27  }
0x153: {  	[tilespmem:$0x1FA00] =	vst v37;
	v22 =	vadd.f32 v60, v22;
	v37 =	vmul.f32 $1.000000020e+30, v62;
	v38 =	vcvt.s32.f32 v31  }
0x154: {  	v21 =	vadd.f32 v61, v21;
	v28 =	vmul.f32 $1.000000020e+30, v63;
	v39 =	vcvt.s32.f32 v36  }
0x155: {  	[tilespmem:$0x1FA90] =	vst v41;
	v42 =	vmin.f32 v40, v22;
	v1 =	vadd.f32 v37, v1;
	v41 =	vmul.f32 $1.000000020e+30, v38  }
0x156: {  	v23 =	vadd.f32 v28, v23;
	v27 =	vmin.f32 v42, v21;
	v43 =	vmul.f32 $1.000000020e+30, v39  }
0x157: {  	[tilespmem:$0x1FAA0] =	vst v44;
	v44 =	vmin.f32 v27, v1;
	v25 =	vadd.f32 v41, v25  }
0x158: {  	v26 =	vmin.f32 v44, v23;
	v24 =	vadd.f32 v43, v24  }
0x159: {  	v26 =	vmin.f32 v26, v25  }
0x15a: {  	v26 =	vmin.f32 v26, v24  }
0x15b: {  	v51 =	vperm.xlane v26, v50;
	_ =	sdelay $0x1  }
0x15c: {  	v26 =	vmin.f32 v26, v51  }
0x15d: {  	v27 =	vperm.xlane v26, v2;
	_ =	sdelay $0x1  }
0x15e: {  	v26 =	vmin.f32 v26, v27  }
0x15f: {  	v27 =	vperm.xlane v26, v3;
	_ =	sdelay $0x1  }
0x160: {  	v26 =	vmin.f32 v26, v27  }
0x161: {  	v27 =	vperm.xlane v26, v4;
	_ =	sdelay $0x1  }
0x162: {  	v26 =	vmin.f32 v26, v27  }
0x163: {  	vm5 =	veq.f32 v5, v26;
	vm6 =	veq.f32 v19, v26  }
0x164: {  	vm14 =	veq.f32 v22, v26;
	vm11 =	vmor vm5, vm6  }
0x165: {  	vm13 =	veq.f32 v21, v26;
	vm7 =	vmor vm14, vm11  }
0x166: {  	vm12 =	veq.f32 v1, v26;
	vm7 =	vmor vm13, vm7  }
0x167: {  	vm11 =	veq.f32 v23, v26;
	vm7 =	vmor vm12, vm7  }
0x168: {  	vm10 =	veq.f32 v25, v26;
	vm7 =	vmor vm11, vm7  }
0x169: {  	vm9 =	veq.f32 v24, v26;
	vm7 =	vmor vm10, vm7  }
0x16a: {  	vm7 =	vmor vm9, vm7  }
0x16b: {  	v52 =	vnsel vm7, $0x10, v0  }
0x16c: {  	[tilespmem:$0x1FAB0] =	vst v53;
	v53 =	vperm.xlane v52, v50;
	_ =	sdelay $0x1  }
0x16d: {  	vm7 =	vlt.s32 v52, v53  }
0x16e: {  	v26 =	vsel vm7, v52, v53  }
0x16f: {  	v27 =	vperm.xlane v26, v2;
	_ =	sdelay $0x1  }
0x170: {  	vm7 =	vlt.s32 v26, v27  }
0x171: {  	v26 =	vsel vm7, v26, v27  }
0x172: {  	v27 =	vperm.xlane v26, v3;
	_ =	sdelay $0x1  }
0x173: {  	vm7 =	vlt.s32 v26, v27  }
0x174: {  	v26 =	vsel vm7, v26, v27  }
0x175: {  	v27 =	vperm.xlane v26, v4;
	_ =	sdelay $0x1  }
0x176: {  	vm7 =	vlt.s32 v26, v27  }
0x177: {  	v26 =	vsel vm7, v26, v27  }
0x178: {  	v32 =	vimm.s32 $0x0;
	vm7 =	veq.s32 v26, v0  }
0x179: {  	[tilespmem:$0x1FBE0] =	vst v26;
	v26 =	vsel vm7, $0x1, v32  }
0x17a: {  	v54 =	vnsel vm5, $0x0, v26  }
0x17b: {  	v55 =	vnsel vm6, $0x0, v26;
	v56 =	vxor.u32 $0x1, v54  }
0x17c: {  	v57 =	vmul.u32 v55, v56;
	_ =	sdelay $0x1  }
0x17d: {  	v27 =	vadd.s32 v54, v57  }
0x17e: {  	v58 =	vnsel vm14, $0x0, v26;
	v59 =	vsub.s32 $0x1, v27  }
0x17f: {  	v60 =	vmul.u32 v58, v59;
	_ =	sdelay $0x1  }
0x180: {  	v27 =	vadd.s32 v27, v60  }
0x181: {  	v61 =	vnsel vm13, $0x0, v26;
	v62 =	vsub.s32 $0x1, v27  }
0x182: {  	v63 =	vmul.u32 v61, v62;
	_ =	sdelay $0x1  }
0x183: {  	v27 =	vadd.s32 v27, v63  }
0x184: {  	v40 =	vnsel vm12, $0x0, v26;
	v41 =	vsub.s32 $0x1, v27  }
0x185: {  	v42 =	vmul.u32 v40, v41;
	_ =	sdelay $0x1  }
0x186: {  	v27 =	vadd.s32 v27, v42  }
0x187: {  	v43 =	vnsel vm11, $0x0, v26;
	v44 =	vsub.s32 $0x1, v27  }
0x188: {  	v52 =	vcvt.s32.f32 v54;
	v51 =	vmul.u32 v43, v44  }
0x189: {  	v53 =	vcvt.s32.f32 v57  }
0x18a: {  	[tilespmem:$0x1F910] =	vst v29;
	v28 =	vmul.f32 $1.000000020e+30, v52;
	v27 =	vadd.s32 v27, v51  }
0x18b: {  	[tilespmem:$0x1FAD0] =	vst v54;
	v54 =	vnsel vm10, $0x0, v26;
	v29 =	vmul.f32 $1.000000020e+30, v53;
	v55 =	vsub.s32 $0x1, v27  }
0x18c: {  	[tilespmem:$0x1FAE0] =	vst v57;
	v57 =	vcvt.s32.f32 v60;
	v56 =	vmul.u32 v54, v55  }
0x18d: {  	v26 =	vnsel vm9, $0x0, v26;
	v5 =	vadd.f32 v28, v5;
	v19 =	vadd.f32 v29, v19  }
0x18e: {  	[tilespmem:$0x1FAF0] =	vst v36;
	v59 =	vmul.f32 $1.000000020e+30, v57;
	v58 =	vcvt.s32.f32 v63;
	v27 =	vadd.s32 v56, v27  }
0x18f: {  	[tilespmem:$0x1FB00] =	vst v60;
	v36 =	vmin.f32 v5, v19;
	v61 =	vcvt.s32.f32 v42;
	v27 =	vsub.s32 $0x1, v27  }
0x190: {  	[tilespmem:$0x1FB10] =	vst v63;
	v60 =	vmul.f32 $1.000000020e+30, v58;
	v63 =	vcvt.s32.f32 v51;
	v62 =	vmul.u32 v26, v27  }
0x191: {  	v22 =	vadd.f32 v59, v22;
	v33 =	vmul.f32 $1.000000020e+30, v61;
	v34 =	vcvt.s32.f32 v56  }
0x192: {  	[tilespmem:$0x1F960] =	vst v35;
	v21 =	vadd.f32 v60, v21;
	v26 =	vmul.f32 $1.000000020e+30, v63;
	v35 =	vcvt.s32.f32 v62  }
0x193: {  	v38 =	vmin.f32 v36, v22;
	v1 =	vadd.f32 v33, v1;
	v37 =	vmul.f32 $1.000000020e+30, v34  }
0x194: {  	v28 =	vmin.f32 v38, v21;
	v23 =	vadd.f32 v26, v23;
	v39 =	vmul.f32 $1.000000020e+30, v35  }
0x195: {  	v40 =	vmin.f32 v28, v1;
	v25 =	vadd.f32 v37, v25  }
0x196: {  	v41 =	vmin.f32 v40, v23;
	v24 =	vadd.f32 v39, v24  }
0x197: {  	v26 =	vmin.f32 v41, v25  }
0x198: {  	v26 =	vmin.f32 v26, v24  }
0x199: {  	[tilespmem:$0x1FB20] =	vst v42;
	v42 =	vperm.xlane v26, v50;
	_ =	sdelay $0x1  }
0x19a: {  	v26 =	vmin.f32 v26, v42  }
0x19b: {  	v27 =	vperm.xlane v26, v2;
	_ =	sdelay $0x1  }
0x19c: {  	v26 =	vmin.f32 v26, v27  }
0x19d: {  	v27 =	vperm.xlane v26, v3;
	_ =	sdelay $0x1  }
0x19e: {  	v26 =	vmin.f32 v26, v27  }
0x19f: {  	v27 =	vperm.xlane v26, v4;
	_ =	sdelay $0x1  }
0x1a0: {  	v26 =	vmin.f32 v26, v27  }
0x1a1: {  	vm5 =	veq.f32 v5, v26;
	vm6 =	veq.f32 v19, v26  }
0x1a2: {  	vm14 =	veq.f32 v22, v26;
	vm9 =	vmor vm5, vm6  }
0x1a3: {  	vm13 =	veq.f32 v21, v26;
	vm7 =	vmor vm14, vm9  }
0x1a4: {  	vm12 =	veq.f32 v1, v26;
	vm7 =	vmor vm13, vm7  }
0x1a5: {  	vm11 =	veq.f32 v23, v26;
	vm7 =	vmor vm12, vm7  }
0x1a6: {  	vm10 =	veq.f32 v25, v26;
	vm7 =	vmor vm11, vm7  }
0x1a7: {  	vm9 =	veq.f32 v24, v26;
	vm7 =	vmor vm10, vm7  }
0x1a8: {  	vm7 =	vmor vm9, vm7  }
0x1a9: {  	v43 =	vnsel vm7, $0x10, v0  }
0x1aa: {  	v44 =	vperm.xlane v43, v50;
	_ =	sdelay $0x1  }
0x1ab: {  	vm7 =	vlt.s32 v43, v44  }
0x1ac: {  	v26 =	vsel vm7, v43, v44  }
0x1ad: {  	v27 =	vperm.xlane v26, v2;
	_ =	sdelay $0x1  }
0x1ae: {  	vm7 =	vlt.s32 v26, v27  }
0x1af: {  	v26 =	vsel vm7, v26, v27  }
0x1b0: {  	v27 =	vperm.xlane v26, v3;
	_ =	sdelay $0x1  }
0x1b1: {  	vm7 =	vlt.s32 v26, v27  }
0x1b2: {  	v26 =	vsel vm7, v26, v27  }
0x1b3: {  	v27 =	vperm.xlane v26, v4;
	_ =	sdelay $0x1  }
0x1b4: {  	vm7 =	vlt.s32 v26, v27  }
0x1b5: {  	v26 =	vsel vm7, v26, v27  }
0x1b6: {  	vm7 =	veq.s32 v26, v0  }
0x1b7: {  	[tilespmem:$0x1FC40] =	vst v26;
	v26 =	vsel vm7, $0x1, v32  }
0x1b8: {  	[tilespmem:$0x1FB40] =	vst v51;
	v51 =	vnsel vm5, $0x0, v26  }
0x1b9: {  	v52 =	vnsel vm6, $0x0, v26;
	v53 =	vxor.u32 $0x1, v51  }
0x1ba: {  	v54 =	vmul.u32 v52, v53;
	_ =	sdelay $0x1  }
0x1bb: {  	v27 =	vadd.s32 v51, v54  }
0x1bc: {  	[tilespmem:$0x1FB80] =	vst v56;
	v55 =	vnsel vm14, $0x0, v26;
	v56 =	vsub.s32 $0x1, v27  }
0x1bd: {  	v57 =	vmul.u32 v55, v56;
	_ =	sdelay $0x1  }
0x1be: {  	v27 =	vadd.s32 v27, v57  }
0x1bf: {  	v58 =	vnsel vm13, $0x0, v26;
	v59 =	vsub.s32 $0x1, v27  }
0x1c0: {  	v60 =	vmul.u32 v58, v59;
	_ =	sdelay $0x1  }
0x1c1: {  	v27 =	vadd.s32 v27, v60  }
0x1c2: {  	[tilespmem:$0x1FBA0] =	vst v62;
	v61 =	vnsel vm12, $0x0, v26;
	v62 =	vsub.s32 $0x1, v27  }
0x1c3: {  	v63 =	vmul.u32 v61, v62;
	_ =	sdelay $0x1  }
0x1c4: {  	v27 =	vadd.s32 v27, v63  }
0x1c5: {  	v38 =	vnsel vm11, $0x0, v26;
	v39 =	vsub.s32 $0x1, v27  }
0x1c6: {  	v40 =	vmul.u32 v38, v39  }
0x1c7: {  	v41 =	vcvt.s32.f32 v51  }
0x1c8: {  	v43 =	vnsel vm10, $0x0, v26;
	v42 =	vcvt.s32.f32 v54;
	v27 =	vadd.s32 v27, v40  }
0x1c9: {  	v28 =	vmul.f32 $1.000000020e+30, v41;
	v52 =	vcvt.s32.f32 v57;
	v44 =	vsub.s32 $0x1, v27  }
0x1ca: {  	[tilespmem:$0x1FB50] =	vst v51;
	v29 =	vmul.f32 $1.000000020e+30, v42;
	v51 =	vmul.u32 v43, v44  }
0x1cb: {  	v26 =	vnsel vm9, $0x0, v26;
	[tilespmem:$0x1FB60] =	vst v54;
	v5 =	vadd.f32 v28, v5;
	v54 =	vmul.f32 $1.000000020e+30, v52  }
0x1cc: {  	v19 =	vadd.f32 v29, v19;
	v53 =	vcvt.s32.f32 v60;
	v27 =	vadd.s32 v51, v27  }
0x1cd: {  	v22 =	vadd.f32 v54, v22;
	v56 =	vcvt.s32.f32 v63;
	v27 =	vsub.s32 $0x1, v27  }
0x1ce: {  	[tilespmem:$0x1FB70] =	vst v57;
	v55 =	vmul.f32 $1.000000020e+30, v53;
	v58 =	vcvt.s32.f32 v40;
	v57 =	vmul.u32 v26, v27  }
0x1cf: {  	[tilespmem:$0x1FB90] =	vst v60;
	v62 =	vmin.f32 v5, v19;
	v59 =	vmul.f32 $1.000000020e+30, v56;
	v60 =	vcvt.s32.f32 v51  }
0x1d0: {  	v21 =	vadd.f32 v55, v21;
	v26 =	vmul.f32 $1.000000020e+30, v58;
	v61 =	vcvt.s32.f32 v57  }
0x1d1: {  	v32 =	vmin.f32 v62, v22;
	[tilespmem:$0x1FBB0] =	vst v63;
	v1 =	vadd.f32 v59, v1;
	v63 =	vmul.f32 $1.000000020e+30, v60  }
0x1d2: {  	v28 =	vmin.f32 v32, v21;
	v23 =	vadd.f32 v26, v23;
	v34 =	vmul.f32 $1.000000020e+30, v61  }
0x1d3: {  	v35 =	vmin.f32 v28, v1;
	v25 =	vadd.f32 v63, v25  }
0x1d4: {  	v36 =	vmin.f32 v35, v23;
	v24 =	vadd.f32 v34, v24  }
0x1d5: {  	v26 =	vmin.f32 v36, v25  }
0x1d6: {  	v26 =	vmin.f32 v26, v24  }
0x1d7: {  	v37 =	vperm.xlane v26, v50;
	_ =	sdelay $0x1  }
0x1d8: {  	v26 =	vmin.f32 v26, v37  }
0x1d9: {  	v27 =	vperm.xlane v26, v2;
	_ =	sdelay $0x1  }
0x1da: {  	v26 =	vmin.f32 v26, v27  }
0x1db: {  	v27 =	vperm.xlane v26, v3;
	_ =	sdelay $0x1  }
0x1dc: {  	v26 =	vmin.f32 v26, v27  }
0x1dd: {  	v27 =	vperm.xlane v26, v4;
	_ =	sdelay $0x1  }
0x1de: {  	v26 =	vmin.f32 v26, v27  }
0x1df: {  	vm5 =	veq.f32 v5, v26;
	vm6 =	veq.f32 v19, v26  }
0x1e0: {  	vm14 =	veq.f32 v22, v26;
	vm10 =	vmor vm5, vm6  }
0x1e1: {  	vm13 =	veq.f32 v21, v26;
	vm7 =	vmor vm14, vm10  }
0x1e2: {  	vm12 =	veq.f32 v1, v26;
	vm7 =	vmor vm13, vm7  }
0x1e3: {  	vm11 =	veq.f32 v23, v26;
	vm7 =	vmor vm12, vm7  }
0x1e4: {  	vm10 =	veq.f32 v25, v26;
	vm7 =	vmor vm11, vm7  }
0x1e5: {  	vm9 =	veq.f32 v24, v26;
	vm7 =	vmor vm10, vm7  }
0x1e6: {  	vm7 =	vmor vm9, vm7  }
0x1e7: {  	v38 =	vnsel vm7, $0x10, v0  }
0x1e8: {  	v39 =	vperm.xlane v38, v50;
	_ =	sdelay $0x1  }
0x1e9: {  	vm7 =	vlt.s32 v38, v39  }
0x1ea: {  	v26 =	vsel vm7, v38, v39  }
0x1eb: {  	v27 =	vperm.xlane v26, v2;
	_ =	sdelay $0x1  }
0x1ec: {  	vm7 =	vlt.s32 v26, v27  }
0x1ed: {  	v26 =	vsel vm7, v26, v27  }
0x1ee: {  	v27 =	vperm.xlane v26, v3;
	_ =	sdelay $0x1  }
0x1ef: {  	vm7 =	vlt.s32 v26, v27  }
0x1f0: {  	v26 =	vsel vm7, v26, v27  }
0x1f1: {  	v27 =	vperm.xlane v26, v4;
	_ =	sdelay $0x1  }
0x1f2: {  	vm7 =	vlt.s32 v26, v27  }
0x1f3: {  	v26 =	vsel vm7, v26, v27  }
0x1f4: {  	v33 =	vimm.s32 $0x0;
	vm7 =	veq.s32 v26, v0  }
0x1f5: {  	[tilespmem:$0x1FD10] =	vst v26;
	v26 =	vsel vm7, $0x1, v33  }
0x1f6: {  	[tilespmem:$0x1FBC0] =	vst v40;
	v40 =	vnsel vm5, $0x0, v26  }
0x1f7: {  	v41 =	vnsel vm6, $0x0, v26;
	v42 =	vxor.u32 $0x1, v40  }
0x1f8: {  	v43 =	vmul.u32 v41, v42;
	_ =	sdelay $0x1  }
0x1f9: {  	v27 =	vadd.s32 v40, v43  }
0x1fa: {  	[tilespmem:$0x1FBD0] =	vst v51;
	v44 =	vnsel vm14, $0x0, v26;
	v51 =	vsub.s32 $0x1, v27  }
0x1fb: {  	v52 =	vmul.u32 v44, v51;
	_ =	sdelay $0x1  }
0x1fc: {  	v27 =	vadd.s32 v27, v52  }
0x1fd: {  	v53 =	vnsel vm13, $0x0, v26;
	v54 =	vsub.s32 $0x1, v27  }
0x1fe: {  	v55 =	vmul.u32 v53, v54;
	_ =	sdelay $0x1  }
0x1ff: {  	v27 =	vadd.s32 v27, v55  }
0x200: {  	[tilespmem:$0x1FBF0] =	vst v57;
	v56 =	vnsel vm12, $0x0, v26;
	v57 =	vsub.s32 $0x1, v27  }
0x201: {  	v58 =	vmul.u32 v56, v57;
	_ =	sdelay $0x1  }
0x202: {  	v27 =	vadd.s32 v27, v58  }
0x203: {  	v59 =	vnsel vm11, $0x0, v26;
	v60 =	vsub.s32 $0x1, v27  }
0x204: {  	v61 =	vmul.u32 v59, v60  }
0x205: {  	v62 =	vcvt.s32.f32 v40;
	v63 =	vcvt.s32.f32 v43  }
0x206: {  	v38 =	vnsel vm10, $0x0, v26;
	v27 =	vadd.s32 v27, v61  }
0x207: {  	[tilespmem:$0x1FAC0] =	vst v31;
	v28 =	vmul.f32 $1.000000020e+30, v62;
	v29 =	vmul.f32 $1.000000020e+30, v63;
	v39 =	vsub.s32 $0x1, v27  }
0x208: {  	[tilespmem:$0x1FC00] =	vst v40;
	v40 =	vcvt.s32.f32 v52;
	v31 =	vmul.u32 v38, v39  }
0x209: {  	v26 =	vnsel vm9, $0x0, v26;
	v5 =	vadd.f32 v28, v5;
	v19 =	vadd.f32 v29, v19  }
0x20a: {  	v42 =	vmul.f32 $1.000000020e+30, v40;
	v41 =	vcvt.s32.f32 v55;
	v27 =	vadd.s32 v31, v27  }
0x20b: {  	[tilespmem:$0x1FC10] =	vst v43;
	v54 =	vmin.f32 v5, v19;
	v43 =	vcvt.s32.f32 v58;
	v37 =	vmovc v61;
	v27 =	vsub.s32 $0x1, v27  }
0x20c: {  	v28 =	vmul.f32 $1.000000020e+30, v41;
	v51 =	vcvt.s32.f32 v37;
	v44 =	vmul.u32 v26, v27  }
0x20d: {  	[tilespmem:$0x1FC20] =	vst v52;
	v22 =	vadd.f32 v42, v22;
	v52 =	vmul.f32 $1.000000020e+30, v43;
	v53 =	vcvt.s32.f32 v31  }
0x20e: {  	v21 =	vadd.f32 v28, v21;
	v26 =	vmul.f32 $1.000000020e+30, v51;
	v29 =	vcvt.s32.f32 v44  }
0x20f: {  	[tilespmem:$0x1FC30] =	vst v55;
	v56 =	vmin.f32 v54, v22;
	v1 =	vadd.f32 v52, v1;
	v55 =	vmul.f32 $1.000000020e+30, v53  }
0x210: {  	v28 =	vmin.f32 v56, v21;
	v23 =	vadd.f32 v26, v23;
	v57 =	vmul.f32 $1.000000020e+30, v29  }
0x211: {  	[tilespmem:$0x1FC50] =	vst v58;
	v58 =	vmin.f32 v28, v1;
	v25 =	vadd.f32 v55, v25  }
0x212: {  	v59 =	vmin.f32 v58, v23;
	v24 =	vadd.f32 v57, v24  }
0x213: {  	v26 =	vmin.f32 v59, v25  }
0x214: {  	v26 =	vmin.f32 v26, v24  }
0x215: {  	v60 =	vperm.xlane v26, v50;
	_ =	sdelay $0x1  }
0x216: {  	v26 =	vmin.f32 v26, v60  }
0x217: {  	v27 =	vperm.xlane v26, v2;
	_ =	sdelay $0x1  }
0x218: {  	v26 =	vmin.f32 v26, v27  }
0x219: {  	v27 =	vperm.xlane v26, v3;
	_ =	sdelay $0x1  }
0x21a: {  	v26 =	vmin.f32 v26, v27  }
0x21b: {  	v27 =	vperm.xlane v26, v4;
	_ =	sdelay $0x1  }
0x21c: {  	v26 =	vmin.f32 v26, v27  }
0x21d: {  	vm5 =	veq.f32 v5, v26;
	vm6 =	veq.f32 v19, v26  }
0x21e: {  	vm14 =	veq.f32 v22, v26;
	vm11 =	vmor vm5, vm6  }
0x21f: {  	vm13 =	veq.f32 v21, v26;
	vm7 =	vmor vm14, vm11  }
0x220: {  	vm12 =	veq.f32 v1, v26;
	vm7 =	vmor vm13, vm7  }
0x221: {  	vm11 =	veq.f32 v23, v26;
	vm7 =	vmor vm12, vm7  }
0x222: {  	vm10 =	veq.f32 v25, v26;
	vm7 =	vmor vm11, vm7  }
0x223: {  	vm9 =	veq.f32 v24, v26;
	vm7 =	vmor vm10, vm7  }
0x224: {  	vm7 =	vmor vm9, vm7  }
0x225: {  	[tilespmem:$0x1FC80] =	vst v61;
	v61 =	vnsel vm7, $0x10, v0  }
0x226: {  	v62 =	vperm.xlane v61, v50;
	_ =	sdelay $0x1  }
0x227: {  	vm7 =	vlt.s32 v61, v62  }
0x228: {  	v26 =	vsel vm7, v61, v62  }
0x229: {  	v27 =	vperm.xlane v26, v2;
	_ =	sdelay $0x1  }
0x22a: {  	vm7 =	vlt.s32 v26, v27  }
0x22b: {  	v26 =	vsel vm7, v26, v27  }
0x22c: {  	v27 =	vperm.xlane v26, v3;
	_ =	sdelay $0x1  }
0x22d: {  	vm7 =	vlt.s32 v26, v27  }
0x22e: {  	v26 =	vsel vm7, v26, v27  }
0x22f: {  	v27 =	vperm.xlane v26, v4;
	_ =	sdelay $0x1  }
0x230: {  	vm7 =	vlt.s32 v26, v27  }
0x231: {  	v26 =	vsel vm7, v26, v27  }
0x232: {  	vm7 =	veq.s32 v26, v0  }
0x233: {  	[tilespmem:$0x1FD90] =	vst v26;
	v26 =	vsel vm7, $0x1, v33  }
0x234: {  	v63 =	vnsel vm5, $0x0, v26  }
0x235: {  	v39 =	vnsel vm6, $0x0, v26;
	v40 =	vxor.u32 $0x1, v63  }
0x236: {  	v41 =	vmul.u32 v39, v40;
	_ =	sdelay $0x1  }
0x237: {  	v27 =	vadd.s32 v63, v41  }
0x238: {  	v42 =	vnsel vm14, $0x0, v26;
	v43 =	vsub.s32 $0x1, v27  }
0x239: {  	[tilespmem:$0x1FCC0] =	vst v44;
	v44 =	vmul.u32 v42, v43;
	_ =	sdelay $0x1  }
0x23a: {  	v27 =	vadd.s32 v27, v44  }
0x23b: {  	v51 =	vnsel vm13, $0x0, v26;
	v52 =	vsub.s32 $0x1, v27  }
0x23c: {  	v53 =	vmul.u32 v51, v52;
	_ =	sdelay $0x1  }
0x23d: {  	v27 =	vadd.s32 v27, v53  }
0x23e: {  	v54 =	vnsel vm12, $0x0, v26;
	v55 =	vsub.s32 $0x1, v27  }
0x23f: {  	v56 =	vmul.u32 v54, v55;
	_ =	sdelay $0x1  }
0x240: {  	v27 =	vadd.s32 v27, v56  }
0x241: {  	v57 =	vnsel vm11, $0x0, v26;
	v58 =	vsub.s32 $0x1, v27  }
0x242: {  	v60 =	vcvt.s32.f32 v63;
	v59 =	vmul.u32 v57, v58  }
0x243: {  	v61 =	vcvt.s32.f32 v41  }
0x244: {  	v28 =	vmul.f32 $1.000000020e+30, v60;
	v27 =	vadd.s32 v27, v59  }
0x245: {  	[tilespmem:$0x1FC60] =	vst v63;
	v63 =	vnsel vm10, $0x0, v26;
	v29 =	vmul.f32 $1.000000020e+30, v61;
	v37 =	vsub.s32 $0x1, v27  }
0x246: {  	[tilespmem:$0x1FCA0] =	vst v31;
	v38 =	vcvt.s32.f32 v44;
	v31 =	vmul.u32 v63, v37  }
0x247: {  	v26 =	vnsel vm9, $0x0, v26;
	v5 =	vadd.f32 v28, v5;
	v19 =	vadd.f32 v29, v19  }
0x248: {  	v40 =	vmul.f32 $1.000000020e+30, v38;
	v39 =	vcvt.s32.f32 v53;
	v27 =	vadd.s32 v31, v27  }
0x249: {  	[tilespmem:$0x1FC70] =	vst v41;
	v52 =	vmin.f32 v5, v19;
	v41 =	vcvt.s32.f32 v56;
	v62 =	vmovc v59;
	v27 =	vsub.s32 $0x1, v27  }
0x24a: {  	v28 =	vmul.f32 $1.000000020e+30, v39;
	v43 =	vcvt.s32.f32 v62;
	v42 =	vmul.u32 v26, v27  }
0x24b: {  	[tilespmem:$0x1FC90] =	vst v44;
	v22 =	vadd.f32 v40, v22;
	v44 =	vmul.f32 $1.000000020e+30, v41;
	v51 =	vcvt.s32.f32 v31  }
0x24c: {  	v21 =	vadd.f32 v28, v21;
	v26 =	vmul.f32 $1.000000020e+30, v43;
	v29 =	vcvt.s32.f32 v42  }
0x24d: {  	[tilespmem:$0x1FCB0] =	vst v53;
	v54 =	vmin.f32 v52, v22;
	v1 =	vadd.f32 v44, v1;
	v53 =	vmul.f32 $1.000000020e+30, v51  }
0x24e: {  	v28 =	vmin.f32 v54, v21;
	v23 =	vadd.f32 v26, v23;
	v55 =	vmul.f32 $1.000000020e+30, v29  }
0x24f: {  	[tilespmem:$0x1FCD0] =	vst v56;
	v56 =	vmin.f32 v28, v1;
	v25 =	vadd.f32 v53, v25  }
0x250: {  	v57 =	vmin.f32 v56, v23;
	v24 =	vadd.f32 v55, v24  }
0x251: {  	v26 =	vmin.f32 v57, v25  }
0x252: {  	v26 =	vmin.f32 v26, v24  }
0x253: {  	v58 =	vperm.xlane v26, v50;
	_ =	sdelay $0x1  }
0x254: {  	v26 =	vmin.f32 v26, v58  }
0x255: {  	v27 =	vperm.xlane v26, v2;
	_ =	sdelay $0x1  }
0x256: {  	v26 =	vmin.f32 v26, v27  }
0x257: {  	v27 =	vperm.xlane v26, v3;
	_ =	sdelay $0x1  }
0x258: {  	v26 =	vmin.f32 v26, v27  }
0x259: {  	v27 =	vperm.xlane v26, v4;
	_ =	sdelay $0x1  }
0x25a: {  	v26 =	vmin.f32 v26, v27  }
0x25b: {  	vm5 =	veq.f32 v5, v26;
	vm6 =	veq.f32 v19, v26  }
0x25c: {  	vm14 =	veq.f32 v22, v26;
	vm12 =	vmor vm5, vm6  }
0x25d: {  	vm13 =	veq.f32 v21, v26;
	vm7 =	vmor vm14, vm12  }
0x25e: {  	vm12 =	veq.f32 v1, v26;
	vm7 =	vmor vm13, vm7  }
0x25f: {  	vm11 =	veq.f32 v23, v26;
	vm7 =	vmor vm12, vm7  }
0x260: {  	vm10 =	veq.f32 v25, v26;
	vm7 =	vmor vm11, vm7  }
0x261: {  	vm9 =	veq.f32 v24, v26;
	vm7 =	vmor vm10, vm7  }
0x262: {  	vm7 =	vmor vm9, vm7  }
0x263: {  	[tilespmem:$0x1FCE0] =	vst v59;
	v59 =	vnsel vm7, $0x10, v0  }
0x264: {  	v60 =	vperm.xlane v59, v50;
	_ =	sdelay $0x1  }
0x265: {  	vm7 =	vlt.s32 v59, v60  }
0x266: {  	v26 =	vsel vm7, v59, v60  }
0x267: {  	v27 =	vperm.xlane v26, v2;
	_ =	sdelay $0x1  }
0x268: {  	vm7 =	vlt.s32 v26, v27  }
0x269: {  	v26 =	vsel vm7, v26, v27  }
0x26a: {  	v27 =	vperm.xlane v26, v3;
	_ =	sdelay $0x1  }
0x26b: {  	vm7 =	vlt.s32 v26, v27  }
0x26c: {  	v26 =	vsel vm7, v26, v27  }
0x26d: {  	v27 =	vperm.xlane v26, v4;
	_ =	sdelay $0x1  }
0x26e: {  	vm7 =	vlt.s32 v26, v27  }
0x26f: {  	v26 =	vsel vm7, v26, v27  }
0x270: {  	vm7 =	veq.s32 v26, v0  }
0x271: {  	[tilespmem:$0x1FDA0] =	vst v26;
	v26 =	vsel vm7, $0x1, v33  }
0x272: {  	v44 =	vnsel vm5, $0x0, v26  }
0x273: {  	v61 =	vnsel vm6, $0x0, v26;
	v62 =	vxor.u32 $0x1, v44  }
0x274: {  	v63 =	vmul.u32 v61, v62;
	_ =	sdelay $0x1  }
0x275: {  	v27 =	vadd.s32 v44, v63  }
0x276: {  	v40 =	vnsel vm14, $0x0, v26;
	v41 =	vsub.s32 $0x1, v27  }
0x277: {  	[tilespmem:$0x1FD30] =	vst v42;
	v42 =	vmul.u32 v40, v41;
	_ =	sdelay $0x1  }
0x278: {  	v27 =	vadd.s32 v27, v42  }
0x279: {  	v43 =	vnsel vm13, $0x0, v26;
	v51 =	vsub.s32 $0x1, v27  }
0x27a: {  	v52 =	vmul.u32 v43, v51;
	_ =	sdelay $0x1  }
0x27b: {  	v27 =	vadd.s32 v27, v52  }
0x27c: {  	v53 =	vnsel vm12, $0x0, v26;
	v54 =	vsub.s32 $0x1, v27  }
0x27d: {  	v55 =	vmul.u32 v53, v54;
	_ =	sdelay $0x1  }
0x27e: {  	v27 =	vadd.s32 v27, v55  }
0x27f: {  	v56 =	vnsel vm11, $0x0, v26;
	v57 =	vsub.s32 $0x1, v27  }
0x280: {  	v58 =	vmul.u32 v56, v57  }
0x281: {  	v59 =	vcvt.s32.f32 v44;
	v60 =	vcvt.s32.f32 v63  }
0x282: {  	v61 =	vnsel vm10, $0x0, v26;
	v27 =	vadd.s32 v27, v58  }
0x283: {  	[tilespmem:$0x1FCF0] =	vst v31;
	v28 =	vmul.f32 $1.000000020e+30, v59;
	v29 =	vmul.f32 $1.000000020e+30, v60;
	v62 =	vsub.s32 $0x1, v27  }
0x284: {  	[tilespmem:$0x1FD00] =	vst v63;
	v63 =	vcvt.s32.f32 v42;
	v31 =	vmul.u32 v61, v62  }
0x285: {  	v26 =	vnsel vm9, $0x0, v26;
	v5 =	vadd.f32 v28, v5;
	v19 =	vadd.f32 v29, v19  }
0x286: {  	v34 =	vmul.f32 $1.000000020e+30, v63;
	v32 =	vcvt.s32.f32 v52;
	v27 =	vadd.s32 v31, v27  }
0x287: {  	v41 =	vmin.f32 v5, v19;
	v35 =	vcvt.s32.f32 v55;
	v27 =	vsub.s32 $0x1, v27  }
0x288: {  	v28 =	vmul.f32 $1.000000020e+30, v32;
	v38 =	vcvt.s32.f32 v58;
	v37 =	vmul.u32 v26, v27  }
0x289: {  	v22 =	vadd.f32 v34, v22;
	v39 =	vmul.f32 $1.000000020e+30, v35;
	v40 =	vcvt.s32.f32 v31  }
0x28a: {  	v21 =	vadd.f32 v28, v21;
	v26 =	vmul.f32 $1.000000020e+30, v38;
	v29 =	vcvt.s32.f32 v37  }
0x28b: {  	[tilespmem:$0x1FD20] =	vst v42;
	v43 =	vmin.f32 v41, v22;
	v1 =	vadd.f32 v39, v1;
	v42 =	vmul.f32 $1.000000020e+30, v40  }
0x28c: {  	v28 =	vmin.f32 v43, v21;
	v23 =	vadd.f32 v26, v23;
	v51 =	vmul.f32 $1.000000020e+30, v29  }
0x28d: {  	[tilespmem:$0x1FD40] =	vst v52;
	v52 =	vmin.f32 v28, v1;
	v25 =	vadd.f32 v42, v25  }
0x28e: {  	v53 =	vmin.f32 v52, v23;
	v24 =	vadd.f32 v51, v24  }
0x28f: {  	v26 =	vmin.f32 v53, v25  }
0x290: {  	v26 =	vmin.f32 v26, v24  }
0x291: {  	v54 =	vperm.xlane v26, v50;
	_ =	sdelay $0x1  }
0x292: {  	v26 =	vmin.f32 v26, v54  }
0x293: {  	v27 =	vperm.xlane v26, v2;
	_ =	sdelay $0x1  }
0x294: {  	v26 =	vmin.f32 v26, v27  }
0x295: {  	v27 =	vperm.xlane v26, v3;
	_ =	sdelay $0x1  }
0x296: {  	v26 =	vmin.f32 v26, v27  }
0x297: {  	v27 =	vperm.xlane v26, v4;
	_ =	sdelay $0x1  }
0x298: {  	v26 =	vmin.f32 v26, v27  }
0x299: {  	vm5 =	veq.f32 v5, v26;
	vm6 =	veq.f32 v19, v26  }
0x29a: {  	vm14 =	veq.f32 v22, v26;
	vm13 =	vmor vm5, vm6  }
0x29b: {  	vm7 =	vmor vm14, vm13;
	vm13 =	veq.f32 v21, v26  }
0x29c: {  	vm12 =	veq.f32 v1, v26;
	vm7 =	vmor vm13, vm7  }
0x29d: {  	vm11 =	veq.f32 v23, v26;
	vm7 =	vmor vm12, vm7  }
0x29e: {  	vm10 =	veq.f32 v25, v26;
	vm7 =	vmor vm11, vm7  }
0x29f: {  	vm9 =	veq.f32 v24, v26;
	vm7 =	vmor vm10, vm7  }
0x2a0: {  	vm7 =	vmor vm9, vm7  }
0x2a1: {  	[tilespmem:$0x1FD50] =	vst v55;
	v55 =	vnsel vm7, $0x10, v0  }
0x2a2: {  	v56 =	vperm.xlane v55, v50;
	_ =	sdelay $0x1  }
0x2a3: {  	vm7 =	vlt.s32 v55, v56  }
0x2a4: {  	v26 =	vsel vm7, v55, v56  }
0x2a5: {  	v27 =	vperm.xlane v26, v2;
	_ =	sdelay $0x1  }
0x2a6: {  	vm7 =	vlt.s32 v26, v27  }
0x2a7: {  	v26 =	vsel vm7, v26, v27  }
0x2a8: {  	v27 =	vperm.xlane v26, v3;
	_ =	sdelay $0x1  }
0x2a9: {  	vm7 =	vlt.s32 v26, v27  }
0x2aa: {  	v26 =	vsel vm7, v26, v27  }
0x2ab: {  	v27 =	vperm.xlane v26, v4;
	_ =	sdelay $0x1  }
0x2ac: {  	vm7 =	vlt.s32 v26, v27  }
0x2ad: {  	v26 =	vsel vm7, v26, v27  }
0x2ae: {  	vm7 =	veq.s32 v26, v0  }
0x2af: {  	[tilespmem:$0x1FE50] =	vst v26;
	v26 =	vsel vm7, $0x1, v33  }
0x2b0: {  	v57 =	vnsel vm5, $0x0, v26  }
0x2b1: {  	[tilespmem:$0x1FD60] =	vst v58;
	v58 =	vnsel vm6, $0x0, v26;
	v59 =	vxor.u32 $0x1, v57  }
0x2b2: {  	v60 =	vmul.u32 v58, v59;
	_ =	sdelay $0x1  }
0x2b3: {  	v27 =	vadd.s32 v57, v60  }
0x2b4: {  	v61 =	vnsel vm14, $0x0, v26;
	v62 =	vsub.s32 $0x1, v27  }
0x2b5: {  	v63 =	vmul.u32 v61, v62;
	_ =	sdelay $0x1  }
0x2b6: {  	v27 =	vadd.s32 v27, v63  }
0x2b7: {  	v40 =	vnsel vm13, $0x0, v26;
	v41 =	vsub.s32 $0x1, v27  }
0x2b8: {  	v42 =	vmul.u32 v40, v41;
	_ =	sdelay $0x1  }
0x2b9: {  	v27 =	vadd.s32 v27, v42  }
0x2ba: {  	v43 =	vnsel vm12, $0x0, v26;
	v51 =	vsub.s32 $0x1, v27  }
0x2bb: {  	v52 =	vmul.u32 v43, v51;
	_ =	sdelay $0x1  }
0x2bc: {  	v27 =	vadd.s32 v27, v52  }
0x2bd: {  	v53 =	vnsel vm11, $0x0, v26;
	v54 =	vsub.s32 $0x1, v27  }
0x2be: {  	v55 =	vmul.u32 v53, v54  }
0x2bf: {  	[tilespmem:$0x1FDB0] =	vst v57;
	v56 =	vcvt.s32.f32 v57;
	v57 =	vcvt.s32.f32 v60  }
0x2c0: {  	v58 =	vnsel vm10, $0x0, v26;
	v27 =	vadd.s32 v27, v55  }
0x2c1: {  	[tilespmem:$0x1FD70] =	vst v31;
	v28 =	vmul.f32 $1.000000020e+30, v56;
	v29 =	vmul.f32 $1.000000020e+30, v57;
	v59 =	vsub.s32 $0x1, v27  }
0x2c2: {  	[tilespmem:$0x1FDC0] =	vst v60;
	v60 =	vcvt.s32.f32 v63;
	v31 =	vmul.u32 v58, v59  }
0x2c3: {  	v26 =	vnsel vm9, $0x0, v26;
	v5 =	vadd.f32 v28, v5;
	v19 =	vadd.f32 v29, v19  }
0x2c4: {  	v62 =	vmul.f32 $1.000000020e+30, v60;
	v61 =	vcvt.s32.f32 v42;
	v27 =	vadd.s32 v31, v27  }
0x2c5: {  	[tilespmem:$0x1FDD0] =	vst v63;
	v38 =	vmin.f32 v5, v19;
	v63 =	vcvt.s32.f32 v52;
	v27 =	vsub.s32 $0x1, v27  }
0x2c6: {  	v28 =	vmul.f32 $1.000000020e+30, v61;
	v35 =	vcvt.s32.f32 v55;
	v34 =	vmul.u32 v26, v27  }
0x2c7: {  	[tilespmem:$0x1FD80] =	vst v37;
	v22 =	vadd.f32 v62, v22;
	v36 =	vmul.f32 $1.000000020e+30, v63;
	v37 =	vcvt.s32.f32 v31  }
0x2c8: {  	v21 =	vadd.f32 v28, v21;
	v26 =	vmul.f32 $1.000000020e+30, v35;
	v29 =	vcvt.s32.f32 v34  }
0x2c9: {  	v40 =	vmin.f32 v38, v22;
	v1 =	vadd.f32 v36, v1;
	v39 =	vmul.f32 $1.000000020e+30, v37  }
0x2ca: {  	v28 =	vmin.f32 v40, v21;
	v23 =	vadd.f32 v26, v23;
	v41 =	vmul.f32 $1.000000020e+30, v29  }
0x2cb: {  	[tilespmem:$0x1FDE0] =	vst v42;
	v42 =	vmin.f32 v28, v1;
	v25 =	vadd.f32 v39, v25  }
0x2cc: {  	v43 =	vmin.f32 v42, v23;
	v24 =	vadd.f32 v41, v24  }
0x2cd: {  	v26 =	vmin.f32 v43, v25  }
0x2ce: {  	v26 =	vmin.f32 v26, v24  }
0x2cf: {  	v51 =	vperm.xlane v26, v50;
	_ =	sdelay $0x1  }
0x2d0: {  	v26 =	vmin.f32 v26, v51  }
0x2d1: {  	v27 =	vperm.xlane v26, v2;
	_ =	sdelay $0x1  }
0x2d2: {  	v26 =	vmin.f32 v26, v27  }
0x2d3: {  	v27 =	vperm.xlane v26, v3;
	_ =	sdelay $0x1  }
0x2d4: {  	v26 =	vmin.f32 v26, v27  }
0x2d5: {  	v27 =	vperm.xlane v26, v4;
	_ =	sdelay $0x1  }
0x2d6: {  	v26 =	vmin.f32 v26, v27  }
0x2d7: {  	vm5 =	veq.f32 v5, v26;
	vm6 =	veq.f32 v19, v26  }
0x2d8: {  	vm14 =	veq.f32 v22, v26;
	vm9 =	vmor vm5, vm6  }
0x2d9: {  	vm13 =	veq.f32 v21, v26;
	vm7 =	vmor vm14, vm9  }
0x2da: {  	vm12 =	veq.f32 v1, v26;
	vm7 =	vmor vm13, vm7  }
0x2db: {  	vm11 =	veq.f32 v23, v26;
	vm7 =	vmor vm12, vm7  }
0x2dc: {  	vm10 =	veq.f32 v25, v26;
	vm7 =	vmor vm11, vm7  }
0x2dd: {  	vm9 =	veq.f32 v24, v26;
	vm7 =	vmor vm10, vm7  }
0x2de: {  	vm7 =	vmor vm9, vm7  }
0x2df: {  	[tilespmem:$0x1FDF0] =	vst v52;
	v52 =	vnsel vm7, $0x10, v0  }
0x2e0: {  	v53 =	vperm.xlane v52, v50;
	_ =	sdelay $0x1  }
0x2e1: {  	vm7 =	vlt.s32 v52, v53  }
0x2e2: {  	v26 =	vsel vm7, v52, v53  }
0x2e3: {  	v27 =	vperm.xlane v26, v2;
	_ =	sdelay $0x1  }
0x2e4: {  	vm7 =	vlt.s32 v26, v27  }
0x2e5: {  	v26 =	vsel vm7, v26, v27  }
0x2e6: {  	v27 =	vperm.xlane v26, v3;
	_ =	sdelay $0x1  }
0x2e7: {  	vm7 =	vlt.s32 v26, v27  }
0x2e8: {  	v26 =	vsel vm7, v26, v27  }
0x2e9: {  	v27 =	vperm.xlane v26, v4;
	_ =	sdelay $0x1  }
0x2ea: {  	vm7 =	vlt.s32 v26, v27  }
0x2eb: {  	v26 =	vsel vm7, v26, v27  }
0x2ec: {  	vm7 =	veq.s32 v26, v0  }
0x2ed: {  	[tilespmem:$0x1FEC0] =	vst v26;
	v26 =	vsel vm7, $0x1, v33  }
0x2ee: {  	v63 =	vnsel vm5, $0x0, v26  }
0x2ef: {  	[tilespmem:$0x1FE00] =	vst v55;
	v54 =	vnsel vm6, $0x0, v26;
	v55 =	vxor.u32 $0x1, v63  }
0x2f0: {  	v56 =	vmul.u32 v54, v55;
	_ =	sdelay $0x1  }
0x2f1: {  	v27 =	vadd.s32 v63, v56  }
0x2f2: {  	v57 =	vnsel vm14, $0x0, v26;
	v58 =	vsub.s32 $0x1, v27  }
0x2f3: {  	v59 =	vmul.u32 v57, v58;
	_ =	sdelay $0x1  }
0x2f4: {  	v27 =	vadd.s32 v27, v59  }
0x2f5: {  	v60 =	vnsel vm13, $0x0, v26;
	v61 =	vsub.s32 $0x1, v27  }
0x2f6: {  	v62 =	vmul.u32 v60, v61;
	_ =	sdelay $0x1  }
0x2f7: {  	v27 =	vadd.s32 v27, v62  }
0x2f8: {  	v38 =	vnsel vm12, $0x0, v26;
	v39 =	vsub.s32 $0x1, v27  }
0x2f9: {  	v40 =	vmul.u32 v38, v39;
	_ =	sdelay $0x1  }
0x2fa: {  	v27 =	vadd.s32 v27, v40  }
0x2fb: {  	v41 =	vnsel vm11, $0x0, v26;
	v42 =	vsub.s32 $0x1, v27  }
0x2fc: {  	v43 =	vmul.u32 v41, v42  }
0x2fd: {  	v51 =	vcvt.s32.f32 v63;
	v52 =	vcvt.s32.f32 v56  }
0x2fe: {  	v53 =	vnsel vm10, $0x0, v26;
	v27 =	vadd.s32 v27, v43  }
0x2ff: {  	v28 =	vmul.f32 $1.000000020e+30, v51;
	v29 =	vmul.f32 $1.000000020e+30, v52;
	v54 =	vsub.s32 $0x1, v27  }
0x300: {  	[tilespmem:$0x1FE10] =	vst v31;
	v55 =	vcvt.s32.f32 v59;
	v31 =	vmul.u32 v53, v54  }
0x301: {  	v26 =	vnsel vm9, $0x0, v26;
	v5 =	vadd.f32 v28, v5;
	v19 =	vadd.f32 v29, v19  }
0x302: {  	[tilespmem:$0x1FE30] =	vst v56;
	v57 =	vmul.f32 $1.000000020e+30, v55;
	v56 =	vcvt.s32.f32 v62;
	v27 =	vadd.s32 v31, v27  }
0x303: {  	[tilespmem:$0x1FE20] =	vst v34;
	v34 =	vmin.f32 v5, v19;
	v58 =	vcvt.s32.f32 v40;
	v27 =	vsub.s32 $0x1, v27  }
0x304: {  	[tilespmem:$0x1FE40] =	vst v59;
	v28 =	vmul.f32 $1.000000020e+30, v56;
	v60 =	vcvt.s32.f32 v43;
	v59 =	vmul.u32 v26, v27  }
0x305: {  	[tilespmem:$0x1FE60] =	vst v62;
	v22 =	vadd.f32 v57, v22;
	v61 =	vmul.f32 $1.000000020e+30, v58;
	v62 =	vcvt.s32.f32 v31  }
0x306: {  	v21 =	vadd.f32 v28, v21;
	v26 =	vmul.f32 $1.000000020e+30, v60;
	v29 =	vcvt.s32.f32 v59  }
0x307: {  	v36 =	vmin.f32 v34, v22;
	v1 =	vadd.f32 v61, v1;
	v35 =	vmul.f32 $1.000000020e+30, v62  }
0x308: {  	v28 =	vmin.f32 v36, v21;
	v23 =	vadd.f32 v26, v23;
	v37 =	vmul.f32 $1.000000020e+30, v29  }
0x309: {  	v38 =	vmin.f32 v28, v1;
	v25 =	vadd.f32 v35, v25  }
0x30a: {  	v39 =	vmin.f32 v38, v23;
	v24 =	vadd.f32 v37, v24  }
0x30b: {  	v26 =	vmin.f32 v39, v25  }
0x30c: {  	v26 =	vmin.f32 v26, v24  }
0x30d: {  	[tilespmem:$0x1FE70] =	vst v40;
	v40 =	vperm.xlane v26, v50;
	_ =	sdelay $0x1  }
0x30e: {  	v26 =	vmin.f32 v26, v40  }
0x30f: {  	v27 =	vperm.xlane v26, v2;
	_ =	sdelay $0x1  }
0x310: {  	v26 =	vmin.f32 v26, v27  }
0x311: {  	v27 =	vperm.xlane v26, v3;
	_ =	sdelay $0x1  }
0x312: {  	v26 =	vmin.f32 v26, v27  }
0x313: {  	v27 =	vperm.xlane v26, v4;
	_ =	sdelay $0x1  }
0x314: {  	v26 =	vmin.f32 v26, v27  }
0x315: {  	vm5 =	veq.f32 v5, v26;
	vm6 =	veq.f32 v19, v26  }
0x316: {  	vm14 =	veq.f32 v22, v26;
	vm10 =	vmor vm5, vm6  }
0x317: {  	vm13 =	veq.f32 v21, v26;
	vm7 =	vmor vm14, vm10  }
0x318: {  	vm12 =	veq.f32 v1, v26;
	vm7 =	vmor vm13, vm7  }
0x319: {  	vm11 =	veq.f32 v23, v26;
	vm7 =	vmor vm12, vm7  }
0x31a: {  	vm10 =	veq.f32 v25, v26;
	vm7 =	vmor vm11, vm7  }
0x31b: {  	vm9 =	veq.f32 v24, v26;
	vm7 =	vmor vm10, vm7  }
0x31c: {  	vm7 =	vmor vm9, vm7  }
0x31d: {  	v41 =	vnsel vm7, $0x10, v0  }
0x31e: {  	v42 =	vperm.xlane v41, v50;
	_ =	sdelay $0x1  }
0x31f: {  	vm7 =	vlt.s32 v41, v42  }
0x320: {  	v26 =	vsel vm7, v41, v42  }
0x321: {  	v27 =	vperm.xlane v26, v2;
	_ =	sdelay $0x1  }
0x322: {  	vm7 =	vlt.s32 v26, v27  }
0x323: {  	v26 =	vsel vm7, v26, v27  }
0x324: {  	v27 =	vperm.xlane v26, v3;
	_ =	sdelay $0x1  }
0x325: {  	vm7 =	vlt.s32 v26, v27  }
0x326: {  	v26 =	vsel vm7, v26, v27  }
0x327: {  	v27 =	vperm.xlane v26, v4;
	_ =	sdelay $0x1  }
0x328: {  	vm7 =	vlt.s32 v26, v27  }
0x329: {  	v26 =	vsel vm7, v26, v27  }
0x32a: {  	vm7 =	veq.s32 v26, v0  }
0x32b: {  	[tilespmem:$0x1FED0] =	vst v26;
	v26 =	vsel vm7, $0x1, v33  }
0x32c: {  	v29 =	vnsel vm5, $0x0, v26  }
0x32d: {  	[tilespmem:$0x1FE80] =	vst v43;
	v43 =	vnsel vm6, $0x0, v26;
	v51 =	vxor.u32 $0x1, v29  }
0x32e: {  	v43 =	vmul.u32 v43, v51;
	_ =	sdelay $0x1  }
0x32f: {  	v27 =	vadd.s32 v29, v43  }
0x330: {  	v52 =	vnsel vm14, $0x0, v26;
	v53 =	vsub.s32 $0x1, v27  }
0x331: {  	v42 =	vmul.u32 v52, v53;
	_ =	sdelay $0x1  }
0x332: {  	v27 =	vadd.s32 v27, v42  }
0x333: {  	v54 =	vnsel vm13, $0x0, v26;
	v55 =	vsub.s32 $0x1, v27  }
0x334: {  	v41 =	vmul.u32 v54, v55;
	_ =	sdelay $0x1  }
0x335: {  	v27 =	vadd.s32 v27, v41  }
0x336: {  	v56 =	vnsel vm12, $0x0, v26;
	v57 =	vsub.s32 $0x1, v27  }
0x337: {  	v40 =	vmul.u32 v56, v57;
	_ =	sdelay $0x1  }
0x338: {  	v27 =	vadd.s32 v27, v40  }
0x339: {  	[tilespmem:$0x1FEA0] =	vst v59;
	v58 =	vnsel vm11, $0x0, v26;
	v59 =	vsub.s32 $0x1, v27  }
0x33a: {  	v39 =	vmul.u32 v58, v59  }
0x33b: {  	v60 =	vcvt.s32.f32 v29  }
0x33c: {  	v61 =	vcvt.s32.f32 v43;
	v27 =	vadd.s32 v27, v39  }
0x33d: {  	v62 =	vnsel vm10, $0x0, v26;
	v28 =	vmul.f32 $1.000000020e+30, v60;
	v36 =	vsub.s32 $0x1, v27  }
0x33e: {  	v30 =	vmul.f32 $1.000000020e+30, v61;
	v51 =	vcvt.s32.f32 v41;
	v38 =	vmul.u32 v62, v36  }
0x33f: {  	v26 =	vnsel vm9, $0x0, v26;
	v5 =	vadd.f32 v28, v5;
	v37 =	vcvt.s32.f32 v42  }
0x340: {  	v19 =	vadd.f32 v30, v19;
	v28 =	vmul.f32 $1.000000020e+30, v51;
	v27 =	vadd.s32 v38, v27  }
0x341: {  	v52 =	vmul.f32 $1.000000020e+30, v37;
	v53 =	vcvt.s32.f32 v40;
	v27 =	vsub.s32 $0x1, v27  }
0x342: {  	v21 =	vadd.f32 v28, v21;
	v55 =	vcvt.s32.f32 v39;
	v54 =	vmul.u32 v26, v27  }
0x343: {  	v56 =	vmul.f32 $1.000000020e+30, v53;
	v36 =	vadd.f32 v52, v22;
	v57 =	vcvt.s32.f32 v38  }
0x344: {  	v59 =	vmin.f32 v5, v19;
	v22 =	vmul.f32 $1.000000020e+30, v55;
	v58 =	vcvt.s32.f32 v54  }
0x345: {  	v1 =	vadd.f32 v56, v1;
	v61 =	vmin.f32 v59, v36;
	v60 =	vmul.f32 $1.000000020e+30, v57  }
0x346: {  	v23 =	vadd.f32 v22, v23;
	v27 =	vmin.f32 v61, v21;
	v62 =	vmul.f32 $1.000000020e+30, v58  }
0x347: {  	v28 =	vmin.f32 v27, v1;
	v25 =	vadd.f32 v60, v25  }
0x348: {  	v30 =	vmin.f32 v28, v23;
	v24 =	vadd.f32 v62, v24  }
0x349: {  	v22 =	vmin.f32 v30, v25  }
0x34a: {  	v22 =	vmin.f32 v22, v24  }
0x34b: {  	[tilespmem:$0x1FE90] =	vst v31;
	v31 =	vperm.xlane v22, v50;
	_ =	sdelay $0x1  }
0x34c: {  	v22 =	vmin.f32 v22, v31  }
0x34d: {  	v26 =	vperm.xlane v22, v2;
	_ =	sdelay $0x1  }
0x34e: {  	v22 =	vmin.f32 v22, v26  }
0x34f: {  	v26 =	vperm.xlane v22, v3;
	_ =	sdelay $0x1  }
0x350: {  	v22 =	vmin.f32 v22, v26  }
0x351: {  	v26 =	vperm.xlane v22, v4;
	_ =	sdelay $0x1  }
0x352: {  	v22 =	vmin.f32 v22, v26  }
0x353: {  	vm5 =	veq.f32 v5, v22;
	vm6 =	veq.f32 v19, v22  }
0x354: {  	vm14 =	veq.f32 v36, v22;
	vm11 =	vmor vm5, vm6  }
0x355: {  	vm13 =	veq.f32 v21, v22;
	vm7 =	vmor vm14, vm11  }
0x356: {  	vm12 =	veq.f32 v1, v22;
	vm7 =	vmor vm13, vm7  }
0x357: {  	vm11 =	veq.f32 v23, v22;
	vm7 =	vmor vm12, vm7  }
0x358: {  	vm10 =	veq.f32 v25, v22;
	vm7 =	vmor vm11, vm7  }
0x359: {  	vm9 =	veq.f32 v24, v22;
	vm7 =	vmor vm10, vm7  }
0x35a: {  	vm7 =	vmor vm9, vm7  }
0x35b: {  	v32 =	vnsel vm7, $0x10, v0  }
0x35c: {  	v34 =	vperm.xlane v32, v50;
	_ =	sdelay $0x1  }
0x35d: {  	vm7 =	vlt.s32 v32, v34  }
0x35e: {  	v22 =	vsel vm7, v32, v34  }
0x35f: {  	v26 =	vperm.xlane v22, v2;
	_ =	sdelay $0x1  }
0x360: {  	vm7 =	vlt.s32 v22, v26  }
0x361: {  	v22 =	vsel vm7, v22, v26  }
0x362: {  	v26 =	vperm.xlane v22, v3;
	_ =	sdelay $0x1  }
0x363: {  	vm7 =	vlt.s32 v22, v26  }
0x364: {  	v22 =	vsel vm7, v22, v26  }
0x365: {  	v26 =	vperm.xlane v22, v4;
	_ =	sdelay $0x1  }
0x366: {  	vm7 =	vlt.s32 v22, v26  }
0x367: {  	v22 =	vsel vm7, v22, v26  }
0x368: {  	vm7 =	veq.s32 v22, v0  }
0x369: {  	v26 =	vsel vm7, $0x1, v33  }
0x36a: {  	[tilespmem:$0x1FEF0] =	vst v22;
	v22 =	vnsel vm5, $0x0, v26  }
0x36b: {  	v35 =	vnsel vm6, $0x0, v26;
	v37 =	vxor.u32 $0x1, v22  }
0x36c: {  	v33 =	vmul.u32 v35, v37;
	_ =	sdelay $0x1  }
0x36d: {  	v27 =	vadd.s32 v22, v33  }
0x36e: {  	v51 =	vnsel vm14, $0x0, v26;
	v52 =	vsub.s32 $0x1, v27  }
0x36f: {  	v32 =	vmul.u32 v51, v52;
	_ =	sdelay $0x1  }
0x370: {  	v27 =	vadd.s32 v27, v32  }
0x371: {  	[tilespmem:$0x1FEB0] =	vst v54;
	v53 =	vnsel vm13, $0x0, v26;
	v54 =	vsub.s32 $0x1, v27  }
0x372: {  	v30 =	vmul.u32 v53, v54;
	_ =	sdelay $0x1  }
0x373: {  	v27 =	vadd.s32 v27, v30  }
0x374: {  	v55 =	vnsel vm12, $0x0, v26;
	v56 =	vsub.s32 $0x1, v27  }
0x375: {  	v34 =	vmul.u32 v55, v56;
	_ =	sdelay $0x1  }
0x376: {  	v27 =	vadd.s32 v27, v34  }
0x377: {  	v57 =	vnsel vm11, $0x0, v26;
	v58 =	vsub.s32 $0x1, v27  }
0x378: {  	v31 =	vmul.u32 v57, v58  }
0x379: {  	v59 =	vcvt.s32.f32 v22  }
0x37a: {  	v60 =	vcvt.s32.f32 v33;
	v27 =	vadd.s32 v27, v31  }
0x37b: {  	v62 =	vnsel vm10, $0x0, v26;
	v28 =	vmul.f32 $1.000000020e+30, v59;
	v51 =	vsub.s32 $0x1, v27  }
0x37c: {  	v61 =	vmul.f32 $1.000000020e+30, v60;
	v54 =	vcvt.s32.f32 v32;
	v35 =	vmul.u32 v62, v51  }
0x37d: {  	v26 =	vnsel vm9, $0x0, v26;
	v5 =	vadd.f32 v28, v5;
	v55 =	vcvt.s32.f32 v30  }
0x37e: {  	v37 =	vadd.f32 v61, v19;
	v56 =	vmul.f32 $1.000000020e+30, v54;
	v27 =	vadd.s32 v35, v27  }
0x37f: {  	v19 =	vmul.f32 $1.000000020e+30, v55;
	v57 =	vcvt.s32.f32 v34;
	v27 =	vsub.s32 $0x1, v27  }
0x380: {  	v36 =	vadd.f32 v56, v36;
	v59 =	vcvt.s32.f32 v31;
	v58 =	vmul.u32 v26, v27  }
0x381: {  	v21 =	vadd.f32 v19, v21;
	v60 =	vmul.f32 $1.000000020e+30, v57;
	v61 =	vcvt.s32.f32 v35  }
0x382: {  	v62 =	vmin.f32 v5, v37;
	v26 =	vmul.f32 $1.000000020e+30, v59;
	v28 =	vcvt.s32.f32 v58  }
0x383: {  	v56 =	vadd.f32 v60, v1;
	v1 =	vmul.f32 $1.000000020e+30, v61;
	v59 =	vmin.f32 v62, v36  }
0x384: {  	v19 =	vmin.f32 v59, v21;
	v61 =	vadd.f32 v26, v23;
	v62 =	vmul.f32 $1.000000020e+30, v28  }
0x385: {  	v54 =	vadd.f32 v1, v25;
	v1 =	vmin.f32 v19, v56  }
0x386: {  	v1 =	vmin.f32 v1, v61;
	v55 =	vadd.f32 v62, v24  }
0x387: {  	v1 =	vmin.f32 v1, v54  }
0x388: {  	v1 =	vmin.f32 v1, v55  }
0x389: {  	v25 =	vperm.xlane v1, v50;
	_ =	sdelay $0x1  }
0x38a: {  	v1 =	vmin.f32 v1, v25  }
0x38b: {  	v19 =	vperm.xlane v1, v2;
	_ =	sdelay $0x1  }
0x38c: {  	v1 =	vmin.f32 v1, v19  }
0x38d: {  	v19 =	vperm.xlane v1, v3;
	_ =	sdelay $0x1  }
0x38e: {  	v1 =	vmin.f32 v1, v19  }
0x38f: {  	v19 =	vperm.xlane v1, v4;
	_ =	sdelay $0x1  }
0x390: {  	v1 =	vmin.f32 v1, v19  }
0x391: {  	vm5 =	veq.f32 v5, v1;
	vm6 =	veq.f32 v37, v1  }
0x392: {  	vm14 =	veq.f32 v36, v1;
	vm12 =	vmor vm5, vm6  }
0x393: {  	vm13 =	veq.f32 v21, v1;
	vm7 =	vmor vm14, vm12  }
0x394: {  	vm12 =	veq.f32 v56, v1;
	vm7 =	vmor vm13, vm7  }
0x395: {  	vm11 =	veq.f32 v61, v1;
	vm7 =	vmor vm12, vm7  }
0x396: {  	vm10 =	veq.f32 v54, v1;
	vm7 =	vmor vm11, vm7  }
0x397: {  	vm9 =	veq.f32 v55, v1;
	vm7 =	vmor vm10, vm7  }
0x398: {  	vm7 =	vmor vm9, vm7  }
0x399: {  	v1 =	vnsel vm7, $0x10, v0  }
0x39a: {  	v26 =	vperm.xlane v1, v50;
	_ =	sdelay $0x1  }
0x39b: {  	vm7 =	vlt.s32 v1, v26  }
0x39c: {  	v1 =	vsel vm7, v1, v26  }
0x39d: {  	v19 =	vperm.xlane v1, v2;
	_ =	sdelay $0x1  }
0x39e: {  	vm7 =	vlt.s32 v1, v19  }
0x39f: {  	v1 =	vsel vm7, v1, v19  }
0x3a0: {  	v19 =	vperm.xlane v1, v3;
	_ =	sdelay $0x1  }
0x3a1: {  	vm7 =	vlt.s32 v1, v19  }
0x3a2: {  	v1 =	vsel vm7, v1, v19  }
0x3a3: {  	v19 =	vperm.xlane v1, v4;
	_ =	sdelay $0x1  }
0x3a4: {  	vm7 =	vlt.s32 v1, v19  }
0x3a5: {  	v1 =	vsel vm7, v1, v19  }
0x3a6: {  	v51 =	vimm.s32 $0x0;
	vm7 =	veq.s32 v1, v0  }
0x3a7: {  	v57 =	vsel vm7, $0x1, v51  }
0x3a8: {  	v19 =	vnsel vm5, $0x0, v57  }
0x3a9: {  	[tilespmem:$0x1FF00] =	vst v1;
	v1 =	vnsel vm6, $0x0, v57;
	v27 =	vxor.u32 $0x1, v19  }
0x3aa: {  	v25 =	vmul.u32 v1, v27;
	_ =	sdelay $0x1  }
0x3ab: {  	v1 =	vadd.s32 v19, v25  }
0x3ac: {  	v28 =	vnsel vm14, $0x0, v57;
	v52 =	vsub.s32 $0x1, v1  }
0x3ad: {  	v26 =	vmul.u32 v28, v52;
	_ =	sdelay $0x1  }
0x3ae: {  	v1 =	vadd.s32 v1, v26  }
0x3af: {  	[tilespmem:$0x1FEE0] =	vst v58;
	v53 =	vnsel vm13, $0x0, v57;
	v58 =	vsub.s32 $0x1, v1  }
0x3b0: {  	v24 =	vmul.u32 v53, v58;
	_ =	sdelay $0x1  }
0x3b1: {  	v1 =	vadd.s32 v1, v24  }
0x3b2: {  	v59 =	vnsel vm12, $0x0, v57;
	v60 =	vsub.s32 $0x1, v1  }
0x3b3: {  	v27 =	vmul.u32 v59, v60;
	_ =	sdelay $0x1  }
0x3b4: {  	v1 =	vadd.s32 v1, v27  }
0x3b5: {  	v62 =	vnsel vm11, $0x0, v57;
	v53 =	vcvt.s32.f32 v19;
	v52 =	vsub.s32 $0x1, v1  }
0x3b6: {  	v28 =	vmul.u32 v62, v52  }
0x3b7: {  	v23 =	vmul.f32 $1.000000020e+30, v53  }
0x3b8: {  	v58 =	vcvt.s32.f32 v25;
	v60 =	vnsel vm10, $0x0, v57;
	v59 =	vadd.s32 v1, v28  }
0x3b9: {  	v23 =	vadd.f32 v23, v5;
	v5 =	vcvt.s32.f32 v24;
	v53 =	vsub.s32 $0x1, v59  }
0x3ba: {  	v62 =	vcvt.s32.f32 v26;
	v1 =	vmul.f32 $1.000000020e+30, v58;
	v58 =	vmul.u32 v60, v53  }
0x3bb: {  	v5 =	vmul.f32 $1.000000020e+30, v5  }
0x3bc: {  	v1 =	vadd.f32 v1, v37;
	v53 =	vmul.f32 $1.000000020e+30, v62;
	v60 =	vadd.s32 v58, v59  }
0x3bd: {  	v37 =	vnsel vm9, $0x0, v57;
	v59 =	vsub.s32 $0x1, v60;
	v60 =	vcvt.s32.f32 v27  }
0x3be: {  	v62 =	vcvt.s32.f32 v28;
	v57 =	vadd.f32 v53, v36;
	v37 =	vmul.u32 v37, v59  }
0x3bf: {  	v53 =	vadd.f32 v5, v21;
	v21 =	vcvt.s32.f32 v58;
	v5 =	vmul.f32 $1.000000020e+30, v60  }
0x3c0: {  	v36 =	vmul.f32 $1.000000020e+30, v62;
	v52 =	vmin.f32 v23, v1;
	v59 =	vcvt.s32.f32 v37  }
0x3c1: {  	v21 =	vmul.f32 $1.000000020e+30, v21;
	v5 =	vadd.f32 v5, v56;
	v56 =	vmin.f32 v52, v57  }
0x3c2: {  	v61 =	vadd.f32 v36, v61;
	v52 =	vmul.f32 $1.000000020e+30, v59;
	v60 =	vmin.f32 v56, v53  }
0x3c3: {  	v56 =	vadd.f32 v21, v54;
	v62 =	vmin.f32 v60, v5  }
0x3c4: {  	v55 =	vadd.f32 v52, v55;
	v21 =	vmin.f32 v62, v61  }
0x3c5: {  	v21 =	vmin.f32 v21, v56  }
0x3c6: {  	v21 =	vmin.f32 v21, v55  }
0x3c7: {  	v59 =	vperm.xlane v21, v50;
	_ =	sdelay $0x1  }
0x3c8: {  	v21 =	vmin.f32 v21, v59  }
0x3c9: {  	v36 =	vperm.xlane v21, v2;
	_ =	sdelay $0x1  }
0x3ca: {  	v21 =	vmin.f32 v21, v36  }
0x3cb: {  	v36 =	vperm.xlane v21, v3;
	_ =	sdelay $0x1  }
0x3cc: {  	v21 =	vmin.f32 v21, v36  }
0x3cd: {  	v36 =	vperm.xlane v21, v4;
	_ =	sdelay $0x1  }
0x3ce: {  	v21 =	vmin.f32 v21, v36  }
0x3cf: {  	vm5 =	veq.f32 v23, v21;
	vm6 =	veq.f32 v1, v21  }
0x3d0: {  	vm14 =	veq.f32 v57, v21;
	vm13 =	vmor vm5, vm6  }
0x3d1: {  	vm7 =	vmor vm14, vm13;
	vm13 =	veq.f32 v53, v21  }
0x3d2: {  	vm12 =	veq.f32 v5, v21;
	vm7 =	vmor vm13, vm7  }
0x3d3: {  	vm11 =	veq.f32 v61, v21;
	vm7 =	vmor vm12, vm7  }
0x3d4: {  	vm10 =	veq.f32 v56, v21;
	vm7 =	vmor vm11, vm7  }
0x3d5: {  	vm9 =	veq.f32 v55, v21;
	vm7 =	vmor vm10, vm7  }
0x3d6: {  	vm7 =	vmor vm9, vm7  }
0x3d7: {  	v60 =	vnsel vm7, $0x10, v0  }
0x3d8: {  	v62 =	vperm.xlane v60, v50;
	_ =	sdelay $0x1  }
0x3d9: {  	vm7 =	vlt.s32 v60, v62  }
0x3da: {  	v21 =	vsel vm7, v60, v62  }
0x3db: {  	v36 =	vperm.xlane v21, v2;
	_ =	sdelay $0x1  }
0x3dc: {  	vm7 =	vlt.s32 v21, v36  }
0x3dd: {  	v21 =	vsel vm7, v21, v36  }
0x3de: {  	v36 =	vperm.xlane v21, v3;
	_ =	sdelay $0x1  }
0x3df: {  	vm7 =	vlt.s32 v21, v36  }
0x3e0: {  	v21 =	vsel vm7, v21, v36  }
0x3e1: {  	v36 =	vperm.xlane v21, v4;
	_ =	sdelay $0x1  }
0x3e2: {  	vm7 =	vlt.s32 v21, v36  }
0x3e3: {  	v36 =	vsel vm7, v21, v36  }
0x3e4: {  	vm7 =	veq.s32 v36, v0  }
0x3e5: {  	v59 =	vsel vm7, $0x1, v51  }
0x3e6: {  	v54 =	vnsel vm5, $0x0, v59  }
0x3e7: {  	v51 =	vnsel vm6, $0x0, v59;
	v52 =	vxor.u32 $0x1, v54  }
0x3e8: {  	v21 =	vmul.u32 v51, v52;
	_ =	sdelay $0x1  }
0x3e9: {  	v60 =	vadd.s32 v54, v21  }
0x3ea: {  	v52 =	vnsel vm14, $0x0, v59;
	v62 =	vsub.s32 $0x1, v60  }
0x3eb: {  	v6 =	vsel vm3, v6, v20;
	v20 =	vmul.u32 v52, v62;
	v52 =	vsel vm0, v10, v16  }
0x3ec: {  	v62 =	vsel vm4, v6, v7;
	v7 =	vsel vm2, v9, v52;
	v6 =	vsel vm2, v52, v9  }
0x3ed: {  	v9 =	vsel vm15, v14, v11;
	v18 =	vsel vm1, v18, v7;
	v11 =	vsel vm1, v7, v8;
	v7 =	vld [tilespmem:$0x1F8D0];
	_ =	sdelay $0x1  }
0x3ee: {  	v10 =	vsel vm0, v16, v10;
	v16 =	vadd.s32 v60, v20  }
0x3ef: {  	v14 =	vnsel vm13, $0x0, v59;
	v60 =	vsub.s32 $0x1, v16  }
0x3f0: {  	v52 =	vld [tilespmem:$0x1F8E0];
	v14 =	vmul.u32 v14, v60  }
0x3f1: {  	vm6 =	vnez.u8 v7  }
0x3f2: {  	v16 =	vadd.s32 v16, v14;
	v51 =	vsel vm6, v17, v18  }
0x3f3: {  	v7 =	vsel vm6, v18, v13;
	v13 =	vmul.u32 v9, v47;
	v47 =	vnsel vm12, $0x0, v59  }
0x3f4: {  	v60 =	vld [tilespmem:$0x1F8F0];
	v17 =	vsel vm8, v15, v51;
	v8 =	vsel vm8, v51, v15;
	v51 =	vsub.s32 $0x1, v16  }
0x3f5: {  	v15 =	vmul.u32 v10, v52;
	v52 =	vmul.u32 v47, v51;
	v47 =	vld [tilespmem:$0x1F910];
	_ =	sdelay $0x3  }
0x3f6: {  	v18 =	vmul.u32 v6, v60;
	v60 =	vld [tilespmem:$0x1F900]  }
0x3f7: {  	vm7 =	vnez.u8 v47;
	v47 =	vld [tilespmem:$0x1F920];
	_ =	sdelay $0x2  }
0x3f8: {  	v15 =	vadd.s32 v13, v15  }
0x3f9: {  	v15 =	vadd.s32 v18, v15  }
0x3fa: {  	v60 =	vmul.u32 v11, v60;
	v51 =	vsel vm7, v12, v17;
	vm8 =	vnez.u8 v47  }
0x3fb: {  	v13 =	vsel vm7, v17, v12;
	v12 =	vsel vm8, v51, v62;
	v51 =	vmul.u32 v7, v48  }
0x3fc: {  	v15 =	vadd.s32 v60, v15;
	v60 =	vmul.u32 v8, v49;
	v49 =	vld [tilespmem:$0x1F930]  }
0x3fd: {  	v62 =	vcvt.s32.f32 v54;
	v15 =	vadd.s32 v51, v15;
	v51 =	vld [tilespmem:$0x1F940]  }
0x3fe: {  	v17 =	vadd.s32 v16, v52;
	v47 =	vnsel vm11, $0x0, v59  }
0x3ff: {  	v48 =	vsub.s32 $0x1, v17;
	v15 =	vadd.s32 v60, v15;
	v60 =	vmul.f32 $1.000000020e+30, v62  }
0x400: {  	v16 =	vmul.u32 v47, v48  }
0x401: {  	v23 =	vadd.f32 v60, v23;
	v60 =	vcvt.s32.f32 v20  }
0x402: {  	v18 =	vmul.u32 v9, v49;
	v62 =	vadd.s32 v17, v16;
	v47 =	vmul.u32 v10, v51  }
0x403: {  	v48 =	vsub.s32 $0x1, v62;
	v60 =	vmul.f32 $1.000000020e+30, v60  }
0x404: {  	v51 =	vcvt.s32.f32 v21;
	v49 =	vadd.s32 v18, v47;
	v47 =	vnsel vm10, $0x0, v59  }
0x405: {  	v57 =	vadd.f32 v60, v57;
	v60 =	vld [tilespmem:$0x1F950];
	v17 =	vmul.u32 v47, v48  }
0x406: {  	v18 =	vmul.f32 $1.000000020e+30, v51;
	v47 =	vcvt.s32.f32 v14  }
0x407: {  	v59 =	vnsel vm9, $0x0, v59;
	v62 =	vadd.s32 v17, v62  }
0x408: {  	v1 =	vadd.f32 v18, v1;
	v47 =	vmul.f32 $1.000000020e+30, v47;
	v62 =	vsub.s32 $0x1, v62  }
0x409: {  	v18 =	vmul.u32 v59, v62  }
0x40a: {  	v47 =	vadd.f32 v47, v53;
	v60 =	vmul.u32 v6, v60;
	v62 =	vmin.f32 v23, v1  }
0x40b: {  	v62 =	vmin.f32 v62, v57  }
0x40c: {  	v48 =	vcvt.s32.f32 v52;
	v49 =	vadd.s32 v60, v49;
	v60 =	vmin.f32 v62, v47;
	v62 =	vld [tilespmem:$0x1F960];
	_ =	sdelay $0x1  }
0x40d: {  	v48 =	vmul.f32 $1.000000020e+30, v48  }
0x40e: {  	v53 =	vcvt.s32.f32 v16  }
0x40f: {  	v5 =	vadd.f32 v48, v5;
	v48 =	vcvt.s32.f32 v17  }
0x410: {  	v59 =	vcvt.s32.f32 v18;
	v53 =	vmul.f32 $1.000000020e+30, v53;
	v51 =	vmul.u32 v11, v62;
	v62 =	vld [tilespmem:$0x1F980]  }
0x411: {  	v48 =	vmul.f32 $1.000000020e+30, v48  }
0x412: {  	v59 =	vmul.f32 $1.000000020e+30, v59;
	v53 =	vadd.f32 v53, v61;
	v61 =	vld [tilespmem:$0x1F970]  }
0x413: {  	v48 =	vadd.f32 v48, v56  }
0x414: {  	v56 =	vmin.f32 v60, v5;
	v55 =	vadd.f32 v59, v55;
	v49 =	vadd.s32 v51, v49;
	v51 =	vld [tilespmem:$0x1F9A0]  }
0x415: {  	v59 =	vmul.u32 v13, v45;
	v56 =	vmin.f32 v56, v53;
	v45 =	vmul.u32 v7, v62;
	v62 =	vld [tilespmem:$0x1F990]  }
0x416: {  	v56 =	vmin.f32 v56, v48  }
0x417: {  	v56 =	vmin.f32 v56, v55;
	v61 =	vmul.u32 v12, v61  }
0x418: {  	v15 =	vadd.s32 v59, v15;
	v59 =	vperm.xlane v56, v50  }
0x419: {  	v15 =	vadd.s32 v61, v15;
	v61 =	vmul.u32 v9, v46  }
0x41a: {  	v56 =	vmin.f32 v56, v59;
	v59 =	vld [tilespmem:$0x1F9B0];
	v60 =	vmul.u32 v8, v62;
	v62 =	vmul.u32 v10, v51  }
0x41b: {  	v51 =	vld [tilespmem:$0x1F9C0]  }
0x41c: {  	v49 =	vadd.s32 v45, v49;
	v46 =	vadd.s32 v61, v62;
	v62 =	vld [tilespmem:$0x1F9D0]  }
0x41d: {  	v49 =	vadd.s32 v60, v49;
	v60 =	vld [tilespmem:$0x1F9E0];
	_ =	sdelay $0x1  }
0x41e: {  	v61 =	vperm.xlane v56, v2;
	_ =	sdelay $0x1  }
0x41f: {  	v59 =	vmul.u32 v13, v59;
	v56 =	vmin.f32 v56, v61;
	v61 =	vld [tilespmem:$0x1F9F0]  }
0x420: {  	v45 =	vmul.u32 v6, v51;
	v51 =	vmul.u32 v11, v62;
	v60 =	vmul.u32 v12, v60;
	v62 =	vld [tilespmem:$0x1FA00]  }
0x421: {  	v49 =	vadd.s32 v59, v49  }
0x422: {  	v45 =	vadd.s32 v45, v46;
	v49 =	vadd.s32 v60, v49;
	v60 =	vld [tilespmem:$0x1FA20]  }
0x423: {  	v45 =	vadd.s32 v51, v45;
	v51 =	vld [tilespmem:$0x1FA10]  }
0x424: {  	v61 =	vmul.u32 v7, v61  }
0x425: {  	v59 =	vmul.u32 v8, v62;
	v62 =	vperm.xlane v56, v3  }
0x426: {  	v45 =	vadd.s32 v61, v45;
	v61 =	vld [tilespmem:$0x1FA30]  }
0x427: {  	v45 =	vadd.s32 v59, v45;
	v56 =	vmin.f32 v56, v62;
	v59 =	vmul.u32 v13, v60;
	v62 =	vld [tilespmem:$0x1FA40]  }
0x428: {  	v15 =	vperm.xlane v15, v51;
	v51 =	vld [tilespmem:$0x1FA50];
	v46 =	vperm.xlane v56, v4  }
0x429: {  	v45 =	vadd.s32 v59, v45;
	v59 =	vld [tilespmem:$0x1FA60]  }
0x42a: {  	v46 =	vmin.f32 v56, v46;
	v56 =	vld [tilespmem:$0x1FB00]  }
0x42b: {  	vm6 =	veq.f32 v1, v46;
	v1 =	vld [tilespmem:$0x1FA90]  }
0x42c: {  	vm3 =	veq.f32 v5, v46;
	v5 =	vld [tilespmem:$0x1FAA0]  }
0x42d: {  	vm1 =	veq.f32 v48, v46;
	v48 =	vld [tilespmem:$0x1FF10]  }
0x42e: {  	v60 =	vmul.u32 v12, v61;
	vm2 =	veq.f32 v53, v46;
	v53 =	vld [tilespmem:$0x1FAD0]  }
0x42f: {  	vm0 =	veq.f32 v55, v46;
	v55 =	vld [tilespmem:$0x1FAE0];
	v61 =	vmul.u32 v9, v62;
	v62 =	vmul.u32 v10, v51  }
0x430: {  	v51 =	vld [tilespmem:$0x1FA70];
	v59 =	vmul.u32 v6, v59  }
0x431: {  	v45 =	vadd.s32 v60, v45;
	v60 =	vadd.s32 v61, v62;
	v62 =	vld [tilespmem:$0x1FA80];
	v1 =	vmul.u32 v11, v1  }
0x432: {  	v61 =	vld [tilespmem:$0x1FB30];
	v59 =	vadd.s32 v59, v60;
	v5 =	vmul.u32 v7, v5  }
0x433: {  	vm4 =	veq.f32 v47, v46;
	v47 =	vmul.u32 v6, v56;
	v56 =	vld [tilespmem:$0x1FBA0];
	v1 =	vadd.s32 v1, v59  }
0x434: {  	v1 =	vadd.s32 v5, v1;
	v5 =	vld [tilespmem:$0x1FAB0]  }
0x435: {  	v60 =	vld [tilespmem:$0x1FB20]  }
0x436: {  	vm12 =	vnez.u8 v48;
	v48 =	vld [tilespmem:$0x1FB60];
	v49 =	vperm.xlane v49, v51  }
0x437: {  	v51 =	vld [tilespmem:$0x1FAC0]  }
0x438: {  	vm7 =	veq.f32 v23, v46;
	v15 =	vsel vm12, v15, v49;
	v49 =	vld [tilespmem:$0x1FF20]  }
0x439: {  	vm5 =	veq.f32 v57, v46;
	v46 =	vmul.u32 v10, v55;
	v55 =	vld [tilespmem:$0x1FB90];
	v5 =	vmul.u32 v8, v5  }
0x43a: {  	v59 =	vld [tilespmem:$0x1FB10]  }
0x43b: {  	v1 =	vadd.s32 v5, v1;
	v5 =	vld [tilespmem:$0x1FAF0]  }
0x43c: {  	v45 =	vperm.xlane v45, v62;
	v62 =	vld [tilespmem:$0x1FB40]  }
0x43d: {  	v23 =	vmul.u32 v13, v51;
	v51 =	vld [tilespmem:$0x1FB70];
	vm13 =	vnez.u8 v49  }
0x43e: {  	v49 =	vld [tilespmem:$0x1FF30];
	v15 =	vsel vm13, v15, v45;
	v45 =	vmul.u32 v9, v53  }
0x43f: {  	v53 =	vld [tilespmem:$0x1FB80]  }
0x440: {  	v57 =	vadd.s32 v45, v46;
	v45 =	vmul.u32 v11, v59;
	v59 =	vld [tilespmem:$0x1FBC0];
	v5 =	vmul.u32 v12, v5  }
0x441: {  	v1 =	vadd.s32 v23, v1;
	v23 =	vmul.u32 v7, v60;
	v60 =	vld [tilespmem:$0x1FBD0]  }
0x442: {  	v1 =	vadd.s32 v5, v1;
	v5 =	vadd.s32 v47, v57;
	v47 =	vld [tilespmem:$0x1FB50]  }
0x443: {  	vm12 =	vmor vm7, vm6;
	v46 =	vmul.u32 v10, v48;
	v48 =	vld [tilespmem:$0x1FC00]  }
0x444: {  	vm8 =	vmor vm5, vm12;
	v57 =	vld [tilespmem:$0x1FBB0];
	v1 =	vperm.xlane v1, v61  }
0x445: {  	vm8 =	vmor vm4, vm8;
	vm14 =	vnez.u8 v49;
	v49 =	vld [tilespmem:$0x1FC10];
	v5 =	vadd.s32 v45, v5  }
0x446: {  	v45 =	vmul.u32 v8, v62;
	v1 =	vsel vm14, v15, v1;
	v15 =	vmul.u32 v6, v51;
	v51 =	vld [tilespmem:$0x1FF40]  }
0x447: {  	vm8 =	vmor vm3, vm8;
	v61 =	vld [tilespmem:$0x1FBE0];
	v5 =	vadd.s32 v23, v5;
	v23 =	vmul.u32 v9, v47  }
0x448: {  	vm8 =	vmor vm2, vm8;
	v62 =	vld [tilespmem:$0x1FBF0];
	v5 =	vadd.s32 v45, v5;
	v45 =	vmul.u32 v13, v53  }
0x449: {  	v53 =	vld [tilespmem:$0x1FC20];
	v47 =	vmul.u32 v7, v57;
	v23 =	vadd.s32 v23, v46;
	v46 =	vmul.u32 v11, v55  }
0x44a: {  	v5 =	vadd.s32 v45, v5;
	v57 =	vld [tilespmem:$0x1FC50];
	v15 =	vadd.s32 v15, v23;
	v23 =	vmul.u32 v12, v56  }
0x44b: {  	v45 =	vmul.u32 v8, v59;
	v59 =	vld [tilespmem:$0x1FC60];
	vm15 =	vnez.u8 v51;
	v15 =	vadd.s32 v46, v15  }
0x44c: {  	v55 =	vld [tilespmem:$0x1FC30];
	v5 =	vadd.s32 v23, v5;
	v15 =	vadd.s32 v47, v15;
	v23 =	vmul.u32 v13, v60  }
0x44d: {  	v56 =	vld [tilespmem:$0x1FC40];
	v5 =	vperm.xlane v5, v61;
	v15 =	vadd.s32 v45, v15;
	v45 =	vmul.u32 v12, v62  }
0x44e: {  	v46 =	vmul.u32 v10, v49;
	v60 =	vld [tilespmem:$0x1FC70];
	v15 =	vadd.s32 v23, v15;
	v23 =	vmul.u32 v9, v48  }
0x44f: {  	v62 =	vld [tilespmem:$0x1FC90];
	v1 =	vsel vm15, v1, v5;
	v5 =	vadd.s32 v45, v15;
	v15 =	vmul.u32 v6, v53  }
0x450: {  	vm8 =	vmor vm1, vm8;
	v61 =	vld [tilespmem:$0x1FC80];
	v23 =	vadd.s32 v23, v46  }
0x451: {  	v45 =	vmul.u32 v11, v55;
	v15 =	vadd.s32 v15, v23;
	v23 =	vmul.u32 v7, v57;
	v57 =	vld [tilespmem:$0x1FCC0]  }
0x452: {  	vm8 =	vmor vm0, vm8;
	v53 =	vld [tilespmem:$0x1FCA0]  }
0x453: {  	v55 =	vld [tilespmem:$0x1FCB0];
	v46 =	vmul.u32 v10, v60;
	v15 =	vadd.s32 v45, v15;
	v45 =	vmul.u32 v9, v59  }
0x454: {  	v5 =	vperm.xlane v5, v56;
	v56 =	vnsel vm8, $0x10, v0;
	v48 =	vmul.u32 v6, v62;
	v59 =	vld [tilespmem:$0x1FCD0]  }
0x455: {  	v60 =	vperm.xlane v56, v50;
	v47 =	vmul.u32 v8, v61;
	v61 =	vld [tilespmem:$0x1FCE0];
	v51 =	vadd.s32 v45, v46  }
0x456: {  	v15 =	vadd.s32 v23, v15;
	v23 =	vadd.s32 v48, v51;
	v48 =	vmul.u32 v12, v57;
	v57 =	vld [tilespmem:$0x1FF50];
	_ =	sdelay $0x1  }
0x457: {  	v44 =	vmul.u32 v9, v44;
	vm8 =	vlt.s32 v56, v60;
	v45 =	vmul.u32 v13, v53;
	v53 =	vld [tilespmem:$0x1FCF0]  }
0x458: {  	v15 =	vadd.s32 v47, v15;
	v46 =	vmul.u32 v11, v55;
	v62 =	vsel vm8, v56, v60;
	v55 =	vld [tilespmem:$0x1FD00]  }
0x459: {  	v56 =	vperm.xlane v62, v2;
	v51 =	vld [tilespmem:$0x1FD30];
	v15 =	vadd.s32 v45, v15;
	v49 =	vmul.u32 v7, v59  }
0x45a: {  	v23 =	vadd.s32 v46, v23;
	v45 =	vmul.u32 v8, v61;
	v61 =	vld [tilespmem:$0x1FD20];
	vm13 =	vnez.u8 v57  }
0x45b: {  	vm14 =	vlt.s32 v62, v56;
	v23 =	vadd.s32 v49, v23;
	v1 =	vsel vm13, v1, v5;
	v5 =	vld [tilespmem:$0x1FD10]  }
0x45c: {  	v62 =	vsel vm14, v62, v56;
	v23 =	vadd.s32 v45, v23;
	v45 =	vmul.u32 v13, v53;
	v53 =	vld [tilespmem:$0x1FD40]  }
0x45d: {  	v15 =	vadd.s32 v48, v15;
	v47 =	vmul.u32 v10, v55;
	v55 =	vld [tilespmem:$0x1FD50];
	v48 =	vperm.xlane v62, v3  }
0x45e: {  	v56 =	vld [tilespmem:$0x1FD60];
	v46 =	vmul.u32 v12, v51  }
0x45f: {  	v60 =	vadd.s32 v44, v47;
	v57 =	vld [tilespmem:$0x1FD70];
	vm8 =	vlt.s32 v62, v48;
	v59 =	vadd.s32 v45, v23  }
0x460: {  	v44 =	vmul.u32 v6, v61;
	v5 =	vperm.xlane v15, v5;
	v15 =	vadd.s32 v46, v59;
	v59 =	vld [tilespmem:$0x1FD80]  }
0x461: {  	v45 =	vsel vm8, v62, v48;
	v62 =	vld [tilespmem:$0x1FF60];
	v47 =	vmul.u32 v11, v53  }
0x462: {  	v23 =	vadd.s32 v44, v60;
	v44 =	vmul.u32 v7, v55  }
0x463: {  	v23 =	vadd.s32 v47, v23;
	v46 =	vmul.u32 v8, v56  }
0x464: {  	v23 =	vadd.s32 v44, v23;
	v44 =	vmul.u32 v13, v57  }
0x465: {  	v60 =	vld [tilespmem:$0x1FD90];
	v23 =	vadd.s32 v46, v23;
	v46 =	vmul.u32 v12, v59  }
0x466: {  	vm15 =	vnez.u8 v62;
	v47 =	vld [tilespmem:$0x1FDA0];
	v23 =	vadd.s32 v44, v23  }
0x467: {  	v1 =	vsel vm15, v1, v5;
	v5 =	vadd.s32 v46, v23;
	v46 =	vld [tilespmem:$0x1FF70]  }
0x468: {  	v51 =	vld [tilespmem:$0x1FF80];
	_ =	sdelay $0x2  }
0x469: {  	v49 =	vld [tilespmem:$0x1FDC0];
	v15 =	vperm.xlane v15, v60  }
0x46a: {  	v48 =	vld [tilespmem:$0x1FDB0];
	v5 =	vperm.xlane v5, v47;
	vm12 =	vnez.u8 v46  }
0x46b: {  	v55 =	vld [tilespmem:$0x1FDE0];
	vm14 =	vnez.u8 v51;
	v1 =	vsel vm12, v1, v15  }
0x46c: {  	v1 =	vsel vm14, v1, v5;
	v5 =	vld [tilespmem:$0x1FDD0]  }
0x46d: {  	v56 =	vld [tilespmem:$0x1FDF0]  }
0x46e: {  	v62 =	vld [tilespmem:$0x1FE30]  }
0x46f: {  	v61 =	vperm.xlane v45, v4;
	v57 =	vld [tilespmem:$0x1FE00]  }
0x470: {  	v59 =	vld [tilespmem:$0x1FE10];
	v23 =	vmul.u32 v10, v49;
	v15 =	vmul.u32 v9, v48  }
0x471: {  	vm13 =	vlt.s32 v45, v61;
	v60 =	vld [tilespmem:$0x1FE20];
	v5 =	vmul.u32 v6, v5  }
0x472: {  	v44 =	vsel vm13, v45, v61;
	v45 =	vmul.u32 v11, v55;
	v15 =	vadd.s32 v15, v23  }
0x473: {  	v46 =	vmul.u32 v7, v56;
	v5 =	vadd.s32 v5, v15  }
0x474: {  	v61 =	vmul.u32 v9, v63;
	v47 =	vmul.u32 v8, v57;
	v57 =	vld [tilespmem:$0x1FE40];
	v5 =	vadd.s32 v45, v5  }
0x475: {  	v63 =	vmul.u32 v10, v62;
	v48 =	vmul.u32 v13, v59;
	v5 =	vadd.s32 v46, v5  }
0x476: {  	v49 =	vmul.u32 v12, v60;
	v60 =	vld [tilespmem:$0x1FE60];
	v5 =	vadd.s32 v47, v5  }
0x477: {  	v5 =	vadd.s32 v48, v5;
	v48 =	vadd.s32 v61, v63;
	v61 =	vld [tilespmem:$0x1FE70]  }
0x478: {  	v43 =	vmul.u32 v10, v43;
	v29 =	vmul.u32 v9, v29  }
0x479: {  	v42 =	vmul.u32 v6, v42;
	v63 =	vld [tilespmem:$0x1FE80];
	v5 =	vadd.s32 v49, v5;
	v49 =	vmul.u32 v6, v57  }
0x47a: {  	v41 =	vmul.u32 v11, v41;
	v29 =	vadd.s32 v29, v43  }
0x47b: {  	v29 =	vadd.s32 v42, v29;
	v59 =	vld [tilespmem:$0x1FE50];
	v48 =	vadd.s32 v49, v48;
	v49 =	vmul.u32 v11, v60  }
0x47c: {  	v29 =	vadd.s32 v41, v29;
	v40 =	vmul.u32 v7, v40;
	v62 =	vmul.u32 v7, v61  }
0x47d: {  	v53 =	vimm.s32 $0x0;
	vm15 =	veq.s32 v44, v0;
	v48 =	vadd.s32 v49, v48  }
0x47e: {  	v23 =	vsel vm15, $0x1, v53;
	v49 =	vmul.u32 v8, v63;
	v48 =	vadd.s32 v62, v48;
	v62 =	vld [tilespmem:$0x1FEB0]  }
0x47f: {  	v39 =	vmul.u32 v8, v39;
	v15 =	vnsel vm7, $0x0, v23;
	v45 =	vnsel vm6, $0x0, v23;
	v63 =	vld [tilespmem:$0x1FF90]  }
0x480: {  	v5 =	vperm.xlane v5, v59;
	v60 =	vld [tilespmem:$0x1FE90];
	v59 =	vadd.s32 v49, v48;
	v49 =	vxor.u32 $0x1, v15  }
0x481: {  	v29 =	vadd.s32 v40, v29;
	v61 =	vld [tilespmem:$0x1FEA0];
	v57 =	vmul.u32 v45, v49  }
0x482: {  	v25 =	vmul.u32 v10, v25;
	v29 =	vadd.s32 v39, v29  }
0x483: {  	v38 =	vmul.u32 v13, v38;
	v39 =	vmul.u32 v12, v62;
	v62 =	vadd.s32 v15, v57  }
0x484: {  	v46 =	vnsel vm5, $0x0, v23;
	vm9 =	vnez.u8 v63;
	v63 =	vsub.s32 $0x1, v62  }
0x485: {  	v41 =	vmul.u32 v13, v60;
	v60 =	vmul.u32 v7, v34;
	v34 =	vmul.u32 v46, v63  }
0x486: {  	v19 =	vmul.u32 v9, v19;
	v43 =	vld [tilespmem:$0x1FEC0];
	v29 =	vadd.s32 v38, v29;
	v40 =	vmul.u32 v12, v61  }
0x487: {  	v47 =	vnsel vm4, $0x0, v23;
	v41 =	vadd.s32 v41, v59;
	v38 =	vadd.s32 v62, v34  }
0x488: {  	v1 =	vsel vm9, v1, v5;
	v5 =	vadd.s32 v40, v41;
	v40 =	vsub.s32 $0x1, v38  }
0x489: {  	v29 =	vadd.s32 v39, v29;
	v39 =	vmul.u32 v7, v27;
	v27 =	vmul.u32 v47, v40  }
0x48a: {  	v26 =	vmul.u32 v6, v26;
	v48 =	vld [tilespmem:$0x1FED0]  }
0x48b: {  	v19 =	vadd.s32 v19, v25;
	v5 =	vperm.xlane v5, v43;
	v43 =	vadd.s32 v38, v27  }
0x48c: {  	v19 =	vadd.s32 v26, v19;
	v51 =	vld [tilespmem:$0x1FFA0];
	v55 =	vnsel vm3, $0x0, v23;
	v26 =	vsub.s32 $0x1, v43  }
0x48d: {  	v33 =	vmul.u32 v10, v33;
	v22 =	vmul.u32 v9, v22;
	v26 =	vmul.u32 v55, v26  }
0x48e: {  	v32 =	vmul.u32 v6, v32;
	v28 =	vmul.u32 v8, v28;
	v20 =	vmul.u32 v6, v20  }
0x48f: {  	v21 =	vmul.u32 v10, v21;
	v29 =	vperm.xlane v29, v48;
	v48 =	vadd.s32 v43, v26  }
0x490: {  	v16 =	vmul.u32 v8, v16;
	v56 =	vnsel vm2, $0x0, v23;
	v25 =	vsub.s32 $0x1, v48  }
0x491: {  	vm10 =	vnez.u8 v51;
	v53 =	vnsel vm1, $0x0, v23;
	v51 =	vmul.u32 v56, v25  }
0x492: {  	v10 =	vmul.u32 v10, v57;
	v46 =	vmul.u32 v9, v54;
	v9 =	vmul.u32 v9, v15  }
0x493: {  	v49 =	vmul.u32 v7, v52;
	v6 =	vmul.u32 v6, v34;
	v52 =	vadd.s32 v48, v51  }
0x494: {  	v9 =	vadd.s32 v9, v10;
	v54 =	vmul.u32 v11, v27;
	v55 =	vsub.s32 $0x1, v52  }
0x495: {  	v6 =	vadd.s32 v6, v9;
	v7 =	vmul.u32 v7, v26;
	v57 =	vmul.u32 v53, v55  }
0x496: {  	v61 =	vmul.u32 v8, v31;
	v6 =	vadd.s32 v54, v6;
	v8 =	vmul.u32 v8, v51  }
0x497: {  	v6 =	vadd.s32 v7, v6;
	v7 =	vmul.u32 v13, v57  }
0x498: {  	v6 =	vadd.s32 v8, v6  }
0x499: {  	v6 =	vadd.s32 v7, v6;
	v7 =	vld [tilespmem:$0x1FFC0]  }
0x49a: {  	v24 =	vmul.u32 v11, v24;
	v59 =	vld [tilespmem:$0x1FFB0]  }
0x49b: {  	v30 =	vmul.u32 v11, v30;
	v22 =	vadd.s32 v22, v33  }
0x49c: {  	v19 =	vadd.s32 v24, v19;
	v35 =	vmul.u32 v13, v35;
	v42 =	vmul.u32 v13, v58;
	v41 =	vld [tilespmem:$0x1FEE0]  }
0x49d: {  	v14 =	vmul.u32 v11, v14;
	v58 =	vmul.u32 v12, v18;
	v23 =	vnsel vm0, $0x0, v23  }
0x49e: {  	v1 =	vsel vm10, v1, v5;
	v5 =	vadd.s32 v32, v22;
	vm12 =	vnez.u8 v7;
	v7 =	vld [tilespmem:$0x1FFD0]  }
0x49f: {  	v45 =	vmul.u32 v12, v37;
	vm11 =	vnez.u8 v59;
	v5 =	vadd.s32 v30, v5  }
0x4a0: {  	v19 =	vadd.s32 v39, v19;
	v21 =	vadd.s32 v46, v21;
	v5 =	vadd.s32 v60, v5;
	v47 =	vld [tilespmem:$0x1FEF0]  }
0x4a1: {  	v63 =	vld [tilespmem:$0x1FF00];
	v30 =	vmul.u32 v12, v41;
	v20 =	vadd.s32 v20, v21;
	v5 =	vadd.s32 v61, v5  }
0x4a2: {  	v19 =	vadd.s32 v28, v19;
	v14 =	vadd.s32 v14, v20;
	v5 =	vadd.s32 v35, v5  }
0x4a3: {  	v14 =	vadd.s32 v49, v14;
	v56 =	vmul.u32 v13, v17;
	vm13 =	vnez.u8 v7;
	v7 =	vld [tilespmem:$0x1FFE0]  }
0x4a4: {  	v19 =	vadd.s32 v42, v19;
	v5 =	vadd.s32 v30, v5;
	v14 =	vadd.s32 v16, v14  }
0x4a5: {  	v19 =	vadd.s32 v45, v19;
	v5 =	vperm.xlane v5, v47;
	v61 =	vadd.s32 v56, v14  }
0x4a6: {  	v1 =	vsel vm11, v1, v29;
	v9 =	vperm.xlane v19, v63;
	v10 =	vadd.s32 v58, v61  }
0x4a7: {  	v12 =	vmul.u32 v12, v23;
	v1 =	vsel vm12, v1, v5;
	v5 =	vperm.xlane v10, v36  }
0x4a8: {  	v59 =	vadd.s32 v57, v52;
	v1 =	vsel vm13, v1, v9;
	vm14 =	vnez.u8 v7  }
0x4a9: {  	v60 =	vsub.s32 $0x1, v59;
	v1 =	vsel vm14, v1, v5;
	v5 =	vld [tilespmem:$0x1FFF0]  }
0x4aa: {  	v62 =	vmul.u32 v60, v12;
	_ =	sdelay $0x1  }
0x4ab: {  	v6 =	vadd.s32 v62, v6  }
0x4ac: {  	s11 =	sshll.u32 s11, $0xA;
	v6 =	vperm.xlane v6, v44  }
0x4ad: {  	s10 =	sadd.s32 $0x1, s10;
	s11 =	sor.u32 s12, s11;
	vm15 =	vnez.u8 v5  }
0x4ae: {  	p0 =	sne.s32 s10, $0x80;
	s11 =	sshrl.u32 s11, $0x3;
	v1 =	vsel vm15, v1, v6  }
.Ltmp1:
0x4af: {  	s11 =	sadd.s32 s4, s11;
	[tilespmem:$0x400] =	vst v1;
	(pc) =	sbr.rel @p0 .LBB2_2-.Ltmp1, $4  }
0x4b0: {  	[hbm4b:s11+s2] =	stream.linear.scatter [tilespmem:s7], [sflag:$0x1], $0x80, $0x38;
	[tilespmem:$0x480] =	vst v63  }
0x4b1: {  	_ =	swait.ge [sflag:s8], $0x80  }
0x4b2: {  	[sflag:s8] =	ssyncset.done $0x0  }
0x4b3: {  	[sflag:s8] =	ssyncadd.s32 $0xFFFFFF80  }
0x4b4: {  	s9 =	sadd.s32 $0x1, s9  }
0x4b5: {  	p0 =	sne.s32 s9, s6  }
.Ltmp2:
0x4b6: {  	_ = 	snop;
	(pc) =	sbr.rel @p0 .LBB2_1-.Ltmp2, $1  }
0x4b7: {  	_ =	sdelay $0x3  }
0x4b8: {  	_ =	sfence.sel $0x180000  }
0x4b9: {  	[bflag:$0x0] =	sbarrier.arrive $0xFFFF  }
0x4ba: {  	p0 =	sne.s32 s3, $0x0;
	_ =	strace $0x90000047  }
0x4bb: {  	s0 =	sadd.s32 @!p0 $0x100000, s1;
	[bflag:$0x2] =	sbarrier.arrive $0xFFFF  }
0x4bc: {  	[sflag:s0] =	ssyncadd.tile.s32 @!p0 $0x1;
	_ =	shalt  }
.Lfunc_end2:
_tile_overlayer_lowered:
.L_overlay_start_2:
0x4bd: {  	(tag) =	ssettag $0x2  }
0x4be: {  	s0 =	rddreg [dreg:$0x0];
	s2 =	stileid.u32  }
0x4bf: {  	s1 =	rddreg [dreg:$0x1];
	p0 =	sne.s32 s2, $0x0  }
0x4c0: {  	s3 =	rddreg [dreg:$0x2];
	[bflag:$0x3] =	sbarrier.arrive $0xFFFF;
	s2 =	simm.s32 @!p0 $0x1C01  }
0x4c1: {  	[timem:s3], [sflag:s2] =	dma.local @!p0 [hbm:s0], s1  }
0x4c2: {  	s0 =	simm.s32 @!p0 $0x1  }
0x4c3: {  	_ =	swait.ge @!p0 [sflag:s0], s1  }
0x4c4: {  	s1 =	ssub.s32 @!p0 $0x0, s1;
	[sflag:s0] =	ssyncset.done @!p0 $0x0  }
0x4c5: {  	[sflag:s0] =	ssyncadd.s32 @!p0 s1  }
0x4c6: {  	[bflag:$0x3] =	sbarrier.arrive $0xFFFF  }
0x4c7: {  	_ =	shalt  }

</sc_bundles>
